<compile_context>
chip_gen: v7x
topology: tpu7x:2x2x1
jax: 0.10.2.dev20260603
libtpu: 0.0.44.dev20260713+nightly
codegen_flags: <defaults>
</compile_context>

<pallas_src>
import functools

import jax
import jax.numpy as jnp
from jax import lax
from jax.experimental import pallas as pl
from jax.experimental.pallas import tpu as pltpu
from jax.experimental.pallas import tpu_sc as plsc

N = 10000
E = 160000
D = 256
H = 256
OUT = 128
NC = 3
NG = 64

HALF = 128
NSC = 2
NTILES = 16
EPT = E // NTILES
K = 40
NCH = EPT // K
ACC_ROWS = N
NBUF = 6
STRIPE = 624
TAIL = N - STRIPE * NTILES

BR = 2000
NBLK = N // BR



def _sc_agg_body(h2, src2, dst2, u2, sidx, didx, bufs, acc, *sems):
    c = lax.axis_index("c")
    s = lax.axis_index("s")
    row0 = s * STRIPE
    hrow0 = c * N + row0
    pltpu.sync_copy(h2.at[pl.ds(hrow0, STRIPE)], acc.at[pl.ds(row0, STRIPE)])

    @pl.when(s == 0)
    def _():
        pltpu.sync_copy(h2.at[pl.ds(c * N + STRIPE * NTILES, TAIL)],
                        acc.at[pl.ds(STRIPE * NTILES, TAIL)])
    pltpu.sync_copy(src2.at[c, s], sidx)
    plsc.subcore_barrier()
    gsems = sems[:NBUF]
    dsems = sems[NBUF:2 * NBUF]
    for b in range(NBUF):
        pltpu.async_copy(h2.at[sidx.at[pl.ds(b * K, K)]], bufs.at[b],
                         gsems[b])
        pltpu.async_copy(dst2.at[s, b], didx.at[b], dsems[b])

    def body(g, carry):
        for b in range(NBUF):
            j = g * NBUF + b

            @pl.when(j < NCH)
            def _():
                pltpu.make_async_copy(h2.at[sidx.at[pl.ds(j * K, K)]],
                                      bufs.at[b], gsems[b]).wait()
                pltpu.make_async_copy(dst2.at[s, j], didx.at[b],
                                      dsems[b]).wait()
                pltpu.sync_copy(bufs.at[b], acc.at[didx.at[b]], add=True)
                nj = j + NBUF

                @pl.when(nj < NCH)
                def _():
                    pltpu.async_copy(h2.at[sidx.at[pl.ds(nj * K, K)]],
                                     bufs.at[b], gsems[b])
                    pltpu.async_copy(dst2.at[s, nj], didx.at[b], dsems[b])
        return carry

    lax.fori_loop(0, NCH // NBUF + 1, body, 0)
    plsc.subcore_barrier()
    pltpu.sync_copy(acc.at[pl.ds(row0, STRIPE)], u2.at[pl.ds(hrow0, STRIPE)])

    @pl.when(s == 0)
    def _():
        pltpu.sync_copy(acc.at[pl.ds(STRIPE * NTILES, TAIL)],
                        u2.at[pl.ds(c * N + STRIPE * NTILES, TAIL)])


@functools.cache
def _sc_agg():
    return pl.kernel(
        _sc_agg_body,
        out_type=jax.ShapeDtypeStruct((NSC * N, HALF), jnp.float32),
        mesh=plsc.VectorSubcoreMesh(core_axis_name="c", subcore_axis_name="s"),
        scratch_types=[
            pltpu.VMEM((EPT,), jnp.int32),
            pltpu.VMEM((NBUF, K), jnp.int32),
            pltpu.VMEM((NBUF, K, HALF), jnp.float32),
            pltpu.VMEM_SHARED((ACC_ROWS, HALF), jnp.float32),
        ] + [pltpu.SemaphoreType.DMA] * (2 * NBUF),
    )



def _mlp_body(ul_ref, ur_ref, w1_ref, b1_ref, g_ref, be_ref, w2_ref, b2_ref,
              batch_ref, z_ref, pooled_ref, t_vmem, stats_vmem):
    _mlp_common(ul_ref, ur_ref, w1_ref, b1_ref, g_ref, be_ref, w2_ref, b2_ref,
                batch_ref, z_ref, pooled_ref, t_vmem, stats_vmem)


def _mlp_head_body(ul_ref, ur_ref, w1_ref, b1_ref, g_ref, be_ref, w2_ref,
                   b2_ref, batch_ref, p0_ref, p1_ref, wl_ref, bl_ref,
                   z_ref, pooled_ref, o_ref, t_vmem, stats_vmem):
    _mlp_common(ul_ref, ur_ref, w1_ref, b1_ref, g_ref, be_ref, w2_ref, b2_ref,
                batch_ref, z_ref, pooled_ref, t_vmem, stats_vmem)

    @pl.when((pl.program_id(0) == 1) & (pl.program_id(1) == NBLK - 1))
    def _():
        acc = jnp.dot(p0_ref[...], wl_ref[0:H, :],
                      preferred_element_type=jnp.float32)
        acc = acc + jnp.dot(p1_ref[...], wl_ref[H:2 * H, :],
                            preferred_element_type=jnp.float32)
        acc = acc + jnp.dot(pooled_ref[...], wl_ref[2 * H:, :],
                            preferred_element_type=jnp.float32)
        acc = acc + bl_ref[...]
        o_ref[...] = 1.0 / (1.0 + jnp.exp(-acc))


def _mlp_common(ul_ref, ur_ref, w1_ref, b1_ref, g_ref, be_ref, w2_ref, b2_ref,
                batch_ref, z_ref, pooled_ref, t_vmem, stats_vmem):
    ph = pl.program_id(0)
    i = pl.program_id(1)

    @pl.when(ph == 0)
    def _():
        t = jnp.dot(ul_ref[...], w1_ref[:HALF, :],
                    preferred_element_type=jnp.float32)
        t = t + jnp.dot(ur_ref[...], w1_ref[HALF:, :],
                        preferred_element_type=jnp.float32)
        t = t + b1_ref[...]
        t_vmem[pl.ds(i * BR, BR), :] = t

        @pl.when(i == 0)
        def _():
            stats_vmem[...] = jnp.zeros_like(stats_vmem)

        s1 = jnp.sum(t, axis=0, keepdims=True)
        s2 = jnp.sum(t * t, axis=0, keepdims=True)
        stats_vmem[0:1, :] = stats_vmem[0:1, :] + s1
        stats_vmem[1:2, :] = stats_vmem[1:2, :] + s2

    @pl.when(ph == 1)
    def _():
        t = t_vmem[pl.ds(i * BR, BR), :]
        mu = stats_vmem[0:1, :] * (1.0 / N)
        msq = stats_vmem[1:2, :] * (1.0 / N)
        var = msq - mu * mu
        scale = g_ref[...] * lax.rsqrt(var + 1e-5)
        shift = be_ref[...] - mu * scale
        hbn = jnp.maximum(t * scale + shift, 0.0)
        z = jnp.dot(hbn, w2_ref[...], preferred_element_type=jnp.float32)
        z = jnp.maximum(z + b2_ref[...], 0.0)
        z_ref[0] = z[:, :HALF]
        z_ref[1] = z[:, HALF:]
        onehot = (lax.broadcasted_iota(jnp.int32, (NG, BR), 0)
                  .astype(jnp.float32) == batch_ref[0]).astype(jnp.float32)
        p = jnp.dot(onehot, z, preferred_element_type=jnp.float32)

        @pl.when(i == 0)
        def _():
            pooled_ref[...] = jnp.zeros_like(pooled_ref)

        pooled_ref[...] = pooled_ref[...] + p


_MLP_IN_SPECS = [
    pl.BlockSpec((BR, HALF), lambda p, i: (jnp.where(p == 0, i, 0), 0)),
    pl.BlockSpec((BR, HALF),
                 lambda p, i: (NBLK + jnp.where(p == 0, i, 0), 0)),
    pl.BlockSpec((H, H), lambda p, i: (0, 0)),
    pl.BlockSpec((1, H), lambda p, i: (0, 0)),
    pl.BlockSpec((1, H), lambda p, i: (0, 0)),
    pl.BlockSpec((1, H), lambda p, i: (0, 0)),
    pl.BlockSpec((H, H), lambda p, i: (0, 0)),
    pl.BlockSpec((1, H), lambda p, i: (0, 0)),
    pl.BlockSpec((1, 1, BR), lambda p, i: (i, 0, 0)),
]
_MLP_SCRATCH = [
    pltpu.VMEM((N, H), jnp.float32),
    pltpu.VMEM((8, H), jnp.float32),
]

_mlp = pl.pallas_call(
    _mlp_body,
    grid=(2, NBLK),
    in_specs=list(_MLP_IN_SPECS),
    out_specs=[
        pl.BlockSpec((2, BR, HALF), lambda p, i: (0, jnp.where(p == 1, i, 0), 0)),
        pl.BlockSpec((NG, H), lambda p, i: (0, 0)),
    ],
    out_shape=[
        jax.ShapeDtypeStruct((2, N, HALF), jnp.float32),
        jax.ShapeDtypeStruct((NG, H), jnp.float32),
    ],
    scratch_shapes=list(_MLP_SCRATCH),
)

_mlp_head = pl.pallas_call(
    _mlp_head_body,
    grid=(2, NBLK),
    in_specs=list(_MLP_IN_SPECS) + [
        pl.BlockSpec((NG, H), lambda p, i: (0, 0)),
        pl.BlockSpec((NG, H), lambda p, i: (0, 0)),
        pl.BlockSpec((NC * H, OUT), lambda p, i: (0, 0)),
        pl.BlockSpec((1, OUT), lambda p, i: (0, 0)),
    ],
    out_specs=[
        pl.BlockSpec((2, BR, HALF), lambda p, i: (0, jnp.where(p == 1, i, 0), 0)),
        pl.BlockSpec((NG, H), lambda p, i: (0, 0)),
        pl.BlockSpec((NG, OUT), lambda p, i: (0, 0)),
    ],
    out_shape=[
        jax.ShapeDtypeStruct((2, N, HALF), jnp.float32),
        jax.ShapeDtypeStruct((NG, H), jnp.float32),
        jax.ShapeDtypeStruct((NG, OUT), jnp.float32),
    ],
    scratch_shapes=list(_MLP_SCRATCH),
)


def kernel(x, edge_index, batch,
           W1_0, b1_0, g_0, be_0, W2_0, b2_0,
           W1_1, b1_1, g_1, be_1, W2_1, b2_1,
           W1_2, b1_2, g_2, be_2, W2_2, b2_2,
           Wl, bl):
    src = edge_index[0].astype(jnp.int32)
    dst = edge_index[1].astype(jnp.int32)
    src2 = jnp.stack([src, src + N]).reshape(NSC, NTILES, EPT)
    dst2 = dst.reshape(NTILES, NCH, K)
    batchf = batch.astype(jnp.float32).reshape(NBLK, 1, BR)

    h2 = jnp.concatenate([x[:, :HALF], x[:, HALF:]], axis=0)
    params = [
        (W1_0, b1_0, g_0, be_0, W2_0, b2_0),
        (W1_1, b1_1, g_1, be_1, W2_1, b2_1),
        (W1_2, b1_2, g_2, be_2, W2_2, b2_2),
    ]
    pooled = []
    for (W1, b1, g, be, W2, b2) in params[:2]:
        u2 = _sc_agg()(h2, src2, dst2)
        z2, p = _mlp(u2, u2, W1, b1.reshape(1, H),
                     g.reshape(1, H), be.reshape(1, H), W2,
                     b2.reshape(1, H), batchf)
        h2 = z2.reshape(NSC * N, HALF)
        pooled.append(p)
    (W1, b1, g, be, W2, b2) = params[2]
    u2 = _sc_agg()(h2, src2, dst2)
    _, _, out = _mlp_head(u2, u2, W1, b1.reshape(1, H),
                          g.reshape(1, H), be.reshape(1, H), W2,
                          b2.reshape(1, H), batchf,
                          pooled[0], pooled[1], Wl, bl.reshape(1, OUT))
    return out

# --- scband reference (transcript-rebuilt; emitter-appended) ---
"""Pipeline reference for scband-gin-58059367907462 (READ-ONLY COPY).

The authoritative reference and input builder live on the scoring server;
editing this copy changes nothing except your own understanding.
"""

import jax, jax.numpy as jnp
import numpy as np

N = 10000
E = 160000
D = 256
H = 256
OUT = 128
NC = 3
NG = 64


def setup_inputs(seed: int = 0) -> dict:
    key = jax.random.key(seed)
    ks = jax.random.split(key, 32)
    inp = {}
    inp['x'] = jax.random.normal(ks[0], (N, D), dtype=jnp.float32)
    inp['edge_index'] = jax.random.randint(ks[1], (2, E), 0, N)
    inp['batch'] = jnp.sort(jax.random.randint(ks[2], (N,), 0, NG))
    ki = 3
    for l in range(NC):
        fin = D if l == 0 else H
        inp[f'W1_{l}'] = jax.random.normal(ks[ki], (fin, H), dtype=jnp.float32) * (1.0 / np.sqrt(fin)); ki += 1
        inp[f'b1_{l}'] = jnp.zeros((H,), dtype=jnp.float32)
        inp[f'g_{l}'] = jnp.ones((H,), dtype=jnp.float32)
        inp[f'be_{l}'] = jnp.zeros((H,), dtype=jnp.float32)
        inp[f'W2_{l}'] = jax.random.normal(ks[ki], (H, H), dtype=jnp.float32) * (1.0 / np.sqrt(H)); ki += 1
        inp[f'b2_{l}'] = jnp.zeros((H,), dtype=jnp.float32)
    inp['Wl'] = jax.random.normal(ks[ki], (NC * H, OUT), dtype=jnp.float32) * (1.0 / np.sqrt(NC * H))
    inp['bl'] = jnp.zeros((OUT,), dtype=jnp.float32)
    return inp


def _gin_layer(x, src, dst, W1, b1, g, be, W2, b2):
    # GINConv with eps=0: nn((1+eps)*x + sum_{j in N(i)} x_j)
    agg = jnp.zeros_like(x).at[dst].add(x[src])
    h = x + agg
    h = h @ W1 + b1
    # BatchNorm1d (training-mode batch statistics)
    mu = jnp.mean(h, axis=0)
    var = jnp.var(h, axis=0)
    h = (h - mu) / jnp.sqrt(var + 1e-5) * g + be
    h = jax.nn.relu(h)
    h = jax.nn.relu(h @ W2 + b2)
    return h


def reference(x, edge_index, batch,
              W1_0, b1_0, g_0, be_0, W2_0, b2_0,
              W1_1, b1_1, g_1, be_1, W2_1, b2_1,
              W1_2, b1_2, g_2, be_2, W2_2, b2_2,
              Wl, bl):
    src, dst = edge_index[0], edge_index[1]
    params = [
        (W1_0, b1_0, g_0, be_0, W2_0, b2_0),
        (W1_1, b1_1, g_1, be_1, W2_1, b2_1),
        (W1_2, b1_2, g_2, be_2, W2_2, b2_2),
    ]
    h = x
    pooled = []
    for (W1, b1, g, be, W2, b2) in params:
        h = _gin_layer(h, src, dst, W1, b1, g, be, W2, b2)
        pooled.append(jax.ops.segment_sum(h, batch, num_segments=NG))
    h_pool = jnp.concatenate(pooled, axis=1)
    return jax.nn.sigmoid(h_pool @ Wl + bl)

if __name__ == "__main__":
    import jax
    _d = setup_inputs()
    print(jax.jit(kernel)(*tuple(_d.values())))

</pallas_src>

<mosaic_0001>
#map = affine_map<(d0, d1) -> (0, 0)>
#map1 = affine_map<(d0, d1) -> (0, 0, 0)>
module attributes {stable_mosaic.version = 14 : i64} {
  func.func @_sc_agg_body(%arg0: i32, %arg1: i32, %arg2: memref<20000x128xf32, #tpu.memory_space<hbm>>, %arg3: memref<2x16x10000xi32, #tpu.memory_space<hbm>>, %arg4: memref<16x250x40xi32, #tpu.memory_space<hbm>>, %arg5: memref<20000x128xf32, #tpu.memory_space<hbm>>, %arg6: memref<10000xi32, #tpu.memory_space<vmem>>, %arg7: memref<6x40xi32, #tpu.memory_space<vmem>>, %arg8: memref<6x40x128xf32, #tpu.memory_space<vmem>>, %arg9: memref<10000x128xf32, #tpu.memory_space<vmem_shared>>, %arg10: memref<!tpu.dma_semaphore, #tpu.memory_space<semaphore_mem>>, %arg11: memref<!tpu.dma_semaphore, #tpu.memory_space<semaphore_mem>>, %arg12: memref<!tpu.dma_semaphore, #tpu.memory_space<semaphore_mem>>, %arg13: memref<!tpu.dma_semaphore, #tpu.memory_space<semaphore_mem>>, %arg14: memref<!tpu.dma_semaphore, #tpu.memory_space<semaphore_mem>>, %arg15: memref<!tpu.dma_semaphore, #tpu.memory_space<semaphore_mem>>, %arg16: memref<!tpu.dma_semaphore, #tpu.memory_space<semaphore_mem>>, %arg17: memref<!tpu.dma_semaphore, #tpu.memory_space<semaphore_mem>>, %arg18: memref<!tpu.dma_semaphore, #tpu.memory_space<semaphore_mem>>, %arg19: memref<!tpu.dma_semaphore, #tpu.memory_space<semaphore_mem>>, %arg20: memref<!tpu.dma_semaphore, #tpu.memory_space<semaphore_mem>>, %arg21: memref<!tpu.dma_semaphore, #tpu.memory_space<semaphore_mem>>) attributes {dimension_semantics = [#tpu.dimension_semantics<core_parallel>, #tpu.dimension_semantics<subcore_parallel>], iteration_bounds = array<i64: 2, 16>, scalar_prefetch = 0 : i64, scratch_operands = 16 : i64, tpu.core_type = #tpu.core_type<sc_vector_subcore>, window_params = [{transform_indices = #map}, {transform_indices = #map1}, {transform_indices = #map1}, {transform_indices = #map}]} {
    %mul3A = arith.constant 624 : i32
    %mul3A_0 = arith.muli %arg1, %mul3A : i32
    %mul3A_1 = arith.constant 10000 : i32
    %mul3A_2 = arith.muli %arg0, %mul3A_1 : i32
    %add3A = arith.addi %mul3A_2, %mul3A_0 : i32
    "tpu.region"() ({
      %run_scoped3A = tpu.sem_alloc : memref<!tpu.dma_semaphore, #tpu.memory_space<semaphore_mem>>
      %dma_start3A_159 = arith.constant 0 : i32
      %dma_start3A_160 = tpu.memref_slice %arg9[%mul3A_0, %dma_start3A_159] : memref<10000x128xf32, #tpu.memory_space<vmem_shared>> -> memref<624x128xf32, #tpu.memory_space<vmem_shared>>
      %dma_start3A_161 = arith.constant 0 : i32
      %dma_start3A_162 = tpu.memref_slice %arg2[%add3A, %dma_start3A_161] : memref<20000x128xf32, #tpu.memory_space<hbm>> -> memref<624x128xf32, #tpu.memory_space<hbm>>
      tpu.enqueue_dma source(%dma_start3A_162 : memref<624x128xf32, #tpu.memory_space<hbm>>) target(%dma_start3A_160 : memref<624x128xf32, #tpu.memory_space<vmem_shared>>) target_semaphore(%run_scoped3A : memref<!tpu.dma_semaphore, #tpu.memory_space<semaphore_mem>>)
      %dma_wait3A = arith.constant 0 : i32
      %dma_wait3A_163 = tpu.memref_slice %arg9[%mul3A_0, %dma_wait3A] : memref<10000x128xf32, #tpu.memory_space<vmem_shared>> -> memref<624x128xf32, #tpu.memory_space<vmem_shared>>
      %dma_wait3A_164 = arith.constant 0 : i32
      %dma_wait3A_165 = tpu.memref_slice %arg2[%add3A, %dma_wait3A_164] : memref<20000x128xf32, #tpu.memory_space<hbm>> -> memref<624x128xf32, #tpu.memory_space<hbm>>
      tpu.wait_dma2 semaphore(%run_scoped3A : memref<!tpu.dma_semaphore, #tpu.memory_space<semaphore_mem>>) src(%dma_wait3A_165 : memref<624x128xf32, #tpu.memory_space<hbm>>) dst(%dma_wait3A_163 : memref<624x128xf32, #tpu.memory_space<vmem_shared>>)
      tpu.yield
    }) : () -> ()
    %eq3A = arith.constant 0 : i32
    %eq3A_3 = arith.cmpi eq, %arg1, %eq3A : i32
    %convert_element_type3A = arith.extui %eq3A_3 : i1 to i32
    %cond3A = arith.constant 0 : i32
    %cond3A_4 = arith.cmpi ne, %convert_element_type3A, %cond3A : i32
    scf.if %cond3A_4 {
      %mul3A_159 = arith.constant 10000 : i32
      %mul3A_160 = arith.muli %arg0, %mul3A_159 : i32
      %add3A_161 = arith.constant 9984 : i32
      %add3A_162 = arith.addi %mul3A_160, %add3A_161 : i32
      "tpu.region"() ({
        %run_scoped3A = tpu.sem_alloc : memref<!tpu.dma_semaphore, #tpu.memory_space<semaphore_mem>>
        %dma_start3A_163 = arith.constant 9984 : i32
        %dma_start3A_164 = arith.constant 0 : i32
        %dma_start3A_165 = tpu.memref_slice %arg9[%dma_start3A_163, %dma_start3A_164] : memref<10000x128xf32, #tpu.memory_space<vmem_shared>> -> memref<16x128xf32, #tpu.memory_space<vmem_shared>>
        %dma_start3A_166 = arith.constant 0 : i32
        %dma_start3A_167 = tpu.memref_slice %arg2[%add3A_162, %dma_start3A_166] : memref<20000x128xf32, #tpu.memory_space<hbm>> -> memref<16x128xf32, #tpu.memory_space<hbm>>
        tpu.enqueue_dma source(%dma_start3A_167 : memref<16x128xf32, #tpu.memory_space<hbm>>) target(%dma_start3A_165 : memref<16x128xf32, #tpu.memory_space<vmem_shared>>) target_semaphore(%run_scoped3A : memref<!tpu.dma_semaphore, #tpu.memory_space<semaphore_mem>>)
        %dma_wait3A = arith.constant 9984 : i32
        %dma_wait3A_168 = arith.constant 0 : i32
        %dma_wait3A_169 = tpu.memref_slice %arg9[%dma_wait3A, %dma_wait3A_168] : memref<10000x128xf32, #tpu.memory_space<vmem_shared>> -> memref<16x128xf32, #tpu.memory_space<vmem_shared>>
        %dma_wait3A_170 = arith.constant 0 : i32
        %dma_wait3A_171 = tpu.memref_slice %arg2[%add3A_162, %dma_wait3A_170] : memref<20000x128xf32, #tpu.memory_space<hbm>> -> memref<16x128xf32, #tpu.memory_space<hbm>>
        tpu.wait_dma2 semaphore(%run_scoped3A : memref<!tpu.dma_semaphore, #tpu.memory_space<semaphore_mem>>) src(%dma_wait3A_171 : memref<16x128xf32, #tpu.memory_space<hbm>>) dst(%dma_wait3A_169 : memref<16x128xf32, #tpu.memory_space<vmem_shared>>)
        tpu.yield
      }) : () -> ()
    } else {
    }
    "tpu.region"() ({
      %run_scoped3A = tpu.sem_alloc : memref<!tpu.dma_semaphore, #tpu.memory_space<semaphore_mem>>
      %dma_start3A_159 = arith.constant 0 : i32
      %dma_start3A_160 = tpu.memref_slice %arg3[%arg0, %arg1, %dma_start3A_159] : memref<2x16x10000xi32, #tpu.memory_space<hbm>> -> memref<1x1x10000xi32, #tpu.memory_space<hbm>>
      %dma_start3A_161 = tpu.memref_squeeze %dma_start3A_160 : memref<1x1x10000xi32, #tpu.memory_space<hbm>> -> memref<10000xi32, #tpu.memory_space<hbm>>
      %dma_start3A_162 = arith.constant 0 : i32
      %dma_start3A_163 = tpu.memref_slice %arg3[%arg0, %arg1, %dma_start3A_162] : memref<2x16x10000xi32, #tpu.memory_space<hbm>> -> memref<1x1x10000xi32, #tpu.memory_space<hbm>>
      %dma_start3A_164 = tpu.memref_squeeze %dma_start3A_163 : memref<1x1x10000xi32, #tpu.memory_space<hbm>> -> memref<10000xi32, #tpu.memory_space<hbm>>
      tpu.enqueue_dma source(%dma_start3A_164 : memref<10000xi32, #tpu.memory_space<hbm>>) target(%arg6 : memref<10000xi32, #tpu.memory_space<vmem>>) target_semaphore(%run_scoped3A : memref<!tpu.dma_semaphore, #tpu.memory_space<semaphore_mem>>)
      %dma_wait3A = arith.constant 0 : i32
      %dma_wait3A_165 = tpu.memref_slice %arg3[%arg0, %arg1, %dma_wait3A] : memref<2x16x10000xi32, #tpu.memory_space<hbm>> -> memref<1x1x10000xi32, #tpu.memory_space<hbm>>
      %dma_wait3A_166 = tpu.memref_squeeze %dma_wait3A_165 : memref<1x1x10000xi32, #tpu.memory_space<hbm>> -> memref<10000xi32, #tpu.memory_space<hbm>>
      %dma_wait3A_167 = arith.constant 0 : i32
      %dma_wait3A_168 = tpu.memref_slice %arg3[%arg0, %arg1, %dma_wait3A_167] : memref<2x16x10000xi32, #tpu.memory_space<hbm>> -> memref<1x1x10000xi32, #tpu.memory_space<hbm>>
      %dma_wait3A_169 = tpu.memref_squeeze %dma_wait3A_168 : memref<1x1x10000xi32, #tpu.memory_space<hbm>> -> memref<10000xi32, #tpu.memory_space<hbm>>
      tpu.wait_dma2 semaphore(%run_scoped3A : memref<!tpu.dma_semaphore, #tpu.memory_space<semaphore_mem>>) src(%dma_wait3A_169 : memref<10000xi32, #tpu.memory_space<hbm>>) dst(%arg6 : memref<10000xi32, #tpu.memory_space<vmem>>)
      tpu.yield
    }) : () -> ()
    %barrier3A = arith.constant 0 : index
    tpu.barrier barrier_id(%barrier3A)
    %dma_start3A = arith.constant 0 : i32
    %dma_start3A_5 = arith.constant 0 : i32
    %dma_start3A_6 = arith.constant 0 : i32
    %dma_start3A_7 = tpu.memref_slice %arg8[%dma_start3A, %dma_start3A_5, %dma_start3A_6] : memref<6x40x128xf32, #tpu.memory_space<vmem>> -> memref<1x40x128xf32, #tpu.memory_space<vmem>>
    %dma_start3A_8 = tpu.memref_squeeze %dma_start3A_7 : memref<1x40x128xf32, #tpu.memory_space<vmem>> -> memref<40x128xf32, #tpu.memory_space<vmem>>
    %dma_start3A_9 = arith.constant 0 : i32
    %dma_start3A_10 = tpu.memref_slice %arg6[%dma_start3A_9] : memref<10000xi32, #tpu.memory_space<vmem>> -> memref<40xi32, #tpu.memory_space<vmem>>
    %dma_start3A_11 = arith.constant 0 : i32
    %dma_start3A_12 = arith.constant 0 : i32
    %dma_start3A_13 = tpu.memref_slice %arg2[%dma_start3A_11, %dma_start3A_12] : memref<20000x128xf32, #tpu.memory_space<hbm>> -> memref<20000x128xf32, #tpu.memory_space<hbm>>
    tpu.enqueue_indirect_dma source(%dma_start3A_13 : memref<20000x128xf32, #tpu.memory_space<hbm>>) target(%dma_start3A_8 : memref<40x128xf32, #tpu.memory_space<vmem>>) offsets(%dma_start3A_10 : memref<40xi32, #tpu.memory_space<vmem>>) semaphore(%arg10 : memref<!tpu.dma_semaphore, #tpu.memory_space<semaphore_mem>>)
    %dma_start3A_14 = arith.constant 0 : i32
    %dma_start3A_15 = arith.constant 0 : i32
    %dma_start3A_16 = arith.constant 0 : i32
    %dma_start3A_17 = tpu.memref_slice %arg7[%dma_start3A_15, %dma_start3A_16] : memref<6x40xi32, #tpu.memory_space<vmem>> -> memref<1x40xi32, #tpu.memory_space<vmem>>
    %dma_start3A_18 = tpu.memref_squeeze %dma_start3A_17 : memref<1x40xi32, #tpu.memory_space<vmem>> -> memref<40xi32, #tpu.memory_space<vmem>>
    %dma_start3A_19 = arith.constant 0 : i32
    %dma_start3A_20 = tpu.memref_slice %arg4[%arg1, %dma_start3A_14, %dma_start3A_19] : memref<16x250x40xi32, #tpu.memory_space<hbm>> -> memref<1x1x40xi32, #tpu.memory_space<hbm>>
    %dma_start3A_21 = tpu.memref_squeeze %dma_start3A_20 : memref<1x1x40xi32, #tpu.memory_space<hbm>> -> memref<40xi32, #tpu.memory_space<hbm>>
    %dma_start3A_22 = arith.constant 0 : i32
    %dma_start3A_23 = tpu.memref_slice %arg7[%dma_start3A_15, %dma_start3A_22] : memref<6x40xi32, #tpu.memory_space<vmem>> -> memref<1x40xi32, #tpu.memory_space<vmem>>
    %dma_start3A_24 = tpu.memref_squeeze %dma_start3A_23 : memref<1x40xi32, #tpu.memory_space<vmem>> -> memref<40xi32, #tpu.memory_space<vmem>>
    %dma_start3A_25 = arith.constant 0 : i32
    %dma_start3A_26 = tpu.memref_slice %arg4[%arg1, %dma_start3A_14, %dma_start3A_25] : memref<16x250x40xi32, #tpu.memory_space<hbm>> -> memref<1x1x40xi32, #tpu.memory_space<hbm>>
    %dma_start3A_27 = tpu.memref_squeeze %dma_start3A_26 : memref<1x1x40xi32, #tpu.memory_space<hbm>> -> memref<40xi32, #tpu.memory_space<hbm>>
    tpu.enqueue_dma source(%dma_start3A_27 : memref<40xi32, #tpu.memory_space<hbm>>) target(%dma_start3A_24 : memref<40xi32, #tpu.memory_space<vmem>>) target_semaphore(%arg16 : memref<!tpu.dma_semaphore, #tpu.memory_space<semaphore_mem>>)
    %dma_start3A_28 = arith.constant 1 : i32
    %dma_start3A_29 = arith.constant 0 : i32
    %dma_start3A_30 = arith.constant 0 : i32
    %dma_start3A_31 = tpu.memref_slice %arg8[%dma_start3A_28, %dma_start3A_29, %dma_start3A_30] : memref<6x40x128xf32, #tpu.memory_space<vmem>> -> memref<1x40x128xf32, #tpu.memory_space<vmem>>
    %dma_start3A_32 = tpu.memref_squeeze %dma_start3A_31 : memref<1x40x128xf32, #tpu.memory_space<vmem>> -> memref<40x128xf32, #tpu.memory_space<vmem>>
    %dma_start3A_33 = arith.constant 40 : i32
    %dma_start3A_34 = tpu.memref_slice %arg6[%dma_start3A_33] : memref<10000xi32, #tpu.memory_space<vmem>> -> memref<40xi32, #tpu.memory_space<vmem>>
    %dma_start3A_35 = arith.constant 0 : i32
    %dma_start3A_36 = arith.constant 0 : i32
    %dma_start3A_37 = tpu.memref_slice %arg2[%dma_start3A_35, %dma_start3A_36] : memref<20000x128xf32, #tpu.memory_space<hbm>> -> memref<20000x128xf32, #tpu.memory_space<hbm>>
    tpu.enqueue_indirect_dma source(%dma_start3A_37 : memref<20000x128xf32, #tpu.memory_space<hbm>>) target(%dma_start3A_32 : memref<40x128xf32, #tpu.memory_space<vmem>>) offsets(%dma_start3A_34 : memref<40xi32, #tpu.memory_space<vmem>>) semaphore(%arg11 : memref<!tpu.dma_semaphore, #tpu.memory_space<semaphore_mem>>)
    %dma_start3A_38 = arith.constant 1 : i32
    %dma_start3A_39 = arith.constant 1 : i32
    %dma_start3A_40 = arith.constant 0 : i32
    %dma_start3A_41 = tpu.memref_slice %arg7[%dma_start3A_39, %dma_start3A_40] : memref<6x40xi32, #tpu.memory_space<vmem>> -> memref<1x40xi32, #tpu.memory_space<vmem>>
    %dma_start3A_42 = tpu.memref_squeeze %dma_start3A_41 : memref<1x40xi32, #tpu.memory_space<vmem>> -> memref<40xi32, #tpu.memory_space<vmem>>
    %dma_start3A_43 = arith.constant 0 : i32
    %dma_start3A_44 = tpu.memref_slice %arg4[%arg1, %dma_start3A_38, %dma_start3A_43] : memref<16x250x40xi32, #tpu.memory_space<hbm>> -> memref<1x1x40xi32, #tpu.memory_space<hbm>>
    %dma_start3A_45 = tpu.memref_squeeze %dma_start3A_44 : memref<1x1x40xi32, #tpu.memory_space<hbm>> -> memref<40xi32, #tpu.memory_space<hbm>>
    %dma_start3A_46 = arith.constant 0 : i32
    %dma_start3A_47 = tpu.memref_slice %arg7[%dma_start3A_39, %dma_start3A_46] : memref<6x40xi32, #tpu.memory_space<vmem>> -> memref<1x40xi32, #tpu.memory_space<vmem>>
    %dma_start3A_48 = tpu.memref_squeeze %dma_start3A_47 : memref<1x40xi32, #tpu.memory_space<vmem>> -> memref<40xi32, #tpu.memory_space<vmem>>
    %dma_start3A_49 = arith.constant 0 : i32
    %dma_start3A_50 = tpu.memref_slice %arg4[%arg1, %dma_start3A_38, %dma_start3A_49] : memref<16x250x40xi32, #tpu.memory_space<hbm>> -> memref<1x1x40xi32, #tpu.memory_space<hbm>>
    %dma_start3A_51 = tpu.memref_squeeze %dma_start3A_50 : memref<1x1x40xi32, #tpu.memory_space<hbm>> -> memref<40xi32, #tpu.memory_space<hbm>>
    tpu.enqueue_dma source(%dma_start3A_51 : memref<40xi32, #tpu.memory_space<hbm>>) target(%dma_start3A_48 : memref<40xi32, #tpu.memory_space<vmem>>) target_semaphore(%arg17 : memref<!tpu.dma_semaphore, #tpu.memory_space<semaphore_mem>>)
    %dma_start3A_52 = arith.constant 2 : i32
    %dma_start3A_53 = arith.constant 0 : i32
    %dma_start3A_54 = arith.constant 0 : i32
    %dma_start3A_55 = tpu.memref_slice %arg8[%dma_start3A_52, %dma_start3A_53, %dma_start3A_54] : memref<6x40x128xf32, #tpu.memory_space<vmem>> -> memref<1x40x128xf32, #tpu.memory_space<vmem>>
    %dma_start3A_56 = tpu.memref_squeeze %dma_start3A_55 : memref<1x40x128xf32, #tpu.memory_space<vmem>> -> memref<40x128xf32, #tpu.memory_space<vmem>>
    %dma_start3A_57 = arith.constant 80 : i32
    %dma_start3A_58 = tpu.memref_slice %arg6[%dma_start3A_57] : memref<10000xi32, #tpu.memory_space<vmem>> -> memref<40xi32, #tpu.memory_space<vmem>>
    %dma_start3A_59 = arith.constant 0 : i32
    %dma_start3A_60 = arith.constant 0 : i32
    %dma_start3A_61 = tpu.memref_slice %arg2[%dma_start3A_59, %dma_start3A_60] : memref<20000x128xf32, #tpu.memory_space<hbm>> -> memref<20000x128xf32, #tpu.memory_space<hbm>>
    tpu.enqueue_indirect_dma source(%dma_start3A_61 : memref<20000x128xf32, #tpu.memory_space<hbm>>) target(%dma_start3A_56 : memref<40x128xf32, #tpu.memory_space<vmem>>) offsets(%dma_start3A_58 : memref<40xi32, #tpu.memory_space<vmem>>) semaphore(%arg12 : memref<!tpu.dma_semaphore, #tpu.memory_space<semaphore_mem>>)
    %dma_start3A_62 = arith.constant 2 : i32
    %dma_start3A_63 = arith.constant 2 : i32
    %dma_start3A_64 = arith.constant 0 : i32
    %dma_start3A_65 = tpu.memref_slice %arg7[%dma_start3A_63, %dma_start3A_64] : memref<6x40xi32, #tpu.memory_space<vmem>> -> memref<1x40xi32, #tpu.memory_space<vmem>>
    %dma_start3A_66 = tpu.memref_squeeze %dma_start3A_65 : memref<1x40xi32, #tpu.memory_space<vmem>> -> memref<40xi32, #tpu.memory_space<vmem>>
    %dma_start3A_67 = arith.constant 0 : i32
    %dma_start3A_68 = tpu.memref_slice %arg4[%arg1, %dma_start3A_62, %dma_start3A_67] : memref<16x250x40xi32, #tpu.memory_space<hbm>> -> memref<1x1x40xi32, #tpu.memory_space<hbm>>
    %dma_start3A_69 = tpu.memref_squeeze %dma_start3A_68 : memref<1x1x40xi32, #tpu.memory_space<hbm>> -> memref<40xi32, #tpu.memory_space<hbm>>
    %dma_start3A_70 = arith.constant 0 : i32
    %dma_start3A_71 = tpu.memref_slice %arg7[%dma_start3A_63, %dma_start3A_70] : memref<6x40xi32, #tpu.memory_space<vmem>> -> memref<1x40xi32, #tpu.memory_space<vmem>>
    %dma_start3A_72 = tpu.memref_squeeze %dma_start3A_71 : memref<1x40xi32, #tpu.memory_space<vmem>> -> memref<40xi32, #tpu.memory_space<vmem>>
    %dma_start3A_73 = arith.constant 0 : i32
    %dma_start3A_74 = tpu.memref_slice %arg4[%arg1, %dma_start3A_62, %dma_start3A_73] : memref<16x250x40xi32, #tpu.memory_space<hbm>> -> memref<1x1x40xi32, #tpu.memory_space<hbm>>
    %dma_start3A_75 = tpu.memref_squeeze %dma_start3A_74 : memref<1x1x40xi32, #tpu.memory_space<hbm>> -> memref<40xi32, #tpu.memory_space<hbm>>
    tpu.enqueue_dma source(%dma_start3A_75 : memref<40xi32, #tpu.memory_space<hbm>>) target(%dma_start3A_72 : memref<40xi32, #tpu.memory_space<vmem>>) target_semaphore(%arg18 : memref<!tpu.dma_semaphore, #tpu.memory_space<semaphore_mem>>)
    %dma_start3A_76 = arith.constant 3 : i32
    %dma_start3A_77 = arith.constant 0 : i32
    %dma_start3A_78 = arith.constant 0 : i32
    %dma_start3A_79 = tpu.memref_slice %arg8[%dma_start3A_76, %dma_start3A_77, %dma_start3A_78] : memref<6x40x128xf32, #tpu.memory_space<vmem>> -> memref<1x40x128xf32, #tpu.memory_space<vmem>>
    %dma_start3A_80 = tpu.memref_squeeze %dma_start3A_79 : memref<1x40x128xf32, #tpu.memory_space<vmem>> -> memref<40x128xf32, #tpu.memory_space<vmem>>
    %dma_start3A_81 = arith.constant 120 : i32
    %dma_start3A_82 = tpu.memref_slice %arg6[%dma_start3A_81] : memref<10000xi32, #tpu.memory_space<vmem>> -> memref<40xi32, #tpu.memory_space<vmem>>
    %dma_start3A_83 = arith.constant 0 : i32
    %dma_start3A_84 = arith.constant 0 : i32
    %dma_start3A_85 = tpu.memref_slice %arg2[%dma_start3A_83, %dma_start3A_84] : memref<20000x128xf32, #tpu.memory_space<hbm>> -> memref<20000x128xf32, #tpu.memory_space<hbm>>
    tpu.enqueue_indirect_dma source(%dma_start3A_85 : memref<20000x128xf32, #tpu.memory_space<hbm>>) target(%dma_start3A_80 : memref<40x128xf32, #tpu.memory_space<vmem>>) offsets(%dma_start3A_82 : memref<40xi32, #tpu.memory_space<vmem>>) semaphore(%arg13 : memref<!tpu.dma_semaphore, #tpu.memory_space<semaphore_mem>>)
    %dma_start3A_86 = arith.constant 3 : i32
    %dma_start3A_87 = arith.constant 3 : i32
    %dma_start3A_88 = arith.constant 0 : i32
    %dma_start3A_89 = tpu.memref_slice %arg7[%dma_start3A_87, %dma_start3A_88] : memref<6x40xi32, #tpu.memory_space<vmem>> -> memref<1x40xi32, #tpu.memory_space<vmem>>
    %dma_start3A_90 = tpu.memref_squeeze %dma_start3A_89 : memref<1x40xi32, #tpu.memory_space<vmem>> -> memref<40xi32, #tpu.memory_space<vmem>>
    %dma_start3A_91 = arith.constant 0 : i32
    %dma_start3A_92 = tpu.memref_slice %arg4[%arg1, %dma_start3A_86, %dma_start3A_91] : memref<16x250x40xi32, #tpu.memory_space<hbm>> -> memref<1x1x40xi32, #tpu.memory_space<hbm>>
    %dma_start3A_93 = tpu.memref_squeeze %dma_start3A_92 : memref<1x1x40xi32, #tpu.memory_space<hbm>> -> memref<40xi32, #tpu.memory_space<hbm>>
    %dma_start3A_94 = arith.constant 0 : i32
    %dma_start3A_95 = tpu.memref_slice %arg7[%dma_start3A_87, %dma_start3A_94] : memref<6x40xi32, #tpu.memory_space<vmem>> -> memref<1x40xi32, #tpu.memory_space<vmem>>
    %dma_start3A_96 = tpu.memref_squeeze %dma_start3A_95 : memref<1x40xi32, #tpu.memory_space<vmem>> -> memref<40xi32, #tpu.memory_space<vmem>>
    %dma_start3A_97 = arith.constant 0 : i32
    %dma_start3A_98 = tpu.memref_slice %arg4[%arg1, %dma_start3A_86, %dma_start3A_97] : memref<16x250x40xi32, #tpu.memory_space<hbm>> -> memref<1x1x40xi32, #tpu.memory_space<hbm>>
    %dma_start3A_99 = tpu.memref_squeeze %dma_start3A_98 : memref<1x1x40xi32, #tpu.memory_space<hbm>> -> memref<40xi32, #tpu.memory_space<hbm>>
    tpu.enqueue_dma source(%dma_start3A_99 : memref<40xi32, #tpu.memory_space<hbm>>) target(%dma_start3A_96 : memref<40xi32, #tpu.memory_space<vmem>>) target_semaphore(%arg19 : memref<!tpu.dma_semaphore, #tpu.memory_space<semaphore_mem>>)
    %dma_start3A_100 = arith.constant 4 : i32
    %dma_start3A_101 = arith.constant 0 : i32
    %dma_start3A_102 = arith.constant 0 : i32
    %dma_start3A_103 = tpu.memref_slice %arg8[%dma_start3A_100, %dma_start3A_101, %dma_start3A_102] : memref<6x40x128xf32, #tpu.memory_space<vmem>> -> memref<1x40x128xf32, #tpu.memory_space<vmem>>
    %dma_start3A_104 = tpu.memref_squeeze %dma_start3A_103 : memref<1x40x128xf32, #tpu.memory_space<vmem>> -> memref<40x128xf32, #tpu.memory_space<vmem>>
    %dma_start3A_105 = arith.constant 160 : i32
    %dma_start3A_106 = tpu.memref_slice %arg6[%dma_start3A_105] : memref<10000xi32, #tpu.memory_space<vmem>> -> memref<40xi32, #tpu.memory_space<vmem>>
    %dma_start3A_107 = arith.constant 0 : i32
    %dma_start3A_108 = arith.constant 0 : i32
    %dma_start3A_109 = tpu.memref_slice %arg2[%dma_start3A_107, %dma_start3A_108] : memref<20000x128xf32, #tpu.memory_space<hbm>> -> memref<20000x128xf32, #tpu.memory_space<hbm>>
    tpu.enqueue_indirect_dma source(%dma_start3A_109 : memref<20000x128xf32, #tpu.memory_space<hbm>>) target(%dma_start3A_104 : memref<40x128xf32, #tpu.memory_space<vmem>>) offsets(%dma_start3A_106 : memref<40xi32, #tpu.memory_space<vmem>>) semaphore(%arg14 : memref<!tpu.dma_semaphore, #tpu.memory_space<semaphore_mem>>)
    %dma_start3A_110 = arith.constant 4 : i32
    %dma_start3A_111 = arith.constant 4 : i32
    %dma_start3A_112 = arith.constant 0 : i32
    %dma_start3A_113 = tpu.memref_slice %arg7[%dma_start3A_111, %dma_start3A_112] : memref<6x40xi32, #tpu.memory_space<vmem>> -> memref<1x40xi32, #tpu.memory_space<vmem>>
    %dma_start3A_114 = tpu.memref_squeeze %dma_start3A_113 : memref<1x40xi32, #tpu.memory_space<vmem>> -> memref<40xi32, #tpu.memory_space<vmem>>
    %dma_start3A_115 = arith.constant 0 : i32
    %dma_start3A_116 = tpu.memref_slice %arg4[%arg1, %dma_start3A_110, %dma_start3A_115] : memref<16x250x40xi32, #tpu.memory_space<hbm>> -> memref<1x1x40xi32, #tpu.memory_space<hbm>>
    %dma_start3A_117 = tpu.memref_squeeze %dma_start3A_116 : memref<1x1x40xi32, #tpu.memory_space<hbm>> -> memref<40xi32, #tpu.memory_space<hbm>>
    %dma_start3A_118 = arith.constant 0 : i32
    %dma_start3A_119 = tpu.memref_slice %arg7[%dma_start3A_111, %dma_start3A_118] : memref<6x40xi32, #tpu.memory_space<vmem>> -> memref<1x40xi32, #tpu.memory_space<vmem>>
    %dma_start3A_120 = tpu.memref_squeeze %dma_start3A_119 : memref<1x40xi32, #tpu.memory_space<vmem>> -> memref<40xi32, #tpu.memory_space<vmem>>
    %dma_start3A_121 = arith.constant 0 : i32
    %dma_start3A_122 = tpu.memref_slice %arg4[%arg1, %dma_start3A_110, %dma_start3A_121] : memref<16x250x40xi32, #tpu.memory_space<hbm>> -> memref<1x1x40xi32, #tpu.memory_space<hbm>>
    %dma_start3A_123 = tpu.memref_squeeze %dma_start3A_122 : memref<1x1x40xi32, #tpu.memory_space<hbm>> -> memref<40xi32, #tpu.memory_space<hbm>>
    tpu.enqueue_dma source(%dma_start3A_123 : memref<40xi32, #tpu.memory_space<hbm>>) target(%dma_start3A_120 : memref<40xi32, #tpu.memory_space<vmem>>) target_semaphore(%arg20 : memref<!tpu.dma_semaphore, #tpu.memory_space<semaphore_mem>>)
    %dma_start3A_124 = arith.constant 5 : i32
    %dma_start3A_125 = arith.constant 0 : i32
    %dma_start3A_126 = arith.constant 0 : i32
    %dma_start3A_127 = tpu.memref_slice %arg8[%dma_start3A_124, %dma_start3A_125, %dma_start3A_126] : memref<6x40x128xf32, #tpu.memory_space<vmem>> -> memref<1x40x128xf32, #tpu.memory_space<vmem>>
    %dma_start3A_128 = tpu.memref_squeeze %dma_start3A_127 : memref<1x40x128xf32, #tpu.memory_space<vmem>> -> memref<40x128xf32, #tpu.memory_space<vmem>>
    %dma_start3A_129 = arith.constant 200 : i32
    %dma_start3A_130 = tpu.memref_slice %arg6[%dma_start3A_129] : memref<10000xi32, #tpu.memory_space<vmem>> -> memref<40xi32, #tpu.memory_space<vmem>>
    %dma_start3A_131 = arith.constant 0 : i32
    %dma_start3A_132 = arith.constant 0 : i32
    %dma_start3A_133 = tpu.memref_slice %arg2[%dma_start3A_131, %dma_start3A_132] : memref<20000x128xf32, #tpu.memory_space<hbm>> -> memref<20000x128xf32, #tpu.memory_space<hbm>>
    tpu.enqueue_indirect_dma source(%dma_start3A_133 : memref<20000x128xf32, #tpu.memory_space<hbm>>) target(%dma_start3A_128 : memref<40x128xf32, #tpu.memory_space<vmem>>) offsets(%dma_start3A_130 : memref<40xi32, #tpu.memory_space<vmem>>) semaphore(%arg15 : memref<!tpu.dma_semaphore, #tpu.memory_space<semaphore_mem>>)
    %dma_start3A_134 = arith.constant 5 : i32
    %dma_start3A_135 = arith.constant 5 : i32
    %dma_start3A_136 = arith.constant 0 : i32
    %dma_start3A_137 = tpu.memref_slice %arg7[%dma_start3A_135, %dma_start3A_136] : memref<6x40xi32, #tpu.memory_space<vmem>> -> memref<1x40xi32, #tpu.memory_space<vmem>>
    %dma_start3A_138 = tpu.memref_squeeze %dma_start3A_137 : memref<1x40xi32, #tpu.memory_space<vmem>> -> memref<40xi32, #tpu.memory_space<vmem>>
    %dma_start3A_139 = arith.constant 0 : i32
    %dma_start3A_140 = tpu.memref_slice %arg4[%arg1, %dma_start3A_134, %dma_start3A_139] : memref<16x250x40xi32, #tpu.memory_space<hbm>> -> memref<1x1x40xi32, #tpu.memory_space<hbm>>
    %dma_start3A_141 = tpu.memref_squeeze %dma_start3A_140 : memref<1x1x40xi32, #tpu.memory_space<hbm>> -> memref<40xi32, #tpu.memory_space<hbm>>
    %dma_start3A_142 = arith.constant 0 : i32
    %dma_start3A_143 = tpu.memref_slice %arg7[%dma_start3A_135, %dma_start3A_142] : memref<6x40xi32, #tpu.memory_space<vmem>> -> memref<1x40xi32, #tpu.memory_space<vmem>>
    %dma_start3A_144 = tpu.memref_squeeze %dma_start3A_143 : memref<1x40xi32, #tpu.memory_space<vmem>> -> memref<40xi32, #tpu.memory_space<vmem>>
    %dma_start3A_145 = arith.constant 0 : i32
    %dma_start3A_146 = tpu.memref_slice %arg4[%arg1, %dma_start3A_134, %dma_start3A_145] : memref<16x250x40xi32, #tpu.memory_space<hbm>> -> memref<1x1x40xi32, #tpu.memory_space<hbm>>
    %dma_start3A_147 = tpu.memref_squeeze %dma_start3A_146 : memref<1x1x40xi32, #tpu.memory_space<hbm>> -> memref<40xi32, #tpu.memory_space<hbm>>
    tpu.enqueue_dma source(%dma_start3A_147 : memref<40xi32, #tpu.memory_space<hbm>>) target(%dma_start3A_144 : memref<40xi32, #tpu.memory_space<vmem>>) target_semaphore(%arg21 : memref<!tpu.dma_semaphore, #tpu.memory_space<semaphore_mem>>)
    %scan3A = arith.constant 0 : i32
    %scan3A_148 = arith.constant 0 : i32
    %scan3A_149 = arith.constant 42 : i32
    %scan3A_150 = arith.addi %scan3A_148, %scan3A_149 : i32
    %scan3A_151 = arith.constant 1 : i32
    scf.for %scan3A_159 = %scan3A_148 to %scan3A_150 step %scan3A_151  : i32 {
      %mul3A_160 = arith.constant 6 : i32
      %mul3A_161 = arith.muli %scan3A_159, %mul3A_160 : i32
      %add3A_162 = arith.constant 0 : i32
      %add3A_163 = arith.addi %mul3A_161, %add3A_162 : i32
      %lt3A = arith.constant 250 : i32
      %lt3A_164 = arith.cmpi slt, %add3A_163, %lt3A : i32
      %convert_element_type3A_165 = arith.extui %lt3A_164 : i1 to i32
      %cond3A_166 = arith.constant 0 : i32
      %cond3A_167 = arith.cmpi ne, %convert_element_type3A_165, %cond3A_166 : i32
      scf.if %cond3A_167 {
        %mul3A_213 = arith.constant 40 : i32
        %mul3A_214 = arith.muli %add3A_163, %mul3A_213 : i32
        %dma_wait3A = arith.constant 0 : i32
        %dma_wait3A_215 = arith.constant 0 : i32
        %dma_wait3A_216 = arith.constant 0 : i32
        %dma_wait3A_217 = tpu.memref_slice %arg8[%dma_wait3A, %dma_wait3A_215, %dma_wait3A_216] : memref<6x40x128xf32, #tpu.memory_space<vmem>> -> memref<1x40x128xf32, #tpu.memory_space<vmem>>
        %dma_wait3A_218 = tpu.memref_squeeze %dma_wait3A_217 : memref<1x40x128xf32, #tpu.memory_space<vmem>> -> memref<40x128xf32, #tpu.memory_space<vmem>>
        %dma_wait3A_219 = tpu.memref_slice %arg6[%mul3A_214] : memref<10000xi32, #tpu.memory_space<vmem>> -> memref<40xi32, #tpu.memory_space<vmem>>
        %dma_wait3A_220 = arith.constant 0 : i32
        %dma_wait3A_221 = arith.constant 0 : i32
        %dma_wait3A_222 = tpu.memref_slice %arg2[%dma_wait3A_220, %dma_wait3A_221] : memref<20000x128xf32, #tpu.memory_space<hbm>> -> memref<20000x128xf32, #tpu.memory_space<hbm>>
        tpu.wait_indirect_dma semaphore(%arg10 : memref<!tpu.dma_semaphore, #tpu.memory_space<semaphore_mem>>) src(%dma_wait3A_222 : memref<20000x128xf32, #tpu.memory_space<hbm>>) dst(%dma_wait3A_218 : memref<40x128xf32, #tpu.memory_space<vmem>>)
        %dma_wait3A_223 = arith.constant 0 : i32
        %dma_wait3A_224 = arith.constant 0 : i32
        %dma_wait3A_225 = tpu.memref_slice %arg7[%dma_wait3A_223, %dma_wait3A_224] : memref<6x40xi32, #tpu.memory_space<vmem>> -> memref<1x40xi32, #tpu.memory_space<vmem>>
        %dma_wait3A_226 = tpu.memref_squeeze %dma_wait3A_225 : memref<1x40xi32, #tpu.memory_space<vmem>> -> memref<40xi32, #tpu.memory_space<vmem>>
        %dma_wait3A_227 = arith.constant 0 : i32
        %dma_wait3A_228 = tpu.memref_slice %arg4[%arg1, %add3A_163, %dma_wait3A_227] : memref<16x250x40xi32, #tpu.memory_space<hbm>> -> memref<1x1x40xi32, #tpu.memory_space<hbm>>
        %dma_wait3A_229 = tpu.memref_squeeze %dma_wait3A_228 : memref<1x1x40xi32, #tpu.memory_space<hbm>> -> memref<40xi32, #tpu.memory_space<hbm>>
        %dma_wait3A_230 = arith.constant 0 : i32
        %dma_wait3A_231 = tpu.memref_slice %arg7[%dma_wait3A_223, %dma_wait3A_230] : memref<6x40xi32, #tpu.memory_space<vmem>> -> memref<1x40xi32, #tpu.memory_space<vmem>>
        %dma_wait3A_232 = tpu.memref_squeeze %dma_wait3A_231 : memref<1x40xi32, #tpu.memory_space<vmem>> -> memref<40xi32, #tpu.memory_space<vmem>>
        %dma_wait3A_233 = arith.constant 0 : i32
        %dma_wait3A_234 = tpu.memref_slice %arg4[%arg1, %add3A_163, %dma_wait3A_233] : memref<16x250x40xi32, #tpu.memory_space<hbm>> -> memref<1x1x40xi32, #tpu.memory_space<hbm>>
        %dma_wait3A_235 = tpu.memref_squeeze %dma_wait3A_234 : memref<1x1x40xi32, #tpu.memory_space<hbm>> -> memref<40xi32, #tpu.memory_space<hbm>>
        tpu.wait_dma2 semaphore(%arg16 : memref<!tpu.dma_semaphore, #tpu.memory_space<semaphore_mem>>) src(%dma_wait3A_235 : memref<40xi32, #tpu.memory_space<hbm>>) dst(%dma_wait3A_232 : memref<40xi32, #tpu.memory_space<vmem>>)
        %run_scoped3A = arith.constant 0 : i32
        %run_scoped3A_236 = arith.constant 0 : i32
        "tpu.region"() ({
          %run_scoped3A_244 = tpu.sem_alloc : memref<!tpu.dma_semaphore, #tpu.memory_space<semaphore_mem>>
          %dma_start3A_245 = arith.constant 0 : i32
          %dma_start3A_246 = arith.constant 0 : i32
          %dma_start3A_247 = tpu.memref_slice %arg8[%run_scoped3A, %dma_start3A_245, %dma_start3A_246] : memref<6x40x128xf32, #tpu.memory_space<vmem>> -> memref<1x40x128xf32, #tpu.memory_space<vmem>>
          %dma_start3A_248 = tpu.memref_squeeze %dma_start3A_247 : memref<1x40x128xf32, #tpu.memory_space<vmem>> -> memref<40x128xf32, #tpu.memory_space<vmem>>
          %dma_start3A_249 = arith.constant 0 : i32
          %dma_start3A_250 = tpu.memref_slice %arg7[%run_scoped3A_236, %dma_start3A_249] : memref<6x40xi32, #tpu.memory_space<vmem>> -> memref<1x40xi32, #tpu.memory_space<vmem>>
          %dma_start3A_251 = tpu.memref_squeeze %dma_start3A_250 : memref<1x40xi32, #tpu.memory_space<vmem>> -> memref<40xi32, #tpu.memory_space<vmem>>
          %dma_start3A_252 = arith.constant 0 : i32
          %dma_start3A_253 = arith.constant 0 : i32
          %dma_start3A_254 = tpu.memref_slice %arg9[%dma_start3A_252, %dma_start3A_253] : memref<10000x128xf32, #tpu.memory_space<vmem_shared>> -> memref<10000x128xf32, #tpu.memory_space<vmem_shared>>
          tpu.enqueue_indirect_dma source(%dma_start3A_248 : memref<40x128xf32, #tpu.memory_space<vmem>>) target(%dma_start3A_254 : memref<10000x128xf32, #tpu.memory_space<vmem_shared>>) offsets(%dma_start3A_251 : memref<40xi32, #tpu.memory_space<vmem>>) semaphore(%run_scoped3A_244 : memref<!tpu.dma_semaphore, #tpu.memory_space<semaphore_mem>>) {add = true}
          %dma_wait3A_255 = arith.constant 0 : i32
          %dma_wait3A_256 = arith.constant 0 : i32
          %dma_wait3A_257 = tpu.memref_slice %arg8[%run_scoped3A, %dma_wait3A_255, %dma_wait3A_256] : memref<6x40x128xf32, #tpu.memory_space<vmem>> -> memref<1x40x128xf32, #tpu.memory_space<vmem>>
          %dma_wait3A_258 = tpu.memref_squeeze %dma_wait3A_257 : memref<1x40x128xf32, #tpu.memory_space<vmem>> -> memref<40x128xf32, #tpu.memory_space<vmem>>
          %dma_wait3A_259 = arith.constant 0 : i32
          %dma_wait3A_260 = tpu.memref_slice %arg7[%run_scoped3A_236, %dma_wait3A_259] : memref<6x40xi32, #tpu.memory_space<vmem>> -> memref<1x40xi32, #tpu.memory_space<vmem>>
          %dma_wait3A_261 = tpu.memref_squeeze %dma_wait3A_260 : memref<1x40xi32, #tpu.memory_space<vmem>> -> memref<40xi32, #tpu.memory_space<vmem>>
          %dma_wait3A_262 = arith.constant 0 : i32
          %dma_wait3A_263 = arith.constant 0 : i32
          %dma_wait3A_264 = tpu.memref_slice %arg9[%dma_wait3A_262, %dma_wait3A_263] : memref<10000x128xf32, #tpu.memory_space<vmem_shared>> -> memref<10000x128xf32, #tpu.memory_space<vmem_shared>>
          tpu.wait_indirect_dma semaphore(%run_scoped3A_244 : memref<!tpu.dma_semaphore, #tpu.memory_space<semaphore_mem>>) src(%dma_wait3A_258 : memref<40x128xf32, #tpu.memory_space<vmem>>) dst(%dma_wait3A_264 : memref<10000x128xf32, #tpu.memory_space<vmem_shared>>)
          tpu.yield
        }) : () -> ()
        %add3A_237 = arith.constant 6 : i32
        %add3A_238 = arith.addi %add3A_163, %add3A_237 : i32
        %lt3A_239 = arith.constant 250 : i32
        %lt3A_240 = arith.cmpi slt, %add3A_238, %lt3A_239 : i32
        %convert_element_type3A_241 = arith.extui %lt3A_240 : i1 to i32
        %cond3A_242 = arith.constant 0 : i32
        %cond3A_243 = arith.cmpi ne, %convert_element_type3A_241, %cond3A_242 : i32
        scf.if %cond3A_243 {
          %mul3A_244 = arith.constant 40 : i32
          %mul3A_245 = arith.muli %add3A_238, %mul3A_244 : i32
          %dma_start3A_246 = arith.constant 0 : i32
          %dma_start3A_247 = arith.constant 0 : i32
          %dma_start3A_248 = arith.constant 0 : i32
          %dma_start3A_249 = tpu.memref_slice %arg8[%dma_start3A_246, %dma_start3A_247, %dma_start3A_248] : memref<6x40x128xf32, #tpu.memory_space<vmem>> -> memref<1x40x128xf32, #tpu.memory_space<vmem>>
          %dma_start3A_250 = tpu.memref_squeeze %dma_start3A_249 : memref<1x40x128xf32, #tpu.memory_space<vmem>> -> memref<40x128xf32, #tpu.memory_space<vmem>>
          %dma_start3A_251 = tpu.memref_slice %arg6[%mul3A_245] : memref<10000xi32, #tpu.memory_space<vmem>> -> memref<40xi32, #tpu.memory_space<vmem>>
          %dma_start3A_252 = arith.constant 0 : i32
          %dma_start3A_253 = arith.constant 0 : i32
          %dma_start3A_254 = tpu.memref_slice %arg2[%dma_start3A_252, %dma_start3A_253] : memref<20000x128xf32, #tpu.memory_space<hbm>> -> memref<20000x128xf32, #tpu.memory_space<hbm>>
          tpu.enqueue_indirect_dma source(%dma_start3A_254 : memref<20000x128xf32, #tpu.memory_space<hbm>>) target(%dma_start3A_250 : memref<40x128xf32, #tpu.memory_space<vmem>>) offsets(%dma_start3A_251 : memref<40xi32, #tpu.memory_space<vmem>>) semaphore(%arg10 : memref<!tpu.dma_semaphore, #tpu.memory_space<semaphore_mem>>)
          %dma_start3A_255 = arith.constant 0 : i32
          %dma_start3A_256 = arith.constant 0 : i32
          %dma_start3A_257 = tpu.memref_slice %arg7[%dma_start3A_255, %dma_start3A_256] : memref<6x40xi32, #tpu.memory_space<vmem>> -> memref<1x40xi32, #tpu.memory_space<vmem>>
          %dma_start3A_258 = tpu.memref_squeeze %dma_start3A_257 : memref<1x40xi32, #tpu.memory_space<vmem>> -> memref<40xi32, #tpu.memory_space<vmem>>
          %dma_start3A_259 = arith.constant 0 : i32
          %dma_start3A_260 = tpu.memref_slice %arg4[%arg1, %add3A_238, %dma_start3A_259] : memref<16x250x40xi32, #tpu.memory_space<hbm>> -> memref<1x1x40xi32, #tpu.memory_space<hbm>>
          %dma_start3A_261 = tpu.memref_squeeze %dma_start3A_260 : memref<1x1x40xi32, #tpu.memory_space<hbm>> -> memref<40xi32, #tpu.memory_space<hbm>>
          %dma_start3A_262 = arith.constant 0 : i32
          %dma_start3A_263 = tpu.memref_slice %arg7[%dma_start3A_255, %dma_start3A_262] : memref<6x40xi32, #tpu.memory_space<vmem>> -> memref<1x40xi32, #tpu.memory_space<vmem>>
          %dma_start3A_264 = tpu.memref_squeeze %dma_start3A_263 : memref<1x40xi32, #tpu.memory_space<vmem>> -> memref<40xi32, #tpu.memory_space<vmem>>
          %dma_start3A_265 = arith.constant 0 : i32
          %dma_start3A_266 = tpu.memref_slice %arg4[%arg1, %add3A_238, %dma_start3A_265] : memref<16x250x40xi32, #tpu.memory_space<hbm>> -> memref<1x1x40xi32, #tpu.memory_space<hbm>>
          %dma_start3A_267 = tpu.memref_squeeze %dma_start3A_266 : memref<1x1x40xi32, #tpu.memory_space<hbm>> -> memref<40xi32, #tpu.memory_space<hbm>>
          tpu.enqueue_dma source(%dma_start3A_267 : memref<40xi32, #tpu.memory_space<hbm>>) target(%dma_start3A_264 : memref<40xi32, #tpu.memory_space<vmem>>) target_semaphore(%arg16 : memref<!tpu.dma_semaphore, #tpu.memory_space<semaphore_mem>>)
        } else {
        }
      } else {
      }
      %mul3A_168 = arith.constant 6 : i32
      %mul3A_169 = arith.muli %scan3A_159, %mul3A_168 : i32
      %add3A_170 = arith.constant 1 : i32
      %add3A_171 = arith.addi %mul3A_169, %add3A_170 : i32
      %lt3A_172 = arith.constant 250 : i32
      %lt3A_173 = arith.cmpi slt, %add3A_171, %lt3A_172 : i32
      %convert_element_type3A_174 = arith.extui %lt3A_173 : i1 to i32
      %cond3A_175 = arith.constant 0 : i32
      %cond3A_176 = arith.cmpi ne, %convert_element_type3A_174, %cond3A_175 : i32
      scf.if %cond3A_176 {
        %mul3A_213 = arith.constant 40 : i32
        %mul3A_214 = arith.muli %add3A_171, %mul3A_213 : i32
        %dma_wait3A = arith.constant 1 : i32
        %dma_wait3A_215 = arith.constant 0 : i32
        %dma_wait3A_216 = arith.constant 0 : i32
        %dma_wait3A_217 = tpu.memref_slice %arg8[%dma_wait3A, %dma_wait3A_215, %dma_wait3A_216] : memref<6x40x128xf32, #tpu.memory_space<vmem>> -> memref<1x40x128xf32, #tpu.memory_space<vmem>>
        %dma_wait3A_218 = tpu.memref_squeeze %dma_wait3A_217 : memref<1x40x128xf32, #tpu.memory_space<vmem>> -> memref<40x128xf32, #tpu.memory_space<vmem>>
        %dma_wait3A_219 = tpu.memref_slice %arg6[%mul3A_214] : memref<10000xi32, #tpu.memory_space<vmem>> -> memref<40xi32, #tpu.memory_space<vmem>>
        %dma_wait3A_220 = arith.constant 0 : i32
        %dma_wait3A_221 = arith.constant 0 : i32
        %dma_wait3A_222 = tpu.memref_slice %arg2[%dma_wait3A_220, %dma_wait3A_221] : memref<20000x128xf32, #tpu.memory_space<hbm>> -> memref<20000x128xf32, #tpu.memory_space<hbm>>
        tpu.wait_indirect_dma semaphore(%arg11 : memref<!tpu.dma_semaphore, #tpu.memory_space<semaphore_mem>>) src(%dma_wait3A_222 : memref<20000x128xf32, #tpu.memory_space<hbm>>) dst(%dma_wait3A_218 : memref<40x128xf32, #tpu.memory_space<vmem>>)
        %dma_wait3A_223 = arith.constant 1 : i32
        %dma_wait3A_224 = arith.constant 0 : i32
        %dma_wait3A_225 = tpu.memref_slice %arg7[%dma_wait3A_223, %dma_wait3A_224] : memref<6x40xi32, #tpu.memory_space<vmem>> -> memref<1x40xi32, #tpu.memory_space<vmem>>
        %dma_wait3A_226 = tpu.memref_squeeze %dma_wait3A_225 : memref<1x40xi32, #tpu.memory_space<vmem>> -> memref<40xi32, #tpu.memory_space<vmem>>
        %dma_wait3A_227 = arith.constant 0 : i32
        %dma_wait3A_228 = tpu.memref_slice %arg4[%arg1, %add3A_171, %dma_wait3A_227] : memref<16x250x40xi32, #tpu.memory_space<hbm>> -> memref<1x1x40xi32, #tpu.memory_space<hbm>>
        %dma_wait3A_229 = tpu.memref_squeeze %dma_wait3A_228 : memref<1x1x40xi32, #tpu.memory_space<hbm>> -> memref<40xi32, #tpu.memory_space<hbm>>
        %dma_wait3A_230 = arith.constant 0 : i32
        %dma_wait3A_231 = tpu.memref_slice %arg7[%dma_wait3A_223, %dma_wait3A_230] : memref<6x40xi32, #tpu.memory_space<vmem>> -> memref<1x40xi32, #tpu.memory_space<vmem>>
        %dma_wait3A_232 = tpu.memref_squeeze %dma_wait3A_231 : memref<1x40xi32, #tpu.memory_space<vmem>> -> memref<40xi32, #tpu.memory_space<vmem>>
        %dma_wait3A_233 = arith.constant 0 : i32
        %dma_wait3A_234 = tpu.memref_slice %arg4[%arg1, %add3A_171, %dma_wait3A_233] : memref<16x250x40xi32, #tpu.memory_space<hbm>> -> memref<1x1x40xi32, #tpu.memory_space<hbm>>
        %dma_wait3A_235 = tpu.memref_squeeze %dma_wait3A_234 : memref<1x1x40xi32, #tpu.memory_space<hbm>> -> memref<40xi32, #tpu.memory_space<hbm>>
        tpu.wait_dma2 semaphore(%arg17 : memref<!tpu.dma_semaphore, #tpu.memory_space<semaphore_mem>>) src(%dma_wait3A_235 : memref<40xi32, #tpu.memory_space<hbm>>) dst(%dma_wait3A_232 : memref<40xi32, #tpu.memory_space<vmem>>)
        %run_scoped3A = arith.constant 1 : i32
        %run_scoped3A_236 = arith.constant 1 : i32
        "tpu.region"() ({
          %run_scoped3A_244 = tpu.sem_alloc : memref<!tpu.dma_semaphore, #tpu.memory_space<semaphore_mem>>
          %dma_start3A_245 = arith.constant 0 : i32
          %dma_start3A_246 = arith.constant 0 : i32
          %dma_start3A_247 = tpu.memref_slice %arg8[%run_scoped3A, %dma_start3A_245, %dma_start3A_246] : memref<6x40x128xf32, #tpu.memory_space<vmem>> -> memref<1x40x128xf32, #tpu.memory_space<vmem>>
          %dma_start3A_248 = tpu.memref_squeeze %dma_start3A_247 : memref<1x40x128xf32, #tpu.memory_space<vmem>> -> memref<40x128xf32, #tpu.memory_space<vmem>>
          %dma_start3A_249 = arith.constant 0 : i32
          %dma_start3A_250 = tpu.memref_slice %arg7[%run_scoped3A_236, %dma_start3A_249] : memref<6x40xi32, #tpu.memory_space<vmem>> -> memref<1x40xi32, #tpu.memory_space<vmem>>
          %dma_start3A_251 = tpu.memref_squeeze %dma_start3A_250 : memref<1x40xi32, #tpu.memory_space<vmem>> -> memref<40xi32, #tpu.memory_space<vmem>>
          %dma_start3A_252 = arith.constant 0 : i32
          %dma_start3A_253 = arith.constant 0 : i32
          %dma_start3A_254 = tpu.memref_slice %arg9[%dma_start3A_252, %dma_start3A_253] : memref<10000x128xf32, #tpu.memory_space<vmem_shared>> -> memref<10000x128xf32, #tpu.memory_space<vmem_shared>>
          tpu.enqueue_indirect_dma source(%dma_start3A_248 : memref<40x128xf32, #tpu.memory_space<vmem>>) target(%dma_start3A_254 : memref<10000x128xf32, #tpu.memory_space<vmem_shared>>) offsets(%dma_start3A_251 : memref<40xi32, #tpu.memory_space<vmem>>) semaphore(%run_scoped3A_244 : memref<!tpu.dma_semaphore, #tpu.memory_space<semaphore_mem>>) {add = true}
          %dma_wait3A_255 = arith.constant 0 : i32
          %dma_wait3A_256 = arith.constant 0 : i32
          %dma_wait3A_257 = tpu.memref_slice %arg8[%run_scoped3A, %dma_wait3A_255, %dma_wait3A_256] : memref<6x40x128xf32, #tpu.memory_space<vmem>> -> memref<1x40x128xf32, #tpu.memory_space<vmem>>
          %dma_wait3A_258 = tpu.memref_squeeze %dma_wait3A_257 : memref<1x40x128xf32, #tpu.memory_space<vmem>> -> memref<40x128xf32, #tpu.memory_space<vmem>>
          %dma_wait3A_259 = arith.constant 0 : i32
          %dma_wait3A_260 = tpu.memref_slice %arg7[%run_scoped3A_236, %dma_wait3A_259] : memref<6x40xi32, #tpu.memory_space<vmem>> -> memref<1x40xi32, #tpu.memory_space<vmem>>
          %dma_wait3A_261 = tpu.memref_squeeze %dma_wait3A_260 : memref<1x40xi32, #tpu.memory_space<vmem>> -> memref<40xi32, #tpu.memory_space<vmem>>
          %dma_wait3A_262 = arith.constant 0 : i32
          %dma_wait3A_263 = arith.constant 0 : i32
          %dma_wait3A_264 = tpu.memref_slice %arg9[%dma_wait3A_262, %dma_wait3A_263] : memref<10000x128xf32, #tpu.memory_space<vmem_shared>> -> memref<10000x128xf32, #tpu.memory_space<vmem_shared>>
          tpu.wait_indirect_dma semaphore(%run_scoped3A_244 : memref<!tpu.dma_semaphore, #tpu.memory_space<semaphore_mem>>) src(%dma_wait3A_258 : memref<40x128xf32, #tpu.memory_space<vmem>>) dst(%dma_wait3A_264 : memref<10000x128xf32, #tpu.memory_space<vmem_shared>>)
          tpu.yield
        }) : () -> ()
        %add3A_237 = arith.constant 6 : i32
        %add3A_238 = arith.addi %add3A_171, %add3A_237 : i32
        %lt3A_239 = arith.constant 250 : i32
        %lt3A_240 = arith.cmpi slt, %add3A_238, %lt3A_239 : i32
        %convert_element_type3A_241 = arith.extui %lt3A_240 : i1 to i32
        %cond3A_242 = arith.constant 0 : i32
        %cond3A_243 = arith.cmpi ne, %convert_element_type3A_241, %cond3A_242 : i32
        scf.if %cond3A_243 {
          %mul3A_244 = arith.constant 40 : i32
          %mul3A_245 = arith.muli %add3A_238, %mul3A_244 : i32
          %dma_start3A_246 = arith.constant 1 : i32
          %dma_start3A_247 = arith.constant 0 : i32
          %dma_start3A_248 = arith.constant 0 : i32
          %dma_start3A_249 = tpu.memref_slice %arg8[%dma_start3A_246, %dma_start3A_247, %dma_start3A_248] : memref<6x40x128xf32, #tpu.memory_space<vmem>> -> memref<1x40x128xf32, #tpu.memory_space<vmem>>
          %dma_start3A_250 = tpu.memref_squeeze %dma_start3A_249 : memref<1x40x128xf32, #tpu.memory_space<vmem>> -> memref<40x128xf32, #tpu.memory_space<vmem>>
          %dma_start3A_251 = tpu.memref_slice %arg6[%mul3A_245] : memref<10000xi32, #tpu.memory_space<vmem>> -> memref<40xi32, #tpu.memory_space<vmem>>
          %dma_start3A_252 = arith.constant 0 : i32
          %dma_start3A_253 = arith.constant 0 : i32
          %dma_start3A_254 = tpu.memref_slice %arg2[%dma_start3A_252, %dma_start3A_253] : memref<20000x128xf32, #tpu.memory_space<hbm>> -> memref<20000x128xf32, #tpu.memory_space<hbm>>
          tpu.enqueue_indirect_dma source(%dma_start3A_254 : memref<20000x128xf32, #tpu.memory_space<hbm>>) target(%dma_start3A_250 : memref<40x128xf32, #tpu.memory_space<vmem>>) offsets(%dma_start3A_251 : memref<40xi32, #tpu.memory_space<vmem>>) semaphore(%arg11 : memref<!tpu.dma_semaphore, #tpu.memory_space<semaphore_mem>>)
          %dma_start3A_255 = arith.constant 1 : i32
          %dma_start3A_256 = arith.constant 0 : i32
          %dma_start3A_257 = tpu.memref_slice %arg7[%dma_start3A_255, %dma_start3A_256] : memref<6x40xi32, #tpu.memory_space<vmem>> -> memref<1x40xi32, #tpu.memory_space<vmem>>
          %dma_start3A_258 = tpu.memref_squeeze %dma_start3A_257 : memref<1x40xi32, #tpu.memory_space<vmem>> -> memref<40xi32, #tpu.memory_space<vmem>>
          %dma_start3A_259 = arith.constant 0 : i32
          %dma_start3A_260 = tpu.memref_slice %arg4[%arg1, %add3A_238, %dma_start3A_259] : memref<16x250x40xi32, #tpu.memory_space<hbm>> -> memref<1x1x40xi32, #tpu.memory_space<hbm>>
          %dma_start3A_261 = tpu.memref_squeeze %dma_start3A_260 : memref<1x1x40xi32, #tpu.memory_space<hbm>> -> memref<40xi32, #tpu.memory_space<hbm>>
          %dma_start3A_262 = arith.constant 0 : i32
          %dma_start3A_263 = tpu.memref_slice %arg7[%dma_start3A_255, %dma_start3A_262] : memref<6x40xi32, #tpu.memory_space<vmem>> -> memref<1x40xi32, #tpu.memory_space<vmem>>
          %dma_start3A_264 = tpu.memref_squeeze %dma_start3A_263 : memref<1x40xi32, #tpu.memory_space<vmem>> -> memref<40xi32, #tpu.memory_space<vmem>>
          %dma_start3A_265 = arith.constant 0 : i32
          %dma_start3A_266 = tpu.memref_slice %arg4[%arg1, %add3A_238, %dma_start3A_265] : memref<16x250x40xi32, #tpu.memory_space<hbm>> -> memref<1x1x40xi32, #tpu.memory_space<hbm>>
          %dma_start3A_267 = tpu.memref_squeeze %dma_start3A_266 : memref<1x1x40xi32, #tpu.memory_space<hbm>> -> memref<40xi32, #tpu.memory_space<hbm>>
          tpu.enqueue_dma source(%dma_start3A_267 : memref<40xi32, #tpu.memory_space<hbm>>) target(%dma_start3A_264 : memref<40xi32, #tpu.memory_space<vmem>>) target_semaphore(%arg17 : memref<!tpu.dma_semaphore, #tpu.memory_space<semaphore_mem>>)
        } else {
        }
      } else {
      }
      %mul3A_177 = arith.constant 6 : i32
      %mul3A_178 = arith.muli %scan3A_159, %mul3A_177 : i32
      %add3A_179 = arith.constant 2 : i32
      %add3A_180 = arith.addi %mul3A_178, %add3A_179 : i32
      %lt3A_181 = arith.constant 250 : i32
      %lt3A_182 = arith.cmpi slt, %add3A_180, %lt3A_181 : i32
      %convert_element_type3A_183 = arith.extui %lt3A_182 : i1 to i32
      %cond3A_184 = arith.constant 0 : i32
      %cond3A_185 = arith.cmpi ne, %convert_element_type3A_183, %cond3A_184 : i32
      scf.if %cond3A_185 {
        %mul3A_213 = arith.constant 40 : i32
        %mul3A_214 = arith.muli %add3A_180, %mul3A_213 : i32
        %dma_wait3A = arith.constant 2 : i32
        %dma_wait3A_215 = arith.constant 0 : i32
        %dma_wait3A_216 = arith.constant 0 : i32
        %dma_wait3A_217 = tpu.memref_slice %arg8[%dma_wait3A, %dma_wait3A_215, %dma_wait3A_216] : memref<6x40x128xf32, #tpu.memory_space<vmem>> -> memref<1x40x128xf32, #tpu.memory_space<vmem>>
        %dma_wait3A_218 = tpu.memref_squeeze %dma_wait3A_217 : memref<1x40x128xf32, #tpu.memory_space<vmem>> -> memref<40x128xf32, #tpu.memory_space<vmem>>
        %dma_wait3A_219 = tpu.memref_slice %arg6[%mul3A_214] : memref<10000xi32, #tpu.memory_space<vmem>> -> memref<40xi32, #tpu.memory_space<vmem>>
        %dma_wait3A_220 = arith.constant 0 : i32
        %dma_wait3A_221 = arith.constant 0 : i32
        %dma_wait3A_222 = tpu.memref_slice %arg2[%dma_wait3A_220, %dma_wait3A_221] : memref<20000x128xf32, #tpu.memory_space<hbm>> -> memref<20000x128xf32, #tpu.memory_space<hbm>>
        tpu.wait_indirect_dma semaphore(%arg12 : memref<!tpu.dma_semaphore, #tpu.memory_space<semaphore_mem>>) src(%dma_wait3A_222 : memref<20000x128xf32, #tpu.memory_space<hbm>>) dst(%dma_wait3A_218 : memref<40x128xf32, #tpu.memory_space<vmem>>)
        %dma_wait3A_223 = arith.constant 2 : i32
        %dma_wait3A_224 = arith.constant 0 : i32
        %dma_wait3A_225 = tpu.memref_slice %arg7[%dma_wait3A_223, %dma_wait3A_224] : memref<6x40xi32, #tpu.memory_space<vmem>> -> memref<1x40xi32, #tpu.memory_space<vmem>>
        %dma_wait3A_226 = tpu.memref_squeeze %dma_wait3A_225 : memref<1x40xi32, #tpu.memory_space<vmem>> -> memref<40xi32, #tpu.memory_space<vmem>>
        %dma_wait3A_227 = arith.constant 0 : i32
        %dma_wait3A_228 = tpu.memref_slice %arg4[%arg1, %add3A_180, %dma_wait3A_227] : memref<16x250x40xi32, #tpu.memory_space<hbm>> -> memref<1x1x40xi32, #tpu.memory_space<hbm>>
        %dma_wait3A_229 = tpu.memref_squeeze %dma_wait3A_228 : memref<1x1x40xi32, #tpu.memory_space<hbm>> -> memref<40xi32, #tpu.memory_space<hbm>>
        %dma_wait3A_230 = arith.constant 0 : i32
        %dma_wait3A_231 = tpu.memref_slice %arg7[%dma_wait3A_223, %dma_wait3A_230] : memref<6x40xi32, #tpu.memory_space<vmem>> -> memref<1x40xi32, #tpu.memory_space<vmem>>
        %dma_wait3A_232 = tpu.memref_squeeze %dma_wait3A_231 : memref<1x40xi32, #tpu.memory_space<vmem>> -> memref<40xi32, #tpu.memory_space<vmem>>
        %dma_wait3A_233 = arith.constant 0 : i32
        %dma_wait3A_234 = tpu.memref_slice %arg4[%arg1, %add3A_180, %dma_wait3A_233] : memref<16x250x40xi32, #tpu.memory_space<hbm>> -> memref<1x1x40xi32, #tpu.memory_space<hbm>>
        %dma_wait3A_235 = tpu.memref_squeeze %dma_wait3A_234 : memref<1x1x40xi32, #tpu.memory_space<hbm>> -> memref<40xi32, #tpu.memory_space<hbm>>
        tpu.wait_dma2 semaphore(%arg18 : memref<!tpu.dma_semaphore, #tpu.memory_space<semaphore_mem>>) src(%dma_wait3A_235 : memref<40xi32, #tpu.memory_space<hbm>>) dst(%dma_wait3A_232 : memref<40xi32, #tpu.memory_space<vmem>>)
        %run_scoped3A = arith.constant 2 : i32
        %run_scoped3A_236 = arith.constant 2 : i32
        "tpu.region"() ({
          %run_scoped3A_244 = tpu.sem_alloc : memref<!tpu.dma_semaphore, #tpu.memory_space<semaphore_mem>>
          %dma_start3A_245 = arith.constant 0 : i32
          %dma_start3A_246 = arith.constant 0 : i32
          %dma_start3A_247 = tpu.memref_slice %arg8[%run_scoped3A, %dma_start3A_245, %dma_start3A_246] : memref<6x40x128xf32, #tpu.memory_space<vmem>> -> memref<1x40x128xf32, #tpu.memory_space<vmem>>
          %dma_start3A_248 = tpu.memref_squeeze %dma_start3A_247 : memref<1x40x128xf32, #tpu.memory_space<vmem>> -> memref<40x128xf32, #tpu.memory_space<vmem>>
          %dma_start3A_249 = arith.constant 0 : i32
          %dma_start3A_250 = tpu.memref_slice %arg7[%run_scoped3A_236, %dma_start3A_249] : memref<6x40xi32, #tpu.memory_space<vmem>> -> memref<1x40xi32, #tpu.memory_space<vmem>>
          %dma_start3A_251 = tpu.memref_squeeze %dma_start3A_250 : memref<1x40xi32, #tpu.memory_space<vmem>> -> memref<40xi32, #tpu.memory_space<vmem>>
          %dma_start3A_252 = arith.constant 0 : i32
          %dma_start3A_253 = arith.constant 0 : i32
          %dma_start3A_254 = tpu.memref_slice %arg9[%dma_start3A_252, %dma_start3A_253] : memref<10000x128xf32, #tpu.memory_space<vmem_shared>> -> memref<10000x128xf32, #tpu.memory_space<vmem_shared>>
          tpu.enqueue_indirect_dma source(%dma_start3A_248 : memref<40x128xf32, #tpu.memory_space<vmem>>) target(%dma_start3A_254 : memref<10000x128xf32, #tpu.memory_space<vmem_shared>>) offsets(%dma_start3A_251 : memref<40xi32, #tpu.memory_space<vmem>>) semaphore(%run_scoped3A_244 : memref<!tpu.dma_semaphore, #tpu.memory_space<semaphore_mem>>) {add = true}
          %dma_wait3A_255 = arith.constant 0 : i32
          %dma_wait3A_256 = arith.constant 0 : i32
          %dma_wait3A_257 = tpu.memref_slice %arg8[%run_scoped3A, %dma_wait3A_255, %dma_wait3A_256] : memref<6x40x128xf32, #tpu.memory_space<vmem>> -> memref<1x40x128xf32, #tpu.memory_space<vmem>>
          %dma_wait3A_258 = tpu.memref_squeeze %dma_wait3A_257 : memref<1x40x128xf32, #tpu.memory_space<vmem>> -> memref<40x128xf32, #tpu.memory_space<vmem>>
          %dma_wait3A_259 = arith.constant 0 : i32
          %dma_wait3A_260 = tpu.memref_slice %arg7[%run_scoped3A_236, %dma_wait3A_259] : memref<6x40xi32, #tpu.memory_space<vmem>> -> memref<1x40xi32, #tpu.memory_space<vmem>>
          %dma_wait3A_261 = tpu.memref_squeeze %dma_wait3A_260 : memref<1x40xi32, #tpu.memory_space<vmem>> -> memref<40xi32, #tpu.memory_space<vmem>>
          %dma_wait3A_262 = arith.constant 0 : i32
          %dma_wait3A_263 = arith.constant 0 : i32
          %dma_wait3A_264 = tpu.memref_slice %arg9[%dma_wait3A_262, %dma_wait3A_263] : memref<10000x128xf32, #tpu.memory_space<vmem_shared>> -> memref<10000x128xf32, #tpu.memory_space<vmem_shared>>
          tpu.wait_indirect_dma semaphore(%run_scoped3A_244 : memref<!tpu.dma_semaphore, #tpu.memory_space<semaphore_mem>>) src(%dma_wait3A_258 : memref<40x128xf32, #tpu.memory_space<vmem>>) dst(%dma_wait3A_264 : memref<10000x128xf32, #tpu.memory_space<vmem_shared>>)
          tpu.yield
        }) : () -> ()
        %add3A_237 = arith.constant 6 : i32
        %add3A_238 = arith.addi %add3A_180, %add3A_237 : i32
        %lt3A_239 = arith.constant 250 : i32
        %lt3A_240 = arith.cmpi slt, %add3A_238, %lt3A_239 : i32
        %convert_element_type3A_241 = arith.extui %lt3A_240 : i1 to i32
        %cond3A_242 = arith.constant 0 : i32
        %cond3A_243 = arith.cmpi ne, %convert_element_type3A_241, %cond3A_242 : i32
        scf.if %cond3A_243 {
          %mul3A_244 = arith.constant 40 : i32
          %mul3A_245 = arith.muli %add3A_238, %mul3A_244 : i32
          %dma_start3A_246 = arith.constant 2 : i32
          %dma_start3A_247 = arith.constant 0 : i32
          %dma_start3A_248 = arith.constant 0 : i32
          %dma_start3A_249 = tpu.memref_slice %arg8[%dma_start3A_246, %dma_start3A_247, %dma_start3A_248] : memref<6x40x128xf32, #tpu.memory_space<vmem>> -> memref<1x40x128xf32, #tpu.memory_space<vmem>>
          %dma_start3A_250 = tpu.memref_squeeze %dma_start3A_249 : memref<1x40x128xf32, #tpu.memory_space<vmem>> -> memref<40x128xf32, #tpu.memory_space<vmem>>
          %dma_start3A_251 = tpu.memref_slice %arg6[%mul3A_245] : memref<10000xi32, #tpu.memory_space<vmem>> -> memref<40xi32, #tpu.memory_space<vmem>>
          %dma_start3A_252 = arith.constant 0 : i32
          %dma_start3A_253 = arith.constant 0 : i32
          %dma_start3A_254 = tpu.memref_slice %arg2[%dma_start3A_252, %dma_start3A_253] : memref<20000x128xf32, #tpu.memory_space<hbm>> -> memref<20000x128xf32, #tpu.memory_space<hbm>>
          tpu.enqueue_indirect_dma source(%dma_start3A_254 : memref<20000x128xf32, #tpu.memory_space<hbm>>) target(%dma_start3A_250 : memref<40x128xf32, #tpu.memory_space<vmem>>) offsets(%dma_start3A_251 : memref<40xi32, #tpu.memory_space<vmem>>) semaphore(%arg12 : memref<!tpu.dma_semaphore, #tpu.memory_space<semaphore_mem>>)
          %dma_start3A_255 = arith.constant 2 : i32
          %dma_start3A_256 = arith.constant 0 : i32
          %dma_start3A_257 = tpu.memref_slice %arg7[%dma_start3A_255, %dma_start3A_256] : memref<6x40xi32, #tpu.memory_space<vmem>> -> memref<1x40xi32, #tpu.memory_space<vmem>>
          %dma_start3A_258 = tpu.memref_squeeze %dma_start3A_257 : memref<1x40xi32, #tpu.memory_space<vmem>> -> memref<40xi32, #tpu.memory_space<vmem>>
          %dma_start3A_259 = arith.constant 0 : i32
          %dma_start3A_260 = tpu.memref_slice %arg4[%arg1, %add3A_238, %dma_start3A_259] : memref<16x250x40xi32, #tpu.memory_space<hbm>> -> memref<1x1x40xi32, #tpu.memory_space<hbm>>
          %dma_start3A_261 = tpu.memref_squeeze %dma_start3A_260 : memref<1x1x40xi32, #tpu.memory_space<hbm>> -> memref<40xi32, #tpu.memory_space<hbm>>
          %dma_start3A_262 = arith.constant 0 : i32
          %dma_start3A_263 = tpu.memref_slice %arg7[%dma_start3A_255, %dma_start3A_262] : memref<6x40xi32, #tpu.memory_space<vmem>> -> memref<1x40xi32, #tpu.memory_space<vmem>>
          %dma_start3A_264 = tpu.memref_squeeze %dma_start3A_263 : memref<1x40xi32, #tpu.memory_space<vmem>> -> memref<40xi32, #tpu.memory_space<vmem>>
          %dma_start3A_265 = arith.constant 0 : i32
          %dma_start3A_266 = tpu.memref_slice %arg4[%arg1, %add3A_238, %dma_start3A_265] : memref<16x250x40xi32, #tpu.memory_space<hbm>> -> memref<1x1x40xi32, #tpu.memory_space<hbm>>
          %dma_start3A_267 = tpu.memref_squeeze %dma_start3A_266 : memref<1x1x40xi32, #tpu.memory_space<hbm>> -> memref<40xi32, #tpu.memory_space<hbm>>
          tpu.enqueue_dma source(%dma_start3A_267 : memref<40xi32, #tpu.memory_space<hbm>>) target(%dma_start3A_264 : memref<40xi32, #tpu.memory_space<vmem>>) target_semaphore(%arg18 : memref<!tpu.dma_semaphore, #tpu.memory_space<semaphore_mem>>)
        } else {
        }
      } else {
      }
      %mul3A_186 = arith.constant 6 : i32
      %mul3A_187 = arith.muli %scan3A_159, %mul3A_186 : i32
      %add3A_188 = arith.constant 3 : i32
      %add3A_189 = arith.addi %mul3A_187, %add3A_188 : i32
      %lt3A_190 = arith.constant 250 : i32
      %lt3A_191 = arith.cmpi slt, %add3A_189, %lt3A_190 : i32
      %convert_element_type3A_192 = arith.extui %lt3A_191 : i1 to i32
      %cond3A_193 = arith.constant 0 : i32
      %cond3A_194 = arith.cmpi ne, %convert_element_type3A_192, %cond3A_193 : i32
      scf.if %cond3A_194 {
        %mul3A_213 = arith.constant 40 : i32
        %mul3A_214 = arith.muli %add3A_189, %mul3A_213 : i32
        %dma_wait3A = arith.constant 3 : i32
        %dma_wait3A_215 = arith.constant 0 : i32
        %dma_wait3A_216 = arith.constant 0 : i32
        %dma_wait3A_217 = tpu.memref_slice %arg8[%dma_wait3A, %dma_wait3A_215, %dma_wait3A_216] : memref<6x40x128xf32, #tpu.memory_space<vmem>> -> memref<1x40x128xf32, #tpu.memory_space<vmem>>
        %dma_wait3A_218 = tpu.memref_squeeze %dma_wait3A_217 : memref<1x40x128xf32, #tpu.memory_space<vmem>> -> memref<40x128xf32, #tpu.memory_space<vmem>>
        %dma_wait3A_219 = tpu.memref_slice %arg6[%mul3A_214] : memref<10000xi32, #tpu.memory_space<vmem>> -> memref<40xi32, #tpu.memory_space<vmem>>
        %dma_wait3A_220 = arith.constant 0 : i32
        %dma_wait3A_221 = arith.constant 0 : i32
        %dma_wait3A_222 = tpu.memref_slice %arg2[%dma_wait3A_220, %dma_wait3A_221] : memref<20000x128xf32, #tpu.memory_space<hbm>> -> memref<20000x128xf32, #tpu.memory_space<hbm>>
        tpu.wait_indirect_dma semaphore(%arg13 : memref<!tpu.dma_semaphore, #tpu.memory_space<semaphore_mem>>) src(%dma_wait3A_222 : memref<20000x128xf32, #tpu.memory_space<hbm>>) dst(%dma_wait3A_218 : memref<40x128xf32, #tpu.memory_space<vmem>>)
        %dma_wait3A_223 = arith.constant 3 : i32
        %dma_wait3A_224 = arith.constant 0 : i32
        %dma_wait3A_225 = tpu.memref_slice %arg7[%dma_wait3A_223, %dma_wait3A_224] : memref<6x40xi32, #tpu.memory_space<vmem>> -> memref<1x40xi32, #tpu.memory_space<vmem>>
        %dma_wait3A_226 = tpu.memref_squeeze %dma_wait3A_225 : memref<1x40xi32, #tpu.memory_space<vmem>> -> memref<40xi32, #tpu.memory_space<vmem>>
        %dma_wait3A_227 = arith.constant 0 : i32
        %dma_wait3A_228 = tpu.memref_slice %arg4[%arg1, %add3A_189, %dma_wait3A_227] : memref<16x250x40xi32, #tpu.memory_space<hbm>> -> memref<1x1x40xi32, #tpu.memory_space<hbm>>
        %dma_wait3A_229 = tpu.memref_squeeze %dma_wait3A_228 : memref<1x1x40xi32, #tpu.memory_space<hbm>> -> memref<40xi32, #tpu.memory_space<hbm>>
        %dma_wait3A_230 = arith.constant 0 : i32
        %dma_wait3A_231 = tpu.memref_slice %arg7[%dma_wait3A_223, %dma_wait3A_230] : memref<6x40xi32, #tpu.memory_space<vmem>> -> memref<1x40xi32, #tpu.memory_space<vmem>>
        %dma_wait3A_232 = tpu.memref_squeeze %dma_wait3A_231 : memref<1x40xi32, #tpu.memory_space<vmem>> -> memref<40xi32, #tpu.memory_space<vmem>>
        %dma_wait3A_233 = arith.constant 0 : i32
        %dma_wait3A_234 = tpu.memref_slice %arg4[%arg1, %add3A_189, %dma_wait3A_233] : memref<16x250x40xi32, #tpu.memory_space<hbm>> -> memref<1x1x40xi32, #tpu.memory_space<hbm>>
        %dma_wait3A_235 = tpu.memref_squeeze %dma_wait3A_234 : memref<1x1x40xi32, #tpu.memory_space<hbm>> -> memref<40xi32, #tpu.memory_space<hbm>>
        tpu.wait_dma2 semaphore(%arg19 : memref<!tpu.dma_semaphore, #tpu.memory_space<semaphore_mem>>) src(%dma_wait3A_235 : memref<40xi32, #tpu.memory_space<hbm>>) dst(%dma_wait3A_232 : memref<40xi32, #tpu.memory_space<vmem>>)
        %run_scoped3A = arith.constant 3 : i32
        %run_scoped3A_236 = arith.constant 3 : i32
        "tpu.region"() ({
          %run_scoped3A_244 = tpu.sem_alloc : memref<!tpu.dma_semaphore, #tpu.memory_space<semaphore_mem>>
          %dma_start3A_245 = arith.constant 0 : i32
          %dma_start3A_246 = arith.constant 0 : i32
          %dma_start3A_247 = tpu.memref_slice %arg8[%run_scoped3A, %dma_start3A_245, %dma_start3A_246] : memref<6x40x128xf32, #tpu.memory_space<vmem>> -> memref<1x40x128xf32, #tpu.memory_space<vmem>>
          %dma_start3A_248 = tpu.memref_squeeze %dma_start3A_247 : memref<1x40x128xf32, #tpu.memory_space<vmem>> -> memref<40x128xf32, #tpu.memory_space<vmem>>
          %dma_start3A_249 = arith.constant 0 : i32
          %dma_start3A_250 = tpu.memref_slice %arg7[%run_scoped3A_236, %dma_start3A_249] : memref<6x40xi32, #tpu.memory_space<vmem>> -> memref<1x40xi32, #tpu.memory_space<vmem>>
          %dma_start3A_251 = tpu.memref_squeeze %dma_start3A_250 : memref<1x40xi32, #tpu.memory_space<vmem>> -> memref<40xi32, #tpu.memory_space<vmem>>
          %dma_start3A_252 = arith.constant 0 : i32
          %dma_start3A_253 = arith.constant 0 : i32
          %dma_start3A_254 = tpu.memref_slice %arg9[%dma_start3A_252, %dma_start3A_253] : memref<10000x128xf32, #tpu.memory_space<vmem_shared>> -> memref<10000x128xf32, #tpu.memory_space<vmem_shared>>
          tpu.enqueue_indirect_dma source(%dma_start3A_248 : memref<40x128xf32, #tpu.memory_space<vmem>>) target(%dma_start3A_254 : memref<10000x128xf32, #tpu.memory_space<vmem_shared>>) offsets(%dma_start3A_251 : memref<40xi32, #tpu.memory_space<vmem>>) semaphore(%run_scoped3A_244 : memref<!tpu.dma_semaphore, #tpu.memory_space<semaphore_mem>>) {add = true}
          %dma_wait3A_255 = arith.constant 0 : i32
          %dma_wait3A_256 = arith.constant 0 : i32
          %dma_wait3A_257 = tpu.memref_slice %arg8[%run_scoped3A, %dma_wait3A_255, %dma_wait3A_256] : memref<6x40x128xf32, #tpu.memory_space<vmem>> -> memref<1x40x128xf32, #tpu.memory_space<vmem>>
          %dma_wait3A_258 = tpu.memref_squeeze %dma_wait3A_257 : memref<1x40x128xf32, #tpu.memory_space<vmem>> -> memref<40x128xf32, #tpu.memory_space<vmem>>
          %dma_wait3A_259 = arith.constant 0 : i32
          %dma_wait3A_260 = tpu.memref_slice %arg7[%run_scoped3A_236, %dma_wait3A_259] : memref<6x40xi32, #tpu.memory_space<vmem>> -> memref<1x40xi32, #tpu.memory_space<vmem>>
          %dma_wait3A_261 = tpu.memref_squeeze %dma_wait3A_260 : memref<1x40xi32, #tpu.memory_space<vmem>> -> memref<40xi32, #tpu.memory_space<vmem>>
          %dma_wait3A_262 = arith.constant 0 : i32
          %dma_wait3A_263 = arith.constant 0 : i32
          %dma_wait3A_264 = tpu.memref_slice %arg9[%dma_wait3A_262, %dma_wait3A_263] : memref<10000x128xf32, #tpu.memory_space<vmem_shared>> -> memref<10000x128xf32, #tpu.memory_space<vmem_shared>>
          tpu.wait_indirect_dma semaphore(%run_scoped3A_244 : memref<!tpu.dma_semaphore, #tpu.memory_space<semaphore_mem>>) src(%dma_wait3A_258 : memref<40x128xf32, #tpu.memory_space<vmem>>) dst(%dma_wait3A_264 : memref<10000x128xf32, #tpu.memory_space<vmem_shared>>)
          tpu.yield
        }) : () -> ()
        %add3A_237 = arith.constant 6 : i32
        %add3A_238 = arith.addi %add3A_189, %add3A_237 : i32
        %lt3A_239 = arith.constant 250 : i32
        %lt3A_240 = arith.cmpi slt, %add3A_238, %lt3A_239 : i32
        %convert_element_type3A_241 = arith.extui %lt3A_240 : i1 to i32
        %cond3A_242 = arith.constant 0 : i32
        %cond3A_243 = arith.cmpi ne, %convert_element_type3A_241, %cond3A_242 : i32
        scf.if %cond3A_243 {
          %mul3A_244 = arith.constant 40 : i32
          %mul3A_245 = arith.muli %add3A_238, %mul3A_244 : i32
          %dma_start3A_246 = arith.constant 3 : i32
          %dma_start3A_247 = arith.constant 0 : i32
          %dma_start3A_248 = arith.constant 0 : i32
          %dma_start3A_249 = tpu.memref_slice %arg8[%dma_start3A_246, %dma_start3A_247, %dma_start3A_248] : memref<6x40x128xf32, #tpu.memory_space<vmem>> -> memref<1x40x128xf32, #tpu.memory_space<vmem>>
          %dma_start3A_250 = tpu.memref_squeeze %dma_start3A_249 : memref<1x40x128xf32, #tpu.memory_space<vmem>> -> memref<40x128xf32, #tpu.memory_space<vmem>>
          %dma_start3A_251 = tpu.memref_slice %arg6[%mul3A_245] : memref<10000xi32, #tpu.memory_space<vmem>> -> memref<40xi32, #tpu.memory_space<vmem>>
          %dma_start3A_252 = arith.constant 0 : i32
          %dma_start3A_253 = arith.constant 0 : i32
          %dma_start3A_254 = tpu.memref_slice %arg2[%dma_start3A_252, %dma_start3A_253] : memref<20000x128xf32, #tpu.memory_space<hbm>> -> memref<20000x128xf32, #tpu.memory_space<hbm>>
          tpu.enqueue_indirect_dma source(%dma_start3A_254 : memref<20000x128xf32, #tpu.memory_space<hbm>>) target(%dma_start3A_250 : memref<40x128xf32, #tpu.memory_space<vmem>>) offsets(%dma_start3A_251 : memref<40xi32, #tpu.memory_space<vmem>>) semaphore(%arg13 : memref<!tpu.dma_semaphore, #tpu.memory_space<semaphore_mem>>)
          %dma_start3A_255 = arith.constant 3 : i32
          %dma_start3A_256 = arith.constant 0 : i32
          %dma_start3A_257 = tpu.memref_slice %arg7[%dma_start3A_255, %dma_start3A_256] : memref<6x40xi32, #tpu.memory_space<vmem>> -> memref<1x40xi32, #tpu.memory_space<vmem>>
          %dma_start3A_258 = tpu.memref_squeeze %dma_start3A_257 : memref<1x40xi32, #tpu.memory_space<vmem>> -> memref<40xi32, #tpu.memory_space<vmem>>
          %dma_start3A_259 = arith.constant 0 : i32
          %dma_start3A_260 = tpu.memref_slice %arg4[%arg1, %add3A_238, %dma_start3A_259] : memref<16x250x40xi32, #tpu.memory_space<hbm>> -> memref<1x1x40xi32, #tpu.memory_space<hbm>>
          %dma_start3A_261 = tpu.memref_squeeze %dma_start3A_260 : memref<1x1x40xi32, #tpu.memory_space<hbm>> -> memref<40xi32, #tpu.memory_space<hbm>>
          %dma_start3A_262 = arith.constant 0 : i32
          %dma_start3A_263 = tpu.memref_slice %arg7[%dma_start3A_255, %dma_start3A_262] : memref<6x40xi32, #tpu.memory_space<vmem>> -> memref<1x40xi32, #tpu.memory_space<vmem>>
          %dma_start3A_264 = tpu.memref_squeeze %dma_start3A_263 : memref<1x40xi32, #tpu.memory_space<vmem>> -> memref<40xi32, #tpu.memory_space<vmem>>
          %dma_start3A_265 = arith.constant 0 : i32
          %dma_start3A_266 = tpu.memref_slice %arg4[%arg1, %add3A_238, %dma_start3A_265] : memref<16x250x40xi32, #tpu.memory_space<hbm>> -> memref<1x1x40xi32, #tpu.memory_space<hbm>>
          %dma_start3A_267 = tpu.memref_squeeze %dma_start3A_266 : memref<1x1x40xi32, #tpu.memory_space<hbm>> -> memref<40xi32, #tpu.memory_space<hbm>>
          tpu.enqueue_dma source(%dma_start3A_267 : memref<40xi32, #tpu.memory_space<hbm>>) target(%dma_start3A_264 : memref<40xi32, #tpu.memory_space<vmem>>) target_semaphore(%arg19 : memref<!tpu.dma_semaphore, #tpu.memory_space<semaphore_mem>>)
        } else {
        }
      } else {
      }
      %mul3A_195 = arith.constant 6 : i32
      %mul3A_196 = arith.muli %scan3A_159, %mul3A_195 : i32
      %add3A_197 = arith.constant 4 : i32
      %add3A_198 = arith.addi %mul3A_196, %add3A_197 : i32
      %lt3A_199 = arith.constant 250 : i32
      %lt3A_200 = arith.cmpi slt, %add3A_198, %lt3A_199 : i32
      %convert_element_type3A_201 = arith.extui %lt3A_200 : i1 to i32
      %cond3A_202 = arith.constant 0 : i32
      %cond3A_203 = arith.cmpi ne, %convert_element_type3A_201, %cond3A_202 : i32
      scf.if %cond3A_203 {
        %mul3A_213 = arith.constant 40 : i32
        %mul3A_214 = arith.muli %add3A_198, %mul3A_213 : i32
        %dma_wait3A = arith.constant 4 : i32
        %dma_wait3A_215 = arith.constant 0 : i32
        %dma_wait3A_216 = arith.constant 0 : i32
        %dma_wait3A_217 = tpu.memref_slice %arg8[%dma_wait3A, %dma_wait3A_215, %dma_wait3A_216] : memref<6x40x128xf32, #tpu.memory_space<vmem>> -> memref<1x40x128xf32, #tpu.memory_space<vmem>>
        %dma_wait3A_218 = tpu.memref_squeeze %dma_wait3A_217 : memref<1x40x128xf32, #tpu.memory_space<vmem>> -> memref<40x128xf32, #tpu.memory_space<vmem>>
        %dma_wait3A_219 = tpu.memref_slice %arg6[%mul3A_214] : memref<10000xi32, #tpu.memory_space<vmem>> -> memref<40xi32, #tpu.memory_space<vmem>>
        %dma_wait3A_220 = arith.constant 0 : i32
        %dma_wait3A_221 = arith.constant 0 : i32
        %dma_wait3A_222 = tpu.memref_slice %arg2[%dma_wait3A_220, %dma_wait3A_221] : memref<20000x128xf32, #tpu.memory_space<hbm>> -> memref<20000x128xf32, #tpu.memory_space<hbm>>
        tpu.wait_indirect_dma semaphore(%arg14 : memref<!tpu.dma_semaphore, #tpu.memory_space<semaphore_mem>>) src(%dma_wait3A_222 : memref<20000x128xf32, #tpu.memory_space<hbm>>) dst(%dma_wait3A_218 : memref<40x128xf32, #tpu.memory_space<vmem>>)
        %dma_wait3A_223 = arith.constant 4 : i32
        %dma_wait3A_224 = arith.constant 0 : i32
        %dma_wait3A_225 = tpu.memref_slice %arg7[%dma_wait3A_223, %dma_wait3A_224] : memref<6x40xi32, #tpu.memory_space<vmem>> -> memref<1x40xi32, #tpu.memory_space<vmem>>
        %dma_wait3A_226 = tpu.memref_squeeze %dma_wait3A_225 : memref<1x40xi32, #tpu.memory_space<vmem>> -> memref<40xi32, #tpu.memory_space<vmem>>
        %dma_wait3A_227 = arith.constant 0 : i32
        %dma_wait3A_228 = tpu.memref_slice %arg4[%arg1, %add3A_198, %dma_wait3A_227] : memref<16x250x40xi32, #tpu.memory_space<hbm>> -> memref<1x1x40xi32, #tpu.memory_space<hbm>>
        %dma_wait3A_229 = tpu.memref_squeeze %dma_wait3A_228 : memref<1x1x40xi32, #tpu.memory_space<hbm>> -> memref<40xi32, #tpu.memory_space<hbm>>
        %dma_wait3A_230 = arith.constant 0 : i32
        %dma_wait3A_231 = tpu.memref_slice %arg7[%dma_wait3A_223, %dma_wait3A_230] : memref<6x40xi32, #tpu.memory_space<vmem>> -> memref<1x40xi32, #tpu.memory_space<vmem>>
        %dma_wait3A_232 = tpu.memref_squeeze %dma_wait3A_231 : memref<1x40xi32, #tpu.memory_space<vmem>> -> memref<40xi32, #tpu.memory_space<vmem>>
        %dma_wait3A_233 = arith.constant 0 : i32
        %dma_wait3A_234 = tpu.memref_slice %arg4[%arg1, %add3A_198, %dma_wait3A_233] : memref<16x250x40xi32, #tpu.memory_space<hbm>> -> memref<1x1x40xi32, #tpu.memory_space<hbm>>
        %dma_wait3A_235 = tpu.memref_squeeze %dma_wait3A_234 : memref<1x1x40xi32, #tpu.memory_space<hbm>> -> memref<40xi32, #tpu.memory_space<hbm>>
        tpu.wait_dma2 semaphore(%arg20 : memref<!tpu.dma_semaphore, #tpu.memory_space<semaphore_mem>>) src(%dma_wait3A_235 : memref<40xi32, #tpu.memory_space<hbm>>) dst(%dma_wait3A_232 : memref<40xi32, #tpu.memory_space<vmem>>)
        %run_scoped3A = arith.constant 4 : i32
        %run_scoped3A_236 = arith.constant 4 : i32
        "tpu.region"() ({
          %run_scoped3A_244 = tpu.sem_alloc : memref<!tpu.dma_semaphore, #tpu.memory_space<semaphore_mem>>
          %dma_start3A_245 = arith.constant 0 : i32
          %dma_start3A_246 = arith.constant 0 : i32
          %dma_start3A_247 = tpu.memref_slice %arg8[%run_scoped3A, %dma_start3A_245, %dma_start3A_246] : memref<6x40x128xf32, #tpu.memory_space<vmem>> -> memref<1x40x128xf32, #tpu.memory_space<vmem>>
          %dma_start3A_248 = tpu.memref_squeeze %dma_start3A_247 : memref<1x40x128xf32, #tpu.memory_space<vmem>> -> memref<40x128xf32, #tpu.memory_space<vmem>>
          %dma_start3A_249 = arith.constant 0 : i32
          %dma_start3A_250 = tpu.memref_slice %arg7[%run_scoped3A_236, %dma_start3A_249] : memref<6x40xi32, #tpu.memory_space<vmem>> -> memref<1x40xi32, #tpu.memory_space<vmem>>
          %dma_start3A_251 = tpu.memref_squeeze %dma_start3A_250 : memref<1x40xi32, #tpu.memory_space<vmem>> -> memref<40xi32, #tpu.memory_space<vmem>>
          %dma_start3A_252 = arith.constant 0 : i32
          %dma_start3A_253 = arith.constant 0 : i32
          %dma_start3A_254 = tpu.memref_slice %arg9[%dma_start3A_252, %dma_start3A_253] : memref<10000x128xf32, #tpu.memory_space<vmem_shared>> -> memref<10000x128xf32, #tpu.memory_space<vmem_shared>>
          tpu.enqueue_indirect_dma source(%dma_start3A_248 : memref<40x128xf32, #tpu.memory_space<vmem>>) target(%dma_start3A_254 : memref<10000x128xf32, #tpu.memory_space<vmem_shared>>) offsets(%dma_start3A_251 : memref<40xi32, #tpu.memory_space<vmem>>) semaphore(%run_scoped3A_244 : memref<!tpu.dma_semaphore, #tpu.memory_space<semaphore_mem>>) {add = true}
          %dma_wait3A_255 = arith.constant 0 : i32
          %dma_wait3A_256 = arith.constant 0 : i32
          %dma_wait3A_257 = tpu.memref_slice %arg8[%run_scoped3A, %dma_wait3A_255, %dma_wait3A_256] : memref<6x40x128xf32, #tpu.memory_space<vmem>> -> memref<1x40x128xf32, #tpu.memory_space<vmem>>
          %dma_wait3A_258 = tpu.memref_squeeze %dma_wait3A_257 : memref<1x40x128xf32, #tpu.memory_space<vmem>> -> memref<40x128xf32, #tpu.memory_space<vmem>>
          %dma_wait3A_259 = arith.constant 0 : i32
          %dma_wait3A_260 = tpu.memref_slice %arg7[%run_scoped3A_236, %dma_wait3A_259] : memref<6x40xi32, #tpu.memory_space<vmem>> -> memref<1x40xi32, #tpu.memory_space<vmem>>
          %dma_wait3A_261 = tpu.memref_squeeze %dma_wait3A_260 : memref<1x40xi32, #tpu.memory_space<vmem>> -> memref<40xi32, #tpu.memory_space<vmem>>
          %dma_wait3A_262 = arith.constant 0 : i32
          %dma_wait3A_263 = arith.constant 0 : i32
          %dma_wait3A_264 = tpu.memref_slice %arg9[%dma_wait3A_262, %dma_wait3A_263] : memref<10000x128xf32, #tpu.memory_space<vmem_shared>> -> memref<10000x128xf32, #tpu.memory_space<vmem_shared>>
          tpu.wait_indirect_dma semaphore(%run_scoped3A_244 : memref<!tpu.dma_semaphore, #tpu.memory_space<semaphore_mem>>) src(%dma_wait3A_258 : memref<40x128xf32, #tpu.memory_space<vmem>>) dst(%dma_wait3A_264 : memref<10000x128xf32, #tpu.memory_space<vmem_shared>>)
          tpu.yield
        }) : () -> ()
        %add3A_237 = arith.constant 6 : i32
        %add3A_238 = arith.addi %add3A_198, %add3A_237 : i32
        %lt3A_239 = arith.constant 250 : i32
        %lt3A_240 = arith.cmpi slt, %add3A_238, %lt3A_239 : i32
        %convert_element_type3A_241 = arith.extui %lt3A_240 : i1 to i32
        %cond3A_242 = arith.constant 0 : i32
        %cond3A_243 = arith.cmpi ne, %convert_element_type3A_241, %cond3A_242 : i32
        scf.if %cond3A_243 {
          %mul3A_244 = arith.constant 40 : i32
          %mul3A_245 = arith.muli %add3A_238, %mul3A_244 : i32
          %dma_start3A_246 = arith.constant 4 : i32
          %dma_start3A_247 = arith.constant 0 : i32
          %dma_start3A_248 = arith.constant 0 : i32
          %dma_start3A_249 = tpu.memref_slice %arg8[%dma_start3A_246, %dma_start3A_247, %dma_start3A_248] : memref<6x40x128xf32, #tpu.memory_space<vmem>> -> memref<1x40x128xf32, #tpu.memory_space<vmem>>
          %dma_start3A_250 = tpu.memref_squeeze %dma_start3A_249 : memref<1x40x128xf32, #tpu.memory_space<vmem>> -> memref<40x128xf32, #tpu.memory_space<vmem>>
          %dma_start3A_251 = tpu.memref_slice %arg6[%mul3A_245] : memref<10000xi32, #tpu.memory_space<vmem>> -> memref<40xi32, #tpu.memory_space<vmem>>
          %dma_start3A_252 = arith.constant 0 : i32
          %dma_start3A_253 = arith.constant 0 : i32
          %dma_start3A_254 = tpu.memref_slice %arg2[%dma_start3A_252, %dma_start3A_253] : memref<20000x128xf32, #tpu.memory_space<hbm>> -> memref<20000x128xf32, #tpu.memory_space<hbm>>
          tpu.enqueue_indirect_dma source(%dma_start3A_254 : memref<20000x128xf32, #tpu.memory_space<hbm>>) target(%dma_start3A_250 : memref<40x128xf32, #tpu.memory_space<vmem>>) offsets(%dma_start3A_251 : memref<40xi32, #tpu.memory_space<vmem>>) semaphore(%arg14 : memref<!tpu.dma_semaphore, #tpu.memory_space<semaphore_mem>>)
          %dma_start3A_255 = arith.constant 4 : i32
          %dma_start3A_256 = arith.constant 0 : i32
          %dma_start3A_257 = tpu.memref_slice %arg7[%dma_start3A_255, %dma_start3A_256] : memref<6x40xi32, #tpu.memory_space<vmem>> -> memref<1x40xi32, #tpu.memory_space<vmem>>
          %dma_start3A_258 = tpu.memref_squeeze %dma_start3A_257 : memref<1x40xi32, #tpu.memory_space<vmem>> -> memref<40xi32, #tpu.memory_space<vmem>>
          %dma_start3A_259 = arith.constant 0 : i32
          %dma_start3A_260 = tpu.memref_slice %arg4[%arg1, %add3A_238, %dma_start3A_259] : memref<16x250x40xi32, #tpu.memory_space<hbm>> -> memref<1x1x40xi32, #tpu.memory_space<hbm>>
          %dma_start3A_261 = tpu.memref_squeeze %dma_start3A_260 : memref<1x1x40xi32, #tpu.memory_space<hbm>> -> memref<40xi32, #tpu.memory_space<hbm>>
          %dma_start3A_262 = arith.constant 0 : i32
          %dma_start3A_263 = tpu.memref_slice %arg7[%dma_start3A_255, %dma_start3A_262] : memref<6x40xi32, #tpu.memory_space<vmem>> -> memref<1x40xi32, #tpu.memory_space<vmem>>
          %dma_start3A_264 = tpu.memref_squeeze %dma_start3A_263 : memref<1x40xi32, #tpu.memory_space<vmem>> -> memref<40xi32, #tpu.memory_space<vmem>>
          %dma_start3A_265 = arith.constant 0 : i32
          %dma_start3A_266 = tpu.memref_slice %arg4[%arg1, %add3A_238, %dma_start3A_265] : memref<16x250x40xi32, #tpu.memory_space<hbm>> -> memref<1x1x40xi32, #tpu.memory_space<hbm>>
          %dma_start3A_267 = tpu.memref_squeeze %dma_start3A_266 : memref<1x1x40xi32, #tpu.memory_space<hbm>> -> memref<40xi32, #tpu.memory_space<hbm>>
          tpu.enqueue_dma source(%dma_start3A_267 : memref<40xi32, #tpu.memory_space<hbm>>) target(%dma_start3A_264 : memref<40xi32, #tpu.memory_space<vmem>>) target_semaphore(%arg20 : memref<!tpu.dma_semaphore, #tpu.memory_space<semaphore_mem>>)
        } else {
        }
      } else {
      }
      %mul3A_204 = arith.constant 6 : i32
      %mul3A_205 = arith.muli %scan3A_159, %mul3A_204 : i32
      %add3A_206 = arith.constant 5 : i32
      %add3A_207 = arith.addi %mul3A_205, %add3A_206 : i32
      %lt3A_208 = arith.constant 250 : i32
      %lt3A_209 = arith.cmpi slt, %add3A_207, %lt3A_208 : i32
      %convert_element_type3A_210 = arith.extui %lt3A_209 : i1 to i32
      %cond3A_211 = arith.constant 0 : i32
      %cond3A_212 = arith.cmpi ne, %convert_element_type3A_210, %cond3A_211 : i32
      scf.if %cond3A_212 {
        %mul3A_213 = arith.constant 40 : i32
        %mul3A_214 = arith.muli %add3A_207, %mul3A_213 : i32
        %dma_wait3A = arith.constant 5 : i32
        %dma_wait3A_215 = arith.constant 0 : i32
        %dma_wait3A_216 = arith.constant 0 : i32
        %dma_wait3A_217 = tpu.memref_slice %arg8[%dma_wait3A, %dma_wait3A_215, %dma_wait3A_216] : memref<6x40x128xf32, #tpu.memory_space<vmem>> -> memref<1x40x128xf32, #tpu.memory_space<vmem>>
        %dma_wait3A_218 = tpu.memref_squeeze %dma_wait3A_217 : memref<1x40x128xf32, #tpu.memory_space<vmem>> -> memref<40x128xf32, #tpu.memory_space<vmem>>
        %dma_wait3A_219 = tpu.memref_slice %arg6[%mul3A_214] : memref<10000xi32, #tpu.memory_space<vmem>> -> memref<40xi32, #tpu.memory_space<vmem>>
        %dma_wait3A_220 = arith.constant 0 : i32
        %dma_wait3A_221 = arith.constant 0 : i32
        %dma_wait3A_222 = tpu.memref_slice %arg2[%dma_wait3A_220, %dma_wait3A_221] : memref<20000x128xf32, #tpu.memory_space<hbm>> -> memref<20000x128xf32, #tpu.memory_space<hbm>>
        tpu.wait_indirect_dma semaphore(%arg15 : memref<!tpu.dma_semaphore, #tpu.memory_space<semaphore_mem>>) src(%dma_wait3A_222 : memref<20000x128xf32, #tpu.memory_space<hbm>>) dst(%dma_wait3A_218 : memref<40x128xf32, #tpu.memory_space<vmem>>)
        %dma_wait3A_223 = arith.constant 5 : i32
        %dma_wait3A_224 = arith.constant 0 : i32
        %dma_wait3A_225 = tpu.memref_slice %arg7[%dma_wait3A_223, %dma_wait3A_224] : memref<6x40xi32, #tpu.memory_space<vmem>> -> memref<1x40xi32, #tpu.memory_space<vmem>>
        %dma_wait3A_226 = tpu.memref_squeeze %dma_wait3A_225 : memref<1x40xi32, #tpu.memory_space<vmem>> -> memref<40xi32, #tpu.memory_space<vmem>>
        %dma_wait3A_227 = arith.constant 0 : i32
        %dma_wait3A_228 = tpu.memref_slice %arg4[%arg1, %add3A_207, %dma_wait3A_227] : memref<16x250x40xi32, #tpu.memory_space<hbm>> -> memref<1x1x40xi32, #tpu.memory_space<hbm>>
        %dma_wait3A_229 = tpu.memref_squeeze %dma_wait3A_228 : memref<1x1x40xi32, #tpu.memory_space<hbm>> -> memref<40xi32, #tpu.memory_space<hbm>>
        %dma_wait3A_230 = arith.constant 0 : i32
        %dma_wait3A_231 = tpu.memref_slice %arg7[%dma_wait3A_223, %dma_wait3A_230] : memref<6x40xi32, #tpu.memory_space<vmem>> -> memref<1x40xi32, #tpu.memory_space<vmem>>
        %dma_wait3A_232 = tpu.memref_squeeze %dma_wait3A_231 : memref<1x40xi32, #tpu.memory_space<vmem>> -> memref<40xi32, #tpu.memory_space<vmem>>
        %dma_wait3A_233 = arith.constant 0 : i32
        %dma_wait3A_234 = tpu.memref_slice %arg4[%arg1, %add3A_207, %dma_wait3A_233] : memref<16x250x40xi32, #tpu.memory_space<hbm>> -> memref<1x1x40xi32, #tpu.memory_space<hbm>>
        %dma_wait3A_235 = tpu.memref_squeeze %dma_wait3A_234 : memref<1x1x40xi32, #tpu.memory_space<hbm>> -> memref<40xi32, #tpu.memory_space<hbm>>
        tpu.wait_dma2 semaphore(%arg21 : memref<!tpu.dma_semaphore, #tpu.memory_space<semaphore_mem>>) src(%dma_wait3A_235 : memref<40xi32, #tpu.memory_space<hbm>>) dst(%dma_wait3A_232 : memref<40xi32, #tpu.memory_space<vmem>>)
        %run_scoped3A = arith.constant 5 : i32
        %run_scoped3A_236 = arith.constant 5 : i32
        "tpu.region"() ({
          %run_scoped3A_244 = tpu.sem_alloc : memref<!tpu.dma_semaphore, #tpu.memory_space<semaphore_mem>>
          %dma_start3A_245 = arith.constant 0 : i32
          %dma_start3A_246 = arith.constant 0 : i32
          %dma_start3A_247 = tpu.memref_slice %arg8[%run_scoped3A, %dma_start3A_245, %dma_start3A_246] : memref<6x40x128xf32, #tpu.memory_space<vmem>> -> memref<1x40x128xf32, #tpu.memory_space<vmem>>
          %dma_start3A_248 = tpu.memref_squeeze %dma_start3A_247 : memref<1x40x128xf32, #tpu.memory_space<vmem>> -> memref<40x128xf32, #tpu.memory_space<vmem>>
          %dma_start3A_249 = arith.constant 0 : i32
          %dma_start3A_250 = tpu.memref_slice %arg7[%run_scoped3A_236, %dma_start3A_249] : memref<6x40xi32, #tpu.memory_space<vmem>> -> memref<1x40xi32, #tpu.memory_space<vmem>>
          %dma_start3A_251 = tpu.memref_squeeze %dma_start3A_250 : memref<1x40xi32, #tpu.memory_space<vmem>> -> memref<40xi32, #tpu.memory_space<vmem>>
          %dma_start3A_252 = arith.constant 0 : i32
          %dma_start3A_253 = arith.constant 0 : i32
          %dma_start3A_254 = tpu.memref_slice %arg9[%dma_start3A_252, %dma_start3A_253] : memref<10000x128xf32, #tpu.memory_space<vmem_shared>> -> memref<10000x128xf32, #tpu.memory_space<vmem_shared>>
          tpu.enqueue_indirect_dma source(%dma_start3A_248 : memref<40x128xf32, #tpu.memory_space<vmem>>) target(%dma_start3A_254 : memref<10000x128xf32, #tpu.memory_space<vmem_shared>>) offsets(%dma_start3A_251 : memref<40xi32, #tpu.memory_space<vmem>>) semaphore(%run_scoped3A_244 : memref<!tpu.dma_semaphore, #tpu.memory_space<semaphore_mem>>) {add = true}
          %dma_wait3A_255 = arith.constant 0 : i32
          %dma_wait3A_256 = arith.constant 0 : i32
          %dma_wait3A_257 = tpu.memref_slice %arg8[%run_scoped3A, %dma_wait3A_255, %dma_wait3A_256] : memref<6x40x128xf32, #tpu.memory_space<vmem>> -> memref<1x40x128xf32, #tpu.memory_space<vmem>>
          %dma_wait3A_258 = tpu.memref_squeeze %dma_wait3A_257 : memref<1x40x128xf32, #tpu.memory_space<vmem>> -> memref<40x128xf32, #tpu.memory_space<vmem>>
          %dma_wait3A_259 = arith.constant 0 : i32
          %dma_wait3A_260 = tpu.memref_slice %arg7[%run_scoped3A_236, %dma_wait3A_259] : memref<6x40xi32, #tpu.memory_space<vmem>> -> memref<1x40xi32, #tpu.memory_space<vmem>>
          %dma_wait3A_261 = tpu.memref_squeeze %dma_wait3A_260 : memref<1x40xi32, #tpu.memory_space<vmem>> -> memref<40xi32, #tpu.memory_space<vmem>>
          %dma_wait3A_262 = arith.constant 0 : i32
          %dma_wait3A_263 = arith.constant 0 : i32
          %dma_wait3A_264 = tpu.memref_slice %arg9[%dma_wait3A_262, %dma_wait3A_263] : memref<10000x128xf32, #tpu.memory_space<vmem_shared>> -> memref<10000x128xf32, #tpu.memory_space<vmem_shared>>
          tpu.wait_indirect_dma semaphore(%run_scoped3A_244 : memref<!tpu.dma_semaphore, #tpu.memory_space<semaphore_mem>>) src(%dma_wait3A_258 : memref<40x128xf32, #tpu.memory_space<vmem>>) dst(%dma_wait3A_264 : memref<10000x128xf32, #tpu.memory_space<vmem_shared>>)
          tpu.yield
        }) : () -> ()
        %add3A_237 = arith.constant 6 : i32
        %add3A_238 = arith.addi %add3A_207, %add3A_237 : i32
        %lt3A_239 = arith.constant 250 : i32
        %lt3A_240 = arith.cmpi slt, %add3A_238, %lt3A_239 : i32
        %convert_element_type3A_241 = arith.extui %lt3A_240 : i1 to i32
        %cond3A_242 = arith.constant 0 : i32
        %cond3A_243 = arith.cmpi ne, %convert_element_type3A_241, %cond3A_242 : i32
        scf.if %cond3A_243 {
          %mul3A_244 = arith.constant 40 : i32
          %mul3A_245 = arith.muli %add3A_238, %mul3A_244 : i32
          %dma_start3A_246 = arith.constant 5 : i32
          %dma_start3A_247 = arith.constant 0 : i32
          %dma_start3A_248 = arith.constant 0 : i32
          %dma_start3A_249 = tpu.memref_slice %arg8[%dma_start3A_246, %dma_start3A_247, %dma_start3A_248] : memref<6x40x128xf32, #tpu.memory_space<vmem>> -> memref<1x40x128xf32, #tpu.memory_space<vmem>>
          %dma_start3A_250 = tpu.memref_squeeze %dma_start3A_249 : memref<1x40x128xf32, #tpu.memory_space<vmem>> -> memref<40x128xf32, #tpu.memory_space<vmem>>
          %dma_start3A_251 = tpu.memref_slice %arg6[%mul3A_245] : memref<10000xi32, #tpu.memory_space<vmem>> -> memref<40xi32, #tpu.memory_space<vmem>>
          %dma_start3A_252 = arith.constant 0 : i32
          %dma_start3A_253 = arith.constant 0 : i32
          %dma_start3A_254 = tpu.memref_slice %arg2[%dma_start3A_252, %dma_start3A_253] : memref<20000x128xf32, #tpu.memory_space<hbm>> -> memref<20000x128xf32, #tpu.memory_space<hbm>>
          tpu.enqueue_indirect_dma source(%dma_start3A_254 : memref<20000x128xf32, #tpu.memory_space<hbm>>) target(%dma_start3A_250 : memref<40x128xf32, #tpu.memory_space<vmem>>) offsets(%dma_start3A_251 : memref<40xi32, #tpu.memory_space<vmem>>) semaphore(%arg15 : memref<!tpu.dma_semaphore, #tpu.memory_space<semaphore_mem>>)
          %dma_start3A_255 = arith.constant 5 : i32
          %dma_start3A_256 = arith.constant 0 : i32
          %dma_start3A_257 = tpu.memref_slice %arg7[%dma_start3A_255, %dma_start3A_256] : memref<6x40xi32, #tpu.memory_space<vmem>> -> memref<1x40xi32, #tpu.memory_space<vmem>>
          %dma_start3A_258 = tpu.memref_squeeze %dma_start3A_257 : memref<1x40xi32, #tpu.memory_space<vmem>> -> memref<40xi32, #tpu.memory_space<vmem>>
          %dma_start3A_259 = arith.constant 0 : i32
          %dma_start3A_260 = tpu.memref_slice %arg4[%arg1, %add3A_238, %dma_start3A_259] : memref<16x250x40xi32, #tpu.memory_space<hbm>> -> memref<1x1x40xi32, #tpu.memory_space<hbm>>
          %dma_start3A_261 = tpu.memref_squeeze %dma_start3A_260 : memref<1x1x40xi32, #tpu.memory_space<hbm>> -> memref<40xi32, #tpu.memory_space<hbm>>
          %dma_start3A_262 = arith.constant 0 : i32
          %dma_start3A_263 = tpu.memref_slice %arg7[%dma_start3A_255, %dma_start3A_262] : memref<6x40xi32, #tpu.memory_space<vmem>> -> memref<1x40xi32, #tpu.memory_space<vmem>>
          %dma_start3A_264 = tpu.memref_squeeze %dma_start3A_263 : memref<1x40xi32, #tpu.memory_space<vmem>> -> memref<40xi32, #tpu.memory_space<vmem>>
          %dma_start3A_265 = arith.constant 0 : i32
          %dma_start3A_266 = tpu.memref_slice %arg4[%arg1, %add3A_238, %dma_start3A_265] : memref<16x250x40xi32, #tpu.memory_space<hbm>> -> memref<1x1x40xi32, #tpu.memory_space<hbm>>
          %dma_start3A_267 = tpu.memref_squeeze %dma_start3A_266 : memref<1x1x40xi32, #tpu.memory_space<hbm>> -> memref<40xi32, #tpu.memory_space<hbm>>
          tpu.enqueue_dma source(%dma_start3A_267 : memref<40xi32, #tpu.memory_space<hbm>>) target(%dma_start3A_264 : memref<40xi32, #tpu.memory_space<vmem>>) target_semaphore(%arg21 : memref<!tpu.dma_semaphore, #tpu.memory_space<semaphore_mem>>)
        } else {
        }
      } else {
      }
    }
    %scan3A_152 = arith.constant 42 : i32
    %barrier3A_153 = arith.constant 0 : index
    tpu.barrier barrier_id(%barrier3A_153)
    "tpu.region"() ({
      %run_scoped3A = tpu.sem_alloc : memref<!tpu.dma_semaphore, #tpu.memory_space<semaphore_mem>>
      %dma_start3A_159 = arith.constant 0 : i32
      %dma_start3A_160 = tpu.memref_slice %arg5[%add3A, %dma_start3A_159] : memref<20000x128xf32, #tpu.memory_space<hbm>> -> memref<624x128xf32, #tpu.memory_space<hbm>>
      %dma_start3A_161 = arith.constant 0 : i32
      %dma_start3A_162 = tpu.memref_slice %arg9[%mul3A_0, %dma_start3A_161] : memref<10000x128xf32, #tpu.memory_space<vmem_shared>> -> memref<624x128xf32, #tpu.memory_space<vmem_shared>>
      tpu.enqueue_dma source(%dma_start3A_162 : memref<624x128xf32, #tpu.memory_space<vmem_shared>>) target(%dma_start3A_160 : memref<624x128xf32, #tpu.memory_space<hbm>>) target_semaphore(%run_scoped3A : memref<!tpu.dma_semaphore, #tpu.memory_space<semaphore_mem>>)
      %dma_wait3A = arith.constant 0 : i32
      %dma_wait3A_163 = tpu.memref_slice %arg5[%add3A, %dma_wait3A] : memref<20000x128xf32, #tpu.memory_space<hbm>> -> memref<624x128xf32, #tpu.memory_space<hbm>>
      %dma_wait3A_164 = arith.constant 0 : i32
      %dma_wait3A_165 = tpu.memref_slice %arg9[%mul3A_0, %dma_wait3A_164] : memref<10000x128xf32, #tpu.memory_space<vmem_shared>> -> memref<624x128xf32, #tpu.memory_space<vmem_shared>>
      tpu.wait_dma2 semaphore(%run_scoped3A : memref<!tpu.dma_semaphore, #tpu.memory_space<semaphore_mem>>) src(%dma_wait3A_165 : memref<624x128xf32, #tpu.memory_space<vmem_shared>>) dst(%dma_wait3A_163 : memref<624x128xf32, #tpu.memory_space<hbm>>)
      tpu.yield
    }) : () -> ()
    %eq3A_154 = arith.constant 0 : i32
    %eq3A_155 = arith.cmpi eq, %arg1, %eq3A_154 : i32
    %convert_element_type3A_156 = arith.extui %eq3A_155 : i1 to i32
    %cond3A_157 = arith.constant 0 : i32
    %cond3A_158 = arith.cmpi ne, %convert_element_type3A_156, %cond3A_157 : i32
    scf.if %cond3A_158 {
      %mul3A_159 = arith.constant 10000 : i32
      %mul3A_160 = arith.muli %arg0, %mul3A_159 : i32
      %add3A_161 = arith.constant 9984 : i32
      %add3A_162 = arith.addi %mul3A_160, %add3A_161 : i32
      "tpu.region"() ({
        %run_scoped3A = tpu.sem_alloc : memref<!tpu.dma_semaphore, #tpu.memory_space<semaphore_mem>>
        %dma_start3A_163 = arith.constant 0 : i32
        %dma_start3A_164 = tpu.memref_slice %arg5[%add3A_162, %dma_start3A_163] : memref<20000x128xf32, #tpu.memory_space<hbm>> -> memref<16x128xf32, #tpu.memory_space<hbm>>
        %dma_start3A_165 = arith.constant 9984 : i32
        %dma_start3A_166 = arith.constant 0 : i32
        %dma_start3A_167 = tpu.memref_slice %arg9[%dma_start3A_165, %dma_start3A_166] : memref<10000x128xf32, #tpu.memory_space<vmem_shared>> -> memref<16x128xf32, #tpu.memory_space<vmem_shared>>
        tpu.enqueue_dma source(%dma_start3A_167 : memref<16x128xf32, #tpu.memory_space<vmem_shared>>) target(%dma_start3A_164 : memref<16x128xf32, #tpu.memory_space<hbm>>) target_semaphore(%run_scoped3A : memref<!tpu.dma_semaphore, #tpu.memory_space<semaphore_mem>>)
        %dma_wait3A = arith.constant 0 : i32
        %dma_wait3A_168 = tpu.memref_slice %arg5[%add3A_162, %dma_wait3A] : memref<20000x128xf32, #tpu.memory_space<hbm>> -> memref<16x128xf32, #tpu.memory_space<hbm>>
        %dma_wait3A_169 = arith.constant 9984 : i32
        %dma_wait3A_170 = arith.constant 0 : i32
        %dma_wait3A_171 = tpu.memref_slice %arg9[%dma_wait3A_169, %dma_wait3A_170] : memref<10000x128xf32, #tpu.memory_space<vmem_shared>> -> memref<16x128xf32, #tpu.memory_space<vmem_shared>>
        tpu.wait_dma2 semaphore(%run_scoped3A : memref<!tpu.dma_semaphore, #tpu.memory_space<semaphore_mem>>) src(%dma_wait3A_171 : memref<16x128xf32, #tpu.memory_space<vmem_shared>>) dst(%dma_wait3A_168 : memref<16x128xf32, #tpu.memory_space<hbm>>)
        tpu.yield
      }) : () -> ()
    } else {
    }
    return
  }
}

#map = affine_map<(d0, d1) -> (0, 0)>
#map1 = affine_map<(d0, d1) -> (0, 0, 0)>
module attributes {stable_mosaic.version = 14 : i64} {
  func.func @_sc_agg_body(%arg0: i32, %arg1: i32, %arg2: memref<20000x128xf32, #tpu.memory_space<hbm>>, %arg3: memref<2x16x10000xi32, #tpu.memory_space<hbm>>, %arg4: memref<16x250x40xi32, #tpu.memory_space<hbm>>, %arg5: memref<20000x128xf32, #tpu.memory_space<hbm>>, %arg6: memref<10000xi32, #tpu.memory_space<vmem>>, %arg7: memref<6x40xi32, #tpu.memory_space<vmem>>, %arg8: memref<6x40x128xf32, #tpu.memory_space<vmem>>, %arg9: memref<10000x128xf32, #tpu.memory_space<vmem_shared>>, %arg10: memref<!tpu.dma_semaphore, #tpu.memory_space<semaphore_mem>>, %arg11: memref<!tpu.dma_semaphore, #tpu.memory_space<semaphore_mem>>, %arg12: memref<!tpu.dma_semaphore, #tpu.memory_space<semaphore_mem>>, %arg13: memref<!tpu.dma_semaphore, #tpu.memory_space<semaphore_mem>>, %arg14: memref<!tpu.dma_semaphore, #tpu.memory_space<semaphore_mem>>, %arg15: memref<!tpu.dma_semaphore, #tpu.memory_space<semaphore_mem>>, %arg16: memref<!tpu.dma_semaphore, #tpu.memory_space<semaphore_mem>>, %arg17: memref<!tpu.dma_semaphore, #tpu.memory_space<semaphore_mem>>, %arg18: memref<!tpu.dma_semaphore, #tpu.memory_space<semaphore_mem>>, %arg19: memref<!tpu.dma_semaphore, #tpu.memory_space<semaphore_mem>>, %arg20: memref<!tpu.dma_semaphore, #tpu.memory_space<semaphore_mem>>, %arg21: memref<!tpu.dma_semaphore, #tpu.memory_space<semaphore_mem>>) attributes {dimension_semantics = [#tpu.dimension_semantics<core_parallel>, #tpu.dimension_semantics<subcore_parallel>], iteration_bounds = array<i64: 2, 16>, scalar_prefetch = 0 : i64, scratch_operands = 16 : i64, tpu.core_type = #tpu.core_type<sc_vector_subcore>, window_params = [{transform_indices = #map}, {transform_indices = #map1}, {transform_indices = #map1}, {transform_indices = #map}]} {
    %mul3A = arith.constant 624 : i32
    %mul3A_0 = arith.muli %arg1, %mul3A : i32
    %mul3A_1 = arith.constant 10000 : i32
    %mul3A_2 = arith.muli %arg0, %mul3A_1 : i32
    %add3A = arith.addi %mul3A_2, %mul3A_0 : i32
    "tpu.region"() ({
      %run_scoped3A = tpu.sem_alloc : memref<!tpu.dma_semaphore, #tpu.memory_space<semaphore_mem>>
      %dma_start3A_159 = arith.constant 0 : i32
      %dma_start3A_160 = tpu.memref_slice %arg9[%mul3A_0, %dma_start3A_159] : memref<10000x128xf32, #tpu.memory_space<vmem_shared>> -> memref<624x128xf32, #tpu.memory_space<vmem_shared>>
      %dma_start3A_161 = arith.constant 0 : i32
      %dma_start3A_162 = tpu.memref_slice %arg2[%add3A, %dma_start3A_161] : memref<20000x128xf32, #tpu.memory_space<hbm>> -> memref<624x128xf32, #tpu.memory_space<hbm>>
      tpu.enqueue_dma source(%dma_start3A_162 : memref<624x128xf32, #tpu.memory_space<hbm>>) target(%dma_start3A_160 : memref<624x128xf32, #tpu.memory_space<vmem_shared>>) target_semaphore(%run_scoped3A : memref<!tpu.dma_semaphore, #tpu.memory_space<semaphore_mem>>)
      %dma_wait3A = arith.constant 0 : i32
      %dma_wait3A_163 = tpu.memref_slice %arg9[%mul3A_0, %dma_wait3A] : memref<10000x128xf32, #tpu.memory_space<vmem_shared>> -> memref<624x128xf32, #tpu.memory_space<vmem_shared>>
      %dma_wait3A_164 = arith.constant 0 : i32
      %dma_wait3A_165 = tpu.memref_slice %arg2[%add3A, %dma_wait3A_164] : memref<20000x128xf32, #tpu.memory_space<hbm>> -> memref<624x128xf32, #tpu.memory_space<hbm>>
      tpu.wait_dma2 semaphore(%run_scoped3A : memref<!tpu.dma_semaphore, #tpu.memory_space<semaphore_mem>>) src(%dma_wait3A_165 : memref<624x128xf32, #tpu.memory_space<hbm>>) dst(%dma_wait3A_163 : memref<624x128xf32, #tpu.memory_space<vmem_shared>>)
      tpu.yield
    }) : () -> ()
    %eq3A = arith.constant 0 : i32
    %eq3A_3 = arith.cmpi eq, %arg1, %eq3A : i32
    %convert_element_type3A = arith.extui %eq3A_3 : i1 to i32
    %cond3A = arith.constant 0 : i32
    %cond3A_4 = arith.cmpi ne, %convert_element_type3A, %cond3A : i32
    scf.if %cond3A_4 {
      %mul3A_159 = arith.constant 10000 : i32
      %mul3A_160 = arith.muli %arg0, %mul3A_159 : i32
      %add3A_161 = arith.constant 9984 : i32
      %add3A_162 = arith.addi %mul3A_160, %add3A_161 : i32
      "tpu.region"() ({
        %run_scoped3A = tpu.sem_alloc : memref<!tpu.dma_semaphore, #tpu.memory_space<semaphore_mem>>
        %dma_start3A_163 = arith.constant 9984 : i32
        %dma_start3A_164 = arith.constant 0 : i32
        %dma_start3A_165 = tpu.memref_slice %arg9[%dma_start3A_163, %dma_start3A_164] : memref<10000x128xf32, #tpu.memory_space<vmem_shared>> -> memref<16x128xf32, #tpu.memory_space<vmem_shared>>
        %dma_start3A_166 = arith.constant 0 : i32
        %dma_start3A_167 = tpu.memref_slice %arg2[%add3A_162, %dma_start3A_166] : memref<20000x128xf32, #tpu.memory_space<hbm>> -> memref<16x128xf32, #tpu.memory_space<hbm>>
        tpu.enqueue_dma source(%dma_start3A_167 : memref<16x128xf32, #tpu.memory_space<hbm>>) target(%dma_start3A_165 : memref<16x128xf32, #tpu.memory_space<vmem_shared>>) target_semaphore(%run_scoped3A : memref<!tpu.dma_semaphore, #tpu.memory_space<semaphore_mem>>)
        %dma_wait3A = arith.constant 9984 : i32
        %dma_wait3A_168 = arith.constant 0 : i32
        %dma_wait3A_169 = tpu.memref_slice %arg9[%dma_wait3A, %dma_wait3A_168] : memref<10000x128xf32, #tpu.memory_space<vmem_shared>> -> memref<16x128xf32, #tpu.memory_space<vmem_shared>>
        %dma_wait3A_170 = arith.constant 0 : i32
        %dma_wait3A_171 = tpu.memref_slice %arg2[%add3A_162, %dma_wait3A_170] : memref<20000x128xf32, #tpu.memory_space<hbm>> -> memref<16x128xf32, #tpu.memory_space<hbm>>
        tpu.wait_dma2 semaphore(%run_scoped3A : memref<!tpu.dma_semaphore, #tpu.memory_space<semaphore_mem>>) src(%dma_wait3A_171 : memref<16x128xf32, #tpu.memory_space<hbm>>) dst(%dma_wait3A_169 : memref<16x128xf32, #tpu.memory_space<vmem_shared>>)
        tpu.yield
      }) : () -> ()
    } else {
    }
    "tpu.region"() ({
      %run_scoped3A = tpu.sem_alloc : memref<!tpu.dma_semaphore, #tpu.memory_space<semaphore_mem>>
      %dma_start3A_159 = arith.constant 0 : i32
      %dma_start3A_160 = tpu.memref_slice %arg3[%arg0, %arg1, %dma_start3A_159] : memref<2x16x10000xi32, #tpu.memory_space<hbm>> -> memref<1x1x10000xi32, #tpu.memory_space<hbm>>
      %dma_start3A_161 = tpu.memref_squeeze %dma_start3A_160 : memref<1x1x10000xi32, #tpu.memory_space<hbm>> -> memref<10000xi32, #tpu.memory_space<hbm>>
      %dma_start3A_162 = arith.constant 0 : i32
      %dma_start3A_163 = tpu.memref_slice %arg3[%arg0, %arg1, %dma_start3A_162] : memref<2x16x10000xi32, #tpu.memory_space<hbm>> -> memref<1x1x10000xi32, #tpu.memory_space<hbm>>
      %dma_start3A_164 = tpu.memref_squeeze %dma_start3A_163 : memref<1x1x10000xi32, #tpu.memory_space<hbm>> -> memref<10000xi32, #tpu.memory_space<hbm>>
      tpu.enqueue_dma source(%dma_start3A_164 : memref<10000xi32, #tpu.memory_space<hbm>>) target(%arg6 : memref<10000xi32, #tpu.memory_space<vmem>>) target_semaphore(%run_scoped3A : memref<!tpu.dma_semaphore, #tpu.memory_space<semaphore_mem>>)
      %dma_wait3A = arith.constant 0 : i32
      %dma_wait3A_165 = tpu.memref_slice %arg3[%arg0, %arg1, %dma_wait3A] : memref<2x16x10000xi32, #tpu.memory_space<hbm>> -> memref<1x1x10000xi32, #tpu.memory_space<hbm>>
      %dma_wait3A_166 = tpu.memref_squeeze %dma_wait3A_165 : memref<1x1x10000xi32, #tpu.memory_space<hbm>> -> memref<10000xi32, #tpu.memory_space<hbm>>
      %dma_wait3A_167 = arith.constant 0 : i32
      %dma_wait3A_168 = tpu.memref_slice %arg3[%arg0, %arg1, %dma_wait3A_167] : memref<2x16x10000xi32, #tpu.memory_space<hbm>> -> memref<1x1x10000xi32, #tpu.memory_space<hbm>>
      %dma_wait3A_169 = tpu.memref_squeeze %dma_wait3A_168 : memref<1x1x10000xi32, #tpu.memory_space<hbm>> -> memref<10000xi32, #tpu.memory_space<hbm>>
      tpu.wait_dma2 semaphore(%run_scoped3A : memref<!tpu.dma_semaphore, #tpu.memory_space<semaphore_mem>>) src(%dma_wait3A_169 : memref<10000xi32, #tpu.memory_space<hbm>>) dst(%arg6 : memref<10000xi32, #tpu.memory_space<vmem>>)
      tpu.yield
    }) : () -> ()
    %barrier3A = arith.constant 0 : index
    tpu.barrier barrier_id(%barrier3A)
    %dma_start3A = arith.constant 0 : i32
    %dma_start3A_5 = arith.constant 0 : i32
    %dma_start3A_6 = arith.constant 0 : i32
    %dma_start3A_7 = tpu.memref_slice %arg8[%dma_start3A, %dma_start3A_5, %dma_start3A_6] : memref<6x40x128xf32, #tpu.memory_space<vmem>> -> memref<1x40x128xf32, #tpu.memory_space<vmem>>
    %dma_start3A_8 = tpu.memref_squeeze %dma_start3A_7 : memref<1x40x128xf32, #tpu.memory_space<vmem>> -> memref<40x128xf32, #tpu.memory_space<vmem>>
    %dma_start3A_9 = arith.constant 0 : i32
    %dma_start3A_10 = tpu.memref_slice %arg6[%dma_start3A_9] : memref<10000xi32, #tpu.memory_space<vmem>> -> memref<40xi32, #tpu.memory_space<vmem>>
    %dma_start3A_11 = arith.constant 0 : i32
    %dma_start3A_12 = arith.constant 0 : i32
    %dma_start3A_13 = tpu.memref_slice %arg2[%dma_start3A_11, %dma_start3A_12] : memref<20000x128xf32, #tpu.memory_space<hbm>> -> memref<20000x128xf32, #tpu.memory_space<hbm>>
    tpu.enqueue_indirect_dma source(%dma_start3A_13 : memref<20000x128xf32, #tpu.memory_space<hbm>>) target(%dma_start3A_8 : memref<40x128xf32, #tpu.memory_space<vmem>>) offsets(%dma_start3A_10 : memref<40xi32, #tpu.memory_space<vmem>>) semaphore(%arg10 : memref<!tpu.dma_semaphore, #tpu.memory_space<semaphore_mem>>)
    %dma_start3A_14 = arith.constant 0 : i32
    %dma_start3A_15 = arith.constant 0 : i32
    %dma_start3A_16 = arith.constant 0 : i32
    %dma_start3A_17 = tpu.memref_slice %arg7[%dma_start3A_15, %dma_start3A_16] : memref<6x40xi32, #tpu.memory_space<vmem>> -> memref<1x40xi32, #tpu.memory_space<vmem>>
    %dma_start3A_18 = tpu.memref_squeeze %dma_start3A_17 : memref<1x40xi32, #tpu.memory_space<vmem>> -> memref<40xi32, #tpu.memory_space<vmem>>
    %dma_start3A_19 = arith.constant 0 : i32
    %dma_start3A_20 = tpu.memref_slice %arg4[%arg1, %dma_start3A_14, %dma_start3A_19] : memref<16x250x40xi32, #tpu.memory_space<hbm>> -> memref<1x1x40xi32, #tpu.memory_space<hbm>>
    %dma_start3A_21 = tpu.memref_squeeze %dma_start3A_20 : memref<1x1x40xi32, #tpu.memory_space<hbm>> -> memref<40xi32, #tpu.memory_space<hbm>>
    %dma_start3A_22 = arith.constant 0 : i32
    %dma_start3A_23 = tpu.memref_slice %arg7[%dma_start3A_15, %dma_start3A_22] : memref<6x40xi32, #tpu.memory_space<vmem>> -> memref<1x40xi32, #tpu.memory_space<vmem>>
    %dma_start3A_24 = tpu.memref_squeeze %dma_start3A_23 : memref<1x40xi32, #tpu.memory_space<vmem>> -> memref<40xi32, #tpu.memory_space<vmem>>
    %dma_start3A_25 = arith.constant 0 : i32
    %dma_start3A_26 = tpu.memref_slice %arg4[%arg1, %dma_start3A_14, %dma_start3A_25] : memref<16x250x40xi32, #tpu.memory_space<hbm>> -> memref<1x1x40xi32, #tpu.memory_space<hbm>>
    %dma_start3A_27 = tpu.memref_squeeze %dma_start3A_26 : memref<1x1x40xi32, #tpu.memory_space<hbm>> -> memref<40xi32, #tpu.memory_space<hbm>>
    tpu.enqueue_dma source(%dma_start3A_27 : memref<40xi32, #tpu.memory_space<hbm>>) target(%dma_start3A_24 : memref<40xi32, #tpu.memory_space<vmem>>) target_semaphore(%arg16 : memref<!tpu.dma_semaphore, #tpu.memory_space<semaphore_mem>>)
    %dma_start3A_28 = arith.constant 1 : i32
    %dma_start3A_29 = arith.constant 0 : i32
    %dma_start3A_30 = arith.constant 0 : i32
    %dma_start3A_31 = tpu.memref_slice %arg8[%dma_start3A_28, %dma_start3A_29, %dma_start3A_30] : memref<6x40x128xf32, #tpu.memory_space<vmem>> -> memref<1x40x128xf32, #tpu.memory_space<vmem>>
    %dma_start3A_32 = tpu.memref_squeeze %dma_start3A_31 : memref<1x40x128xf32, #tpu.memory_space<vmem>> -> memref<40x128xf32, #tpu.memory_space<vmem>>
    %dma_start3A_33 = arith.constant 40 : i32
    %dma_start3A_34 = tpu.memref_slice %arg6[%dma_start3A_33] : memref<10000xi32, #tpu.memory_space<vmem>> -> memref<40xi32, #tpu.memory_space<vmem>>
    %dma_start3A_35 = arith.constant 0 : i32
    %dma_start3A_36 = arith.constant 0 : i32
    %dma_start3A_37 = tpu.memref_slice %arg2[%dma_start3A_35, %dma_start3A_36] : memref<20000x128xf32, #tpu.memory_space<hbm>> -> memref<20000x128xf32, #tpu.memory_space<hbm>>
    tpu.enqueue_indirect_dma source(%dma_start3A_37 : memref<20000x128xf32, #tpu.memory_space<hbm>>) target(%dma_start3A_32 : memref<40x128xf32, #tpu.memory_space<vmem>>) offsets(%dma_start3A_34 : memref<40xi32, #tpu.memory_space<vmem>>) semaphore(%arg11 : memref<!tpu.dma_semaphore, #tpu.memory_space<semaphore_mem>>)
    %dma_start3A_38 = arith.constant 1 : i32
    %dma_start3A_39 = arith.constant 1 : i32
    %dma_start3A_40 = arith.constant 0 : i32
    %dma_start3A_41 = tpu.memref_slice %arg7[%dma_start3A_39, %dma_start3A_40] : memref<6x40xi32, #tpu.memory_space<vmem>> -> memref<1x40xi32, #tpu.memory_space<vmem>>
    %dma_start3A_42 = tpu.memref_squeeze %dma_start3A_41 : memref<1x40xi32, #tpu.memory_space<vmem>> -> memref<40xi32, #tpu.memory_space<vmem>>
    %dma_start3A_43 = arith.constant 0 : i32
    %dma_start3A_44 = tpu.memref_slice %arg4[%arg1, %dma_start3A_38, %dma_start3A_43] : memref<16x250x40xi32, #tpu.memory_space<hbm>> -> memref<1x1x40xi32, #tpu.memory_space<hbm>>
    %dma_start3A_45 = tpu.memref_squeeze %dma_start3A_44 : memref<1x1x40xi32, #tpu.memory_space<hbm>> -> memref<40xi32, #tpu.memory_space<hbm>>
    %dma_start3A_46 = arith.constant 0 : i32
    %dma_start3A_47 = tpu.memref_slice %arg7[%dma_start3A_39, %dma_start3A_46] : memref<6x40xi32, #tpu.memory_space<vmem>> -> memref<1x40xi32, #tpu.memory_space<vmem>>
    %dma_start3A_48 = tpu.memref_squeeze %dma_start3A_47 : memref<1x40xi32, #tpu.memory_space<vmem>> -> memref<40xi32, #tpu.memory_space<vmem>>
    %dma_start3A_49 = arith.constant 0 : i32
    %dma_start3A_50 = tpu.memref_slice %arg4[%arg1, %dma_start3A_38, %dma_start3A_49] : memref<16x250x40xi32, #tpu.memory_space<hbm>> -> memref<1x1x40xi32, #tpu.memory_space<hbm>>
    %dma_start3A_51 = tpu.memref_squeeze %dma_start3A_50 : memref<1x1x40xi32, #tpu.memory_space<hbm>> -> memref<40xi32, #tpu.memory_space<hbm>>
    tpu.enqueue_dma source(%dma_start3A_51 : memref<40xi32, #tpu.memory_space<hbm>>) target(%dma_start3A_48 : memref<40xi32, #tpu.memory_space<vmem>>) target_semaphore(%arg17 : memref<!tpu.dma_semaphore, #tpu.memory_space<semaphore_mem>>)
    %dma_start3A_52 = arith.constant 2 : i32
    %dma_start3A_53 = arith.constant 0 : i32
    %dma_start3A_54 = arith.constant 0 : i32
    %dma_start3A_55 = tpu.memref_slice %arg8[%dma_start3A_52, %dma_start3A_53, %dma_start3A_54] : memref<6x40x128xf32, #tpu.memory_space<vmem>> -> memref<1x40x128xf32, #tpu.memory_space<vmem>>
    %dma_start3A_56 = tpu.memref_squeeze %dma_start3A_55 : memref<1x40x128xf32, #tpu.memory_space<vmem>> -> memref<40x128xf32, #tpu.memory_space<vmem>>
    %dma_start3A_57 = arith.constant 80 : i32
    %dma_start3A_58 = tpu.memref_slice %arg6[%dma_start3A_57] : memref<10000xi32, #tpu.memory_space<vmem>> -> memref<40xi32, #tpu.memory_space<vmem>>
    %dma_start3A_59 = arith.constant 0 : i32
    %dma_start3A_60 = arith.constant 0 : i32
    %dma_start3A_61 = tpu.memref_slice %arg2[%dma_start3A_59, %dma_start3A_60] : memref<20000x128xf32, #tpu.memory_space<hbm>> -> memref<20000x128xf32, #tpu.memory_space<hbm>>
    tpu.enqueue_indirect_dma source(%dma_start3A_61 : memref<20000x128xf32, #tpu.memory_space<hbm>>) target(%dma_start3A_56 : memref<40x128xf32, #tpu.memory_space<vmem>>) offsets(%dma_start3A_58 : memref<40xi32, #tpu.memory_space<vmem>>) semaphore(%arg12 : memref<!tpu.dma_semaphore, #tpu.memory_space<semaphore_mem>>)
    %dma_start3A_62 = arith.constant 2 : i32
    %dma_start3A_63 = arith.constant 2 : i32
    %dma_start3A_64 = arith.constant 0 : i32
    %dma_start3A_65 = tpu.memref_slice %arg7[%dma_start3A_63, %dma_start3A_64] : memref<6x40xi32, #tpu.memory_space<vmem>> -> memref<1x40xi32, #tpu.memory_space<vmem>>
    %dma_start3A_66 = tpu.memref_squeeze %dma_start3A_65 : memref<1x40xi32, #tpu.memory_space<vmem>> -> memref<40xi32, #tpu.memory_space<vmem>>
    %dma_start3A_67 = arith.constant 0 : i32
    %dma_start3A_68 = tpu.memref_slice %arg4[%arg1, %dma_start3A_62, %dma_start3A_67] : memref<16x250x40xi32, #tpu.memory_space<hbm>> -> memref<1x1x40xi32, #tpu.memory_space<hbm>>
    %dma_start3A_69 = tpu.memref_squeeze %dma_start3A_68 : memref<1x1x40xi32, #tpu.memory_space<hbm>> -> memref<40xi32, #tpu.memory_space<hbm>>
    %dma_start3A_70 = arith.constant 0 : i32
    %dma_start3A_71 = tpu.memref_slice %arg7[%dma_start3A_63, %dma_start3A_70] : memref<6x40xi32, #tpu.memory_space<vmem>> -> memref<1x40xi32, #tpu.memory_space<vmem>>
    %dma_start3A_72 = tpu.memref_squeeze %dma_start3A_71 : memref<1x40xi32, #tpu.memory_space<vmem>> -> memref<40xi32, #tpu.memory_space<vmem>>
    %dma_start3A_73 = arith.constant 0 : i32
    %dma_start3A_74 = tpu.memref_slice %arg4[%arg1, %dma_start3A_62, %dma_start3A_73] : memref<16x250x40xi32, #tpu.memory_space<hbm>> -> memref<1x1x40xi32, #tpu.memory_space<hbm>>
    %dma_start3A_75 = tpu.memref_squeeze %dma_start3A_74 : memref<1x1x40xi32, #tpu.memory_space<hbm>> -> memref<40xi32, #tpu.memory_space<hbm>>
    tpu.enqueue_dma source(%dma_start3A_75 : memref<40xi32, #tpu.memory_space<hbm>>) target(%dma_start3A_72 : memref<40xi32, #tpu.memory_space<vmem>>) target_semaphore(%arg18 : memref<!tpu.dma_semaphore, #tpu.memory_space<semaphore_mem>>)
    %dma_start3A_76 = arith.constant 3 : i32
    %dma_start3A_77 = arith.constant 0 : i32
    %dma_start3A_78 = arith.constant 0 : i32
    %dma_start3A_79 = tpu.memref_slice %arg8[%dma_start3A_76, %dma_start3A_77, %dma_start3A_78] : memref<6x40x128xf32, #tpu.memory_space<vmem>> -> memref<1x40x128xf32, #tpu.memory_space<vmem>>
    %dma_start3A_80 = tpu.memref_squeeze %dma_start3A_79 : memref<1x40x128xf32, #tpu.memory_space<vmem>> -> memref<40x128xf32, #tpu.memory_space<vmem>>
    %dma_start3A_81 = arith.constant 120 : i32
    %dma_start3A_82 = tpu.memref_slice %arg6[%dma_start3A_81] : memref<10000xi32, #tpu.memory_space<vmem>> -> memref<40xi32, #tpu.memory_space<vmem>>
    %dma_start3A_83 = arith.constant 0 : i32
    %dma_start3A_84 = arith.constant 0 : i32
    %dma_start3A_85 = tpu.memref_slice %arg2[%dma_start3A_83, %dma_start3A_84] : memref<20000x128xf32, #tpu.memory_space<hbm>> -> memref<20000x128xf32, #tpu.memory_space<hbm>>
    tpu.enqueue_indirect_dma source(%dma_start3A_85 : memref<20000x128xf32, #tpu.memory_space<hbm>>) target(%dma_start3A_80 : memref<40x128xf32, #tpu.memory_space<vmem>>) offsets(%dma_start3A_82 : memref<40xi32, #tpu.memory_space<vmem>>) semaphore(%arg13 : memref<!tpu.dma_semaphore, #tpu.memory_space<semaphore_mem>>)
    %dma_start3A_86 = arith.constant 3 : i32
    %dma_start3A_87 = arith.constant 3 : i32
    %dma_start3A_88 = arith.constant 0 : i32
    %dma_start3A_89 = tpu.memref_slice %arg7[%dma_start3A_87, %dma_start3A_88] : memref<6x40xi32, #tpu.memory_space<vmem>> -> memref<1x40xi32, #tpu.memory_space<vmem>>
    %dma_start3A_90 = tpu.memref_squeeze %dma_start3A_89 : memref<1x40xi32, #tpu.memory_space<vmem>> -> memref<40xi32, #tpu.memory_space<vmem>>
    %dma_start3A_91 = arith.constant 0 : i32
    %dma_start3A_92 = tpu.memref_slice %arg4[%arg1, %dma_start3A_86, %dma_start3A_91] : memref<16x250x40xi32, #tpu.memory_space<hbm>> -> memref<1x1x40xi32, #tpu.memory_space<hbm>>
    %dma_start3A_93 = tpu.memref_squeeze %dma_start3A_92 : memref<1x1x40xi32, #tpu.memory_space<hbm>> -> memref<40xi32, #tpu.memory_space<hbm>>
    %dma_start3A_94 = arith.constant 0 : i32
    %dma_start3A_95 = tpu.memref_slice %arg7[%dma_start3A_87, %dma_start3A_94] : memref<6x40xi32, #tpu.memory_space<vmem>> -> memref<1x40xi32, #tpu.memory_space<vmem>>
    %dma_start3A_96 = tpu.memref_squeeze %dma_start3A_95 : memref<1x40xi32, #tpu.memory_space<vmem>> -> memref<40xi32, #tpu.memory_space<vmem>>
    %dma_start3A_97 = arith.constant 0 : i32
    %dma_start3A_98 = tpu.memref_slice %arg4[%arg1, %dma_start3A_86, %dma_start3A_97] : memref<16x250x40xi32, #tpu.memory_space<hbm>> -> memref<1x1x40xi32, #tpu.memory_space<hbm>>
    %dma_start3A_99 = tpu.memref_squeeze %dma_start3A_98 : memref<1x1x40xi32, #tpu.memory_space<hbm>> -> memref<40xi32, #tpu.memory_space<hbm>>
    tpu.enqueue_dma source(%dma_start3A_99 : memref<40xi32, #tpu.memory_space<hbm>>) target(%dma_start3A_96 : memref<40xi32, #tpu.memory_space<vmem>>) target_semaphore(%arg19 : memref<!tpu.dma_semaphore, #tpu.memory_space<semaphore_mem>>)
    %dma_start3A_100 = arith.constant 4 : i32
    %dma_start3A_101 = arith.constant 0 : i32
    %dma_start3A_102 = arith.constant 0 : i32
    %dma_start3A_103 = tpu.memref_slice %arg8[%dma_start3A_100, %dma_start3A_101, %dma_start3A_102] : memref<6x40x128xf32, #tpu.memory_space<vmem>> -> memref<1x40x128xf32, #tpu.memory_space<vmem>>
    %dma_start3A_104 = tpu.memref_squeeze %dma_start3A_103 : memref<1x40x128xf32, #tpu.memory_space<vmem>> -> memref<40x128xf32, #tpu.memory_space<vmem>>
    %dma_start3A_105 = arith.constant 160 : i32
    %dma_start3A_106 = tpu.memref_slice %arg6[%dma_start3A_105] : memref<10000xi32, #tpu.memory_space<vmem>> -> memref<40xi32, #tpu.memory_space<vmem>>
    %dma_start3A_107 = arith.constant 0 : i32
    %dma_start3A_108 = arith.constant 0 : i32
    %dma_start3A_109 = tpu.memref_slice %arg2[%dma_start3A_107, %dma_start3A_108] : memref<20000x128xf32, #tpu.memory_space<hbm>> -> memref<20000x128xf32, #tpu.memory_space<hbm>>
    tpu.enqueue_indirect_dma source(%dma_start3A_109 : memref<20000x128xf32, #tpu.memory_space<hbm>>) target(%dma_start3A_104 : memref<40x128xf32, #tpu.memory_space<vmem>>) offsets(%dma_start3A_106 : memref<40xi32, #tpu.memory_space<vmem>>) semaphore(%arg14 : memref<!tpu.dma_semaphore, #tpu.memory_space<semaphore_mem>>)
    %dma_start3A_110 = arith.constant 4 : i32
    %dma_start3A_111 = arith.constant 4 : i32
    %dma_start3A_112 = arith.constant 0 : i32
    %dma_start3A_113 = tpu.memref_slice %arg7[%dma_start3A_111, %dma_start3A_112] : memref<6x40xi32, #tpu.memory_space<vmem>> -> memref<1x40xi32, #tpu.memory_space<vmem>>
    %dma_start3A_114 = tpu.memref_squeeze %dma_start3A_113 : memref<1x40xi32, #tpu.memory_space<vmem>> -> memref<40xi32, #tpu.memory_space<vmem>>
    %dma_start3A_115 = arith.constant 0 : i32
    %dma_start3A_116 = tpu.memref_slice %arg4[%arg1, %dma_start3A_110, %dma_start3A_115] : memref<16x250x40xi32, #tpu.memory_space<hbm>> -> memref<1x1x40xi32, #tpu.memory_space<hbm>>
    %dma_start3A_117 = tpu.memref_squeeze %dma_start3A_116 : memref<1x1x40xi32, #tpu.memory_space<hbm>> -> memref<40xi32, #tpu.memory_space<hbm>>
    %dma_start3A_118 = arith.constant 0 : i32
    %dma_start3A_119 = tpu.memref_slice %arg7[%dma_start3A_111, %dma_start3A_118] : memref<6x40xi32, #tpu.memory_space<vmem>> -> memref<1x40xi32, #tpu.memory_space<vmem>>
    %dma_start3A_120 = tpu.memref_squeeze %dma_start3A_119 : memref<1x40xi32, #tpu.memory_space<vmem>> -> memref<40xi32, #tpu.memory_space<vmem>>
    %dma_start3A_121 = arith.constant 0 : i32
    %dma_start3A_122 = tpu.memref_slice %arg4[%arg1, %dma_start3A_110, %dma_start3A_121] : memref<16x250x40xi32, #tpu.memory_space<hbm>> -> memref<1x1x40xi32, #tpu.memory_space<hbm>>
    %dma_start3A_123 = tpu.memref_squeeze %dma_start3A_122 : memref<1x1x40xi32, #tpu.memory_space<hbm>> -> memref<40xi32, #tpu.memory_space<hbm>>
    tpu.enqueue_dma source(%dma_start3A_123 : memref<40xi32, #tpu.memory_space<hbm>>) target(%dma_start3A_120 : memref<40xi32, #tpu.memory_space<vmem>>) target_semaphore(%arg20 : memref<!tpu.dma_semaphore, #tpu.memory_space<semaphore_mem>>)
    %dma_start3A_124 = arith.constant 5 : i32
    %dma_start3A_125 = arith.constant 0 : i32
    %dma_start3A_126 = arith.constant 0 : i32
    %dma_start3A_127 = tpu.memref_slice %arg8[%dma_start3A_124, %dma_start3A_125, %dma_start3A_126] : memref<6x40x128xf32, #tpu.memory_space<vmem>> -> memref<1x40x128xf32, #tpu.memory_space<vmem>>
    %dma_start3A_128 = tpu.memref_squeeze %dma_start3A_127 : memref<1x40x128xf32, #tpu.memory_space<vmem>> -> memref<40x128xf32, #tpu.memory_space<vmem>>
    %dma_start3A_129 = arith.constant 200 : i32
    %dma_start3A_130 = tpu.memref_slice %arg6[%dma_start3A_129] : memref<10000xi32, #tpu.memory_space<vmem>> -> memref<40xi32, #tpu.memory_space<vmem>>
    %dma_start3A_131 = arith.constant 0 : i32
    %dma_start3A_132 = arith.constant 0 : i32
    %dma_start3A_133 = tpu.memref_slice %arg2[%dma_start3A_131, %dma_start3A_132] : memref<20000x128xf32, #tpu.memory_space<hbm>> -> memref<20000x128xf32, #tpu.memory_space<hbm>>
    tpu.enqueue_indirect_dma source(%dma_start3A_133 : memref<20000x128xf32, #tpu.memory_space<hbm>>) target(%dma_start3A_128 : memref<40x128xf32, #tpu.memory_space<vmem>>) offsets(%dma_start3A_130 : memref<40xi32, #tpu.memory_space<vmem>>) semaphore(%arg15 : memref<!tpu.dma_semaphore, #tpu.memory_space<semaphore_mem>>)
    %dma_start3A_134 = arith.constant 5 : i32
    %dma_start3A_135 = arith.constant 5 : i32
    %dma_start3A_136 = arith.constant 0 : i32
    %dma_start3A_137 = tpu.memref_slice %arg7[%dma_start3A_135, %dma_start3A_136] : memref<6x40xi32, #tpu.memory_space<vmem>> -> memref<1x40xi32, #tpu.memory_space<vmem>>
    %dma_start3A_138 = tpu.memref_squeeze %dma_start3A_137 : memref<1x40xi32, #tpu.memory_space<vmem>> -> memref<40xi32, #tpu.memory_space<vmem>>
    %dma_start3A_139 = arith.constant 0 : i32
    %dma_start3A_140 = tpu.memref_slice %arg4[%arg1, %dma_start3A_134, %dma_start3A_139] : memref<16x250x40xi32, #tpu.memory_space<hbm>> -> memref<1x1x40xi32, #tpu.memory_space<hbm>>
    %dma_start3A_141 = tpu.memref_squeeze %dma_start3A_140 : memref<1x1x40xi32, #tpu.memory_space<hbm>> -> memref<40xi32, #tpu.memory_space<hbm>>
    %dma_start3A_142 = arith.constant 0 : i32
    %dma_start3A_143 = tpu.memref_slice %arg7[%dma_start3A_135, %dma_start3A_142] : memref<6x40xi32, #tpu.memory_space<vmem>> -> memref<1x40xi32, #tpu.memory_space<vmem>>
    %dma_start3A_144 = tpu.memref_squeeze %dma_start3A_143 : memref<1x40xi32, #tpu.memory_space<vmem>> -> memref<40xi32, #tpu.memory_space<vmem>>
    %dma_start3A_145 = arith.constant 0 : i32
    %dma_start3A_146 = tpu.memref_slice %arg4[%arg1, %dma_start3A_134, %dma_start3A_145] : memref<16x250x40xi32, #tpu.memory_space<hbm>> -> memref<1x1x40xi32, #tpu.memory_space<hbm>>
    %dma_start3A_147 = tpu.memref_squeeze %dma_start3A_146 : memref<1x1x40xi32, #tpu.memory_space<hbm>> -> memref<40xi32, #tpu.memory_space<hbm>>
    tpu.enqueue_dma source(%dma_start3A_147 : memref<40xi32, #tpu.memory_space<hbm>>) target(%dma_start3A_144 : memref<40xi32, #tpu.memory_space<vmem>>) target_semaphore(%arg21 : memref<!tpu.dma_semaphore, #tpu.memory_space<semaphore_mem>>)
    %scan3A = arith.constant 0 : i32
    %scan3A_148 = arith.constant 0 : i32
    %scan3A_149 = arith.constant 42 : i32
    %scan3A_150 = arith.addi %scan3A_148, %scan3A_149 : i32
    %scan3A_151 = arith.constant 1 : i32
    scf.for %scan3A_159 = %scan3A_148 to %scan3A_150 step %scan3A_151  : i32 {
      %mul3A_160 = arith.constant 6 : i32
      %mul3A_161 = arith.muli %scan3A_159, %mul3A_160 : i32
      %add3A_162 = arith.constant 0 : i32
      %add3A_163 = arith.addi %mul3A_161, %add3A_162 : i32
      %lt3A = arith.constant 250 : i32
      %lt3A_164 = arith.cmpi slt, %add3A_163, %lt3A : i32
      %convert_element_type3A_165 = arith.extui %lt3A_164 : i1 to i32
      %cond3A_166 = arith.constant 0 : i32
      %cond3A_167 = arith.cmpi ne, %convert_element_type3A_165, %cond3A_166 : i32
      scf.if %cond3A_167 {
        %mul3A_213 = arith.constant 40 : i32
        %mul3A_214 = arith.muli %add3A_163, %mul3A_213 : i32
        %dma_wait3A = arith.constant 0 : i32
        %dma_wait3A_215 = arith.constant 0 : i32
        %dma_wait3A_216 = arith.constant 0 : i32
        %dma_wait3A_217 = tpu.memref_slice %arg8[%dma_wait3A, %dma_wait3A_215, %dma_wait3A_216] : memref<6x40x128xf32, #tpu.memory_space<vmem>> -> memref<1x40x128xf32, #tpu.memory_space<vmem>>
        %dma_wait3A_218 = tpu.memref_squeeze %dma_wait3A_217 : memref<1x40x128xf32, #tpu.memory_space<vmem>> -> memref<40x128xf32, #tpu.memory_space<vmem>>
        %dma_wait3A_219 = tpu.memref_slice %arg6[%mul3A_214] : memref<10000xi32, #tpu.memory_space<vmem>> -> memref<40xi32, #tpu.memory_space<vmem>>
        %dma_wait3A_220 = arith.constant 0 : i32
        %dma_wait3A_221 = arith.constant 0 : i32
        %dma_wait3A_222 = tpu.memref_slice %arg2[%dma_wait3A_220, %dma_wait3A_221] : memref<20000x128xf32, #tpu.memory_space<hbm>> -> memref<20000x128xf32, #tpu.memory_space<hbm>>
        tpu.wait_indirect_dma semaphore(%arg10 : memref<!tpu.dma_semaphore, #tpu.memory_space<semaphore_mem>>) src(%dma_wait3A_222 : memref<20000x128xf32, #tpu.memory_space<hbm>>) dst(%dma_wait3A_218 : memref<40x128xf32, #tpu.memory_space<vmem>>)
        %dma_wait3A_223 = arith.constant 0 : i32
        %dma_wait3A_224 = arith.constant 0 : i32
        %dma_wait3A_225 = tpu.memref_slice %arg7[%dma_wait3A_223, %dma_wait3A_224] : memref<6x40xi32, #tpu.memory_space<vmem>> -> memref<1x40xi32, #tpu.memory_space<vmem>>
        %dma_wait3A_226 = tpu.memref_squeeze %dma_wait3A_225 : memref<1x40xi32, #tpu.memory_space<vmem>> -> memref<40xi32, #tpu.memory_space<vmem>>
        %dma_wait3A_227 = arith.constant 0 : i32
        %dma_wait3A_228 = tpu.memref_slice %arg4[%arg1, %add3A_163, %dma_wait3A_227] : memref<16x250x40xi32, #tpu.memory_space<hbm>> -> memref<1x1x40xi32, #tpu.memory_space<hbm>>
        %dma_wait3A_229 = tpu.memref_squeeze %dma_wait3A_228 : memref<1x1x40xi32, #tpu.memory_space<hbm>> -> memref<40xi32, #tpu.memory_space<hbm>>
        %dma_wait3A_230 = arith.constant 0 : i32
        %dma_wait3A_231 = tpu.memref_slice %arg7[%dma_wait3A_223, %dma_wait3A_230] : memref<6x40xi32, #tpu.memory_space<vmem>> -> memref<1x40xi32, #tpu.memory_space<vmem>>
        %dma_wait3A_232 = tpu.memref_squeeze %dma_wait3A_231 : memref<1x40xi32, #tpu.memory_space<vmem>> -> memref<40xi32, #tpu.memory_space<vmem>>
        %dma_wait3A_233 = arith.constant 0 : i32
        %dma_wait3A_234 = tpu.memref_slice %arg4[%arg1, %add3A_163, %dma_wait3A_233] : memref<16x250x40xi32, #tpu.memory_space<hbm>> -> memref<1x1x40xi32, #tpu.memory_space<hbm>>
        %dma_wait3A_235 = tpu.memref_squeeze %dma_wait3A_234 : memref<1x1x40xi32, #tpu.memory_space<hbm>> -> memref<40xi32, #tpu.memory_space<hbm>>
        tpu.wait_dma2 semaphore(%arg16 : memref<!tpu.dma_semaphore, #tpu.memory_space<semaphore_mem>>) src(%dma_wait3A_235 : memref<40xi32, #tpu.memory_space<hbm>>) dst(%dma_wait3A_232 : memref<40xi32, #tpu.memory_space<vmem>>)
        %run_scoped3A = arith.constant 0 : i32
        %run_scoped3A_236 = arith.constant 0 : i32
        "tpu.region"() ({
          %run_scoped3A_244 = tpu.sem_alloc : memref<!tpu.dma_semaphore, #tpu.memory_space<semaphore_mem>>
          %dma_start3A_245 = arith.constant 0 : i32
          %dma_start3A_246 = arith.constant 0 : i32
          %dma_start3A_247 = tpu.memref_slice %arg8[%run_scoped3A, %dma_start3A_245, %dma_start3A_246] : memref<6x40x128xf32, #tpu.memory_space<vmem>> -> memref<1x40x128xf32, #tpu.memory_space<vmem>>
          %dma_start3A_248 = tpu.memref_squeeze %dma_start3A_247 : memref<1x40x128xf32, #tpu.memory_space<vmem>> -> memref<40x128xf32, #tpu.memory_space<vmem>>
          %dma_start3A_249 = arith.constant 0 : i32
          %dma_start3A_250 = tpu.memref_slice %arg7[%run_scoped3A_236, %dma_start3A_249] : memref<6x40xi32, #tpu.memory_space<vmem>> -> memref<1x40xi32, #tpu.memory_space<vmem>>
          %dma_start3A_251 = tpu.memref_squeeze %dma_start3A_250 : memref<1x40xi32, #tpu.memory_space<vmem>> -> memref<40xi32, #tpu.memory_space<vmem>>
          %dma_start3A_252 = arith.constant 0 : i32
          %dma_start3A_253 = arith.constant 0 : i32
          %dma_start3A_254 = tpu.memref_slice %arg9[%dma_start3A_252, %dma_start3A_253] : memref<10000x128xf32, #tpu.memory_space<vmem_shared>> -> memref<10000x128xf32, #tpu.memory_space<vmem_shared>>
          tpu.enqueue_indirect_dma source(%dma_start3A_248 : memref<40x128xf32, #tpu.memory_space<vmem>>) target(%dma_start3A_254 : memref<10000x128xf32, #tpu.memory_space<vmem_shared>>) offsets(%dma_start3A_251 : memref<40xi32, #tpu.memory_space<vmem>>) semaphore(%run_scoped3A_244 : memref<!tpu.dma_semaphore, #tpu.memory_space<semaphore_mem>>) {add = true}
          %dma_wait3A_255 = arith.constant 0 : i32
          %dma_wait3A_256 = arith.constant 0 : i32
          %dma_wait3A_257 = tpu.memref_slice %arg8[%run_scoped3A, %dma_wait3A_255, %dma_wait3A_256] : memref<6x40x128xf32, #tpu.memory_space<vmem>> -> memref<1x40x128xf32, #tpu.memory_space<vmem>>
          %dma_wait3A_258 = tpu.memref_squeeze %dma_wait3A_257 : memref<1x40x128xf32, #tpu.memory_space<vmem>> -> memref<40x128xf32, #tpu.memory_space<vmem>>
          %dma_wait3A_259 = arith.constant 0 : i32
          %dma_wait3A_260 = tpu.memref_slice %arg7[%run_scoped3A_236, %dma_wait3A_259] : memref<6x40xi32, #tpu.memory_space<vmem>> -> memref<1x40xi32, #tpu.memory_space<vmem>>
          %dma_wait3A_261 = tpu.memref_squeeze %dma_wait3A_260 : memref<1x40xi32, #tpu.memory_space<vmem>> -> memref<40xi32, #tpu.memory_space<vmem>>
          %dma_wait3A_262 = arith.constant 0 : i32
          %dma_wait3A_263 = arith.constant 0 : i32
          %dma_wait3A_264 = tpu.memref_slice %arg9[%dma_wait3A_262, %dma_wait3A_263] : memref<10000x128xf32, #tpu.memory_space<vmem_shared>> -> memref<10000x128xf32, #tpu.memory_space<vmem_shared>>
          tpu.wait_indirect_dma semaphore(%run_scoped3A_244 : memref<!tpu.dma_semaphore, #tpu.memory_space<semaphore_mem>>) src(%dma_wait3A_258 : memref<40x128xf32, #tpu.memory_space<vmem>>) dst(%dma_wait3A_264 : memref<10000x128xf32, #tpu.memory_space<vmem_shared>>)
          tpu.yield
        }) : () -> ()
        %add3A_237 = arith.constant 6 : i32
        %add3A_238 = arith.addi %add3A_163, %add3A_237 : i32
        %lt3A_239 = arith.constant 250 : i32
        %lt3A_240 = arith.cmpi slt, %add3A_238, %lt3A_239 : i32
        %convert_element_type3A_241 = arith.extui %lt3A_240 : i1 to i32
        %cond3A_242 = arith.constant 0 : i32
        %cond3A_243 = arith.cmpi ne, %convert_element_type3A_241, %cond3A_242 : i32
        scf.if %cond3A_243 {
          %mul3A_244 = arith.constant 40 : i32
          %mul3A_245 = arith.muli %add3A_238, %mul3A_244 : i32
          %dma_start3A_246 = arith.constant 0 : i32
          %dma_start3A_247 = arith.constant 0 : i32
          %dma_start3A_248 = arith.constant 0 : i32
          %dma_start3A_249 = tpu.memref_slice %arg8[%dma_start3A_246, %dma_start3A_247, %dma_start3A_248] : memref<6x40x128xf32, #tpu.memory_space<vmem>> -> memref<1x40x128xf32, #tpu.memory_space<vmem>>
          %dma_start3A_250 = tpu.memref_squeeze %dma_start3A_249 : memref<1x40x128xf32, #tpu.memory_space<vmem>> -> memref<40x128xf32, #tpu.memory_space<vmem>>
          %dma_start3A_251 = tpu.memref_slice %arg6[%mul3A_245] : memref<10000xi32, #tpu.memory_space<vmem>> -> memref<40xi32, #tpu.memory_space<vmem>>
          %dma_start3A_252 = arith.constant 0 : i32
          %dma_start3A_253 = arith.constant 0 : i32
          %dma_start3A_254 = tpu.memref_slice %arg2[%dma_start3A_252, %dma_start3A_253] : memref<20000x128xf32, #tpu.memory_space<hbm>> -> memref<20000x128xf32, #tpu.memory_space<hbm>>
          tpu.enqueue_indirect_dma source(%dma_start3A_254 : memref<20000x128xf32, #tpu.memory_space<hbm>>) target(%dma_start3A_250 : memref<40x128xf32, #tpu.memory_space<vmem>>) offsets(%dma_start3A_251 : memref<40xi32, #tpu.memory_space<vmem>>) semaphore(%arg10 : memref<!tpu.dma_semaphore, #tpu.memory_space<semaphore_mem>>)
          %dma_start3A_255 = arith.constant 0 : i32
          %dma_start3A_256 = arith.constant 0 : i32
          %dma_start3A_257 = tpu.memref_slice %arg7[%dma_start3A_255, %dma_start3A_256] : memref<6x40xi32, #tpu.memory_space<vmem>> -> memref<1x40xi32, #tpu.memory_space<vmem>>
          %dma_start3A_258 = tpu.memref_squeeze %dma_start3A_257 : memref<1x40xi32, #tpu.memory_space<vmem>> -> memref<40xi32, #tpu.memory_space<vmem>>
          %dma_start3A_259 = arith.constant 0 : i32
          %dma_start3A_260 = tpu.memref_slice %arg4[%arg1, %add3A_238, %dma_start3A_259] : memref<16x250x40xi32, #tpu.memory_space<hbm>> -> memref<1x1x40xi32, #tpu.memory_space<hbm>>
          %dma_start3A_261 = tpu.memref_squeeze %dma_start3A_260 : memref<1x1x40xi32, #tpu.memory_space<hbm>> -> memref<40xi32, #tpu.memory_space<hbm>>
          %dma_start3A_262 = arith.constant 0 : i32
          %dma_start3A_263 = tpu.memref_slice %arg7[%dma_start3A_255, %dma_start3A_262] : memref<6x40xi32, #tpu.memory_space<vmem>> -> memref<1x40xi32, #tpu.memory_space<vmem>>
          %dma_start3A_264 = tpu.memref_squeeze %dma_start3A_263 : memref<1x40xi32, #tpu.memory_space<vmem>> -> memref<40xi32, #tpu.memory_space<vmem>>
          %dma_start3A_265 = arith.constant 0 : i32
          %dma_start3A_266 = tpu.memref_slice %arg4[%arg1, %add3A_238, %dma_start3A_265] : memref<16x250x40xi32, #tpu.memory_space<hbm>> -> memref<1x1x40xi32, #tpu.memory_space<hbm>>
          %dma_start3A_267 = tpu.memref_squeeze %dma_start3A_266 : memref<1x1x40xi32, #tpu.memory_space<hbm>> -> memref<40xi32, #tpu.memory_space<hbm>>
          tpu.enqueue_dma source(%dma_start3A_267 : memref<40xi32, #tpu.memory_space<hbm>>) target(%dma_start3A_264 : memref<40xi32, #tpu.memory_space<vmem>>) target_semaphore(%arg16 : memref<!tpu.dma_semaphore, #tpu.memory_space<semaphore_mem>>)
        } else {
        }
      } else {
      }
      %mul3A_168 = arith.constant 6 : i32
      %mul3A_169 = arith.muli %scan3A_159, %mul3A_168 : i32
      %add3A_170 = arith.constant 1 : i32
      %add3A_171 = arith.addi %mul3A_169, %add3A_170 : i32
      %lt3A_172 = arith.constant 250 : i32
      %lt3A_173 = arith.cmpi slt, %add3A_171, %lt3A_172 : i32
      %convert_element_type3A_174 = arith.extui %lt3A_173 : i1 to i32
      %cond3A_175 = arith.constant 0 : i32
      %cond3A_176 = arith.cmpi ne, %convert_element_type3A_174, %cond3A_175 : i32
      scf.if %cond3A_176 {
        %mul3A_213 = arith.constant 40 : i32
        %mul3A_214 = arith.muli %add3A_171, %mul3A_213 : i32
        %dma_wait3A = arith.constant 1 : i32
        %dma_wait3A_215 = arith.constant 0 : i32
        %dma_wait3A_216 = arith.constant 0 : i32
        %dma_wait3A_217 = tpu.memref_slice %arg8[%dma_wait3A, %dma_wait3A_215, %dma_wait3A_216] : memref<6x40x128xf32, #tpu.memory_space<vmem>> -> memref<1x40x128xf32, #tpu.memory_space<vmem>>
        %dma_wait3A_218 = tpu.memref_squeeze %dma_wait3A_217 : memref<1x40x128xf32, #tpu.memory_space<vmem>> -> memref<40x128xf32, #tpu.memory_space<vmem>>
        %dma_wait3A_219 = tpu.memref_slice %arg6[%mul3A_214] : memref<10000xi32, #tpu.memory_space<vmem>> -> memref<40xi32, #tpu.memory_space<vmem>>
        %dma_wait3A_220 = arith.constant 0 : i32
        %dma_wait3A_221 = arith.constant 0 : i32
        %dma_wait3A_222 = tpu.memref_slice %arg2[%dma_wait3A_220, %dma_wait3A_221] : memref<20000x128xf32, #tpu.memory_space<hbm>> -> memref<20000x128xf32, #tpu.memory_space<hbm>>
        tpu.wait_indirect_dma semaphore(%arg11 : memref<!tpu.dma_semaphore, #tpu.memory_space<semaphore_mem>>) src(%dma_wait3A_222 : memref<20000x128xf32, #tpu.memory_space<hbm>>) dst(%dma_wait3A_218 : memref<40x128xf32, #tpu.memory_space<vmem>>)
        %dma_wait3A_223 = arith.constant 1 : i32
        %dma_wait3A_224 = arith.constant 0 : i32
        %dma_wait3A_225 = tpu.memref_slice %arg7[%dma_wait3A_223, %dma_wait3A_224] : memref<6x40xi32, #tpu.memory_space<vmem>> -> memref<1x40xi32, #tpu.memory_space<vmem>>
        %dma_wait3A_226 = tpu.memref_squeeze %dma_wait3A_225 : memref<1x40xi32, #tpu.memory_space<vmem>> -> memref<40xi32, #tpu.memory_space<vmem>>
        %dma_wait3A_227 = arith.constant 0 : i32
        %dma_wait3A_228 = tpu.memref_slice %arg4[%arg1, %add3A_171, %dma_wait3A_227] : memref<16x250x40xi32, #tpu.memory_space<hbm>> -> memref<1x1x40xi32, #tpu.memory_space<hbm>>
        %dma_wait3A_229 = tpu.memref_squeeze %dma_wait3A_228 : memref<1x1x40xi32, #tpu.memory_space<hbm>> -> memref<40xi32, #tpu.memory_space<hbm>>
        %dma_wait3A_230 = arith.constant 0 : i32
        %dma_wait3A_231 = tpu.memref_slice %arg7[%dma_wait3A_223, %dma_wait3A_230] : memref<6x40xi32, #tpu.memory_space<vmem>> -> memref<1x40xi32, #tpu.memory_space<vmem>>
        %dma_wait3A_232 = tpu.memref_squeeze %dma_wait3A_231 : memref<1x40xi32, #tpu.memory_space<vmem>> -> memref<40xi32, #tpu.memory_space<vmem>>
        %dma_wait3A_233 = arith.constant 0 : i32
        %dma_wait3A_234 = tpu.memref_slice %arg4[%arg1, %add3A_171, %dma_wait3A_233] : memref<16x250x40xi32, #tpu.memory_space<hbm>> -> memref<1x1x40xi32, #tpu.memory_space<hbm>>
        %dma_wait3A_235 = tpu.memref_squeeze %dma_wait3A_234 : memref<1x1x40xi32, #tpu.memory_space<hbm>> -> memref<40xi32, #tpu.memory_space<hbm>>
        tpu.wait_dma2 semaphore(%arg17 : memref<!tpu.dma_semaphore, #tpu.memory_space<semaphore_mem>>) src(%dma_wait3A_235 : memref<40xi32, #tpu.memory_space<hbm>>) dst(%dma_wait3A_232 : memref<40xi32, #tpu.memory_space<vmem>>)
        %run_scoped3A = arith.constant 1 : i32
        %run_scoped3A_236 = arith.constant 1 : i32
        "tpu.region"() ({
          %run_scoped3A_244 = tpu.sem_alloc : memref<!tpu.dma_semaphore, #tpu.memory_space<semaphore_mem>>
          %dma_start3A_245 = arith.constant 0 : i32
          %dma_start3A_246 = arith.constant 0 : i32
          %dma_start3A_247 = tpu.memref_slice %arg8[%run_scoped3A, %dma_start3A_245, %dma_start3A_246] : memref<6x40x128xf32, #tpu.memory_space<vmem>> -> memref<1x40x128xf32, #tpu.memory_space<vmem>>
          %dma_start3A_248 = tpu.memref_squeeze %dma_start3A_247 : memref<1x40x128xf32, #tpu.memory_space<vmem>> -> memref<40x128xf32, #tpu.memory_space<vmem>>
          %dma_start3A_249 = arith.constant 0 : i32
          %dma_start3A_250 = tpu.memref_slice %arg7[%run_scoped3A_236, %dma_start3A_249] : memref<6x40xi32, #tpu.memory_space<vmem>> -> memref<1x40xi32, #tpu.memory_space<vmem>>
          %dma_start3A_251 = tpu.memref_squeeze %dma_start3A_250 : memref<1x40xi32, #tpu.memory_space<vmem>> -> memref<40xi32, #tpu.memory_space<vmem>>
          %dma_start3A_252 = arith.constant 0 : i32
          %dma_start3A_253 = arith.constant 0 : i32
          %dma_start3A_254 = tpu.memref_slice %arg9[%dma_start3A_252, %dma_start3A_253] : memref<10000x128xf32, #tpu.memory_space<vmem_shared>> -> memref<10000x128xf32, #tpu.memory_space<vmem_shared>>
          tpu.enqueue_indirect_dma source(%dma_start3A_248 : memref<40x128xf32, #tpu.memory_space<vmem>>) target(%dma_start3A_254 : memref<10000x128xf32, #tpu.memory_space<vmem_shared>>) offsets(%dma_start3A_251 : memref<40xi32, #tpu.memory_space<vmem>>) semaphore(%run_scoped3A_244 : memref<!tpu.dma_semaphore, #tpu.memory_space<semaphore_mem>>) {add = true}
          %dma_wait3A_255 = arith.constant 0 : i32
          %dma_wait3A_256 = arith.constant 0 : i32
          %dma_wait3A_257 = tpu.memref_slice %arg8[%run_scoped3A, %dma_wait3A_255, %dma_wait3A_256] : memref<6x40x128xf32, #tpu.memory_space<vmem>> -> memref<1x40x128xf32, #tpu.memory_space<vmem>>
          %dma_wait3A_258 = tpu.memref_squeeze %dma_wait3A_257 : memref<1x40x128xf32, #tpu.memory_space<vmem>> -> memref<40x128xf32, #tpu.memory_space<vmem>>
          %dma_wait3A_259 = arith.constant 0 : i32
          %dma_wait3A_260 = tpu.memref_slice %arg7[%run_scoped3A_236, %dma_wait3A_259] : memref<6x40xi32, #tpu.memory_space<vmem>> -> memref<1x40xi32, #tpu.memory_space<vmem>>
          %dma_wait3A_261 = tpu.memref_squeeze %dma_wait3A_260 : memref<1x40xi32, #tpu.memory_space<vmem>> -> memref<40xi32, #tpu.memory_space<vmem>>
          %dma_wait3A_262 = arith.constant 0 : i32
          %dma_wait3A_263 = arith.constant 0 : i32
          %dma_wait3A_264 = tpu.memref_slice %arg9[%dma_wait3A_262, %dma_wait3A_263] : memref<10000x128xf32, #tpu.memory_space<vmem_shared>> -> memref<10000x128xf32, #tpu.memory_space<vmem_shared>>
          tpu.wait_indirect_dma semaphore(%run_scoped3A_244 : memref<!tpu.dma_semaphore, #tpu.memory_space<semaphore_mem>>) src(%dma_wait3A_258 : memref<40x128xf32, #tpu.memory_space<vmem>>) dst(%dma_wait3A_264 : memref<10000x128xf32, #tpu.memory_space<vmem_shared>>)
          tpu.yield
        }) : () -> ()
        %add3A_237 = arith.constant 6 : i32
        %add3A_238 = arith.addi %add3A_171, %add3A_237 : i32
        %lt3A_239 = arith.constant 250 : i32
        %lt3A_240 = arith.cmpi slt, %add3A_238, %lt3A_239 : i32
        %convert_element_type3A_241 = arith.extui %lt3A_240 : i1 to i32
        %cond3A_242 = arith.constant 0 : i32
        %cond3A_243 = arith.cmpi ne, %convert_element_type3A_241, %cond3A_242 : i32
        scf.if %cond3A_243 {
          %mul3A_244 = arith.constant 40 : i32
          %mul3A_245 = arith.muli %add3A_238, %mul3A_244 : i32
          %dma_start3A_246 = arith.constant 1 : i32
          %dma_start3A_247 = arith.constant 0 : i32
          %dma_start3A_248 = arith.constant 0 : i32
          %dma_start3A_249 = tpu.memref_slice %arg8[%dma_start3A_246, %dma_start3A_247, %dma_start3A_248] : memref<6x40x128xf32, #tpu.memory_space<vmem>> -> memref<1x40x128xf32, #tpu.memory_space<vmem>>
          %dma_start3A_250 = tpu.memref_squeeze %dma_start3A_249 : memref<1x40x128xf32, #tpu.memory_space<vmem>> -> memref<40x128xf32, #tpu.memory_space<vmem>>
          %dma_start3A_251 = tpu.memref_slice %arg6[%mul3A_245] : memref<10000xi32, #tpu.memory_space<vmem>> -> memref<40xi32, #tpu.memory_space<vmem>>
          %dma_start3A_252 = arith.constant 0 : i32
          %dma_start3A_253 = arith.constant 0 : i32
          %dma_start3A_254 = tpu.memref_slice %arg2[%dma_start3A_252, %dma_start3A_253] : memref<20000x128xf32, #tpu.memory_space<hbm>> -> memref<20000x128xf32, #tpu.memory_space<hbm>>
          tpu.enqueue_indirect_dma source(%dma_start3A_254 : memref<20000x128xf32, #tpu.memory_space<hbm>>) target(%dma_start3A_250 : memref<40x128xf32, #tpu.memory_space<vmem>>) offsets(%dma_start3A_251 : memref<40xi32, #tpu.memory_space<vmem>>) semaphore(%arg11 : memref<!tpu.dma_semaphore, #tpu.memory_space<semaphore_mem>>)
          %dma_start3A_255 = arith.constant 1 : i32
          %dma_start3A_256 = arith.constant 0 : i32
          %dma_start3A_257 = tpu.memref_slice %arg7[%dma_start3A_255, %dma_start3A_256] : memref<6x40xi32, #tpu.memory_space<vmem>> -> memref<1x40xi32, #tpu.memory_space<vmem>>
          %dma_start3A_258 = tpu.memref_squeeze %dma_start3A_257 : memref<1x40xi32, #tpu.memory_space<vmem>> -> memref<40xi32, #tpu.memory_space<vmem>>
          %dma_start3A_259 = arith.constant 0 : i32
          %dma_start3A_260 = tpu.memref_slice %arg4[%arg1, %add3A_238, %dma_start3A_259] : memref<16x250x40xi32, #tpu.memory_space<hbm>> -> memref<1x1x40xi32, #tpu.memory_space<hbm>>
          %dma_start3A_261 = tpu.memref_squeeze %dma_start3A_260 : memref<1x1x40xi32, #tpu.memory_space<hbm>> -> memref<40xi32, #tpu.memory_space<hbm>>
          %dma_start3A_262 = arith.constant 0 : i32
          %dma_start3A_263 = tpu.memref_slice %arg7[%dma_start3A_255, %dma_start3A_262] : memref<6x40xi32, #tpu.memory_space<vmem>> -> memref<1x40xi32, #tpu.memory_space<vmem>>
          %dma_start3A_264 = tpu.memref_squeeze %dma_start3A_263 : memref<1x40xi32, #tpu.memory_space<vmem>> -> memref<40xi32, #tpu.memory_space<vmem>>
          %dma_start3A_265 = arith.constant 0 : i32
          %dma_start3A_266 = tpu.memref_slice %arg4[%arg1, %add3A_238, %dma_start3A_265] : memref<16x250x40xi32, #tpu.memory_space<hbm>> -> memref<1x1x40xi32, #tpu.memory_space<hbm>>
          %dma_start3A_267 = tpu.memref_squeeze %dma_start3A_266 : memref<1x1x40xi32, #tpu.memory_space<hbm>> -> memref<40xi32, #tpu.memory_space<hbm>>
          tpu.enqueue_dma source(%dma_start3A_267 : memref<40xi32, #tpu.memory_space<hbm>>) target(%dma_start3A_264 : memref<40xi32, #tpu.memory_space<vmem>>) target_semaphore(%arg17 : memref<!tpu.dma_semaphore, #tpu.memory_space<semaphore_mem>>)
        } else {
        }
      } else {
      }
      %mul3A_177 = arith.constant 6 : i32
      %mul3A_178 = arith.muli %scan3A_159, %mul3A_177 : i32
      %add3A_179 = arith.constant 2 : i32
      %add3A_180 = arith.addi %mul3A_178, %add3A_179 : i32
      %lt3A_181 = arith.constant 250 : i32
      %lt3A_182 = arith.cmpi slt, %add3A_180, %lt3A_181 : i32
      %convert_element_type3A_183 = arith.extui %lt3A_182 : i1 to i32
      %cond3A_184 = arith.constant 0 : i32
      %cond3A_185 = arith.cmpi ne, %convert_element_type3A_183, %cond3A_184 : i32
      scf.if %cond3A_185 {
        %mul3A_213 = arith.constant 40 : i32
        %mul3A_214 = arith.muli %add3A_180, %mul3A_213 : i32
        %dma_wait3A = arith.constant 2 : i32
        %dma_wait3A_215 = arith.constant 0 : i32
        %dma_wait3A_216 = arith.constant 0 : i32
        %dma_wait3A_217 = tpu.memref_slice %arg8[%dma_wait3A, %dma_wait3A_215, %dma_wait3A_216] : memref<6x40x128xf32, #tpu.memory_space<vmem>> -> memref<1x40x128xf32, #tpu.memory_space<vmem>>
        %dma_wait3A_218 = tpu.memref_squeeze %dma_wait3A_217 : memref<1x40x128xf32, #tpu.memory_space<vmem>> -> memref<40x128xf32, #tpu.memory_space<vmem>>
        %dma_wait3A_219 = tpu.memref_slice %arg6[%mul3A_214] : memref<10000xi32, #tpu.memory_space<vmem>> -> memref<40xi32, #tpu.memory_space<vmem>>
        %dma_wait3A_220 = arith.constant 0 : i32
        %dma_wait3A_221 = arith.constant 0 : i32
        %dma_wait3A_222 = tpu.memref_slice %arg2[%dma_wait3A_220, %dma_wait3A_221] : memref<20000x128xf32, #tpu.memory_space<hbm>> -> memref<20000x128xf32, #tpu.memory_space<hbm>>
        tpu.wait_indirect_dma semaphore(%arg12 : memref<!tpu.dma_semaphore, #tpu.memory_space<semaphore_mem>>) src(%dma_wait3A_222 : memref<20000x128xf32, #tpu.memory_space<hbm>>) dst(%dma_wait3A_218 : memref<40x128xf32, #tpu.memory_space<vmem>>)
        %dma_wait3A_223 = arith.constant 2 : i32
        %dma_wait3A_224 = arith.constant 0 : i32
        %dma_wait3A_225 = tpu.memref_slice %arg7[%dma_wait3A_223, %dma_wait3A_224] : memref<6x40xi32, #tpu.memory_space<vmem>> -> memref<1x40xi32, #tpu.memory_space<vmem>>
        %dma_wait3A_226 = tpu.memref_squeeze %dma_wait3A_225 : memref<1x40xi32, #tpu.memory_space<vmem>> -> memref<40xi32, #tpu.memory_space<vmem>>
        %dma_wait3A_227 = arith.constant 0 : i32
        %dma_wait3A_228 = tpu.memref_slice %arg4[%arg1, %add3A_180, %dma_wait3A_227] : memref<16x250x40xi32, #tpu.memory_space<hbm>> -> memref<1x1x40xi32, #tpu.memory_space<hbm>>
        %dma_wait3A_229 = tpu.memref_squeeze %dma_wait3A_228 : memref<1x1x40xi32, #tpu.memory_space<hbm>> -> memref<40xi32, #tpu.memory_space<hbm>>
        %dma_wait3A_230 = arith.constant 0 : i32
        %dma_wait3A_231 = tpu.memref_slice %arg7[%dma_wait3A_223, %dma_wait3A_230] : memref<6x40xi32, #tpu.memory_space<vmem>> -> memref<1x40xi32, #tpu.memory_space<vmem>>
        %dma_wait3A_232 = tpu.memref_squeeze %dma_wait3A_231 : memref<1x40xi32, #tpu.memory_space<vmem>> -> memref<40xi32, #tpu.memory_space<vmem>>
        %dma_wait3A_233 = arith.constant 0 : i32
        %dma_wait3A_234 = tpu.memref_slice %arg4[%arg1, %add3A_180, %dma_wait3A_233] : memref<16x250x40xi32, #tpu.memory_space<hbm>> -> memref<1x1x40xi32, #tpu.memory_space<hbm>>
        %dma_wait3A_235 = tpu.memref_squeeze %dma_wait3A_234 : memref<1x1x40xi32, #tpu.memory_space<hbm>> -> memref<40xi32, #tpu.memory_space<hbm>>
        tpu.wait_dma2 semaphore(%arg18 : memref<!tpu.dma_semaphore, #tpu.memory_space<semaphore_mem>>) src(%dma_wait3A_235 : memref<40xi32, #tpu.memory_space<hbm>>) dst(%dma_wait3A_232 : memref<40xi32, #tpu.memory_space<vmem>>)
        %run_scoped3A = arith.constant 2 : i32
        %run_scoped3A_236 = arith.constant 2 : i32
        "tpu.region"() ({
          %run_scoped3A_244 = tpu.sem_alloc : memref<!tpu.dma_semaphore, #tpu.memory_space<semaphore_mem>>
          %dma_start3A_245 = arith.constant 0 : i32
          %dma_start3A_246 = arith.constant 0 : i32
          %dma_start3A_247 = tpu.memref_slice %arg8[%run_scoped3A, %dma_start3A_245, %dma_start3A_246] : memref<6x40x128xf32, #tpu.memory_space<vmem>> -> memref<1x40x128xf32, #tpu.memory_space<vmem>>
          %dma_start3A_248 = tpu.memref_squeeze %dma_start3A_247 : memref<1x40x128xf32, #tpu.memory_space<vmem>> -> memref<40x128xf32, #tpu.memory_space<vmem>>
          %dma_start3A_249 = arith.constant 0 : i32
          %dma_start3A_250 = tpu.memref_slice %arg7[%run_scoped3A_236, %dma_start3A_249] : memref<6x40xi32, #tpu.memory_space<vmem>> -> memref<1x40xi32, #tpu.memory_space<vmem>>
          %dma_start3A_251 = tpu.memref_squeeze %dma_start3A_250 : memref<1x40xi32, #tpu.memory_space<vmem>> -> memref<40xi32, #tpu.memory_space<vmem>>
          %dma_start3A_252 = arith.constant 0 : i32
          %dma_start3A_253 = arith.constant 0 : i32
          %dma_start3A_254 = tpu.memref_slice %arg9[%dma_start3A_252, %dma_start3A_253] : memref<10000x128xf32, #tpu.memory_space<vmem_shared>> -> memref<10000x128xf32, #tpu.memory_space<vmem_shared>>
          tpu.enqueue_indirect_dma source(%dma_start3A_248 : memref<40x128xf32, #tpu.memory_space<vmem>>) target(%dma_start3A_254 : memref<10000x128xf32, #tpu.memory_space<vmem_shared>>) offsets(%dma_start3A_251 : memref<40xi32, #tpu.memory_space<vmem>>) semaphore(%run_scoped3A_244 : memref<!tpu.dma_semaphore, #tpu.memory_space<semaphore_mem>>) {add = true}
          %dma_wait3A_255 = arith.constant 0 : i32
          %dma_wait3A_256 = arith.constant 0 : i32
          %dma_wait3A_257 = tpu.memref_slice %arg8[%run_scoped3A, %dma_wait3A_255, %dma_wait3A_256] : memref<6x40x128xf32, #tpu.memory_space<vmem>> -> memref<1x40x128xf32, #tpu.memory_space<vmem>>
          %dma_wait3A_258 = tpu.memref_squeeze %dma_wait3A_257 : memref<1x40x128xf32, #tpu.memory_space<vmem>> -> memref<40x128xf32, #tpu.memory_space<vmem>>
          %dma_wait3A_259 = arith.constant 0 : i32
          %dma_wait3A_260 = tpu.memref_slice %arg7[%run_scoped3A_236, %dma_wait3A_259] : memref<6x40xi32, #tpu.memory_space<vmem>> -> memref<1x40xi32, #tpu.memory_space<vmem>>
          %dma_wait3A_261 = tpu.memref_squeeze %dma_wait3A_260 : memref<1x40xi32, #tpu.memory_space<vmem>> -> memref<40xi32, #tpu.memory_space<vmem>>
          %dma_wait3A_262 = arith.constant 0 : i32
          %dma_wait3A_263 = arith.constant 0 : i32
          %dma_wait3A_264 = tpu.memref_slice %arg9[%dma_wait3A_262, %dma_wait3A_263] : memref<10000x128xf32, #tpu.memory_space<vmem_shared>> -> memref<10000x128xf32, #tpu.memory_space<vmem_shared>>
          tpu.wait_indirect_dma semaphore(%run_scoped3A_244 : memref<!tpu.dma_semaphore, #tpu.memory_space<semaphore_mem>>) src(%dma_wait3A_258 : memref<40x128xf32, #tpu.memory_space<vmem>>) dst(%dma_wait3A_264 : memref<10000x128xf32, #tpu.memory_space<vmem_shared>>)
          tpu.yield
        }) : () -> ()
        %add3A_237 = arith.constant 6 : i32
        %add3A_238 = arith.addi %add3A_180, %add3A_237 : i32
        %lt3A_239 = arith.constant 250 : i32
        %lt3A_240 = arith.cmpi slt, %add3A_238, %lt3A_239 : i32
        %convert_element_type3A_241 = arith.extui %lt3A_240 : i1 to i32
        %cond3A_242 = arith.constant 0 : i32
        %cond3A_243 = arith.cmpi ne, %convert_element_type3A_241, %cond3A_242 : i32
        scf.if %cond3A_243 {
          %mul3A_244 = arith.constant 40 : i32
          %mul3A_245 = arith.muli %add3A_238, %mul3A_244 : i32
          %dma_start3A_246 = arith.constant 2 : i32
          %dma_start3A_247 = arith.constant 0 : i32
          %dma_start3A_248 = arith.constant 0 : i32
          %dma_start3A_249 = tpu.memref_slice %arg8[%dma_start3A_246, %dma_start3A_247, %dma_start3A_248] : memref<6x40x128xf32, #tpu.memory_space<vmem>> -> memref<1x40x128xf32, #tpu.memory_space<vmem>>
          %dma_start3A_250 = tpu.memref_squeeze %dma_start3A_249 : memref<1x40x128xf32, #tpu.memory_space<vmem>> -> memref<40x128xf32, #tpu.memory_space<vmem>>
          %dma_start3A_251 = tpu.memref_slice %arg6[%mul3A_245] : memref<10000xi32, #tpu.memory_space<vmem>> -> memref<40xi32, #tpu.memory_space<vmem>>
          %dma_start3A_252 = arith.constant 0 : i32
          %dma_start3A_253 = arith.constant 0 : i32
          %dma_start3A_254 = tpu.memref_slice %arg2[%dma_start3A_252, %dma_start3A_253] : memref<20000x128xf32, #tpu.memory_space<hbm>> -> memref<20000x128xf32, #tpu.memory_space<hbm>>
          tpu.enqueue_indirect_dma source(%dma_start3A_254 : memref<20000x128xf32, #tpu.memory_space<hbm>>) target(%dma_start3A_250 : memref<40x128xf32, #tpu.memory_space<vmem>>) offsets(%dma_start3A_251 : memref<40xi32, #tpu.memory_space<vmem>>) semaphore(%arg12 : memref<!tpu.dma_semaphore, #tpu.memory_space<semaphore_mem>>)
          %dma_start3A_255 = arith.constant 2 : i32
          %dma_start3A_256 = arith.constant 0 : i32
          %dma_start3A_257 = tpu.memref_slice %arg7[%dma_start3A_255, %dma_start3A_256] : memref<6x40xi32, #tpu.memory_space<vmem>> -> memref<1x40xi32, #tpu.memory_space<vmem>>
          %dma_start3A_258 = tpu.memref_squeeze %dma_start3A_257 : memref<1x40xi32, #tpu.memory_space<vmem>> -> memref<40xi32, #tpu.memory_space<vmem>>
          %dma_start3A_259 = arith.constant 0 : i32
          %dma_start3A_260 = tpu.memref_slice %arg4[%arg1, %add3A_238, %dma_start3A_259] : memref<16x250x40xi32, #tpu.memory_space<hbm>> -> memref<1x1x40xi32, #tpu.memory_space<hbm>>
          %dma_start3A_261 = tpu.memref_squeeze %dma_start3A_260 : memref<1x1x40xi32, #tpu.memory_space<hbm>> -> memref<40xi32, #tpu.memory_space<hbm>>
          %dma_start3A_262 = arith.constant 0 : i32
          %dma_start3A_263 = tpu.memref_slice %arg7[%dma_start3A_255, %dma_start3A_262] : memref<6x40xi32, #tpu.memory_space<vmem>> -> memref<1x40xi32, #tpu.memory_space<vmem>>
          %dma_start3A_264 = tpu.memref_squeeze %dma_start3A_263 : memref<1x40xi32, #tpu.memory_space<vmem>> -> memref<40xi32, #tpu.memory_space<vmem>>
          %dma_start3A_265 = arith.constant 0 : i32
          %dma_start3A_266 = tpu.memref_slice %arg4[%arg1, %add3A_238, %dma_start3A_265] : memref<16x250x40xi32, #tpu.memory_space<hbm>> -> memref<1x1x40xi32, #tpu.memory_space<hbm>>
          %dma_start3A_267 = tpu.memref_squeeze %dma_start3A_266 : memref<1x1x40xi32, #tpu.memory_space<hbm>> -> memref<40xi32, #tpu.memory_space<hbm>>
          tpu.enqueue_dma source(%dma_start3A_267 : memref<40xi32, #tpu.memory_space<hbm>>) target(%dma_start3A_264 : memref<40xi32, #tpu.memory_space<vmem>>) target_semaphore(%arg18 : memref<!tpu.dma_semaphore, #tpu.memory_space<semaphore_mem>>)
        } else {
        }
      } else {
      }
      %mul3A_186 = arith.constant 6 : i32
      %mul3A_187 = arith.muli %scan3A_159, %mul3A_186 : i32
      %add3A_188 = arith.constant 3 : i32
      %add3A_189 = arith.addi %mul3A_187, %add3A_188 : i32
      %lt3A_190 = arith.constant 250 : i32
      %lt3A_191 = arith.cmpi slt, %add3A_189, %lt3A_190 : i32
      %convert_element_type3A_192 = arith.extui %lt3A_191 : i1 to i32
      %cond3A_193 = arith.constant 0 : i32
      %cond3A_194 = arith.cmpi ne, %convert_element_type3A_192, %cond3A_193 : i32
      scf.if %cond3A_194 {
        %mul3A_213 = arith.constant 40 : i32
        %mul3A_214 = arith.muli %add3A_189, %mul3A_213 : i32
        %dma_wait3A = arith.constant 3 : i32
        %dma_wait3A_215 = arith.constant 0 : i32
        %dma_wait3A_216 = arith.constant 0 : i32
        %dma_wait3A_217 = tpu.memref_slice %arg8[%dma_wait3A, %dma_wait3A_215, %dma_wait3A_216] : memref<6x40x128xf32, #tpu.memory_space<vmem>> -> memref<1x40x128xf32, #tpu.memory_space<vmem>>
        %dma_wait3A_218 = tpu.memref_squeeze %dma_wait3A_217 : memref<1x40x128xf32, #tpu.memory_space<vmem>> -> memref<40x128xf32, #tpu.memory_space<vmem>>
        %dma_wait3A_219 = tpu.memref_slice %arg6[%mul3A_214] : memref<10000xi32, #tpu.memory_space<vmem>> -> memref<40xi32, #tpu.memory_space<vmem>>
        %dma_wait3A_220 = arith.constant 0 : i32
        %dma_wait3A_221 = arith.constant 0 : i32
        %dma_wait3A_222 = tpu.memref_slice %arg2[%dma_wait3A_220, %dma_wait3A_221] : memref<20000x128xf32, #tpu.memory_space<hbm>> -> memref<20000x128xf32, #tpu.memory_space<hbm>>
        tpu.wait_indirect_dma semaphore(%arg13 : memref<!tpu.dma_semaphore, #tpu.memory_space<semaphore_mem>>) src(%dma_wait3A_222 : memref<20000x128xf32, #tpu.memory_space<hbm>>) dst(%dma_wait3A_218 : memref<40x128xf32, #tpu.memory_space<vmem>>)
        %dma_wait3A_223 = arith.constant 3 : i32
        %dma_wait3A_224 = arith.constant 0 : i32
        %dma_wait3A_225 = tpu.memref_slice %arg7[%dma_wait3A_223, %dma_wait3A_224] : memref<6x40xi32, #tpu.memory_space<vmem>> -> memref<1x40xi32, #tpu.memory_space<vmem>>
        %dma_wait3A_226 = tpu.memref_squeeze %dma_wait3A_225 : memref<1x40xi32, #tpu.memory_space<vmem>> -> memref<40xi32, #tpu.memory_space<vmem>>
        %dma_wait3A_227 = arith.constant 0 : i32
        %dma_wait3A_228 = tpu.memref_slice %arg4[%arg1, %add3A_189, %dma_wait3A_227] : memref<16x250x40xi32, #tpu.memory_space<hbm>> -> memref<1x1x40xi32, #tpu.memory_space<hbm>>
        %dma_wait3A_229 = tpu.memref_squeeze %dma_wait3A_228 : memref<1x1x40xi32, #tpu.memory_space<hbm>> -> memref<40xi32, #tpu.memory_space<hbm>>
        %dma_wait3A_230 = arith.constant 0 : i32
        %dma_wait3A_231 = tpu.memref_slice %arg7[%dma_wait3A_223, %dma_wait3A_230] : memref<6x40xi32, #tpu.memory_space<vmem>> -> memref<1x40xi32, #tpu.memory_space<vmem>>
        %dma_wait3A_232 = tpu.memref_squeeze %dma_wait3A_231 : memref<1x40xi32, #tpu.memory_space<vmem>> -> memref<40xi32, #tpu.memory_space<vmem>>
        %dma_wait3A_233 = arith.constant 0 : i32
        %dma_wait3A_234 = tpu.memref_slice %arg4[%arg1, %add3A_189, %dma_wait3A_233] : memref<16x250x40xi32, #tpu.memory_space<hbm>> -> memref<1x1x40xi32, #tpu.memory_space<hbm>>
        %dma_wait3A_235 = tpu.memref_squeeze %dma_wait3A_234 : memref<1x1x40xi32, #tpu.memory_space<hbm>> -> memref<40xi32, #tpu.memory_space<hbm>>
        tpu.wait_dma2 semaphore(%arg19 : memref<!tpu.dma_semaphore, #tpu.memory_space<semaphore_mem>>) src(%dma_wait3A_235 : memref<40xi32, #tpu.memory_space<hbm>>) dst(%dma_wait3A_232 : memref<40xi32, #tpu.memory_space<vmem>>)
        %run_scoped3A = arith.constant 3 : i32
        %run_scoped3A_236 = arith.constant 3 : i32
        "tpu.region"() ({
          %run_scoped3A_244 = tpu.sem_alloc : memref<!tpu.dma_semaphore, #tpu.memory_space<semaphore_mem>>
          %dma_start3A_245 = arith.constant 0 : i32
          %dma_start3A_246 = arith.constant 0 : i32
          %dma_start3A_247 = tpu.memref_slice %arg8[%run_scoped3A, %dma_start3A_245, %dma_start3A_246] : memref<6x40x128xf32, #tpu.memory_space<vmem>> -> memref<1x40x128xf32, #tpu.memory_space<vmem>>
          %dma_start3A_248 = tpu.memref_squeeze %dma_start3A_247 : memref<1x40x128xf32, #tpu.memory_space<vmem>> -> memref<40x128xf32, #tpu.memory_space<vmem>>
          %dma_start3A_249 = arith.constant 0 : i32
          %dma_start3A_250 = tpu.memref_slice %arg7[%run_scoped3A_236, %dma_start3A_249] : memref<6x40xi32, #tpu.memory_space<vmem>> -> memref<1x40xi32, #tpu.memory_space<vmem>>
          %dma_start3A_251 = tpu.memref_squeeze %dma_start3A_250 : memref<1x40xi32, #tpu.memory_space<vmem>> -> memref<40xi32, #tpu.memory_space<vmem>>
          %dma_start3A_252 = arith.constant 0 : i32
          %dma_start3A_253 = arith.constant 0 : i32
          %dma_start3A_254 = tpu.memref_slice %arg9[%dma_start3A_252, %dma_start3A_253] : memref<10000x128xf32, #tpu.memory_space<vmem_shared>> -> memref<10000x128xf32, #tpu.memory_space<vmem_shared>>
          tpu.enqueue_indirect_dma source(%dma_start3A_248 : memref<40x128xf32, #tpu.memory_space<vmem>>) target(%dma_start3A_254 : memref<10000x128xf32, #tpu.memory_space<vmem_shared>>) offsets(%dma_start3A_251 : memref<40xi32, #tpu.memory_space<vmem>>) semaphore(%run_scoped3A_244 : memref<!tpu.dma_semaphore, #tpu.memory_space<semaphore_mem>>) {add = true}
          %dma_wait3A_255 = arith.constant 0 : i32
          %dma_wait3A_256 = arith.constant 0 : i32
          %dma_wait3A_257 = tpu.memref_slice %arg8[%run_scoped3A, %dma_wait3A_255, %dma_wait3A_256] : memref<6x40x128xf32, #tpu.memory_space<vmem>> -> memref<1x40x128xf32, #tpu.memory_space<vmem>>
          %dma_wait3A_258 = tpu.memref_squeeze %dma_wait3A_257 : memref<1x40x128xf32, #tpu.memory_space<vmem>> -> memref<40x128xf32, #tpu.memory_space<vmem>>
          %dma_wait3A_259 = arith.constant 0 : i32
          %dma_wait3A_260 = tpu.memref_slice %arg7[%run_scoped3A_236, %dma_wait3A_259] : memref<6x40xi32, #tpu.memory_space<vmem>> -> memref<1x40xi32, #tpu.memory_space<vmem>>
          %dma_wait3A_261 = tpu.memref_squeeze %dma_wait3A_260 : memref<1x40xi32, #tpu.memory_space<vmem>> -> memref<40xi32, #tpu.memory_space<vmem>>
          %dma_wait3A_262 = arith.constant 0 : i32
          %dma_wait3A_263 = arith.constant 0 : i32
          %dma_wait3A_264 = tpu.memref_slice %arg9[%dma_wait3A_262, %dma_wait3A_263] : memref<10000x128xf32, #tpu.memory_space<vmem_shared>> -> memref<10000x128xf32, #tpu.memory_space<vmem_shared>>
          tpu.wait_indirect_dma semaphore(%run_scoped3A_244 : memref<!tpu.dma_semaphore, #tpu.memory_space<semaphore_mem>>) src(%dma_wait3A_258 : memref<40x128xf32, #tpu.memory_space<vmem>>) dst(%dma_wait3A_264 : memref<10000x128xf32, #tpu.memory_space<vmem_shared>>)
          tpu.yield
        }) : () -> ()
        %add3A_237 = arith.constant 6 : i32
        %add3A_238 = arith.addi %add3A_189, %add3A_237 : i32
        %lt3A_239 = arith.constant 250 : i32
        %lt3A_240 = arith.cmpi slt, %add3A_238, %lt3A_239 : i32
        %convert_element_type3A_241 = arith.extui %lt3A_240 : i1 to i32
        %cond3A_242 = arith.constant 0 : i32
        %cond3A_243 = arith.cmpi ne, %convert_element_type3A_241, %cond3A_242 : i32
        scf.if %cond3A_243 {
          %mul3A_244 = arith.constant 40 : i32
          %mul3A_245 = arith.muli %add3A_238, %mul3A_244 : i32
          %dma_start3A_246 = arith.constant 3 : i32
          %dma_start3A_247 = arith.constant 0 : i32
          %dma_start3A_248 = arith.constant 0 : i32
          %dma_start3A_249 = tpu.memref_slice %arg8[%dma_start3A_246, %dma_start3A_247, %dma_start3A_248] : memref<6x40x128xf32, #tpu.memory_space<vmem>> -> memref<1x40x128xf32, #tpu.memory_space<vmem>>
          %dma_start3A_250 = tpu.memref_squeeze %dma_start3A_249 : memref<1x40x128xf32, #tpu.memory_space<vmem>> -> memref<40x128xf32, #tpu.memory_space<vmem>>
          %dma_start3A_251 = tpu.memref_slice %arg6[%mul3A_245] : memref<10000xi32, #tpu.memory_space<vmem>> -> memref<40xi32, #tpu.memory_space<vmem>>
          %dma_start3A_252 = arith.constant 0 : i32
          %dma_start3A_253 = arith.constant 0 : i32
          %dma_start3A_254 = tpu.memref_slice %arg2[%dma_start3A_252, %dma_start3A_253] : memref<20000x128xf32, #tpu.memory_space<hbm>> -> memref<20000x128xf32, #tpu.memory_space<hbm>>
          tpu.enqueue_indirect_dma source(%dma_start3A_254 : memref<20000x128xf32, #tpu.memory_space<hbm>>) target(%dma_start3A_250 : memref<40x128xf32, #tpu.memory_space<vmem>>) offsets(%dma_start3A_251 : memref<40xi32, #tpu.memory_space<vmem>>) semaphore(%arg13 : memref<!tpu.dma_semaphore, #tpu.memory_space<semaphore_mem>>)
          %dma_start3A_255 = arith.constant 3 : i32
          %dma_start3A_256 = arith.constant 0 : i32
          %dma_start3A_257 = tpu.memref_slice %arg7[%dma_start3A_255, %dma_start3A_256] : memref<6x40xi32, #tpu.memory_space<vmem>> -> memref<1x40xi32, #tpu.memory_space<vmem>>
          %dma_start3A_258 = tpu.memref_squeeze %dma_start3A_257 : memref<1x40xi32, #tpu.memory_space<vmem>> -> memref<40xi32, #tpu.memory_space<vmem>>
          %dma_start3A_259 = arith.constant 0 : i32
          %dma_start3A_260 = tpu.memref_slice %arg4[%arg1, %add3A_238, %dma_start3A_259] : memref<16x250x40xi32, #tpu.memory_space<hbm>> -> memref<1x1x40xi32, #tpu.memory_space<hbm>>
          %dma_start3A_261 = tpu.memref_squeeze %dma_start3A_260 : memref<1x1x40xi32, #tpu.memory_space<hbm>> -> memref<40xi32, #tpu.memory_space<hbm>>
          %dma_start3A_262 = arith.constant 0 : i32
          %dma_start3A_263 = tpu.memref_slice %arg7[%dma_start3A_255, %dma_start3A_262] : memref<6x40xi32, #tpu.memory_space<vmem>> -> memref<1x40xi32, #tpu.memory_space<vmem>>
          %dma_start3A_264 = tpu.memref_squeeze %dma_start3A_263 : memref<1x40xi32, #tpu.memory_space<vmem>> -> memref<40xi32, #tpu.memory_space<vmem>>
          %dma_start3A_265 = arith.constant 0 : i32
          %dma_start3A_266 = tpu.memref_slice %arg4[%arg1, %add3A_238, %dma_start3A_265] : memref<16x250x40xi32, #tpu.memory_space<hbm>> -> memref<1x1x40xi32, #tpu.memory_space<hbm>>
          %dma_start3A_267 = tpu.memref_squeeze %dma_start3A_266 : memref<1x1x40xi32, #tpu.memory_space<hbm>> -> memref<40xi32, #tpu.memory_space<hbm>>
          tpu.enqueue_dma source(%dma_start3A_267 : memref<40xi32, #tpu.memory_space<hbm>>) target(%dma_start3A_264 : memref<40xi32, #tpu.memory_space<vmem>>) target_semaphore(%arg19 : memref<!tpu.dma_semaphore, #tpu.memory_space<semaphore_mem>>)
        } else {
        }
      } else {
      }
      %mul3A_195 = arith.constant 6 : i32
      %mul3A_196 = arith.muli %scan3A_159, %mul3A_195 : i32
      %add3A_197 = arith.constant 4 : i32
      %add3A_198 = arith.addi %mul3A_196, %add3A_197 : i32
      %lt3A_199 = arith.constant 250 : i32
      %lt3A_200 = arith.cmpi slt, %add3A_198, %lt3A_199 : i32
      %convert_element_type3A_201 = arith.extui %lt3A_200 : i1 to i32
      %cond3A_202 = arith.constant 0 : i32
      %cond3A_203 = arith.cmpi ne, %convert_element_type3A_201, %cond3A_202 : i32
      scf.if %cond3A_203 {
        %mul3A_213 = arith.constant 40 : i32
        %mul3A_214 = arith.muli %add3A_198, %mul3A_213 : i32
        %dma_wait3A = arith.constant 4 : i32
        %dma_wait3A_215 = arith.constant 0 : i32
        %dma_wait3A_216 = arith.constant 0 : i32
        %dma_wait3A_217 = tpu.memref_slice %arg8[%dma_wait3A, %dma_wait3A_215, %dma_wait3A_216] : memref<6x40x128xf32, #tpu.memory_space<vmem>> -> memref<1x40x128xf32, #tpu.memory_space<vmem>>
        %dma_wait3A_218 = tpu.memref_squeeze %dma_wait3A_217 : memref<1x40x128xf32, #tpu.memory_space<vmem>> -> memref<40x128xf32, #tpu.memory_space<vmem>>
        %dma_wait3A_219 = tpu.memref_slice %arg6[%mul3A_214] : memref<10000xi32, #tpu.memory_space<vmem>> -> memref<40xi32, #tpu.memory_space<vmem>>
        %dma_wait3A_220 = arith.constant 0 : i32
        %dma_wait3A_221 = arith.constant 0 : i32
        %dma_wait3A_222 = tpu.memref_slice %arg2[%dma_wait3A_220, %dma_wait3A_221] : memref<20000x128xf32, #tpu.memory_space<hbm>> -> memref<20000x128xf32, #tpu.memory_space<hbm>>
        tpu.wait_indirect_dma semaphore(%arg14 : memref<!tpu.dma_semaphore, #tpu.memory_space<semaphore_mem>>) src(%dma_wait3A_222 : memref<20000x128xf32, #tpu.memory_space<hbm>>) dst(%dma_wait3A_218 : memref<40x128xf32, #tpu.memory_space<vmem>>)
        %dma_wait3A_223 = arith.constant 4 : i32
        %dma_wait3A_224 = arith.constant 0 : i32
        %dma_wait3A_225 = tpu.memref_slice %arg7[%dma_wait3A_223, %dma_wait3A_224] : memref<6x40xi32, #tpu.memory_space<vmem>> -> memref<1x40xi32, #tpu.memory_space<vmem>>
        %dma_wait3A_226 = tpu.memref_squeeze %dma_wait3A_225 : memref<1x40xi32, #tpu.memory_space<vmem>> -> memref<40xi32, #tpu.memory_space<vmem>>
        %dma_wait3A_227 = arith.constant 0 : i32
        %dma_wait3A_228 = tpu.memref_slice %arg4[%arg1, %add3A_198, %dma_wait3A_227] : memref<16x250x40xi32, #tpu.memory_space<hbm>> -> memref<1x1x40xi32, #tpu.memory_space<hbm>>
        %dma_wait3A_229 = tpu.memref_squeeze %dma_wait3A_228 : memref<1x1x40xi32, #tpu.memory_space<hbm>> -> memref<40xi32, #tpu.memory_space<hbm>>
        %dma_wait3A_230 = arith.constant 0 : i32
        %dma_wait3A_231 = tpu.memref_slice %arg7[%dma_wait3A_223, %dma_wait3A_230] : memref<6x40xi32, #tpu.memory_space<vmem>> -> memref<1x40xi32, #tpu.memory_space<vmem>>
        %dma_wait3A_232 = tpu.memref_squeeze %dma_wait3A_231 : memref<1x40xi32, #tpu.memory_space<vmem>> -> memref<40xi32, #tpu.memory_space<vmem>>
        %dma_wait3A_233 = arith.constant 0 : i32
        %dma_wait3A_234 = tpu.memref_slice %arg4[%arg1, %add3A_198, %dma_wait3A_233] : memref<16x250x40xi32, #tpu.memory_space<hbm>> -> memref<1x1x40xi32, #tpu.memory_space<hbm>>
        %dma_wait3A_235 = tpu.memref_squeeze %dma_wait3A_234 : memref<1x1x40xi32, #tpu.memory_space<hbm>> -> memref<40xi32, #tpu.memory_space<hbm>>
        tpu.wait_dma2 semaphore(%arg20 : memref<!tpu.dma_semaphore, #tpu.memory_space<semaphore_mem>>) src(%dma_wait3A_235 : memref<40xi32, #tpu.memory_space<hbm>>) dst(%dma_wait3A_232 : memref<40xi32, #tpu.memory_space<vmem>>)
        %run_scoped3A = arith.constant 4 : i32
        %run_scoped3A_236 = arith.constant 4 : i32
        "tpu.region"() ({
          %run_scoped3A_244 = tpu.sem_alloc : memref<!tpu.dma_semaphore, #tpu.memory_space<semaphore_mem>>
          %dma_start3A_245 = arith.constant 0 : i32
          %dma_start3A_246 = arith.constant 0 : i32
          %dma_start3A_247 = tpu.memref_slice %arg8[%run_scoped3A, %dma_start3A_245, %dma_start3A_246] : memref<6x40x128xf32, #tpu.memory_space<vmem>> -> memref<1x40x128xf32, #tpu.memory_space<vmem>>
          %dma_start3A_248 = tpu.memref_squeeze %dma_start3A_247 : memref<1x40x128xf32, #tpu.memory_space<vmem>> -> memref<40x128xf32, #tpu.memory_space<vmem>>
          %dma_start3A_249 = arith.constant 0 : i32
          %dma_start3A_250 = tpu.memref_slice %arg7[%run_scoped3A_236, %dma_start3A_249] : memref<6x40xi32, #tpu.memory_space<vmem>> -> memref<1x40xi32, #tpu.memory_space<vmem>>
          %dma_start3A_251 = tpu.memref_squeeze %dma_start3A_250 : memref<1x40xi32, #tpu.memory_space<vmem>> -> memref<40xi32, #tpu.memory_space<vmem>>
          %dma_start3A_252 = arith.constant 0 : i32
          %dma_start3A_253 = arith.constant 0 : i32
          %dma_start3A_254 = tpu.memref_slice %arg9[%dma_start3A_252, %dma_start3A_253] : memref<10000x128xf32, #tpu.memory_space<vmem_shared>> -> memref<10000x128xf32, #tpu.memory_space<vmem_shared>>
          tpu.enqueue_indirect_dma source(%dma_start3A_248 : memref<40x128xf32, #tpu.memory_space<vmem>>) target(%dma_start3A_254 : memref<10000x128xf32, #tpu.memory_space<vmem_shared>>) offsets(%dma_start3A_251 : memref<40xi32, #tpu.memory_space<vmem>>) semaphore(%run_scoped3A_244 : memref<!tpu.dma_semaphore, #tpu.memory_space<semaphore_mem>>) {add = true}
          %dma_wait3A_255 = arith.constant 0 : i32
          %dma_wait3A_256 = arith.constant 0 : i32
          %dma_wait3A_257 = tpu.memref_slice %arg8[%run_scoped3A, %dma_wait3A_255, %dma_wait3A_256] : memref<6x40x128xf32, #tpu.memory_space<vmem>> -> memref<1x40x128xf32, #tpu.memory_space<vmem>>
          %dma_wait3A_258 = tpu.memref_squeeze %dma_wait3A_257 : memref<1x40x128xf32, #tpu.memory_space<vmem>> -> memref<40x128xf32, #tpu.memory_space<vmem>>
          %dma_wait3A_259 = arith.constant 0 : i32
          %dma_wait3A_260 = tpu.memref_slice %arg7[%run_scoped3A_236, %dma_wait3A_259] : memref<6x40xi32, #tpu.memory_space<vmem>> -> memref<1x40xi32, #tpu.memory_space<vmem>>
          %dma_wait3A_261 = tpu.memref_squeeze %dma_wait3A_260 : memref<1x40xi32, #tpu.memory_space<vmem>> -> memref<40xi32, #tpu.memory_space<vmem>>
          %dma_wait3A_262 = arith.constant 0 : i32
          %dma_wait3A_263 = arith.constant 0 : i32
          %dma_wait3A_264 = tpu.memref_slice %arg9[%dma_wait3A_262, %dma_wait3A_263] : memref<10000x128xf32, #tpu.memory_space<vmem_shared>> -> memref<10000x128xf32, #tpu.memory_space<vmem_shared>>
          tpu.wait_indirect_dma semaphore(%run_scoped3A_244 : memref<!tpu.dma_semaphore, #tpu.memory_space<semaphore_mem>>) src(%dma_wait3A_258 : memref<40x128xf32, #tpu.memory_space<vmem>>) dst(%dma_wait3A_264 : memref<10000x128xf32, #tpu.memory_space<vmem_shared>>)
          tpu.yield
        }) : () -> ()
        %add3A_237 = arith.constant 6 : i32
        %add3A_238 = arith.addi %add3A_198, %add3A_237 : i32
        %lt3A_239 = arith.constant 250 : i32
        %lt3A_240 = arith.cmpi slt, %add3A_238, %lt3A_239 : i32
        %convert_element_type3A_241 = arith.extui %lt3A_240 : i1 to i32
        %cond3A_242 = arith.constant 0 : i32
        %cond3A_243 = arith.cmpi ne, %convert_element_type3A_241, %cond3A_242 : i32
        scf.if %cond3A_243 {
          %mul3A_244 = arith.constant 40 : i32
          %mul3A_245 = arith.muli %add3A_238, %mul3A_244 : i32
          %dma_start3A_246 = arith.constant 4 : i32
          %dma_start3A_247 = arith.constant 0 : i32
          %dma_start3A_248 = arith.constant 0 : i32
          %dma_start3A_249 = tpu.memref_slice %arg8[%dma_start3A_246, %dma_start3A_247, %dma_start3A_248] : memref<6x40x128xf32, #tpu.memory_space<vmem>> -> memref<1x40x128xf32, #tpu.memory_space<vmem>>
          %dma_start3A_250 = tpu.memref_squeeze %dma_start3A_249 : memref<1x40x128xf32, #tpu.memory_space<vmem>> -> memref<40x128xf32, #tpu.memory_space<vmem>>
          %dma_start3A_251 = tpu.memref_slice %arg6[%mul3A_245] : memref<10000xi32, #tpu.memory_space<vmem>> -> memref<40xi32, #tpu.memory_space<vmem>>
          %dma_start3A_252 = arith.constant 0 : i32
          %dma_start3A_253 = arith.constant 0 : i32
          %dma_start3A_254 = tpu.memref_slice %arg2[%dma_start3A_252, %dma_start3A_253] : memref<20000x128xf32, #tpu.memory_space<hbm>> -> memref<20000x128xf32, #tpu.memory_space<hbm>>
          tpu.enqueue_indirect_dma source(%dma_start3A_254 : memref<20000x128xf32, #tpu.memory_space<hbm>>) target(%dma_start3A_250 : memref<40x128xf32, #tpu.memory_space<vmem>>) offsets(%dma_start3A_251 : memref<40xi32, #tpu.memory_space<vmem>>) semaphore(%arg14 : memref<!tpu.dma_semaphore, #tpu.memory_space<semaphore_mem>>)
          %dma_start3A_255 = arith.constant 4 : i32
          %dma_start3A_256 = arith.constant 0 : i32
          %dma_start3A_257 = tpu.memref_slice %arg7[%dma_start3A_255, %dma_start3A_256] : memref<6x40xi32, #tpu.memory_space<vmem>> -> memref<1x40xi32, #tpu.memory_space<vmem>>
          %dma_start3A_258 = tpu.memref_squeeze %dma_start3A_257 : memref<1x40xi32, #tpu.memory_space<vmem>> -> memref<40xi32, #tpu.memory_space<vmem>>
          %dma_start3A_259 = arith.constant 0 : i32
          %dma_start3A_260 = tpu.memref_slice %arg4[%arg1, %add3A_238, %dma_start3A_259] : memref<16x250x40xi32, #tpu.memory_space<hbm>> -> memref<1x1x40xi32, #tpu.memory_space<hbm>>
          %dma_start3A_261 = tpu.memref_squeeze %dma_start3A_260 : memref<1x1x40xi32, #tpu.memory_space<hbm>> -> memref<40xi32, #tpu.memory_space<hbm>>
          %dma_start3A_262 = arith.constant 0 : i32
          %dma_start3A_263 = tpu.memref_slice %arg7[%dma_start3A_255, %dma_start3A_262] : memref<6x40xi32, #tpu.memory_space<vmem>> -> memref<1x40xi32, #tpu.memory_space<vmem>>
          %dma_start3A_264 = tpu.memref_squeeze %dma_start3A_263 : memref<1x40xi32, #tpu.memory_space<vmem>> -> memref<40xi32, #tpu.memory_space<vmem>>
          %dma_start3A_265 = arith.constant 0 : i32
          %dma_start3A_266 = tpu.memref_slice %arg4[%arg1, %add3A_238, %dma_start3A_265] : memref<16x250x40xi32, #tpu.memory_space<hbm>> -> memref<1x1x40xi32, #tpu.memory_space<hbm>>
          %dma_start3A_267 = tpu.memref_squeeze %dma_start3A_266 : memref<1x1x40xi32, #tpu.memory_space<hbm>> -> memref<40xi32, #tpu.memory_space<hbm>>
          tpu.enqueue_dma source(%dma_start3A_267 : memref<40xi32, #tpu.memory_space<hbm>>) target(%dma_start3A_264 : memref<40xi32, #tpu.memory_space<vmem>>) target_semaphore(%arg20 : memref<!tpu.dma_semaphore, #tpu.memory_space<semaphore_mem>>)
        } else {
        }
      } else {
      }
      %mul3A_204 = arith.constant 6 : i32
      %mul3A_205 = arith.muli %scan3A_159, %mul3A_204 : i32
      %add3A_206 = arith.constant 5 : i32
      %add3A_207 = arith.addi %mul3A_205, %add3A_206 : i32
      %lt3A_208 = arith.constant 250 : i32
      %lt3A_209 = arith.cmpi slt, %add3A_207, %lt3A_208 : i32
      %convert_element_type3A_210 = arith.extui %lt3A_209 : i1 to i32
      %cond3A_211 = arith.constant 0 : i32
      %cond3A_212 = arith.cmpi ne, %convert_element_type3A_210, %cond3A_211 : i32
      scf.if %cond3A_212 {
        %mul3A_213 = arith.constant 40 : i32
        %mul3A_214 = arith.muli %add3A_207, %mul3A_213 : i32
        %dma_wait3A = arith.constant 5 : i32
        %dma_wait3A_215 = arith.constant 0 : i32
        %dma_wait3A_216 = arith.constant 0 : i32
        %dma_wait3A_217 = tpu.memref_slice %arg8[%dma_wait3A, %dma_wait3A_215, %dma_wait3A_216] : memref<6x40x128xf32, #tpu.memory_space<vmem>> -> memref<1x40x128xf32, #tpu.memory_space<vmem>>
        %dma_wait3A_218 = tpu.memref_squeeze %dma_wait3A_217 : memref<1x40x128xf32, #tpu.memory_space<vmem>> -> memref<40x128xf32, #tpu.memory_space<vmem>>
        %dma_wait3A_219 = tpu.memref_slice %arg6[%mul3A_214] : memref<10000xi32, #tpu.memory_space<vmem>> -> memref<40xi32, #tpu.memory_space<vmem>>
        %dma_wait3A_220 = arith.constant 0 : i32
        %dma_wait3A_221 = arith.constant 0 : i32
        %dma_wait3A_222 = tpu.memref_slice %arg2[%dma_wait3A_220, %dma_wait3A_221] : memref<20000x128xf32, #tpu.memory_space<hbm>> -> memref<20000x128xf32, #tpu.memory_space<hbm>>
        tpu.wait_indirect_dma semaphore(%arg15 : memref<!tpu.dma_semaphore, #tpu.memory_space<semaphore_mem>>) src(%dma_wait3A_222 : memref<20000x128xf32, #tpu.memory_space<hbm>>) dst(%dma_wait3A_218 : memref<40x128xf32, #tpu.memory_space<vmem>>)
        %dma_wait3A_223 = arith.constant 5 : i32
        %dma_wait3A_224 = arith.constant 0 : i32
        %dma_wait3A_225 = tpu.memref_slice %arg7[%dma_wait3A_223, %dma_wait3A_224] : memref<6x40xi32, #tpu.memory_space<vmem>> -> memref<1x40xi32, #tpu.memory_space<vmem>>
        %dma_wait3A_226 = tpu.memref_squeeze %dma_wait3A_225 : memref<1x40xi32, #tpu.memory_space<vmem>> -> memref<40xi32, #tpu.memory_space<vmem>>
        %dma_wait3A_227 = arith.constant 0 : i32
        %dma_wait3A_228 = tpu.memref_slice %arg4[%arg1, %add3A_207, %dma_wait3A_227] : memref<16x250x40xi32, #tpu.memory_space<hbm>> -> memref<1x1x40xi32, #tpu.memory_space<hbm>>
        %dma_wait3A_229 = tpu.memref_squeeze %dma_wait3A_228 : memref<1x1x40xi32, #tpu.memory_space<hbm>> -> memref<40xi32, #tpu.memory_space<hbm>>
        %dma_wait3A_230 = arith.constant 0 : i32
        %dma_wait3A_231 = tpu.memref_slice %arg7[%dma_wait3A_223, %dma_wait3A_230] : memref<6x40xi32, #tpu.memory_space<vmem>> -> memref<1x40xi32, #tpu.memory_space<vmem>>
        %dma_wait3A_232 = tpu.memref_squeeze %dma_wait3A_231 : memref<1x40xi32, #tpu.memory_space<vmem>> -> memref<40xi32, #tpu.memory_space<vmem>>
        %dma_wait3A_233 = arith.constant 0 : i32
        %dma_wait3A_234 = tpu.memref_slice %arg4[%arg1, %add3A_207, %dma_wait3A_233] : memref<16x250x40xi32, #tpu.memory_space<hbm>> -> memref<1x1x40xi32, #tpu.memory_space<hbm>>
        %dma_wait3A_235 = tpu.memref_squeeze %dma_wait3A_234 : memref<1x1x40xi32, #tpu.memory_space<hbm>> -> memref<40xi32, #tpu.memory_space<hbm>>
        tpu.wait_dma2 semaphore(%arg21 : memref<!tpu.dma_semaphore, #tpu.memory_space<semaphore_mem>>) src(%dma_wait3A_235 : memref<40xi32, #tpu.memory_space<hbm>>) dst(%dma_wait3A_232 : memref<40xi32, #tpu.memory_space<vmem>>)
        %run_scoped3A = arith.constant 5 : i32
        %run_scoped3A_236 = arith.constant 5 : i32
        "tpu.region"() ({
          %run_scoped3A_244 = tpu.sem_alloc : memref<!tpu.dma_semaphore, #tpu.memory_space<semaphore_mem>>
          %dma_start3A_245 = arith.constant 0 : i32
          %dma_start3A_246 = arith.constant 0 : i32
          %dma_start3A_247 = tpu.memref_slice %arg8[%run_scoped3A, %dma_start3A_245, %dma_start3A_246] : memref<6x40x128xf32, #tpu.memory_space<vmem>> -> memref<1x40x128xf32, #tpu.memory_space<vmem>>
          %dma_start3A_248 = tpu.memref_squeeze %dma_start3A_247 : memref<1x40x128xf32, #tpu.memory_space<vmem>> -> memref<40x128xf32, #tpu.memory_space<vmem>>
          %dma_start3A_249 = arith.constant 0 : i32
          %dma_start3A_250 = tpu.memref_slice %arg7[%run_scoped3A_236, %dma_start3A_249] : memref<6x40xi32, #tpu.memory_space<vmem>> -> memref<1x40xi32, #tpu.memory_space<vmem>>
          %dma_start3A_251 = tpu.memref_squeeze %dma_start3A_250 : memref<1x40xi32, #tpu.memory_space<vmem>> -> memref<40xi32, #tpu.memory_space<vmem>>
          %dma_start3A_252 = arith.constant 0 : i32
          %dma_start3A_253 = arith.constant 0 : i32
          %dma_start3A_254 = tpu.memref_slice %arg9[%dma_start3A_252, %dma_start3A_253] : memref<10000x128xf32, #tpu.memory_space<vmem_shared>> -> memref<10000x128xf32, #tpu.memory_space<vmem_shared>>
          tpu.enqueue_indirect_dma source(%dma_start3A_248 : memref<40x128xf32, #tpu.memory_space<vmem>>) target(%dma_start3A_254 : memref<10000x128xf32, #tpu.memory_space<vmem_shared>>) offsets(%dma_start3A_251 : memref<40xi32, #tpu.memory_space<vmem>>) semaphore(%run_scoped3A_244 : memref<!tpu.dma_semaphore, #tpu.memory_space<semaphore_mem>>) {add = true}
          %dma_wait3A_255 = arith.constant 0 : i32
          %dma_wait3A_256 = arith.constant 0 : i32
          %dma_wait3A_257 = tpu.memref_slice %arg8[%run_scoped3A, %dma_wait3A_255, %dma_wait3A_256] : memref<6x40x128xf32, #tpu.memory_space<vmem>> -> memref<1x40x128xf32, #tpu.memory_space<vmem>>
          %dma_wait3A_258 = tpu.memref_squeeze %dma_wait3A_257 : memref<1x40x128xf32, #tpu.memory_space<vmem>> -> memref<40x128xf32, #tpu.memory_space<vmem>>
          %dma_wait3A_259 = arith.constant 0 : i32
          %dma_wait3A_260 = tpu.memref_slice %arg7[%run_scoped3A_236, %dma_wait3A_259] : memref<6x40xi32, #tpu.memory_space<vmem>> -> memref<1x40xi32, #tpu.memory_space<vmem>>
          %dma_wait3A_261 = tpu.memref_squeeze %dma_wait3A_260 : memref<1x40xi32, #tpu.memory_space<vmem>> -> memref<40xi32, #tpu.memory_space<vmem>>
          %dma_wait3A_262 = arith.constant 0 : i32
          %dma_wait3A_263 = arith.constant 0 : i32
          %dma_wait3A_264 = tpu.memref_slice %arg9[%dma_wait3A_262, %dma_wait3A_263] : memref<10000x128xf32, #tpu.memory_space<vmem_shared>> -> memref<10000x128xf32, #tpu.memory_space<vmem_shared>>
          tpu.wait_indirect_dma semaphore(%run_scoped3A_244 : memref<!tpu.dma_semaphore, #tpu.memory_space<semaphore_mem>>) src(%dma_wait3A_258 : memref<40x128xf32, #tpu.memory_space<vmem>>) dst(%dma_wait3A_264 : memref<10000x128xf32, #tpu.memory_space<vmem_shared>>)
          tpu.yield
        }) : () -> ()
        %add3A_237 = arith.constant 6 : i32
        %add3A_238 = arith.addi %add3A_207, %add3A_237 : i32
        %lt3A_239 = arith.constant 250 : i32
        %lt3A_240 = arith.cmpi slt, %add3A_238, %lt3A_239 : i32
        %convert_element_type3A_241 = arith.extui %lt3A_240 : i1 to i32
        %cond3A_242 = arith.constant 0 : i32
        %cond3A_243 = arith.cmpi ne, %convert_element_type3A_241, %cond3A_242 : i32
        scf.if %cond3A_243 {
          %mul3A_244 = arith.constant 40 : i32
          %mul3A_245 = arith.muli %add3A_238, %mul3A_244 : i32
          %dma_start3A_246 = arith.constant 5 : i32
          %dma_start3A_247 = arith.constant 0 : i32
          %dma_start3A_248 = arith.constant 0 : i32
          %dma_start3A_249 = tpu.memref_slice %arg8[%dma_start3A_246, %dma_start3A_247, %dma_start3A_248] : memref<6x40x128xf32, #tpu.memory_space<vmem>> -> memref<1x40x128xf32, #tpu.memory_space<vmem>>
          %dma_start3A_250 = tpu.memref_squeeze %dma_start3A_249 : memref<1x40x128xf32, #tpu.memory_space<vmem>> -> memref<40x128xf32, #tpu.memory_space<vmem>>
          %dma_start3A_251 = tpu.memref_slice %arg6[%mul3A_245] : memref<10000xi32, #tpu.memory_space<vmem>> -> memref<40xi32, #tpu.memory_space<vmem>>
          %dma_start3A_252 = arith.constant 0 : i32
          %dma_start3A_253 = arith.constant 0 : i32
          %dma_start3A_254 = tpu.memref_slice %arg2[%dma_start3A_252, %dma_start3A_253] : memref<20000x128xf32, #tpu.memory_space<hbm>> -> memref<20000x128xf32, #tpu.memory_space<hbm>>
          tpu.enqueue_indirect_dma source(%dma_start3A_254 : memref<20000x128xf32, #tpu.memory_space<hbm>>) target(%dma_start3A_250 : memref<40x128xf32, #tpu.memory_space<vmem>>) offsets(%dma_start3A_251 : memref<40xi32, #tpu.memory_space<vmem>>) semaphore(%arg15 : memref<!tpu.dma_semaphore, #tpu.memory_space<semaphore_mem>>)
          %dma_start3A_255 = arith.constant 5 : i32
          %dma_start3A_256 = arith.constant 0 : i32
          %dma_start3A_257 = tpu.memref_slice %arg7[%dma_start3A_255, %dma_start3A_256] : memref<6x40xi32, #tpu.memory_space<vmem>> -> memref<1x40xi32, #tpu.memory_space<vmem>>
          %dma_start3A_258 = tpu.memref_squeeze %dma_start3A_257 : memref<1x40xi32, #tpu.memory_space<vmem>> -> memref<40xi32, #tpu.memory_space<vmem>>
          %dma_start3A_259 = arith.constant 0 : i32
          %dma_start3A_260 = tpu.memref_slice %arg4[%arg1, %add3A_238, %dma_start3A_259] : memref<16x250x40xi32, #tpu.memory_space<hbm>> -> memref<1x1x40xi32, #tpu.memory_space<hbm>>
          %dma_start3A_261 = tpu.memref_squeeze %dma_start3A_260 : memref<1x1x40xi32, #tpu.memory_space<hbm>> -> memref<40xi32, #tpu.memory_space<hbm>>
          %dma_start3A_262 = arith.constant 0 : i32
          %dma_start3A_263 = tpu.memref_slice %arg7[%dma_start3A_255, %dma_start3A_262] : memref<6x40xi32, #tpu.memory_space<vmem>> -> memref<1x40xi32, #tpu.memory_space<vmem>>
          %dma_start3A_264 = tpu.memref_squeeze %dma_start3A_263 : memref<1x40xi32, #tpu.memory_space<vmem>> -> memref<40xi32, #tpu.memory_space<vmem>>
          %dma_start3A_265 = arith.constant 0 : i32
          %dma_start3A_266 = tpu.memref_slice %arg4[%arg1, %add3A_238, %dma_start3A_265] : memref<16x250x40xi32, #tpu.memory_space<hbm>> -> memref<1x1x40xi32, #tpu.memory_space<hbm>>
          %dma_start3A_267 = tpu.memref_squeeze %dma_start3A_266 : memref<1x1x40xi32, #tpu.memory_space<hbm>> -> memref<40xi32, #tpu.memory_space<hbm>>
          tpu.enqueue_dma source(%dma_start3A_267 : memref<40xi32, #tpu.memory_space<hbm>>) target(%dma_start3A_264 : memref<40xi32, #tpu.memory_space<vmem>>) target_semaphore(%arg21 : memref<!tpu.dma_semaphore, #tpu.memory_space<semaphore_mem>>)
        } else {
        }
      } else {
      }
    }
    %scan3A_152 = arith.constant 42 : i32
    %barrier3A_153 = arith.constant 0 : index
    tpu.barrier barrier_id(%barrier3A_153)
    "tpu.region"() ({
      %run_scoped3A = tpu.sem_alloc : memref<!tpu.dma_semaphore, #tpu.memory_space<semaphore_mem>>
      %dma_start3A_159 = arith.constant 0 : i32
      %dma_start3A_160 = tpu.memref_slice %arg5[%add3A, %dma_start3A_159] : memref<20000x128xf32, #tpu.memory_space<hbm>> -> memref<624x128xf32, #tpu.memory_space<hbm>>
      %dma_start3A_161 = arith.constant 0 : i32
      %dma_start3A_162 = tpu.memref_slice %arg9[%mul3A_0, %dma_start3A_161] : memref<10000x128xf32, #tpu.memory_space<vmem_shared>> -> memref<624x128xf32, #tpu.memory_space<vmem_shared>>
      tpu.enqueue_dma source(%dma_start3A_162 : memref<624x128xf32, #tpu.memory_space<vmem_shared>>) target(%dma_start3A_160 : memref<624x128xf32, #tpu.memory_space<hbm>>) target_semaphore(%run_scoped3A : memref<!tpu.dma_semaphore, #tpu.memory_space<semaphore_mem>>)
      %dma_wait3A = arith.constant 0 : i32
      %dma_wait3A_163 = tpu.memref_slice %arg5[%add3A, %dma_wait3A] : memref<20000x128xf32, #tpu.memory_space<hbm>> -> memref<624x128xf32, #tpu.memory_space<hbm>>
      %dma_wait3A_164 = arith.constant 0 : i32
      %dma_wait3A_165 = tpu.memref_slice %arg9[%mul3A_0, %dma_wait3A_164] : memref<10000x128xf32, #tpu.memory_space<vmem_shared>> -> memref<624x128xf32, #tpu.memory_space<vmem_shared>>
      tpu.wait_dma2 semaphore(%run_scoped3A : memref<!tpu.dma_semaphore, #tpu.memory_space<semaphore_mem>>) src(%dma_wait3A_165 : memref<624x128xf32, #tpu.memory_space<vmem_shared>>) dst(%dma_wait3A_163 : memref<624x128xf32, #tpu.memory_space<hbm>>)
      tpu.yield
    }) : () -> ()
    %eq3A_154 = arith.constant 0 : i32
    %eq3A_155 = arith.cmpi eq, %arg1, %eq3A_154 : i32
    %convert_element_type3A_156 = arith.extui %eq3A_155 : i1 to i32
    %cond3A_157 = arith.constant 0 : i32
    %cond3A_158 = arith.cmpi ne, %convert_element_type3A_156, %cond3A_157 : i32
    scf.if %cond3A_158 {
      %mul3A_159 = arith.constant 10000 : i32
      %mul3A_160 = arith.muli %arg0, %mul3A_159 : i32
      %add3A_161 = arith.constant 9984 : i32
      %add3A_162 = arith.addi %mul3A_160, %add3A_161 : i32
      "tpu.region"() ({
        %run_scoped3A = tpu.sem_alloc : memref<!tpu.dma_semaphore, #tpu.memory_space<semaphore_mem>>
        %dma_start3A_163 = arith.constant 0 : i32
        %dma_start3A_164 = tpu.memref_slice %arg5[%add3A_162, %dma_start3A_163] : memref<20000x128xf32, #tpu.memory_space<hbm>> -> memref<16x128xf32, #tpu.memory_space<hbm>>
        %dma_start3A_165 = arith.constant 9984 : i32
        %dma_start3A_166 = arith.constant 0 : i32
        %dma_start3A_167 = tpu.memref_slice %arg9[%dma_start3A_165, %dma_start3A_166] : memref<10000x128xf32, #tpu.memory_space<vmem_shared>> -> memref<16x128xf32, #tpu.memory_space<vmem_shared>>
        tpu.enqueue_dma source(%dma_start3A_167 : memref<16x128xf32, #tpu.memory_space<vmem_shared>>) target(%dma_start3A_164 : memref<16x128xf32, #tpu.memory_space<hbm>>) target_semaphore(%run_scoped3A : memref<!tpu.dma_semaphore, #tpu.memory_space<semaphore_mem>>)
        %dma_wait3A = arith.constant 0 : i32
        %dma_wait3A_168 = tpu.memref_slice %arg5[%add3A_162, %dma_wait3A] : memref<20000x128xf32, #tpu.memory_space<hbm>> -> memref<16x128xf32, #tpu.memory_space<hbm>>
        %dma_wait3A_169 = arith.constant 9984 : i32
        %dma_wait3A_170 = arith.constant 0 : i32
        %dma_wait3A_171 = tpu.memref_slice %arg9[%dma_wait3A_169, %dma_wait3A_170] : memref<10000x128xf32, #tpu.memory_space<vmem_shared>> -> memref<16x128xf32, #tpu.memory_space<vmem_shared>>
        tpu.wait_dma2 semaphore(%run_scoped3A : memref<!tpu.dma_semaphore, #tpu.memory_space<semaphore_mem>>) src(%dma_wait3A_171 : memref<16x128xf32, #tpu.memory_space<vmem_shared>>) dst(%dma_wait3A_168 : memref<16x128xf32, #tpu.memory_space<hbm>>)
        tpu.yield
      }) : () -> ()
    } else {
    }
    return
  }
}

#map = affine_map<(d0, d1) -> (0, 0)>
#map1 = affine_map<(d0, d1) -> (0, 0, 0)>
module attributes {stable_mosaic.version = 14 : i64} {
  func.func @_sc_agg_body(%arg0: i32, %arg1: i32, %arg2: memref<20000x128xf32, #tpu.memory_space<hbm>>, %arg3: memref<2x16x10000xi32, #tpu.memory_space<hbm>>, %arg4: memref<16x250x40xi32, #tpu.memory_space<hbm>>, %arg5: memref<20000x128xf32, #tpu.memory_space<hbm>>, %arg6: memref<10000xi32, #tpu.memory_space<vmem>>, %arg7: memref<6x40xi32, #tpu.memory_space<vmem>>, %arg8: memref<6x40x128xf32, #tpu.memory_space<vmem>>, %arg9: memref<10000x128xf32, #tpu.memory_space<vmem_shared>>, %arg10: memref<!tpu.dma_semaphore, #tpu.memory_space<semaphore_mem>>, %arg11: memref<!tpu.dma_semaphore, #tpu.memory_space<semaphore_mem>>, %arg12: memref<!tpu.dma_semaphore, #tpu.memory_space<semaphore_mem>>, %arg13: memref<!tpu.dma_semaphore, #tpu.memory_space<semaphore_mem>>, %arg14: memref<!tpu.dma_semaphore, #tpu.memory_space<semaphore_mem>>, %arg15: memref<!tpu.dma_semaphore, #tpu.memory_space<semaphore_mem>>, %arg16: memref<!tpu.dma_semaphore, #tpu.memory_space<semaphore_mem>>, %arg17: memref<!tpu.dma_semaphore, #tpu.memory_space<semaphore_mem>>, %arg18: memref<!tpu.dma_semaphore, #tpu.memory_space<semaphore_mem>>, %arg19: memref<!tpu.dma_semaphore, #tpu.memory_space<semaphore_mem>>, %arg20: memref<!tpu.dma_semaphore, #tpu.memory_space<semaphore_mem>>, %arg21: memref<!tpu.dma_semaphore, #tpu.memory_space<semaphore_mem>>) attributes {dimension_semantics = [#tpu.dimension_semantics<core_parallel>, #tpu.dimension_semantics<subcore_parallel>], iteration_bounds = array<i64: 2, 16>, scalar_prefetch = 0 : i64, scratch_operands = 16 : i64, tpu.core_type = #tpu.core_type<sc_vector_subcore>, window_params = [{transform_indices = #map}, {transform_indices = #map1}, {transform_indices = #map1}, {transform_indices = #map}]} {
    %mul3A = arith.constant 624 : i32
    %mul3A_0 = arith.muli %arg1, %mul3A : i32
    %mul3A_1 = arith.constant 10000 : i32
    %mul3A_2 = arith.muli %arg0, %mul3A_1 : i32
    %add3A = arith.addi %mul3A_2, %mul3A_0 : i32
    "tpu.region"() ({
      %run_scoped3A = tpu.sem_alloc : memref<!tpu.dma_semaphore, #tpu.memory_space<semaphore_mem>>
      %dma_start3A_159 = arith.constant 0 : i32
      %dma_start3A_160 = tpu.memref_slice %arg9[%mul3A_0, %dma_start3A_159] : memref<10000x128xf32, #tpu.memory_space<vmem_shared>> -> memref<624x128xf32, #tpu.memory_space<vmem_shared>>
      %dma_start3A_161 = arith.constant 0 : i32
      %dma_start3A_162 = tpu.memref_slice %arg2[%add3A, %dma_start3A_161] : memref<20000x128xf32, #tpu.memory_space<hbm>> -> memref<624x128xf32, #tpu.memory_space<hbm>>
      tpu.enqueue_dma source(%dma_start3A_162 : memref<624x128xf32, #tpu.memory_space<hbm>>) target(%dma_start3A_160 : memref<624x128xf32, #tpu.memory_space<vmem_shared>>) target_semaphore(%run_scoped3A : memref<!tpu.dma_semaphore, #tpu.memory_space<semaphore_mem>>)
      %dma_wait3A = arith.constant 0 : i32
      %dma_wait3A_163 = tpu.memref_slice %arg9[%mul3A_0, %dma_wait3A] : memref<10000x128xf32, #tpu.memory_space<vmem_shared>> -> memref<624x128xf32, #tpu.memory_space<vmem_shared>>
      %dma_wait3A_164 = arith.constant 0 : i32
      %dma_wait3A_165 = tpu.memref_slice %arg2[%add3A, %dma_wait3A_164] : memref<20000x128xf32, #tpu.memory_space<hbm>> -> memref<624x128xf32, #tpu.memory_space<hbm>>
      tpu.wait_dma2 semaphore(%run_scoped3A : memref<!tpu.dma_semaphore, #tpu.memory_space<semaphore_mem>>) src(%dma_wait3A_165 : memref<624x128xf32, #tpu.memory_space<hbm>>) dst(%dma_wait3A_163 : memref<624x128xf32, #tpu.memory_space<vmem_shared>>)
      tpu.yield
    }) : () -> ()
    %eq3A = arith.constant 0 : i32
    %eq3A_3 = arith.cmpi eq, %arg1, %eq3A : i32
    %convert_element_type3A = arith.extui %eq3A_3 : i1 to i32
    %cond3A = arith.constant 0 : i32
    %cond3A_4 = arith.cmpi ne, %convert_element_type3A, %cond3A : i32
    scf.if %cond3A_4 {
      %mul3A_159 = arith.constant 10000 : i32
      %mul3A_160 = arith.muli %arg0, %mul3A_159 : i32
      %add3A_161 = arith.constant 9984 : i32
      %add3A_162 = arith.addi %mul3A_160, %add3A_161 : i32
      "tpu.region"() ({
        %run_scoped3A = tpu.sem_alloc : memref<!tpu.dma_semaphore, #tpu.memory_space<semaphore_mem>>
        %dma_start3A_163 = arith.constant 9984 : i32
        %dma_start3A_164 = arith.constant 0 : i32
        %dma_start3A_165 = tpu.memref_slice %arg9[%dma_start3A_163, %dma_start3A_164] : memref<10000x128xf32, #tpu.memory_space<vmem_shared>> -> memref<16x128xf32, #tpu.memory_space<vmem_shared>>
        %dma_start3A_166 = arith.constant 0 : i32
        %dma_start3A_167 = tpu.memref_slice %arg2[%add3A_162, %dma_start3A_166] : memref<20000x128xf32, #tpu.memory_space<hbm>> -> memref<16x128xf32, #tpu.memory_space<hbm>>
        tpu.enqueue_dma source(%dma_start3A_167 : memref<16x128xf32, #tpu.memory_space<hbm>>) target(%dma_start3A_165 : memref<16x128xf32, #tpu.memory_space<vmem_shared>>) target_semaphore(%run_scoped3A : memref<!tpu.dma_semaphore, #tpu.memory_space<semaphore_mem>>)
        %dma_wait3A = arith.constant 9984 : i32
        %dma_wait3A_168 = arith.constant 0 : i32
        %dma_wait3A_169 = tpu.memref_slice %arg9[%dma_wait3A, %dma_wait3A_168] : memref<10000x128xf32, #tpu.memory_space<vmem_shared>> -> memref<16x128xf32, #tpu.memory_space<vmem_shared>>
        %dma_wait3A_170 = arith.constant 0 : i32
        %dma_wait3A_171 = tpu.memref_slice %arg2[%add3A_162, %dma_wait3A_170] : memref<20000x128xf32, #tpu.memory_space<hbm>> -> memref<16x128xf32, #tpu.memory_space<hbm>>
        tpu.wait_dma2 semaphore(%run_scoped3A : memref<!tpu.dma_semaphore, #tpu.memory_space<semaphore_mem>>) src(%dma_wait3A_171 : memref<16x128xf32, #tpu.memory_space<hbm>>) dst(%dma_wait3A_169 : memref<16x128xf32, #tpu.memory_space<vmem_shared>>)
        tpu.yield
      }) : () -> ()
    } else {
    }
    "tpu.region"() ({
      %run_scoped3A = tpu.sem_alloc : memref<!tpu.dma_semaphore, #tpu.memory_space<semaphore_mem>>
      %dma_start3A_159 = arith.constant 0 : i32
      %dma_start3A_160 = tpu.memref_slice %arg3[%arg0, %arg1, %dma_start3A_159] : memref<2x16x10000xi32, #tpu.memory_space<hbm>> -> memref<1x1x10000xi32, #tpu.memory_space<hbm>>
      %dma_start3A_161 = tpu.memref_squeeze %dma_start3A_160 : memref<1x1x10000xi32, #tpu.memory_space<hbm>> -> memref<10000xi32, #tpu.memory_space<hbm>>
      %dma_start3A_162 = arith.constant 0 : i32
      %dma_start3A_163 = tpu.memref_slice %arg3[%arg0, %arg1, %dma_start3A_162] : memref<2x16x10000xi32, #tpu.memory_space<hbm>> -> memref<1x1x10000xi32, #tpu.memory_space<hbm>>
      %dma_start3A_164 = tpu.memref_squeeze %dma_start3A_163 : memref<1x1x10000xi32, #tpu.memory_space<hbm>> -> memref<10000xi32, #tpu.memory_space<hbm>>
      tpu.enqueue_dma source(%dma_start3A_164 : memref<10000xi32, #tpu.memory_space<hbm>>) target(%arg6 : memref<10000xi32, #tpu.memory_space<vmem>>) target_semaphore(%run_scoped3A : memref<!tpu.dma_semaphore, #tpu.memory_space<semaphore_mem>>)
      %dma_wait3A = arith.constant 0 : i32
      %dma_wait3A_165 = tpu.memref_slice %arg3[%arg0, %arg1, %dma_wait3A] : memref<2x16x10000xi32, #tpu.memory_space<hbm>> -> memref<1x1x10000xi32, #tpu.memory_space<hbm>>
      %dma_wait3A_166 = tpu.memref_squeeze %dma_wait3A_165 : memref<1x1x10000xi32, #tpu.memory_space<hbm>> -> memref<10000xi32, #tpu.memory_space<hbm>>
      %dma_wait3A_167 = arith.constant 0 : i32
      %dma_wait3A_168 = tpu.memref_slice %arg3[%arg0, %arg1, %dma_wait3A_167] : memref<2x16x10000xi32, #tpu.memory_space<hbm>> -> memref<1x1x10000xi32, #tpu.memory_space<hbm>>
      %dma_wait3A_169 = tpu.memref_squeeze %dma_wait3A_168 : memref<1x1x10000xi32, #tpu.memory_space<hbm>> -> memref<10000xi32, #tpu.memory_space<hbm>>
      tpu.wait_dma2 semaphore(%run_scoped3A : memref<!tpu.dma_semaphore, #tpu.memory_space<semaphore_mem>>) src(%dma_wait3A_169 : memref<10000xi32, #tpu.memory_space<hbm>>) dst(%arg6 : memref<10000xi32, #tpu.memory_space<vmem>>)
      tpu.yield
    }) : () -> ()
    %barrier3A = arith.constant 0 : index
    tpu.barrier barrier_id(%barrier3A)
    %dma_start3A = arith.constant 0 : i32
    %dma_start3A_5 = arith.constant 0 : i32
    %dma_start3A_6 = arith.constant 0 : i32
    %dma_start3A_7 = tpu.memref_slice %arg8[%dma_start3A, %dma_start3A_5, %dma_start3A_6] : memref<6x40x128xf32, #tpu.memory_space<vmem>> -> memref<1x40x128xf32, #tpu.memory_space<vmem>>
    %dma_start3A_8 = tpu.memref_squeeze %dma_start3A_7 : memref<1x40x128xf32, #tpu.memory_space<vmem>> -> memref<40x128xf32, #tpu.memory_space<vmem>>
    %dma_start3A_9 = arith.constant 0 : i32
    %dma_start3A_10 = tpu.memref_slice %arg6[%dma_start3A_9] : memref<10000xi32, #tpu.memory_space<vmem>> -> memref<40xi32, #tpu.memory_space<vmem>>
    %dma_start3A_11 = arith.constant 0 : i32
    %dma_start3A_12 = arith.constant 0 : i32
    %dma_start3A_13 = tpu.memref_slice %arg2[%dma_start3A_11, %dma_start3A_12] : memref<20000x128xf32, #tpu.memory_space<hbm>> -> memref<20000x128xf32, #tpu.memory_space<hbm>>
    tpu.enqueue_indirect_dma source(%dma_start3A_13 : memref<20000x128xf32, #tpu.memory_space<hbm>>) target(%dma_start3A_8 : memref<40x128xf32, #tpu.memory_space<vmem>>) offsets(%dma_start3A_10 : memref<40xi32, #tpu.memory_space<vmem>>) semaphore(%arg10 : memref<!tpu.dma_semaphore, #tpu.memory_space<semaphore_mem>>)
    %dma_start3A_14 = arith.constant 0 : i32
    %dma_start3A_15 = arith.constant 0 : i32
    %dma_start3A_16 = arith.constant 0 : i32
    %dma_start3A_17 = tpu.memref_slice %arg7[%dma_start3A_15, %dma_start3A_16] : memref<6x40xi32, #tpu.memory_space<vmem>> -> memref<1x40xi32, #tpu.memory_space<vmem>>
    %dma_start3A_18 = tpu.memref_squeeze %dma_start3A_17 : memref<1x40xi32, #tpu.memory_space<vmem>> -> memref<40xi32, #tpu.memory_space<vmem>>
    %dma_start3A_19 = arith.constant 0 : i32
    %dma_start3A_20 = tpu.memref_slice %arg4[%arg1, %dma_start3A_14, %dma_start3A_19] : memref<16x250x40xi32, #tpu.memory_space<hbm>> -> memref<1x1x40xi32, #tpu.memory_space<hbm>>
    %dma_start3A_21 = tpu.memref_squeeze %dma_start3A_20 : memref<1x1x40xi32, #tpu.memory_space<hbm>> -> memref<40xi32, #tpu.memory_space<hbm>>
    %dma_start3A_22 = arith.constant 0 : i32
    %dma_start3A_23 = tpu.memref_slice %arg7[%dma_start3A_15, %dma_start3A_22] : memref<6x40xi32, #tpu.memory_space<vmem>> -> memref<1x40xi32, #tpu.memory_space<vmem>>
    %dma_start3A_24 = tpu.memref_squeeze %dma_start3A_23 : memref<1x40xi32, #tpu.memory_space<vmem>> -> memref<40xi32, #tpu.memory_space<vmem>>
    %dma_start3A_25 = arith.constant 0 : i32
    %dma_start3A_26 = tpu.memref_slice %arg4[%arg1, %dma_start3A_14, %dma_start3A_25] : memref<16x250x40xi32, #tpu.memory_space<hbm>> -> memref<1x1x40xi32, #tpu.memory_space<hbm>>
    %dma_start3A_27 = tpu.memref_squeeze %dma_start3A_26 : memref<1x1x40xi32, #tpu.memory_space<hbm>> -> memref<40xi32, #tpu.memory_space<hbm>>
    tpu.enqueue_dma source(%dma_start3A_27 : memref<40xi32, #tpu.memory_space<hbm>>) target(%dma_start3A_24 : memref<40xi32, #tpu.memory_space<vmem>>) target_semaphore(%arg16 : memref<!tpu.dma_semaphore, #tpu.memory_space<semaphore_mem>>)
    %dma_start3A_28 = arith.constant 1 : i32
    %dma_start3A_29 = arith.constant 0 : i32
    %dma_start3A_30 = arith.constant 0 : i32
    %dma_start3A_31 = tpu.memref_slice %arg8[%dma_start3A_28, %dma_start3A_29, %dma_start3A_30] : memref<6x40x128xf32, #tpu.memory_space<vmem>> -> memref<1x40x128xf32, #tpu.memory_space<vmem>>
    %dma_start3A_32 = tpu.memref_squeeze %dma_start3A_31 : memref<1x40x128xf32, #tpu.memory_space<vmem>> -> memref<40x128xf32, #tpu.memory_space<vmem>>
    %dma_start3A_33 = arith.constant 40 : i32
    %dma_start3A_34 = tpu.memref_slice %arg6[%dma_start3A_33] : memref<10000xi32, #tpu.memory_space<vmem>> -> memref<40xi32, #tpu.memory_space<vmem>>
    %dma_start3A_35 = arith.constant 0 : i32
    %dma_start3A_36 = arith.constant 0 : i32
    %dma_start3A_37 = tpu.memref_slice %arg2[%dma_start3A_35, %dma_start3A_36] : memref<20000x128xf32, #tpu.memory_space<hbm>> -> memref<20000x128xf32, #tpu.memory_space<hbm>>
    tpu.enqueue_indirect_dma source(%dma_start3A_37 : memref<20000x128xf32, #tpu.memory_space<hbm>>) target(%dma_start3A_32 : memref<40x128xf32, #tpu.memory_space<vmem>>) offsets(%dma_start3A_34 : memref<40xi32, #tpu.memory_space<vmem>>) semaphore(%arg11 : memref<!tpu.dma_semaphore, #tpu.memory_space<semaphore_mem>>)
    %dma_start3A_38 = arith.constant 1 : i32
    %dma_start3A_39 = arith.constant 1 : i32
    %dma_start3A_40 = arith.constant 0 : i32
    %dma_start3A_41 = tpu.memref_slice %arg7[%dma_start3A_39, %dma_start3A_40] : memref<6x40xi32, #tpu.memory_space<vmem>> -> memref<1x40xi32, #tpu.memory_space<vmem>>
    %dma_start3A_42 = tpu.memref_squeeze %dma_start3A_41 : memref<1x40xi32, #tpu.memory_space<vmem>> -> memref<40xi32, #tpu.memory_space<vmem>>
    %dma_start3A_43 = arith.constant 0 : i32
    %dma_start3A_44 = tpu.memref_slice %arg4[%arg1, %dma_start3A_38, %dma_start3A_43] : memref<16x250x40xi32, #tpu.memory_space<hbm>> -> memref<1x1x40xi32, #tpu.memory_space<hbm>>
    %dma_start3A_45 = tpu.memref_squeeze %dma_start3A_44 : memref<1x1x40xi32, #tpu.memory_space<hbm>> -> memref<40xi32, #tpu.memory_space<hbm>>
    %dma_start3A_46 = arith.constant 0 : i32
    %dma_start3A_47 = tpu.memref_slice %arg7[%dma_start3A_39, %dma_start3A_46] : memref<6x40xi32, #tpu.memory_space<vmem>> -> memref<1x40xi32, #tpu.memory_space<vmem>>
    %dma_start3A_48 = tpu.memref_squeeze %dma_start3A_47 : memref<1x40xi32, #tpu.memory_space<vmem>> -> memref<40xi32, #tpu.memory_space<vmem>>
    %dma_start3A_49 = arith.constant 0 : i32
    %dma_start3A_50 = tpu.memref_slice %arg4[%arg1, %dma_start3A_38, %dma_start3A_49] : memref<16x250x40xi32, #tpu.memory_space<hbm>> -> memref<1x1x40xi32, #tpu.memory_space<hbm>>
    %dma_start3A_51 = tpu.memref_squeeze %dma_start3A_50 : memref<1x1x40xi32, #tpu.memory_space<hbm>> -> memref<40xi32, #tpu.memory_space<hbm>>
    tpu.enqueue_dma source(%dma_start3A_51 : memref<40xi32, #tpu.memory_space<hbm>>) target(%dma_start3A_48 : memref<40xi32, #tpu.memory_space<vmem>>) target_semaphore(%arg17 : memref<!tpu.dma_semaphore, #tpu.memory_space<semaphore_mem>>)
    %dma_start3A_52 = arith.constant 2 : i32
    %dma_start3A_53 = arith.constant 0 : i32
    %dma_start3A_54 = arith.constant 0 : i32
    %dma_start3A_55 = tpu.memref_slice %arg8[%dma_start3A_52, %dma_start3A_53, %dma_start3A_54] : memref<6x40x128xf32, #tpu.memory_space<vmem>> -> memref<1x40x128xf32, #tpu.memory_space<vmem>>
    %dma_start3A_56 = tpu.memref_squeeze %dma_start3A_55 : memref<1x40x128xf32, #tpu.memory_space<vmem>> -> memref<40x128xf32, #tpu.memory_space<vmem>>
    %dma_start3A_57 = arith.constant 80 : i32
    %dma_start3A_58 = tpu.memref_slice %arg6[%dma_start3A_57] : memref<10000xi32, #tpu.memory_space<vmem>> -> memref<40xi32, #tpu.memory_space<vmem>>
    %dma_start3A_59 = arith.constant 0 : i32
    %dma_start3A_60 = arith.constant 0 : i32
    %dma_start3A_61 = tpu.memref_slice %arg2[%dma_start3A_59, %dma_start3A_60] : memref<20000x128xf32, #tpu.memory_space<hbm>> -> memref<20000x128xf32, #tpu.memory_space<hbm>>
    tpu.enqueue_indirect_dma source(%dma_start3A_61 : memref<20000x128xf32, #tpu.memory_space<hbm>>) target(%dma_start3A_56 : memref<40x128xf32, #tpu.memory_space<vmem>>) offsets(%dma_start3A_58 : memref<40xi32, #tpu.memory_space<vmem>>) semaphore(%arg12 : memref<!tpu.dma_semaphore, #tpu.memory_space<semaphore_mem>>)
    %dma_start3A_62 = arith.constant 2 : i32
    %dma_start3A_63 = arith.constant 2 : i32
    %dma_start3A_64 = arith.constant 0 : i32
    %dma_start3A_65 = tpu.memref_slice %arg7[%dma_start3A_63, %dma_start3A_64] : memref<6x40xi32, #tpu.memory_space<vmem>> -> memref<1x40xi32, #tpu.memory_space<vmem>>
    %dma_start3A_66 = tpu.memref_squeeze %dma_start3A_65 : memref<1x40xi32, #tpu.memory_space<vmem>> -> memref<40xi32, #tpu.memory_space<vmem>>
    %dma_start3A_67 = arith.constant 0 : i32
    %dma_start3A_68 = tpu.memref_slice %arg4[%arg1, %dma_start3A_62, %dma_start3A_67] : memref<16x250x40xi32, #tpu.memory_space<hbm>> -> memref<1x1x40xi32, #tpu.memory_space<hbm>>
    %dma_start3A_69 = tpu.memref_squeeze %dma_start3A_68 : memref<1x1x40xi32, #tpu.memory_space<hbm>> -> memref<40xi32, #tpu.memory_space<hbm>>
    %dma_start3A_70 = arith.constant 0 : i32
    %dma_start3A_71 = tpu.memref_slice %arg7[%dma_start3A_63, %dma_start3A_70] : memref<6x40xi32, #tpu.memory_space<vmem>> -> memref<1x40xi32, #tpu.memory_space<vmem>>
    %dma_start3A_72 = tpu.memref_squeeze %dma_start3A_71 : memref<1x40xi32, #tpu.memory_space<vmem>> -> memref<40xi32, #tpu.memory_space<vmem>>
    %dma_start3A_73 = arith.constant 0 : i32
    %dma_start3A_74 = tpu.memref_slice %arg4[%arg1, %dma_start3A_62, %dma_start3A_73] : memref<16x250x40xi32, #tpu.memory_space<hbm>> -> memref<1x1x40xi32, #tpu.memory_space<hbm>>
    %dma_start3A_75 = tpu.memref_squeeze %dma_start3A_74 : memref<1x1x40xi32, #tpu.memory_space<hbm>> -> memref<40xi32, #tpu.memory_space<hbm>>
    tpu.enqueue_dma source(%dma_start3A_75 : memref<40xi32, #tpu.memory_space<hbm>>) target(%dma_start3A_72 : memref<40xi32, #tpu.memory_space<vmem>>) target_semaphore(%arg18 : memref<!tpu.dma_semaphore, #tpu.memory_space<semaphore_mem>>)
    %dma_start3A_76 = arith.constant 3 : i32
    %dma_start3A_77 = arith.constant 0 : i32
    %dma_start3A_78 = arith.constant 0 : i32
    %dma_start3A_79 = tpu.memref_slice %arg8[%dma_start3A_76, %dma_start3A_77, %dma_start3A_78] : memref<6x40x128xf32, #tpu.memory_space<vmem>> -> memref<1x40x128xf32, #tpu.memory_space<vmem>>
    %dma_start3A_80 = tpu.memref_squeeze %dma_start3A_79 : memref<1x40x128xf32, #tpu.memory_space<vmem>> -> memref<40x128xf32, #tpu.memory_space<vmem>>
    %dma_start3A_81 = arith.constant 120 : i32
    %dma_start3A_82 = tpu.memref_slice %arg6[%dma_start3A_81] : memref<10000xi32, #tpu.memory_space<vmem>> -> memref<40xi32, #tpu.memory_space<vmem>>
    %dma_start3A_83 = arith.constant 0 : i32
    %dma_start3A_84 = arith.constant 0 : i32
    %dma_start3A_85 = tpu.memref_slice %arg2[%dma_start3A_83, %dma_start3A_84] : memref<20000x128xf32, #tpu.memory_space<hbm>> -> memref<20000x128xf32, #tpu.memory_space<hbm>>
    tpu.enqueue_indirect_dma source(%dma_start3A_85 : memref<20000x128xf32, #tpu.memory_space<hbm>>) target(%dma_start3A_80 : memref<40x128xf32, #tpu.memory_space<vmem>>) offsets(%dma_start3A_82 : memref<40xi32, #tpu.memory_space<vmem>>) semaphore(%arg13 : memref<!tpu.dma_semaphore, #tpu.memory_space<semaphore_mem>>)
    %dma_start3A_86 = arith.constant 3 : i32
    %dma_start3A_87 = arith.constant 3 : i32
    %dma_start3A_88 = arith.constant 0 : i32
    %dma_start3A_89 = tpu.memref_slice %arg7[%dma_start3A_87, %dma_start3A_88] : memref<6x40xi32, #tpu.memory_space<vmem>> -> memref<1x40xi32, #tpu.memory_space<vmem>>
    %dma_start3A_90 = tpu.memref_squeeze %dma_start3A_89 : memref<1x40xi32, #tpu.memory_space<vmem>> -> memref<40xi32, #tpu.memory_space<vmem>>
    %dma_start3A_91 = arith.constant 0 : i32
    %dma_start3A_92 = tpu.memref_slice %arg4[%arg1, %dma_start3A_86, %dma_start3A_91] : memref<16x250x40xi32, #tpu.memory_space<hbm>> -> memref<1x1x40xi32, #tpu.memory_space<hbm>>
    %dma_start3A_93 = tpu.memref_squeeze %dma_start3A_92 : memref<1x1x40xi32, #tpu.memory_space<hbm>> -> memref<40xi32, #tpu.memory_space<hbm>>
    %dma_start3A_94 = arith.constant 0 : i32
    %dma_start3A_95 = tpu.memref_slice %arg7[%dma_start3A_87, %dma_start3A_94] : memref<6x40xi32, #tpu.memory_space<vmem>> -> memref<1x40xi32, #tpu.memory_space<vmem>>
    %dma_start3A_96 = tpu.memref_squeeze %dma_start3A_95 : memref<1x40xi32, #tpu.memory_space<vmem>> -> memref<40xi32, #tpu.memory_space<vmem>>
    %dma_start3A_97 = arith.constant 0 : i32
    %dma_start3A_98 = tpu.memref_slice %arg4[%arg1, %dma_start3A_86, %dma_start3A_97] : memref<16x250x40xi32, #tpu.memory_space<hbm>> -> memref<1x1x40xi32, #tpu.memory_space<hbm>>
    %dma_start3A_99 = tpu.memref_squeeze %dma_start3A_98 : memref<1x1x40xi32, #tpu.memory_space<hbm>> -> memref<40xi32, #tpu.memory_space<hbm>>
    tpu.enqueue_dma source(%dma_start3A_99 : memref<40xi32, #tpu.memory_space<hbm>>) target(%dma_start3A_96 : memref<40xi32, #tpu.memory_space<vmem>>) target_semaphore(%arg19 : memref<!tpu.dma_semaphore, #tpu.memory_space<semaphore_mem>>)
    %dma_start3A_100 = arith.constant 4 : i32
    %dma_start3A_101 = arith.constant 0 : i32
    %dma_start3A_102 = arith.constant 0 : i32
    %dma_start3A_103 = tpu.memref_slice %arg8[%dma_start3A_100, %dma_start3A_101, %dma_start3A_102] : memref<6x40x128xf32, #tpu.memory_space<vmem>> -> memref<1x40x128xf32, #tpu.memory_space<vmem>>
    %dma_start3A_104 = tpu.memref_squeeze %dma_start3A_103 : memref<1x40x128xf32, #tpu.memory_space<vmem>> -> memref<40x128xf32, #tpu.memory_space<vmem>>
    %dma_start3A_105 = arith.constant 160 : i32
    %dma_start3A_106 = tpu.memref_slice %arg6[%dma_start3A_105] : memref<10000xi32, #tpu.memory_space<vmem>> -> memref<40xi32, #tpu.memory_space<vmem>>
    %dma_start3A_107 = arith.constant 0 : i32
    %dma_start3A_108 = arith.constant 0 : i32
    %dma_start3A_109 = tpu.memref_slice %arg2[%dma_start3A_107, %dma_start3A_108] : memref<20000x128xf32, #tpu.memory_space<hbm>> -> memref<20000x128xf32, #tpu.memory_space<hbm>>
    tpu.enqueue_indirect_dma source(%dma_start3A_109 : memref<20000x128xf32, #tpu.memory_space<hbm>>) target(%dma_start3A_104 : memref<40x128xf32, #tpu.memory_space<vmem>>) offsets(%dma_start3A_106 : memref<40xi32, #tpu.memory_space<vmem>>) semaphore(%arg14 : memref<!tpu.dma_semaphore, #tpu.memory_space<semaphore_mem>>)
    %dma_start3A_110 = arith.constant 4 : i32
    %dma_start3A_111 = arith.constant 4 : i32
    %dma_start3A_112 = arith.constant 0 : i32
    %dma_start3A_113 = tpu.memref_slice %arg7[%dma_start3A_111, %dma_start3A_112] : memref<6x40xi32, #tpu.memory_space<vmem>> -> memref<1x40xi32, #tpu.memory_space<vmem>>
    %dma_start3A_114 = tpu.memref_squeeze %dma_start3A_113 : memref<1x40xi32, #tpu.memory_space<vmem>> -> memref<40xi32, #tpu.memory_space<vmem>>
    %dma_start3A_115 = arith.constant 0 : i32
    %dma_start3A_116 = tpu.memref_slice %arg4[%arg1, %dma_start3A_110, %dma_start3A_115] : memref<16x250x40xi32, #tpu.memory_space<hbm>> -> memref<1x1x40xi32, #tpu.memory_space<hbm>>
    %dma_start3A_117 = tpu.memref_squeeze %dma_start3A_116 : memref<1x1x40xi32, #tpu.memory_space<hbm>> -> memref<40xi32, #tpu.memory_space<hbm>>
    %dma_start3A_118 = arith.constant 0 : i32
    %dma_start3A_119 = tpu.memref_slice %arg7[%dma_start3A_111, %dma_start3A_118] : memref<6x40xi32, #tpu.memory_space<vmem>> -> memref<1x40xi32, #tpu.memory_space<vmem>>
    %dma_start3A_120 = tpu.memref_squeeze %dma_start3A_119 : memref<1x40xi32, #tpu.memory_space<vmem>> -> memref<40xi32, #tpu.memory_space<vmem>>
    %dma_start3A_121 = arith.constant 0 : i32
    %dma_start3A_122 = tpu.memref_slice %arg4[%arg1, %dma_start3A_110, %dma_start3A_121] : memref<16x250x40xi32, #tpu.memory_space<hbm>> -> memref<1x1x40xi32, #tpu.memory_space<hbm>>
    %dma_start3A_123 = tpu.memref_squeeze %dma_start3A_122 : memref<1x1x40xi32, #tpu.memory_space<hbm>> -> memref<40xi32, #tpu.memory_space<hbm>>
    tpu.enqueue_dma source(%dma_start3A_123 : memref<40xi32, #tpu.memory_space<hbm>>) target(%dma_start3A_120 : memref<40xi32, #tpu.memory_space<vmem>>) target_semaphore(%arg20 : memref<!tpu.dma_semaphore, #tpu.memory_space<semaphore_mem>>)
    %dma_start3A_124 = arith.constant 5 : i32
    %dma_start3A_125 = arith.constant 0 : i32
    %dma_start3A_126 = arith.constant 0 : i32
    %dma_start3A_127 = tpu.memref_slice %arg8[%dma_start3A_124, %dma_start3A_125, %dma_start3A_126] : memref<6x40x128xf32, #tpu.memory_space<vmem>> -> memref<1x40x128xf32, #tpu.memory_space<vmem>>
    %dma_start3A_128 = tpu.memref_squeeze %dma_start3A_127 : memref<1x40x128xf32, #tpu.memory_space<vmem>> -> memref<40x128xf32, #tpu.memory_space<vmem>>
    %dma_start3A_129 = arith.constant 200 : i32
    %dma_start3A_130 = tpu.memref_slice %arg6[%dma_start3A_129] : memref<10000xi32, #tpu.memory_space<vmem>> -> memref<40xi32, #tpu.memory_space<vmem>>
    %dma_start3A_131 = arith.constant 0 : i32
    %dma_start3A_132 = arith.constant 0 : i32
    %dma_start3A_133 = tpu.memref_slice %arg2[%dma_start3A_131, %dma_start3A_132] : memref<20000x128xf32, #tpu.memory_space<hbm>> -> memref<20000x128xf32, #tpu.memory_space<hbm>>
    tpu.enqueue_indirect_dma source(%dma_start3A_133 : memref<20000x128xf32, #tpu.memory_space<hbm>>) target(%dma_start3A_128 : memref<40x128xf32, #tpu.memory_space<vmem>>) offsets(%dma_start3A_130 : memref<40xi32, #tpu.memory_space<vmem>>) semaphore(%arg15 : memref<!tpu.dma_semaphore, #tpu.memory_space<semaphore_mem>>)
    %dma_start3A_134 = arith.constant 5 : i32
    %dma_start3A_135 = arith.constant 5 : i32
    %dma_start3A_136 = arith.constant 0 : i32
    %dma_start3A_137 = tpu.memref_slice %arg7[%dma_start3A_135, %dma_start3A_136] : memref<6x40xi32, #tpu.memory_space<vmem>> -> memref<1x40xi32, #tpu.memory_space<vmem>>
    %dma_start3A_138 = tpu.memref_squeeze %dma_start3A_137 : memref<1x40xi32, #tpu.memory_space<vmem>> -> memref<40xi32, #tpu.memory_space<vmem>>
    %dma_start3A_139 = arith.constant 0 : i32
    %dma_start3A_140 = tpu.memref_slice %arg4[%arg1, %dma_start3A_134, %dma_start3A_139] : memref<16x250x40xi32, #tpu.memory_space<hbm>> -> memref<1x1x40xi32, #tpu.memory_space<hbm>>
    %dma_start3A_141 = tpu.memref_squeeze %dma_start3A_140 : memref<1x1x40xi32, #tpu.memory_space<hbm>> -> memref<40xi32, #tpu.memory_space<hbm>>
    %dma_start3A_142 = arith.constant 0 : i32
    %dma_start3A_143 = tpu.memref_slice %arg7[%dma_start3A_135, %dma_start3A_142] : memref<6x40xi32, #tpu.memory_space<vmem>> -> memref<1x40xi32, #tpu.memory_space<vmem>>
    %dma_start3A_144 = tpu.memref_squeeze %dma_start3A_143 : memref<1x40xi32, #tpu.memory_space<vmem>> -> memref<40xi32, #tpu.memory_space<vmem>>
    %dma_start3A_145 = arith.constant 0 : i32
    %dma_start3A_146 = tpu.memref_slice %arg4[%arg1, %dma_start3A_134, %dma_start3A_145] : memref<16x250x40xi32, #tpu.memory_space<hbm>> -> memref<1x1x40xi32, #tpu.memory_space<hbm>>
    %dma_start3A_147 = tpu.memref_squeeze %dma_start3A_146 : memref<1x1x40xi32, #tpu.memory_space<hbm>> -> memref<40xi32, #tpu.memory_space<hbm>>
    tpu.enqueue_dma source(%dma_start3A_147 : memref<40xi32, #tpu.memory_space<hbm>>) target(%dma_start3A_144 : memref<40xi32, #tpu.memory_space<vmem>>) target_semaphore(%arg21 : memref<!tpu.dma_semaphore, #tpu.memory_space<semaphore_mem>>)
    %scan3A = arith.constant 0 : i32
    %scan3A_148 = arith.constant 0 : i32
    %scan3A_149 = arith.constant 42 : i32
    %scan3A_150 = arith.addi %scan3A_148, %scan3A_149 : i32
    %scan3A_151 = arith.constant 1 : i32
    scf.for %scan3A_159 = %scan3A_148 to %scan3A_150 step %scan3A_151  : i32 {
      %mul3A_160 = arith.constant 6 : i32
      %mul3A_161 = arith.muli %scan3A_159, %mul3A_160 : i32
      %add3A_162 = arith.constant 0 : i32
      %add3A_163 = arith.addi %mul3A_161, %add3A_162 : i32
      %lt3A = arith.constant 250 : i32
      %lt3A_164 = arith.cmpi slt, %add3A_163, %lt3A : i32
      %convert_element_type3A_165 = arith.extui %lt3A_164 : i1 to i32
      %cond3A_166 = arith.constant 0 : i32
      %cond3A_167 = arith.cmpi ne, %convert_element_type3A_165, %cond3A_166 : i32
      scf.if %cond3A_167 {
        %mul3A_213 = arith.constant 40 : i32
        %mul3A_214 = arith.muli %add3A_163, %mul3A_213 : i32
        %dma_wait3A = arith.constant 0 : i32
        %dma_wait3A_215 = arith.constant 0 : i32
        %dma_wait3A_216 = arith.constant 0 : i32
        %dma_wait3A_217 = tpu.memref_slice %arg8[%dma_wait3A, %dma_wait3A_215, %dma_wait3A_216] : memref<6x40x128xf32, #tpu.memory_space<vmem>> -> memref<1x40x128xf32, #tpu.memory_space<vmem>>
        %dma_wait3A_218 = tpu.memref_squeeze %dma_wait3A_217 : memref<1x40x128xf32, #tpu.memory_space<vmem>> -> memref<40x128xf32, #tpu.memory_space<vmem>>
        %dma_wait3A_219 = tpu.memref_slice %arg6[%mul3A_214] : memref<10000xi32, #tpu.memory_space<vmem>> -> memref<40xi32, #tpu.memory_space<vmem>>
        %dma_wait3A_220 = arith.constant 0 : i32
        %dma_wait3A_221 = arith.constant 0 : i32
        %dma_wait3A_222 = tpu.memref_slice %arg2[%dma_wait3A_220, %dma_wait3A_221] : memref<20000x128xf32, #tpu.memory_space<hbm>> -> memref<20000x128xf32, #tpu.memory_space<hbm>>
        tpu.wait_indirect_dma semaphore(%arg10 : memref<!tpu.dma_semaphore, #tpu.memory_space<semaphore_mem>>) src(%dma_wait3A_222 : memref<20000x128xf32, #tpu.memory_space<hbm>>) dst(%dma_wait3A_218 : memref<40x128xf32, #tpu.memory_space<vmem>>)
        %dma_wait3A_223 = arith.constant 0 : i32
        %dma_wait3A_224 = arith.constant 0 : i32
        %dma_wait3A_225 = tpu.memref_slice %arg7[%dma_wait3A_223, %dma_wait3A_224] : memref<6x40xi32, #tpu.memory_space<vmem>> -> memref<1x40xi32, #tpu.memory_space<vmem>>
        %dma_wait3A_226 = tpu.memref_squeeze %dma_wait3A_225 : memref<1x40xi32, #tpu.memory_space<vmem>> -> memref<40xi32, #tpu.memory_space<vmem>>
        %dma_wait3A_227 = arith.constant 0 : i32
        %dma_wait3A_228 = tpu.memref_slice %arg4[%arg1, %add3A_163, %dma_wait3A_227] : memref<16x250x40xi32, #tpu.memory_space<hbm>> -> memref<1x1x40xi32, #tpu.memory_space<hbm>>
        %dma_wait3A_229 = tpu.memref_squeeze %dma_wait3A_228 : memref<1x1x40xi32, #tpu.memory_space<hbm>> -> memref<40xi32, #tpu.memory_space<hbm>>
        %dma_wait3A_230 = arith.constant 0 : i32
        %dma_wait3A_231 = tpu.memref_slice %arg7[%dma_wait3A_223, %dma_wait3A_230] : memref<6x40xi32, #tpu.memory_space<vmem>> -> memref<1x40xi32, #tpu.memory_space<vmem>>
        %dma_wait3A_232 = tpu.memref_squeeze %dma_wait3A_231 : memref<1x40xi32, #tpu.memory_space<vmem>> -> memref<40xi32, #tpu.memory_space<vmem>>
        %dma_wait3A_233 = arith.constant 0 : i32
        %dma_wait3A_234 = tpu.memref_slice %arg4[%arg1, %add3A_163, %dma_wait3A_233] : memref<16x250x40xi32, #tpu.memory_space<hbm>> -> memref<1x1x40xi32, #tpu.memory_space<hbm>>
        %dma_wait3A_235 = tpu.memref_squeeze %dma_wait3A_234 : memref<1x1x40xi32, #tpu.memory_space<hbm>> -> memref<40xi32, #tpu.memory_space<hbm>>
        tpu.wait_dma2 semaphore(%arg16 : memref<!tpu.dma_semaphore, #tpu.memory_space<semaphore_mem>>) src(%dma_wait3A_235 : memref<40xi32, #tpu.memory_space<hbm>>) dst(%dma_wait3A_232 : memref<40xi32, #tpu.memory_space<vmem>>)
        %run_scoped3A = arith.constant 0 : i32
        %run_scoped3A_236 = arith.constant 0 : i32
        "tpu.region"() ({
          %run_scoped3A_244 = tpu.sem_alloc : memref<!tpu.dma_semaphore, #tpu.memory_space<semaphore_mem>>
          %dma_start3A_245 = arith.constant 0 : i32
          %dma_start3A_246 = arith.constant 0 : i32
          %dma_start3A_247 = tpu.memref_slice %arg8[%run_scoped3A, %dma_start3A_245, %dma_start3A_246] : memref<6x40x128xf32, #tpu.memory_space<vmem>> -> memref<1x40x128xf32, #tpu.memory_space<vmem>>
          %dma_start3A_248 = tpu.memref_squeeze %dma_start3A_247 : memref<1x40x128xf32, #tpu.memory_space<vmem>> -> memref<40x128xf32, #tpu.memory_space<vmem>>
          %dma_start3A_249 = arith.constant 0 : i32
          %dma_start3A_250 = tpu.memref_slice %arg7[%run_scoped3A_236, %dma_start3A_249] : memref<6x40xi32, #tpu.memory_space<vmem>> -> memref<1x40xi32, #tpu.memory_space<vmem>>
          %dma_start3A_251 = tpu.memref_squeeze %dma_start3A_250 : memref<1x40xi32, #tpu.memory_space<vmem>> -> memref<40xi32, #tpu.memory_space<vmem>>
          %dma_start3A_252 = arith.constant 0 : i32
          %dma_start3A_253 = arith.constant 0 : i32
          %dma_start3A_254 = tpu.memref_slice %arg9[%dma_start3A_252, %dma_start3A_253] : memref<10000x128xf32, #tpu.memory_space<vmem_shared>> -> memref<10000x128xf32, #tpu.memory_space<vmem_shared>>
          tpu.enqueue_indirect_dma source(%dma_start3A_248 : memref<40x128xf32, #tpu.memory_space<vmem>>) target(%dma_start3A_254 : memref<10000x128xf32, #tpu.memory_space<vmem_shared>>) offsets(%dma_start3A_251 : memref<40xi32, #tpu.memory_space<vmem>>) semaphore(%run_scoped3A_244 : memref<!tpu.dma_semaphore, #tpu.memory_space<semaphore_mem>>) {add = true}
          %dma_wait3A_255 = arith.constant 0 : i32
          %dma_wait3A_256 = arith.constant 0 : i32
          %dma_wait3A_257 = tpu.memref_slice %arg8[%run_scoped3A, %dma_wait3A_255, %dma_wait3A_256] : memref<6x40x128xf32, #tpu.memory_space<vmem>> -> memref<1x40x128xf32, #tpu.memory_space<vmem>>
          %dma_wait3A_258 = tpu.memref_squeeze %dma_wait3A_257 : memref<1x40x128xf32, #tpu.memory_space<vmem>> -> memref<40x128xf32, #tpu.memory_space<vmem>>
          %dma_wait3A_259 = arith.constant 0 : i32
          %dma_wait3A_260 = tpu.memref_slice %arg7[%run_scoped3A_236, %dma_wait3A_259] : memref<6x40xi32, #tpu.memory_space<vmem>> -> memref<1x40xi32, #tpu.memory_space<vmem>>
          %dma_wait3A_261 = tpu.memref_squeeze %dma_wait3A_260 : memref<1x40xi32, #tpu.memory_space<vmem>> -> memref<40xi32, #tpu.memory_space<vmem>>
          %dma_wait3A_262 = arith.constant 0 : i32
          %dma_wait3A_263 = arith.constant 0 : i32
          %dma_wait3A_264 = tpu.memref_slice %arg9[%dma_wait3A_262, %dma_wait3A_263] : memref<10000x128xf32, #tpu.memory_space<vmem_shared>> -> memref<10000x128xf32, #tpu.memory_space<vmem_shared>>
          tpu.wait_indirect_dma semaphore(%run_scoped3A_244 : memref<!tpu.dma_semaphore, #tpu.memory_space<semaphore_mem>>) src(%dma_wait3A_258 : memref<40x128xf32, #tpu.memory_space<vmem>>) dst(%dma_wait3A_264 : memref<10000x128xf32, #tpu.memory_space<vmem_shared>>)
          tpu.yield
        }) : () -> ()
        %add3A_237 = arith.constant 6 : i32
        %add3A_238 = arith.addi %add3A_163, %add3A_237 : i32
        %lt3A_239 = arith.constant 250 : i32
        %lt3A_240 = arith.cmpi slt, %add3A_238, %lt3A_239 : i32
        %convert_element_type3A_241 = arith.extui %lt3A_240 : i1 to i32
        %cond3A_242 = arith.constant 0 : i32
        %cond3A_243 = arith.cmpi ne, %convert_element_type3A_241, %cond3A_242 : i32
        scf.if %cond3A_243 {
          %mul3A_244 = arith.constant 40 : i32
          %mul3A_245 = arith.muli %add3A_238, %mul3A_244 : i32
          %dma_start3A_246 = arith.constant 0 : i32
          %dma_start3A_247 = arith.constant 0 : i32
          %dma_start3A_248 = arith.constant 0 : i32
          %dma_start3A_249 = tpu.memref_slice %arg8[%dma_start3A_246, %dma_start3A_247, %dma_start3A_248] : memref<6x40x128xf32, #tpu.memory_space<vmem>> -> memref<1x40x128xf32, #tpu.memory_space<vmem>>
          %dma_start3A_250 = tpu.memref_squeeze %dma_start3A_249 : memref<1x40x128xf32, #tpu.memory_space<vmem>> -> memref<40x128xf32, #tpu.memory_space<vmem>>
          %dma_start3A_251 = tpu.memref_slice %arg6[%mul3A_245] : memref<10000xi32, #tpu.memory_space<vmem>> -> memref<40xi32, #tpu.memory_space<vmem>>
          %dma_start3A_252 = arith.constant 0 : i32
          %dma_start3A_253 = arith.constant 0 : i32
          %dma_start3A_254 = tpu.memref_slice %arg2[%dma_start3A_252, %dma_start3A_253] : memref<20000x128xf32, #tpu.memory_space<hbm>> -> memref<20000x128xf32, #tpu.memory_space<hbm>>
          tpu.enqueue_indirect_dma source(%dma_start3A_254 : memref<20000x128xf32, #tpu.memory_space<hbm>>) target(%dma_start3A_250 : memref<40x128xf32, #tpu.memory_space<vmem>>) offsets(%dma_start3A_251 : memref<40xi32, #tpu.memory_space<vmem>>) semaphore(%arg10 : memref<!tpu.dma_semaphore, #tpu.memory_space<semaphore_mem>>)
          %dma_start3A_255 = arith.constant 0 : i32
          %dma_start3A_256 = arith.constant 0 : i32
          %dma_start3A_257 = tpu.memref_slice %arg7[%dma_start3A_255, %dma_start3A_256] : memref<6x40xi32, #tpu.memory_space<vmem>> -> memref<1x40xi32, #tpu.memory_space<vmem>>
          %dma_start3A_258 = tpu.memref_squeeze %dma_start3A_257 : memref<1x40xi32, #tpu.memory_space<vmem>> -> memref<40xi32, #tpu.memory_space<vmem>>
          %dma_start3A_259 = arith.constant 0 : i32
          %dma_start3A_260 = tpu.memref_slice %arg4[%arg1, %add3A_238, %dma_start3A_259] : memref<16x250x40xi32, #tpu.memory_space<hbm>> -> memref<1x1x40xi32, #tpu.memory_space<hbm>>
          %dma_start3A_261 = tpu.memref_squeeze %dma_start3A_260 : memref<1x1x40xi32, #tpu.memory_space<hbm>> -> memref<40xi32, #tpu.memory_space<hbm>>
          %dma_start3A_262 = arith.constant 0 : i32
          %dma_start3A_263 = tpu.memref_slice %arg7[%dma_start3A_255, %dma_start3A_262] : memref<6x40xi32, #tpu.memory_space<vmem>> -> memref<1x40xi32, #tpu.memory_space<vmem>>
          %dma_start3A_264 = tpu.memref_squeeze %dma_start3A_263 : memref<1x40xi32, #tpu.memory_space<vmem>> -> memref<40xi32, #tpu.memory_space<vmem>>
          %dma_start3A_265 = arith.constant 0 : i32
          %dma_start3A_266 = tpu.memref_slice %arg4[%arg1, %add3A_238, %dma_start3A_265] : memref<16x250x40xi32, #tpu.memory_space<hbm>> -> memref<1x1x40xi32, #tpu.memory_space<hbm>>
          %dma_start3A_267 = tpu.memref_squeeze %dma_start3A_266 : memref<1x1x40xi32, #tpu.memory_space<hbm>> -> memref<40xi32, #tpu.memory_space<hbm>>
          tpu.enqueue_dma source(%dma_start3A_267 : memref<40xi32, #tpu.memory_space<hbm>>) target(%dma_start3A_264 : memref<40xi32, #tpu.memory_space<vmem>>) target_semaphore(%arg16 : memref<!tpu.dma_semaphore, #tpu.memory_space<semaphore_mem>>)
        } else {
        }
      } else {
      }
      %mul3A_168 = arith.constant 6 : i32
      %mul3A_169 = arith.muli %scan3A_159, %mul3A_168 : i32
      %add3A_170 = arith.constant 1 : i32
      %add3A_171 = arith.addi %mul3A_169, %add3A_170 : i32
      %lt3A_172 = arith.constant 250 : i32
      %lt3A_173 = arith.cmpi slt, %add3A_171, %lt3A_172 : i32
      %convert_element_type3A_174 = arith.extui %lt3A_173 : i1 to i32
      %cond3A_175 = arith.constant 0 : i32
      %cond3A_176 = arith.cmpi ne, %convert_element_type3A_174, %cond3A_175 : i32
      scf.if %cond3A_176 {
        %mul3A_213 = arith.constant 40 : i32
        %mul3A_214 = arith.muli %add3A_171, %mul3A_213 : i32
        %dma_wait3A = arith.constant 1 : i32
        %dma_wait3A_215 = arith.constant 0 : i32
        %dma_wait3A_216 = arith.constant 0 : i32
        %dma_wait3A_217 = tpu.memref_slice %arg8[%dma_wait3A, %dma_wait3A_215, %dma_wait3A_216] : memref<6x40x128xf32, #tpu.memory_space<vmem>> -> memref<1x40x128xf32, #tpu.memory_space<vmem>>
        %dma_wait3A_218 = tpu.memref_squeeze %dma_wait3A_217 : memref<1x40x128xf32, #tpu.memory_space<vmem>> -> memref<40x128xf32, #tpu.memory_space<vmem>>
        %dma_wait3A_219 = tpu.memref_slice %arg6[%mul3A_214] : memref<10000xi32, #tpu.memory_space<vmem>> -> memref<40xi32, #tpu.memory_space<vmem>>
        %dma_wait3A_220 = arith.constant 0 : i32
        %dma_wait3A_221 = arith.constant 0 : i32
        %dma_wait3A_222 = tpu.memref_slice %arg2[%dma_wait3A_220, %dma_wait3A_221] : memref<20000x128xf32, #tpu.memory_space<hbm>> -> memref<20000x128xf32, #tpu.memory_space<hbm>>
        tpu.wait_indirect_dma semaphore(%arg11 : memref<!tpu.dma_semaphore, #tpu.memory_space<semaphore_mem>>) src(%dma_wait3A_222 : memref<20000x128xf32, #tpu.memory_space<hbm>>) dst(%dma_wait3A_218 : memref<40x128xf32, #tpu.memory_space<vmem>>)
        %dma_wait3A_223 = arith.constant 1 : i32
        %dma_wait3A_224 = arith.constant 0 : i32
        %dma_wait3A_225 = tpu.memref_slice %arg7[%dma_wait3A_223, %dma_wait3A_224] : memref<6x40xi32, #tpu.memory_space<vmem>> -> memref<1x40xi32, #tpu.memory_space<vmem>>
        %dma_wait3A_226 = tpu.memref_squeeze %dma_wait3A_225 : memref<1x40xi32, #tpu.memory_space<vmem>> -> memref<40xi32, #tpu.memory_space<vmem>>
        %dma_wait3A_227 = arith.constant 0 : i32
        %dma_wait3A_228 = tpu.memref_slice %arg4[%arg1, %add3A_171, %dma_wait3A_227] : memref<16x250x40xi32, #tpu.memory_space<hbm>> -> memref<1x1x40xi32, #tpu.memory_space<hbm>>
        %dma_wait3A_229 = tpu.memref_squeeze %dma_wait3A_228 : memref<1x1x40xi32, #tpu.memory_space<hbm>> -> memref<40xi32, #tpu.memory_space<hbm>>
        %dma_wait3A_230 = arith.constant 0 : i32
        %dma_wait3A_231 = tpu.memref_slice %arg7[%dma_wait3A_223, %dma_wait3A_230] : memref<6x40xi32, #tpu.memory_space<vmem>> -> memref<1x40xi32, #tpu.memory_space<vmem>>
        %dma_wait3A_232 = tpu.memref_squeeze %dma_wait3A_231 : memref<1x40xi32, #tpu.memory_space<vmem>> -> memref<40xi32, #tpu.memory_space<vmem>>
        %dma_wait3A_233 = arith.constant 0 : i32
        %dma_wait3A_234 = tpu.memref_slice %arg4[%arg1, %add3A_171, %dma_wait3A_233] : memref<16x250x40xi32, #tpu.memory_space<hbm>> -> memref<1x1x40xi32, #tpu.memory_space<hbm>>
        %dma_wait3A_235 = tpu.memref_squeeze %dma_wait3A_234 : memref<1x1x40xi32, #tpu.memory_space<hbm>> -> memref<40xi32, #tpu.memory_space<hbm>>
        tpu.wait_dma2 semaphore(%arg17 : memref<!tpu.dma_semaphore, #tpu.memory_space<semaphore_mem>>) src(%dma_wait3A_235 : memref<40xi32, #tpu.memory_space<hbm>>) dst(%dma_wait3A_232 : memref<40xi32, #tpu.memory_space<vmem>>)
        %run_scoped3A = arith.constant 1 : i32
        %run_scoped3A_236 = arith.constant 1 : i32
        "tpu.region"() ({
          %run_scoped3A_244 = tpu.sem_alloc : memref<!tpu.dma_semaphore, #tpu.memory_space<semaphore_mem>>
          %dma_start3A_245 = arith.constant 0 : i32
          %dma_start3A_246 = arith.constant 0 : i32
          %dma_start3A_247 = tpu.memref_slice %arg8[%run_scoped3A, %dma_start3A_245, %dma_start3A_246] : memref<6x40x128xf32, #tpu.memory_space<vmem>> -> memref<1x40x128xf32, #tpu.memory_space<vmem>>
          %dma_start3A_248 = tpu.memref_squeeze %dma_start3A_247 : memref<1x40x128xf32, #tpu.memory_space<vmem>> -> memref<40x128xf32, #tpu.memory_space<vmem>>
          %dma_start3A_249 = arith.constant 0 : i32
          %dma_start3A_250 = tpu.memref_slice %arg7[%run_scoped3A_236, %dma_start3A_249] : memref<6x40xi32, #tpu.memory_space<vmem>> -> memref<1x40xi32, #tpu.memory_space<vmem>>
          %dma_start3A_251 = tpu.memref_squeeze %dma_start3A_250 : memref<1x40xi32, #tpu.memory_space<vmem>> -> memref<40xi32, #tpu.memory_space<vmem>>
          %dma_start3A_252 = arith.constant 0 : i32
          %dma_start3A_253 = arith.constant 0 : i32
          %dma_start3A_254 = tpu.memref_slice %arg9[%dma_start3A_252, %dma_start3A_253] : memref<10000x128xf32, #tpu.memory_space<vmem_shared>> -> memref<10000x128xf32, #tpu.memory_space<vmem_shared>>
          tpu.enqueue_indirect_dma source(%dma_start3A_248 : memref<40x128xf32, #tpu.memory_space<vmem>>) target(%dma_start3A_254 : memref<10000x128xf32, #tpu.memory_space<vmem_shared>>) offsets(%dma_start3A_251 : memref<40xi32, #tpu.memory_space<vmem>>) semaphore(%run_scoped3A_244 : memref<!tpu.dma_semaphore, #tpu.memory_space<semaphore_mem>>) {add = true}
          %dma_wait3A_255 = arith.constant 0 : i32
          %dma_wait3A_256 = arith.constant 0 : i32
          %dma_wait3A_257 = tpu.memref_slice %arg8[%run_scoped3A, %dma_wait3A_255, %dma_wait3A_256] : memref<6x40x128xf32, #tpu.memory_space<vmem>> -> memref<1x40x128xf32, #tpu.memory_space<vmem>>
          %dma_wait3A_258 = tpu.memref_squeeze %dma_wait3A_257 : memref<1x40x128xf32, #tpu.memory_space<vmem>> -> memref<40x128xf32, #tpu.memory_space<vmem>>
          %dma_wait3A_259 = arith.constant 0 : i32
          %dma_wait3A_260 = tpu.memref_slice %arg7[%run_scoped3A_236, %dma_wait3A_259] : memref<6x40xi32, #tpu.memory_space<vmem>> -> memref<1x40xi32, #tpu.memory_space<vmem>>
          %dma_wait3A_261 = tpu.memref_squeeze %dma_wait3A_260 : memref<1x40xi32, #tpu.memory_space<vmem>> -> memref<40xi32, #tpu.memory_space<vmem>>
          %dma_wait3A_262 = arith.constant 0 : i32
          %dma_wait3A_263 = arith.constant 0 : i32
          %dma_wait3A_264 = tpu.memref_slice %arg9[%dma_wait3A_262, %dma_wait3A_263] : memref<10000x128xf32, #tpu.memory_space<vmem_shared>> -> memref<10000x128xf32, #tpu.memory_space<vmem_shared>>
          tpu.wait_indirect_dma semaphore(%run_scoped3A_244 : memref<!tpu.dma_semaphore, #tpu.memory_space<semaphore_mem>>) src(%dma_wait3A_258 : memref<40x128xf32, #tpu.memory_space<vmem>>) dst(%dma_wait3A_264 : memref<10000x128xf32, #tpu.memory_space<vmem_shared>>)
          tpu.yield
        }) : () -> ()
        %add3A_237 = arith.constant 6 : i32
        %add3A_238 = arith.addi %add3A_171, %add3A_237 : i32
        %lt3A_239 = arith.constant 250 : i32
        %lt3A_240 = arith.cmpi slt, %add3A_238, %lt3A_239 : i32
        %convert_element_type3A_241 = arith.extui %lt3A_240 : i1 to i32
        %cond3A_242 = arith.constant 0 : i32
        %cond3A_243 = arith.cmpi ne, %convert_element_type3A_241, %cond3A_242 : i32
        scf.if %cond3A_243 {
          %mul3A_244 = arith.constant 40 : i32
          %mul3A_245 = arith.muli %add3A_238, %mul3A_244 : i32
          %dma_start3A_246 = arith.constant 1 : i32
          %dma_start3A_247 = arith.constant 0 : i32
          %dma_start3A_248 = arith.constant 0 : i32
          %dma_start3A_249 = tpu.memref_slice %arg8[%dma_start3A_246, %dma_start3A_247, %dma_start3A_248] : memref<6x40x128xf32, #tpu.memory_space<vmem>> -> memref<1x40x128xf32, #tpu.memory_space<vmem>>
          %dma_start3A_250 = tpu.memref_squeeze %dma_start3A_249 : memref<1x40x128xf32, #tpu.memory_space<vmem>> -> memref<40x128xf32, #tpu.memory_space<vmem>>
          %dma_start3A_251 = tpu.memref_slice %arg6[%mul3A_245] : memref<10000xi32, #tpu.memory_space<vmem>> -> memref<40xi32, #tpu.memory_space<vmem>>
          %dma_start3A_252 = arith.constant 0 : i32
          %dma_start3A_253 = arith.constant 0 : i32
          %dma_start3A_254 = tpu.memref_slice %arg2[%dma_start3A_252, %dma_start3A_253] : memref<20000x128xf32, #tpu.memory_space<hbm>> -> memref<20000x128xf32, #tpu.memory_space<hbm>>
          tpu.enqueue_indirect_dma source(%dma_start3A_254 : memref<20000x128xf32, #tpu.memory_space<hbm>>) target(%dma_start3A_250 : memref<40x128xf32, #tpu.memory_space<vmem>>) offsets(%dma_start3A_251 : memref<40xi32, #tpu.memory_space<vmem>>) semaphore(%arg11 : memref<!tpu.dma_semaphore, #tpu.memory_space<semaphore_mem>>)
          %dma_start3A_255 = arith.constant 1 : i32
          %dma_start3A_256 = arith.constant 0 : i32
          %dma_start3A_257 = tpu.memref_slice %arg7[%dma_start3A_255, %dma_start3A_256] : memref<6x40xi32, #tpu.memory_space<vmem>> -> memref<1x40xi32, #tpu.memory_space<vmem>>
          %dma_start3A_258 = tpu.memref_squeeze %dma_start3A_257 : memref<1x40xi32, #tpu.memory_space<vmem>> -> memref<40xi32, #tpu.memory_space<vmem>>
          %dma_start3A_259 = arith.constant 0 : i32
          %dma_start3A_260 = tpu.memref_slice %arg4[%arg1, %add3A_238, %dma_start3A_259] : memref<16x250x40xi32, #tpu.memory_space<hbm>> -> memref<1x1x40xi32, #tpu.memory_space<hbm>>
          %dma_start3A_261 = tpu.memref_squeeze %dma_start3A_260 : memref<1x1x40xi32, #tpu.memory_space<hbm>> -> memref<40xi32, #tpu.memory_space<hbm>>
          %dma_start3A_262 = arith.constant 0 : i32
          %dma_start3A_263 = tpu.memref_slice %arg7[%dma_start3A_255, %dma_start3A_262] : memref<6x40xi32, #tpu.memory_space<vmem>> -> memref<1x40xi32, #tpu.memory_space<vmem>>
          %dma_start3A_264 = tpu.memref_squeeze %dma_start3A_263 : memref<1x40xi32, #tpu.memory_space<vmem>> -> memref<40xi32, #tpu.memory_space<vmem>>
          %dma_start3A_265 = arith.constant 0 : i32
          %dma_start3A_266 = tpu.memref_slice %arg4[%arg1, %add3A_238, %dma_start3A_265] : memref<16x250x40xi32, #tpu.memory_space<hbm>> -> memref<1x1x40xi32, #tpu.memory_space<hbm>>
          %dma_start3A_267 = tpu.memref_squeeze %dma_start3A_266 : memref<1x1x40xi32, #tpu.memory_space<hbm>> -> memref<40xi32, #tpu.memory_space<hbm>>
          tpu.enqueue_dma source(%dma_start3A_267 : memref<40xi32, #tpu.memory_space<hbm>>) target(%dma_start3A_264 : memref<40xi32, #tpu.memory_space<vmem>>) target_semaphore(%arg17 : memref<!tpu.dma_semaphore, #tpu.memory_space<semaphore_mem>>)
        } else {
        }
      } else {
      }
      %mul3A_177 = arith.constant 6 : i32
      %mul3A_178 = arith.muli %scan3A_159, %mul3A_177 : i32
      %add3A_179 = arith.constant 2 : i32
      %add3A_180 = arith.addi %mul3A_178, %add3A_179 : i32
      %lt3A_181 = arith.constant 250 : i32
      %lt3A_182 = arith.cmpi slt, %add3A_180, %lt3A_181 : i32
      %convert_element_type3A_183 = arith.extui %lt3A_182 : i1 to i32
      %cond3A_184 = arith.constant 0 : i32
      %cond3A_185 = arith.cmpi ne, %convert_element_type3A_183, %cond3A_184 : i32
      scf.if %cond3A_185 {
        %mul3A_213 = arith.constant 40 : i32
        %mul3A_214 = arith.muli %add3A_180, %mul3A_213 : i32
        %dma_wait3A = arith.constant 2 : i32
        %dma_wait3A_215 = arith.constant 0 : i32
        %dma_wait3A_216 = arith.constant 0 : i32
        %dma_wait3A_217 = tpu.memref_slice %arg8[%dma_wait3A, %dma_wait3A_215, %dma_wait3A_216] : memref<6x40x128xf32, #tpu.memory_space<vmem>> -> memref<1x40x128xf32, #tpu.memory_space<vmem>>
        %dma_wait3A_218 = tpu.memref_squeeze %dma_wait3A_217 : memref<1x40x128xf32, #tpu.memory_space<vmem>> -> memref<40x128xf32, #tpu.memory_space<vmem>>
        %dma_wait3A_219 = tpu.memref_slice %arg6[%mul3A_214] : memref<10000xi32, #tpu.memory_space<vmem>> -> memref<40xi32, #tpu.memory_space<vmem>>
        %dma_wait3A_220 = arith.constant 0 : i32
        %dma_wait3A_221 = arith.constant 0 : i32
        %dma_wait3A_222 = tpu.memref_slice %arg2[%dma_wait3A_220, %dma_wait3A_221] : memref<20000x128xf32, #tpu.memory_space<hbm>> -> memref<20000x128xf32, #tpu.memory_space<hbm>>
        tpu.wait_indirect_dma semaphore(%arg12 : memref<!tpu.dma_semaphore, #tpu.memory_space<semaphore_mem>>) src(%dma_wait3A_222 : memref<20000x128xf32, #tpu.memory_space<hbm>>) dst(%dma_wait3A_218 : memref<40x128xf32, #tpu.memory_space<vmem>>)
        %dma_wait3A_223 = arith.constant 2 : i32
        %dma_wait3A_224 = arith.constant 0 : i32
        %dma_wait3A_225 = tpu.memref_slice %arg7[%dma_wait3A_223, %dma_wait3A_224] : memref<6x40xi32, #tpu.memory_space<vmem>> -> memref<1x40xi32, #tpu.memory_space<vmem>>
        %dma_wait3A_226 = tpu.memref_squeeze %dma_wait3A_225 : memref<1x40xi32, #tpu.memory_space<vmem>> -> memref<40xi32, #tpu.memory_space<vmem>>
        %dma_wait3A_227 = arith.constant 0 : i32
        %dma_wait3A_228 = tpu.memref_slice %arg4[%arg1, %add3A_180, %dma_wait3A_227] : memref<16x250x40xi32, #tpu.memory_space<hbm>> -> memref<1x1x40xi32, #tpu.memory_space<hbm>>
        %dma_wait3A_229 = tpu.memref_squeeze %dma_wait3A_228 : memref<1x1x40xi32, #tpu.memory_space<hbm>> -> memref<40xi32, #tpu.memory_space<hbm>>
        %dma_wait3A_230 = arith.constant 0 : i32
        %dma_wait3A_231 = tpu.memref_slice %arg7[%dma_wait3A_223, %dma_wait3A_230] : memref<6x40xi32, #tpu.memory_space<vmem>> -> memref<1x40xi32, #tpu.memory_space<vmem>>
        %dma_wait3A_232 = tpu.memref_squeeze %dma_wait3A_231 : memref<1x40xi32, #tpu.memory_space<vmem>> -> memref<40xi32, #tpu.memory_space<vmem>>
        %dma_wait3A_233 = arith.constant 0 : i32
        %dma_wait3A_234 = tpu.memref_slice %arg4[%arg1, %add3A_180, %dma_wait3A_233] : memref<16x250x40xi32, #tpu.memory_space<hbm>> -> memref<1x1x40xi32, #tpu.memory_space<hbm>>
        %dma_wait3A_235 = tpu.memref_squeeze %dma_wait3A_234 : memref<1x1x40xi32, #tpu.memory_space<hbm>> -> memref<40xi32, #tpu.memory_space<hbm>>
        tpu.wait_dma2 semaphore(%arg18 : memref<!tpu.dma_semaphore, #tpu.memory_space<semaphore_mem>>) src(%dma_wait3A_235 : memref<40xi32, #tpu.memory_space<hbm>>) dst(%dma_wait3A_232 : memref<40xi32, #tpu.memory_space<vmem>>)
        %run_scoped3A = arith.constant 2 : i32
        %run_scoped3A_236 = arith.constant 2 : i32
        "tpu.region"() ({
          %run_scoped3A_244 = tpu.sem_alloc : memref<!tpu.dma_semaphore, #tpu.memory_space<semaphore_mem>>
          %dma_start3A_245 = arith.constant 0 : i32
          %dma_start3A_246 = arith.constant 0 : i32
          %dma_start3A_247 = tpu.memref_slice %arg8[%run_scoped3A, %dma_start3A_245, %dma_start3A_246] : memref<6x40x128xf32, #tpu.memory_space<vmem>> -> memref<1x40x128xf32, #tpu.memory_space<vmem>>
          %dma_start3A_248 = tpu.memref_squeeze %dma_start3A_247 : memref<1x40x128xf32, #tpu.memory_space<vmem>> -> memref<40x128xf32, #tpu.memory_space<vmem>>
          %dma_start3A_249 = arith.constant 0 : i32
          %dma_start3A_250 = tpu.memref_slice %arg7[%run_scoped3A_236, %dma_start3A_249] : memref<6x40xi32, #tpu.memory_space<vmem>> -> memref<1x40xi32, #tpu.memory_space<vmem>>
          %dma_start3A_251 = tpu.memref_squeeze %dma_start3A_250 : memref<1x40xi32, #tpu.memory_space<vmem>> -> memref<40xi32, #tpu.memory_space<vmem>>
          %dma_start3A_252 = arith.constant 0 : i32
          %dma_start3A_253 = arith.constant 0 : i32
          %dma_start3A_254 = tpu.memref_slice %arg9[%dma_start3A_252, %dma_start3A_253] : memref<10000x128xf32, #tpu.memory_space<vmem_shared>> -> memref<10000x128xf32, #tpu.memory_space<vmem_shared>>
          tpu.enqueue_indirect_dma source(%dma_start3A_248 : memref<40x128xf32, #tpu.memory_space<vmem>>) target(%dma_start3A_254 : memref<10000x128xf32, #tpu.memory_space<vmem_shared>>) offsets(%dma_start3A_251 : memref<40xi32, #tpu.memory_space<vmem>>) semaphore(%run_scoped3A_244 : memref<!tpu.dma_semaphore, #tpu.memory_space<semaphore_mem>>) {add = true}
          %dma_wait3A_255 = arith.constant 0 : i32
          %dma_wait3A_256 = arith.constant 0 : i32
          %dma_wait3A_257 = tpu.memref_slice %arg8[%run_scoped3A, %dma_wait3A_255, %dma_wait3A_256] : memref<6x40x128xf32, #tpu.memory_space<vmem>> -> memref<1x40x128xf32, #tpu.memory_space<vmem>>
          %dma_wait3A_258 = tpu.memref_squeeze %dma_wait3A_257 : memref<1x40x128xf32, #tpu.memory_space<vmem>> -> memref<40x128xf32, #tpu.memory_space<vmem>>
          %dma_wait3A_259 = arith.constant 0 : i32
          %dma_wait3A_260 = tpu.memref_slice %arg7[%run_scoped3A_236, %dma_wait3A_259] : memref<6x40xi32, #tpu.memory_space<vmem>> -> memref<1x40xi32, #tpu.memory_space<vmem>>
          %dma_wait3A_261 = tpu.memref_squeeze %dma_wait3A_260 : memref<1x40xi32, #tpu.memory_space<vmem>> -> memref<40xi32, #tpu.memory_space<vmem>>
          %dma_wait3A_262 = arith.constant 0 : i32
          %dma_wait3A_263 = arith.constant 0 : i32
          %dma_wait3A_264 = tpu.memref_slice %arg9[%dma_wait3A_262, %dma_wait3A_263] : memref<10000x128xf32, #tpu.memory_space<vmem_shared>> -> memref<10000x128xf32, #tpu.memory_space<vmem_shared>>
          tpu.wait_indirect_dma semaphore(%run_scoped3A_244 : memref<!tpu.dma_semaphore, #tpu.memory_space<semaphore_mem>>) src(%dma_wait3A_258 : memref<40x128xf32, #tpu.memory_space<vmem>>) dst(%dma_wait3A_264 : memref<10000x128xf32, #tpu.memory_space<vmem_shared>>)
          tpu.yield
        }) : () -> ()
        %add3A_237 = arith.constant 6 : i32
        %add3A_238 = arith.addi %add3A_180, %add3A_237 : i32
        %lt3A_239 = arith.constant 250 : i32
        %lt3A_240 = arith.cmpi slt, %add3A_238, %lt3A_239 : i32
        %convert_element_type3A_241 = arith.extui %lt3A_240 : i1 to i32
        %cond3A_242 = arith.constant 0 : i32
        %cond3A_243 = arith.cmpi ne, %convert_element_type3A_241, %cond3A_242 : i32
        scf.if %cond3A_243 {
          %mul3A_244 = arith.constant 40 : i32
          %mul3A_245 = arith.muli %add3A_238, %mul3A_244 : i32
          %dma_start3A_246 = arith.constant 2 : i32
          %dma_start3A_247 = arith.constant 0 : i32
          %dma_start3A_248 = arith.constant 0 : i32
          %dma_start3A_249 = tpu.memref_slice %arg8[%dma_start3A_246, %dma_start3A_247, %dma_start3A_248] : memref<6x40x128xf32, #tpu.memory_space<vmem>> -> memref<1x40x128xf32, #tpu.memory_space<vmem>>
          %dma_start3A_250 = tpu.memref_squeeze %dma_start3A_249 : memref<1x40x128xf32, #tpu.memory_space<vmem>> -> memref<40x128xf32, #tpu.memory_space<vmem>>
          %dma_start3A_251 = tpu.memref_slice %arg6[%mul3A_245] : memref<10000xi32, #tpu.memory_space<vmem>> -> memref<40xi32, #tpu.memory_space<vmem>>
          %dma_start3A_252 = arith.constant 0 : i32
          %dma_start3A_253 = arith.constant 0 : i32
          %dma_start3A_254 = tpu.memref_slice %arg2[%dma_start3A_252, %dma_start3A_253] : memref<20000x128xf32, #tpu.memory_space<hbm>> -> memref<20000x128xf32, #tpu.memory_space<hbm>>
          tpu.enqueue_indirect_dma source(%dma_start3A_254 : memref<20000x128xf32, #tpu.memory_space<hbm>>) target(%dma_start3A_250 : memref<40x128xf32, #tpu.memory_space<vmem>>) offsets(%dma_start3A_251 : memref<40xi32, #tpu.memory_space<vmem>>) semaphore(%arg12 : memref<!tpu.dma_semaphore, #tpu.memory_space<semaphore_mem>>)
          %dma_start3A_255 = arith.constant 2 : i32
          %dma_start3A_256 = arith.constant 0 : i32
          %dma_start3A_257 = tpu.memref_slice %arg7[%dma_start3A_255, %dma_start3A_256] : memref<6x40xi32, #tpu.memory_space<vmem>> -> memref<1x40xi32, #tpu.memory_space<vmem>>
          %dma_start3A_258 = tpu.memref_squeeze %dma_start3A_257 : memref<1x40xi32, #tpu.memory_space<vmem>> -> memref<40xi32, #tpu.memory_space<vmem>>
          %dma_start3A_259 = arith.constant 0 : i32
          %dma_start3A_260 = tpu.memref_slice %arg4[%arg1, %add3A_238, %dma_start3A_259] : memref<16x250x40xi32, #tpu.memory_space<hbm>> -> memref<1x1x40xi32, #tpu.memory_space<hbm>>
          %dma_start3A_261 = tpu.memref_squeeze %dma_start3A_260 : memref<1x1x40xi32, #tpu.memory_space<hbm>> -> memref<40xi32, #tpu.memory_space<hbm>>
          %dma_start3A_262 = arith.constant 0 : i32
          %dma_start3A_263 = tpu.memref_slice %arg7[%dma_start3A_255, %dma_start3A_262] : memref<6x40xi32, #tpu.memory_space<vmem>> -> memref<1x40xi32, #tpu.memory_space<vmem>>
          %dma_start3A_264 = tpu.memref_squeeze %dma_start3A_263 : memref<1x40xi32, #tpu.memory_space<vmem>> -> memref<40xi32, #tpu.memory_space<vmem>>
          %dma_start3A_265 = arith.constant 0 : i32
          %dma_start3A_266 = tpu.memref_slice %arg4[%arg1, %add3A_238, %dma_start3A_265] : memref<16x250x40xi32, #tpu.memory_space<hbm>> -> memref<1x1x40xi32, #tpu.memory_space<hbm>>
          %dma_start3A_267 = tpu.memref_squeeze %dma_start3A_266 : memref<1x1x40xi32, #tpu.memory_space<hbm>> -> memref<40xi32, #tpu.memory_space<hbm>>
          tpu.enqueue_dma source(%dma_start3A_267 : memref<40xi32, #tpu.memory_space<hbm>>) target(%dma_start3A_264 : memref<40xi32, #tpu.memory_space<vmem>>) target_semaphore(%arg18 : memref<!tpu.dma_semaphore, #tpu.memory_space<semaphore_mem>>)
        } else {
        }
      } else {
      }
      %mul3A_186 = arith.constant 6 : i32
      %mul3A_187 = arith.muli %scan3A_159, %mul3A_186 : i32
      %add3A_188 = arith.constant 3 : i32
      %add3A_189 = arith.addi %mul3A_187, %add3A_188 : i32
      %lt3A_190 = arith.constant 250 : i32
      %lt3A_191 = arith.cmpi slt, %add3A_189, %lt3A_190 : i32
      %convert_element_type3A_192 = arith.extui %lt3A_191 : i1 to i32
      %cond3A_193 = arith.constant 0 : i32
      %cond3A_194 = arith.cmpi ne, %convert_element_type3A_192, %cond3A_193 : i32
      scf.if %cond3A_194 {
        %mul3A_213 = arith.constant 40 : i32
        %mul3A_214 = arith.muli %add3A_189, %mul3A_213 : i32
        %dma_wait3A = arith.constant 3 : i32
        %dma_wait3A_215 = arith.constant 0 : i32
        %dma_wait3A_216 = arith.constant 0 : i32
        %dma_wait3A_217 = tpu.memref_slice %arg8[%dma_wait3A, %dma_wait3A_215, %dma_wait3A_216] : memref<6x40x128xf32, #tpu.memory_space<vmem>> -> memref<1x40x128xf32, #tpu.memory_space<vmem>>
        %dma_wait3A_218 = tpu.memref_squeeze %dma_wait3A_217 : memref<1x40x128xf32, #tpu.memory_space<vmem>> -> memref<40x128xf32, #tpu.memory_space<vmem>>
        %dma_wait3A_219 = tpu.memref_slice %arg6[%mul3A_214] : memref<10000xi32, #tpu.memory_space<vmem>> -> memref<40xi32, #tpu.memory_space<vmem>>
        %dma_wait3A_220 = arith.constant 0 : i32
        %dma_wait3A_221 = arith.constant 0 : i32
        %dma_wait3A_222 = tpu.memref_slice %arg2[%dma_wait3A_220, %dma_wait3A_221] : memref<20000x128xf32, #tpu.memory_space<hbm>> -> memref<20000x128xf32, #tpu.memory_space<hbm>>
        tpu.wait_indirect_dma semaphore(%arg13 : memref<!tpu.dma_semaphore, #tpu.memory_space<semaphore_mem>>) src(%dma_wait3A_222 : memref<20000x128xf32, #tpu.memory_space<hbm>>) dst(%dma_wait3A_218 : memref<40x128xf32, #tpu.memory_space<vmem>>)
        %dma_wait3A_223 = arith.constant 3 : i32
        %dma_wait3A_224 = arith.constant 0 : i32
        %dma_wait3A_225 = tpu.memref_slice %arg7[%dma_wait3A_223, %dma_wait3A_224] : memref<6x40xi32, #tpu.memory_space<vmem>> -> memref<1x40xi32, #tpu.memory_space<vmem>>
        %dma_wait3A_226 = tpu.memref_squeeze %dma_wait3A_225 : memref<1x40xi32, #tpu.memory_space<vmem>> -> memref<40xi32, #tpu.memory_space<vmem>>
        %dma_wait3A_227 = arith.constant 0 : i32
        %dma_wait3A_228 = tpu.memref_slice %arg4[%arg1, %add3A_189, %dma_wait3A_227] : memref<16x250x40xi32, #tpu.memory_space<hbm>> -> memref<1x1x40xi32, #tpu.memory_space<hbm>>
        %dma_wait3A_229 = tpu.memref_squeeze %dma_wait3A_228 : memref<1x1x40xi32, #tpu.memory_space<hbm>> -> memref<40xi32, #tpu.memory_space<hbm>>
        %dma_wait3A_230 = arith.constant 0 : i32
        %dma_wait3A_231 = tpu.memref_slice %arg7[%dma_wait3A_223, %dma_wait3A_230] : memref<6x40xi32, #tpu.memory_space<vmem>> -> memref<1x40xi32, #tpu.memory_space<vmem>>
        %dma_wait3A_232 = tpu.memref_squeeze %dma_wait3A_231 : memref<1x40xi32, #tpu.memory_space<vmem>> -> memref<40xi32, #tpu.memory_space<vmem>>
        %dma_wait3A_233 = arith.constant 0 : i32
        %dma_wait3A_234 = tpu.memref_slice %arg4[%arg1, %add3A_189, %dma_wait3A_233] : memref<16x250x40xi32, #tpu.memory_space<hbm>> -> memref<1x1x40xi32, #tpu.memory_space<hbm>>
        %dma_wait3A_235 = tpu.memref_squeeze %dma_wait3A_234 : memref<1x1x40xi32, #tpu.memory_space<hbm>> -> memref<40xi32, #tpu.memory_space<hbm>>
        tpu.wait_dma2 semaphore(%arg19 : memref<!tpu.dma_semaphore, #tpu.memory_space<semaphore_mem>>) src(%dma_wait3A_235 : memref<40xi32, #tpu.memory_space<hbm>>) dst(%dma_wait3A_232 : memref<40xi32, #tpu.memory_space<vmem>>)
        %run_scoped3A = arith.constant 3 : i32
        %run_scoped3A_236 = arith.constant 3 : i32
        "tpu.region"() ({
          %run_scoped3A_244 = tpu.sem_alloc : memref<!tpu.dma_semaphore, #tpu.memory_space<semaphore_mem>>
          %dma_start3A_245 = arith.constant 0 : i32
          %dma_start3A_246 = arith.constant 0 : i32
          %dma_start3A_247 = tpu.memref_slice %arg8[%run_scoped3A, %dma_start3A_245, %dma_start3A_246] : memref<6x40x128xf32, #tpu.memory_space<vmem>> -> memref<1x40x128xf32, #tpu.memory_space<vmem>>
          %dma_start3A_248 = tpu.memref_squeeze %dma_start3A_247 : memref<1x40x128xf32, #tpu.memory_space<vmem>> -> memref<40x128xf32, #tpu.memory_space<vmem>>
          %dma_start3A_249 = arith.constant 0 : i32
          %dma_start3A_250 = tpu.memref_slice %arg7[%run_scoped3A_236, %dma_start3A_249] : memref<6x40xi32, #tpu.memory_space<vmem>> -> memref<1x40xi32, #tpu.memory_space<vmem>>
          %dma_start3A_251 = tpu.memref_squeeze %dma_start3A_250 : memref<1x40xi32, #tpu.memory_space<vmem>> -> memref<40xi32, #tpu.memory_space<vmem>>
          %dma_start3A_252 = arith.constant 0 : i32
          %dma_start3A_253 = arith.constant 0 : i32
          %dma_start3A_254 = tpu.memref_slice %arg9[%dma_start3A_252, %dma_start3A_253] : memref<10000x128xf32, #tpu.memory_space<vmem_shared>> -> memref<10000x128xf32, #tpu.memory_space<vmem_shared>>
          tpu.enqueue_indirect_dma source(%dma_start3A_248 : memref<40x128xf32, #tpu.memory_space<vmem>>) target(%dma_start3A_254 : memref<10000x128xf32, #tpu.memory_space<vmem_shared>>) offsets(%dma_start3A_251 : memref<40xi32, #tpu.memory_space<vmem>>) semaphore(%run_scoped3A_244 : memref<!tpu.dma_semaphore, #tpu.memory_space<semaphore_mem>>) {add = true}
          %dma_wait3A_255 = arith.constant 0 : i32
          %dma_wait3A_256 = arith.constant 0 : i32
          %dma_wait3A_257 = tpu.memref_slice %arg8[%run_scoped3A, %dma_wait3A_255, %dma_wait3A_256] : memref<6x40x128xf32, #tpu.memory_space<vmem>> -> memref<1x40x128xf32, #tpu.memory_space<vmem>>
          %dma_wait3A_258 = tpu.memref_squeeze %dma_wait3A_257 : memref<1x40x128xf32, #tpu.memory_space<vmem>> -> memref<40x128xf32, #tpu.memory_space<vmem>>
          %dma_wait3A_259 = arith.constant 0 : i32
          %dma_wait3A_260 = tpu.memref_slice %arg7[%run_scoped3A_236, %dma_wait3A_259] : memref<6x40xi32, #tpu.memory_space<vmem>> -> memref<1x40xi32, #tpu.memory_space<vmem>>
          %dma_wait3A_261 = tpu.memref_squeeze %dma_wait3A_260 : memref<1x40xi32, #tpu.memory_space<vmem>> -> memref<40xi32, #tpu.memory_space<vmem>>
          %dma_wait3A_262 = arith.constant 0 : i32
          %dma_wait3A_263 = arith.constant 0 : i32
          %dma_wait3A_264 = tpu.memref_slice %arg9[%dma_wait3A_262, %dma_wait3A_263] : memref<10000x128xf32, #tpu.memory_space<vmem_shared>> -> memref<10000x128xf32, #tpu.memory_space<vmem_shared>>
          tpu.wait_indirect_dma semaphore(%run_scoped3A_244 : memref<!tpu.dma_semaphore, #tpu.memory_space<semaphore_mem>>) src(%dma_wait3A_258 : memref<40x128xf32, #tpu.memory_space<vmem>>) dst(%dma_wait3A_264 : memref<10000x128xf32, #tpu.memory_space<vmem_shared>>)
          tpu.yield
        }) : () -> ()
        %add3A_237 = arith.constant 6 : i32
        %add3A_238 = arith.addi %add3A_189, %add3A_237 : i32
        %lt3A_239 = arith.constant 250 : i32
        %lt3A_240 = arith.cmpi slt, %add3A_238, %lt3A_239 : i32
        %convert_element_type3A_241 = arith.extui %lt3A_240 : i1 to i32
        %cond3A_242 = arith.constant 0 : i32
        %cond3A_243 = arith.cmpi ne, %convert_element_type3A_241, %cond3A_242 : i32
        scf.if %cond3A_243 {
          %mul3A_244 = arith.constant 40 : i32
          %mul3A_245 = arith.muli %add3A_238, %mul3A_244 : i32
          %dma_start3A_246 = arith.constant 3 : i32
          %dma_start3A_247 = arith.constant 0 : i32
          %dma_start3A_248 = arith.constant 0 : i32
          %dma_start3A_249 = tpu.memref_slice %arg8[%dma_start3A_246, %dma_start3A_247, %dma_start3A_248] : memref<6x40x128xf32, #tpu.memory_space<vmem>> -> memref<1x40x128xf32, #tpu.memory_space<vmem>>
          %dma_start3A_250 = tpu.memref_squeeze %dma_start3A_249 : memref<1x40x128xf32, #tpu.memory_space<vmem>> -> memref<40x128xf32, #tpu.memory_space<vmem>>
          %dma_start3A_251 = tpu.memref_slice %arg6[%mul3A_245] : memref<10000xi32, #tpu.memory_space<vmem>> -> memref<40xi32, #tpu.memory_space<vmem>>
          %dma_start3A_252 = arith.constant 0 : i32
          %dma_start3A_253 = arith.constant 0 : i32
          %dma_start3A_254 = tpu.memref_slice %arg2[%dma_start3A_252, %dma_start3A_253] : memref<20000x128xf32, #tpu.memory_space<hbm>> -> memref<20000x128xf32, #tpu.memory_space<hbm>>
          tpu.enqueue_indirect_dma source(%dma_start3A_254 : memref<20000x128xf32, #tpu.memory_space<hbm>>) target(%dma_start3A_250 : memref<40x128xf32, #tpu.memory_space<vmem>>) offsets(%dma_start3A_251 : memref<40xi32, #tpu.memory_space<vmem>>) semaphore(%arg13 : memref<!tpu.dma_semaphore, #tpu.memory_space<semaphore_mem>>)
          %dma_start3A_255 = arith.constant 3 : i32
          %dma_start3A_256 = arith.constant 0 : i32
          %dma_start3A_257 = tpu.memref_slice %arg7[%dma_start3A_255, %dma_start3A_256] : memref<6x40xi32, #tpu.memory_space<vmem>> -> memref<1x40xi32, #tpu.memory_space<vmem>>
          %dma_start3A_258 = tpu.memref_squeeze %dma_start3A_257 : memref<1x40xi32, #tpu.memory_space<vmem>> -> memref<40xi32, #tpu.memory_space<vmem>>
          %dma_start3A_259 = arith.constant 0 : i32
          %dma_start3A_260 = tpu.memref_slice %arg4[%arg1, %add3A_238, %dma_start3A_259] : memref<16x250x40xi32, #tpu.memory_space<hbm>> -> memref<1x1x40xi32, #tpu.memory_space<hbm>>
          %dma_start3A_261 = tpu.memref_squeeze %dma_start3A_260 : memref<1x1x40xi32, #tpu.memory_space<hbm>> -> memref<40xi32, #tpu.memory_space<hbm>>
          %dma_start3A_262 = arith.constant 0 : i32
          %dma_start3A_263 = tpu.memref_slice %arg7[%dma_start3A_255, %dma_start3A_262] : memref<6x40xi32, #tpu.memory_space<vmem>> -> memref<1x40xi32, #tpu.memory_space<vmem>>
          %dma_start3A_264 = tpu.memref_squeeze %dma_start3A_263 : memref<1x40xi32, #tpu.memory_space<vmem>> -> memref<40xi32, #tpu.memory_space<vmem>>
          %dma_start3A_265 = arith.constant 0 : i32
          %dma_start3A_266 = tpu.memref_slice %arg4[%arg1, %add3A_238, %dma_start3A_265] : memref<16x250x40xi32, #tpu.memory_space<hbm>> -> memref<1x1x40xi32, #tpu.memory_space<hbm>>
          %dma_start3A_267 = tpu.memref_squeeze %dma_start3A_266 : memref<1x1x40xi32, #tpu.memory_space<hbm>> -> memref<40xi32, #tpu.memory_space<hbm>>
          tpu.enqueue_dma source(%dma_start3A_267 : memref<40xi32, #tpu.memory_space<hbm>>) target(%dma_start3A_264 : memref<40xi32, #tpu.memory_space<vmem>>) target_semaphore(%arg19 : memref<!tpu.dma_semaphore, #tpu.memory_space<semaphore_mem>>)
        } else {
        }
      } else {
      }
      %mul3A_195 = arith.constant 6 : i32
      %mul3A_196 = arith.muli %scan3A_159, %mul3A_195 : i32
      %add3A_197 = arith.constant 4 : i32
      %add3A_198 = arith.addi %mul3A_196, %add3A_197 : i32
      %lt3A_199 = arith.constant 250 : i32
      %lt3A_200 = arith.cmpi slt, %add3A_198, %lt3A_199 : i32
      %convert_element_type3A_201 = arith.extui %lt3A_200 : i1 to i32
      %cond3A_202 = arith.constant 0 : i32
      %cond3A_203 = arith.cmpi ne, %convert_element_type3A_201, %cond3A_202 : i32
      scf.if %cond3A_203 {
        %mul3A_213 = arith.constant 40 : i32
        %mul3A_214 = arith.muli %add3A_198, %mul3A_213 : i32
        %dma_wait3A = arith.constant 4 : i32
        %dma_wait3A_215 = arith.constant 0 : i32
        %dma_wait3A_216 = arith.constant 0 : i32
        %dma_wait3A_217 = tpu.memref_slice %arg8[%dma_wait3A, %dma_wait3A_215, %dma_wait3A_216] : memref<6x40x128xf32, #tpu.memory_space<vmem>> -> memref<1x40x128xf32, #tpu.memory_space<vmem>>
        %dma_wait3A_218 = tpu.memref_squeeze %dma_wait3A_217 : memref<1x40x128xf32, #tpu.memory_space<vmem>> -> memref<40x128xf32, #tpu.memory_space<vmem>>
        %dma_wait3A_219 = tpu.memref_slice %arg6[%mul3A_214] : memref<10000xi32, #tpu.memory_space<vmem>> -> memref<40xi32, #tpu.memory_space<vmem>>
        %dma_wait3A_220 = arith.constant 0 : i32
        %dma_wait3A_221 = arith.constant 0 : i32
        %dma_wait3A_222 = tpu.memref_slice %arg2[%dma_wait3A_220, %dma_wait3A_221] : memref<20000x128xf32, #tpu.memory_space<hbm>> -> memref<20000x128xf32, #tpu.memory_space<hbm>>
        tpu.wait_indirect_dma semaphore(%arg14 : memref<!tpu.dma_semaphore, #tpu.memory_space<semaphore_mem>>) src(%dma_wait3A_222 : memref<20000x128xf32, #tpu.memory_space<hbm>>) dst(%dma_wait3A_218 : memref<40x128xf32, #tpu.memory_space<vmem>>)
        %dma_wait3A_223 = arith.constant 4 : i32
        %dma_wait3A_224 = arith.constant 0 : i32
        %dma_wait3A_225 = tpu.memref_slice %arg7[%dma_wait3A_223, %dma_wait3A_224] : memref<6x40xi32, #tpu.memory_space<vmem>> -> memref<1x40xi32, #tpu.memory_space<vmem>>
        %dma_wait3A_226 = tpu.memref_squeeze %dma_wait3A_225 : memref<1x40xi32, #tpu.memory_space<vmem>> -> memref<40xi32, #tpu.memory_space<vmem>>
        %dma_wait3A_227 = arith.constant 0 : i32
        %dma_wait3A_228 = tpu.memref_slice %arg4[%arg1, %add3A_198, %dma_wait3A_227] : memref<16x250x40xi32, #tpu.memory_space<hbm>> -> memref<1x1x40xi32, #tpu.memory_space<hbm>>
        %dma_wait3A_229 = tpu.memref_squeeze %dma_wait3A_228 : memref<1x1x40xi32, #tpu.memory_space<hbm>> -> memref<40xi32, #tpu.memory_space<hbm>>
        %dma_wait3A_230 = arith.constant 0 : i32
        %dma_wait3A_231 = tpu.memref_slice %arg7[%dma_wait3A_223, %dma_wait3A_230] : memref<6x40xi32, #tpu.memory_space<vmem>> -> memref<1x40xi32, #tpu.memory_space<vmem>>
        %dma_wait3A_232 = tpu.memref_squeeze %dma_wait3A_231 : memref<1x40xi32, #tpu.memory_space<vmem>> -> memref<40xi32, #tpu.memory_space<vmem>>
        %dma_wait3A_233 = arith.constant 0 : i32
        %dma_wait3A_234 = tpu.memref_slice %arg4[%arg1, %add3A_198, %dma_wait3A_233] : memref<16x250x40xi32, #tpu.memory_space<hbm>> -> memref<1x1x40xi32, #tpu.memory_space<hbm>>
        %dma_wait3A_235 = tpu.memref_squeeze %dma_wait3A_234 : memref<1x1x40xi32, #tpu.memory_space<hbm>> -> memref<40xi32, #tpu.memory_space<hbm>>
        tpu.wait_dma2 semaphore(%arg20 : memref<!tpu.dma_semaphore, #tpu.memory_space<semaphore_mem>>) src(%dma_wait3A_235 : memref<40xi32, #tpu.memory_space<hbm>>) dst(%dma_wait3A_232 : memref<40xi32, #tpu.memory_space<vmem>>)
        %run_scoped3A = arith.constant 4 : i32
        %run_scoped3A_236 = arith.constant 4 : i32
        "tpu.region"() ({
          %run_scoped3A_244 = tpu.sem_alloc : memref<!tpu.dma_semaphore, #tpu.memory_space<semaphore_mem>>
          %dma_start3A_245 = arith.constant 0 : i32
          %dma_start3A_246 = arith.constant 0 : i32
          %dma_start3A_247 = tpu.memref_slice %arg8[%run_scoped3A, %dma_start3A_245, %dma_start3A_246] : memref<6x40x128xf32, #tpu.memory_space<vmem>> -> memref<1x40x128xf32, #tpu.memory_space<vmem>>
          %dma_start3A_248 = tpu.memref_squeeze %dma_start3A_247 : memref<1x40x128xf32, #tpu.memory_space<vmem>> -> memref<40x128xf32, #tpu.memory_space<vmem>>
          %dma_start3A_249 = arith.constant 0 : i32
          %dma_start3A_250 = tpu.memref_slice %arg7[%run_scoped3A_236, %dma_start3A_249] : memref<6x40xi32, #tpu.memory_space<vmem>> -> memref<1x40xi32, #tpu.memory_space<vmem>>
          %dma_start3A_251 = tpu.memref_squeeze %dma_start3A_250 : memref<1x40xi32, #tpu.memory_space<vmem>> -> memref<40xi32, #tpu.memory_space<vmem>>
          %dma_start3A_252 = arith.constant 0 : i32
          %dma_start3A_253 = arith.constant 0 : i32
          %dma_start3A_254 = tpu.memref_slice %arg9[%dma_start3A_252, %dma_start3A_253] : memref<10000x128xf32, #tpu.memory_space<vmem_shared>> -> memref<10000x128xf32, #tpu.memory_space<vmem_shared>>
          tpu.enqueue_indirect_dma source(%dma_start3A_248 : memref<40x128xf32, #tpu.memory_space<vmem>>) target(%dma_start3A_254 : memref<10000x128xf32, #tpu.memory_space<vmem_shared>>) offsets(%dma_start3A_251 : memref<40xi32, #tpu.memory_space<vmem>>) semaphore(%run_scoped3A_244 : memref<!tpu.dma_semaphore, #tpu.memory_space<semaphore_mem>>) {add = true}
          %dma_wait3A_255 = arith.constant 0 : i32
          %dma_wait3A_256 = arith.constant 0 : i32
          %dma_wait3A_257 = tpu.memref_slice %arg8[%run_scoped3A, %dma_wait3A_255, %dma_wait3A_256] : memref<6x40x128xf32, #tpu.memory_space<vmem>> -> memref<1x40x128xf32, #tpu.memory_space<vmem>>
          %dma_wait3A_258 = tpu.memref_squeeze %dma_wait3A_257 : memref<1x40x128xf32, #tpu.memory_space<vmem>> -> memref<40x128xf32, #tpu.memory_space<vmem>>
          %dma_wait3A_259 = arith.constant 0 : i32
          %dma_wait3A_260 = tpu.memref_slice %arg7[%run_scoped3A_236, %dma_wait3A_259] : memref<6x40xi32, #tpu.memory_space<vmem>> -> memref<1x40xi32, #tpu.memory_space<vmem>>
          %dma_wait3A_261 = tpu.memref_squeeze %dma_wait3A_260 : memref<1x40xi32, #tpu.memory_space<vmem>> -> memref<40xi32, #tpu.memory_space<vmem>>
          %dma_wait3A_262 = arith.constant 0 : i32
          %dma_wait3A_263 = arith.constant 0 : i32
          %dma_wait3A_264 = tpu.memref_slice %arg9[%dma_wait3A_262, %dma_wait3A_263] : memref<10000x128xf32, #tpu.memory_space<vmem_shared>> -> memref<10000x128xf32, #tpu.memory_space<vmem_shared>>
          tpu.wait_indirect_dma semaphore(%run_scoped3A_244 : memref<!tpu.dma_semaphore, #tpu.memory_space<semaphore_mem>>) src(%dma_wait3A_258 : memref<40x128xf32, #tpu.memory_space<vmem>>) dst(%dma_wait3A_264 : memref<10000x128xf32, #tpu.memory_space<vmem_shared>>)
          tpu.yield
        }) : () -> ()
        %add3A_237 = arith.constant 6 : i32
        %add3A_238 = arith.addi %add3A_198, %add3A_237 : i32
        %lt3A_239 = arith.constant 250 : i32
        %lt3A_240 = arith.cmpi slt, %add3A_238, %lt3A_239 : i32
        %convert_element_type3A_241 = arith.extui %lt3A_240 : i1 to i32
        %cond3A_242 = arith.constant 0 : i32
        %cond3A_243 = arith.cmpi ne, %convert_element_type3A_241, %cond3A_242 : i32
        scf.if %cond3A_243 {
          %mul3A_244 = arith.constant 40 : i32
          %mul3A_245 = arith.muli %add3A_238, %mul3A_244 : i32
          %dma_start3A_246 = arith.constant 4 : i32
          %dma_start3A_247 = arith.constant 0 : i32
          %dma_start3A_248 = arith.constant 0 : i32
          %dma_start3A_249 = tpu.memref_slice %arg8[%dma_start3A_246, %dma_start3A_247, %dma_start3A_248] : memref<6x40x128xf32, #tpu.memory_space<vmem>> -> memref<1x40x128xf32, #tpu.memory_space<vmem>>
          %dma_start3A_250 = tpu.memref_squeeze %dma_start3A_249 : memref<1x40x128xf32, #tpu.memory_space<vmem>> -> memref<40x128xf32, #tpu.memory_space<vmem>>
          %dma_start3A_251 = tpu.memref_slice %arg6[%mul3A_245] : memref<10000xi32, #tpu.memory_space<vmem>> -> memref<40xi32, #tpu.memory_space<vmem>>
          %dma_start3A_252 = arith.constant 0 : i32
          %dma_start3A_253 = arith.constant 0 : i32
          %dma_start3A_254 = tpu.memref_slice %arg2[%dma_start3A_252, %dma_start3A_253] : memref<20000x128xf32, #tpu.memory_space<hbm>> -> memref<20000x128xf32, #tpu.memory_space<hbm>>
          tpu.enqueue_indirect_dma source(%dma_start3A_254 : memref<20000x128xf32, #tpu.memory_space<hbm>>) target(%dma_start3A_250 : memref<40x128xf32, #tpu.memory_space<vmem>>) offsets(%dma_start3A_251 : memref<40xi32, #tpu.memory_space<vmem>>) semaphore(%arg14 : memref<!tpu.dma_semaphore, #tpu.memory_space<semaphore_mem>>)
          %dma_start3A_255 = arith.constant 4 : i32
          %dma_start3A_256 = arith.constant 0 : i32
          %dma_start3A_257 = tpu.memref_slice %arg7[%dma_start3A_255, %dma_start3A_256] : memref<6x40xi32, #tpu.memory_space<vmem>> -> memref<1x40xi32, #tpu.memory_space<vmem>>
          %dma_start3A_258 = tpu.memref_squeeze %dma_start3A_257 : memref<1x40xi32, #tpu.memory_space<vmem>> -> memref<40xi32, #tpu.memory_space<vmem>>
          %dma_start3A_259 = arith.constant 0 : i32
          %dma_start3A_260 = tpu.memref_slice %arg4[%arg1, %add3A_238, %dma_start3A_259] : memref<16x250x40xi32, #tpu.memory_space<hbm>> -> memref<1x1x40xi32, #tpu.memory_space<hbm>>
          %dma_start3A_261 = tpu.memref_squeeze %dma_start3A_260 : memref<1x1x40xi32, #tpu.memory_space<hbm>> -> memref<40xi32, #tpu.memory_space<hbm>>
          %dma_start3A_262 = arith.constant 0 : i32
          %dma_start3A_263 = tpu.memref_slice %arg7[%dma_start3A_255, %dma_start3A_262] : memref<6x40xi32, #tpu.memory_space<vmem>> -> memref<1x40xi32, #tpu.memory_space<vmem>>
          %dma_start3A_264 = tpu.memref_squeeze %dma_start3A_263 : memref<1x40xi32, #tpu.memory_space<vmem>> -> memref<40xi32, #tpu.memory_space<vmem>>
          %dma_start3A_265 = arith.constant 0 : i32
          %dma_start3A_266 = tpu.memref_slice %arg4[%arg1, %add3A_238, %dma_start3A_265] : memref<16x250x40xi32, #tpu.memory_space<hbm>> -> memref<1x1x40xi32, #tpu.memory_space<hbm>>
          %dma_start3A_267 = tpu.memref_squeeze %dma_start3A_266 : memref<1x1x40xi32, #tpu.memory_space<hbm>> -> memref<40xi32, #tpu.memory_space<hbm>>
          tpu.enqueue_dma source(%dma_start3A_267 : memref<40xi32, #tpu.memory_space<hbm>>) target(%dma_start3A_264 : memref<40xi32, #tpu.memory_space<vmem>>) target_semaphore(%arg20 : memref<!tpu.dma_semaphore, #tpu.memory_space<semaphore_mem>>)
        } else {
        }
      } else {
      }
      %mul3A_204 = arith.constant 6 : i32
      %mul3A_205 = arith.muli %scan3A_159, %mul3A_204 : i32
      %add3A_206 = arith.constant 5 : i32
      %add3A_207 = arith.addi %mul3A_205, %add3A_206 : i32
      %lt3A_208 = arith.constant 250 : i32
      %lt3A_209 = arith.cmpi slt, %add3A_207, %lt3A_208 : i32
      %convert_element_type3A_210 = arith.extui %lt3A_209 : i1 to i32
      %cond3A_211 = arith.constant 0 : i32
      %cond3A_212 = arith.cmpi ne, %convert_element_type3A_210, %cond3A_211 : i32
      scf.if %cond3A_212 {
        %mul3A_213 = arith.constant 40 : i32
        %mul3A_214 = arith.muli %add3A_207, %mul3A_213 : i32
        %dma_wait3A = arith.constant 5 : i32
        %dma_wait3A_215 = arith.constant 0 : i32
        %dma_wait3A_216 = arith.constant 0 : i32
        %dma_wait3A_217 = tpu.memref_slice %arg8[%dma_wait3A, %dma_wait3A_215, %dma_wait3A_216] : memref<6x40x128xf32, #tpu.memory_space<vmem>> -> memref<1x40x128xf32, #tpu.memory_space<vmem>>
        %dma_wait3A_218 = tpu.memref_squeeze %dma_wait3A_217 : memref<1x40x128xf32, #tpu.memory_space<vmem>> -> memref<40x128xf32, #tpu.memory_space<vmem>>
        %dma_wait3A_219 = tpu.memref_slice %arg6[%mul3A_214] : memref<10000xi32, #tpu.memory_space<vmem>> -> memref<40xi32, #tpu.memory_space<vmem>>
        %dma_wait3A_220 = arith.constant 0 : i32
        %dma_wait3A_221 = arith.constant 0 : i32
        %dma_wait3A_222 = tpu.memref_slice %arg2[%dma_wait3A_220, %dma_wait3A_221] : memref<20000x128xf32, #tpu.memory_space<hbm>> -> memref<20000x128xf32, #tpu.memory_space<hbm>>
        tpu.wait_indirect_dma semaphore(%arg15 : memref<!tpu.dma_semaphore, #tpu.memory_space<semaphore_mem>>) src(%dma_wait3A_222 : memref<20000x128xf32, #tpu.memory_space<hbm>>) dst(%dma_wait3A_218 : memref<40x128xf32, #tpu.memory_space<vmem>>)
        %dma_wait3A_223 = arith.constant 5 : i32
        %dma_wait3A_224 = arith.constant 0 : i32
        %dma_wait3A_225 = tpu.memref_slice %arg7[%dma_wait3A_223, %dma_wait3A_224] : memref<6x40xi32, #tpu.memory_space<vmem>> -> memref<1x40xi32, #tpu.memory_space<vmem>>
        %dma_wait3A_226 = tpu.memref_squeeze %dma_wait3A_225 : memref<1x40xi32, #tpu.memory_space<vmem>> -> memref<40xi32, #tpu.memory_space<vmem>>
        %dma_wait3A_227 = arith.constant 0 : i32
        %dma_wait3A_228 = tpu.memref_slice %arg4[%arg1, %add3A_207, %dma_wait3A_227] : memref<16x250x40xi32, #tpu.memory_space<hbm>> -> memref<1x1x40xi32, #tpu.memory_space<hbm>>
        %dma_wait3A_229 = tpu.memref_squeeze %dma_wait3A_228 : memref<1x1x40xi32, #tpu.memory_space<hbm>> -> memref<40xi32, #tpu.memory_space<hbm>>
        %dma_wait3A_230 = arith.constant 0 : i32
        %dma_wait3A_231 = tpu.memref_slice %arg7[%dma_wait3A_223, %dma_wait3A_230] : memref<6x40xi32, #tpu.memory_space<vmem>> -> memref<1x40xi32, #tpu.memory_space<vmem>>
        %dma_wait3A_232 = tpu.memref_squeeze %dma_wait3A_231 : memref<1x40xi32, #tpu.memory_space<vmem>> -> memref<40xi32, #tpu.memory_space<vmem>>
        %dma_wait3A_233 = arith.constant 0 : i32
        %dma_wait3A_234 = tpu.memref_slice %arg4[%arg1, %add3A_207, %dma_wait3A_233] : memref<16x250x40xi32, #tpu.memory_space<hbm>> -> memref<1x1x40xi32, #tpu.memory_space<hbm>>
        %dma_wait3A_235 = tpu.memref_squeeze %dma_wait3A_234 : memref<1x1x40xi32, #tpu.memory_space<hbm>> -> memref<40xi32, #tpu.memory_space<hbm>>
        tpu.wait_dma2 semaphore(%arg21 : memref<!tpu.dma_semaphore, #tpu.memory_space<semaphore_mem>>) src(%dma_wait3A_235 : memref<40xi32, #tpu.memory_space<hbm>>) dst(%dma_wait3A_232 : memref<40xi32, #tpu.memory_space<vmem>>)
        %run_scoped3A = arith.constant 5 : i32
        %run_scoped3A_236 = arith.constant 5 : i32
        "tpu.region"() ({
          %run_scoped3A_244 = tpu.sem_alloc : memref<!tpu.dma_semaphore, #tpu.memory_space<semaphore_mem>>
          %dma_start3A_245 = arith.constant 0 : i32
          %dma_start3A_246 = arith.constant 0 : i32
          %dma_start3A_247 = tpu.memref_slice %arg8[%run_scoped3A, %dma_start3A_245, %dma_start3A_246] : memref<6x40x128xf32, #tpu.memory_space<vmem>> -> memref<1x40x128xf32, #tpu.memory_space<vmem>>
          %dma_start3A_248 = tpu.memref_squeeze %dma_start3A_247 : memref<1x40x128xf32, #tpu.memory_space<vmem>> -> memref<40x128xf32, #tpu.memory_space<vmem>>
          %dma_start3A_249 = arith.constant 0 : i32
          %dma_start3A_250 = tpu.memref_slice %arg7[%run_scoped3A_236, %dma_start3A_249] : memref<6x40xi32, #tpu.memory_space<vmem>> -> memref<1x40xi32, #tpu.memory_space<vmem>>
          %dma_start3A_251 = tpu.memref_squeeze %dma_start3A_250 : memref<1x40xi32, #tpu.memory_space<vmem>> -> memref<40xi32, #tpu.memory_space<vmem>>
          %dma_start3A_252 = arith.constant 0 : i32
          %dma_start3A_253 = arith.constant 0 : i32
          %dma_start3A_254 = tpu.memref_slice %arg9[%dma_start3A_252, %dma_start3A_253] : memref<10000x128xf32, #tpu.memory_space<vmem_shared>> -> memref<10000x128xf32, #tpu.memory_space<vmem_shared>>
          tpu.enqueue_indirect_dma source(%dma_start3A_248 : memref<40x128xf32, #tpu.memory_space<vmem>>) target(%dma_start3A_254 : memref<10000x128xf32, #tpu.memory_space<vmem_shared>>) offsets(%dma_start3A_251 : memref<40xi32, #tpu.memory_space<vmem>>) semaphore(%run_scoped3A_244 : memref<!tpu.dma_semaphore, #tpu.memory_space<semaphore_mem>>) {add = true}
          %dma_wait3A_255 = arith.constant 0 : i32
          %dma_wait3A_256 = arith.constant 0 : i32
          %dma_wait3A_257 = tpu.memref_slice %arg8[%run_scoped3A, %dma_wait3A_255, %dma_wait3A_256] : memref<6x40x128xf32, #tpu.memory_space<vmem>> -> memref<1x40x128xf32, #tpu.memory_space<vmem>>
          %dma_wait3A_258 = tpu.memref_squeeze %dma_wait3A_257 : memref<1x40x128xf32, #tpu.memory_space<vmem>> -> memref<40x128xf32, #tpu.memory_space<vmem>>
          %dma_wait3A_259 = arith.constant 0 : i32
          %dma_wait3A_260 = tpu.memref_slice %arg7[%run_scoped3A_236, %dma_wait3A_259] : memref<6x40xi32, #tpu.memory_space<vmem>> -> memref<1x40xi32, #tpu.memory_space<vmem>>
          %dma_wait3A_261 = tpu.memref_squeeze %dma_wait3A_260 : memref<1x40xi32, #tpu.memory_space<vmem>> -> memref<40xi32, #tpu.memory_space<vmem>>
          %dma_wait3A_262 = arith.constant 0 : i32
          %dma_wait3A_263 = arith.constant 0 : i32
          %dma_wait3A_264 = tpu.memref_slice %arg9[%dma_wait3A_262, %dma_wait3A_263] : memref<10000x128xf32, #tpu.memory_space<vmem_shared>> -> memref<10000x128xf32, #tpu.memory_space<vmem_shared>>
          tpu.wait_indirect_dma semaphore(%run_scoped3A_244 : memref<!tpu.dma_semaphore, #tpu.memory_space<semaphore_mem>>) src(%dma_wait3A_258 : memref<40x128xf32, #tpu.memory_space<vmem>>) dst(%dma_wait3A_264 : memref<10000x128xf32, #tpu.memory_space<vmem_shared>>)
          tpu.yield
        }) : () -> ()
        %add3A_237 = arith.constant 6 : i32
        %add3A_238 = arith.addi %add3A_207, %add3A_237 : i32
        %lt3A_239 = arith.constant 250 : i32
        %lt3A_240 = arith.cmpi slt, %add3A_238, %lt3A_239 : i32
        %convert_element_type3A_241 = arith.extui %lt3A_240 : i1 to i32
        %cond3A_242 = arith.constant 0 : i32
        %cond3A_243 = arith.cmpi ne, %convert_element_type3A_241, %cond3A_242 : i32
        scf.if %cond3A_243 {
          %mul3A_244 = arith.constant 40 : i32
          %mul3A_245 = arith.muli %add3A_238, %mul3A_244 : i32
          %dma_start3A_246 = arith.constant 5 : i32
          %dma_start3A_247 = arith.constant 0 : i32
          %dma_start3A_248 = arith.constant 0 : i32
          %dma_start3A_249 = tpu.memref_slice %arg8[%dma_start3A_246, %dma_start3A_247, %dma_start3A_248] : memref<6x40x128xf32, #tpu.memory_space<vmem>> -> memref<1x40x128xf32, #tpu.memory_space<vmem>>
          %dma_start3A_250 = tpu.memref_squeeze %dma_start3A_249 : memref<1x40x128xf32, #tpu.memory_space<vmem>> -> memref<40x128xf32, #tpu.memory_space<vmem>>
          %dma_start3A_251 = tpu.memref_slice %arg6[%mul3A_245] : memref<10000xi32, #tpu.memory_space<vmem>> -> memref<40xi32, #tpu.memory_space<vmem>>
          %dma_start3A_252 = arith.constant 0 : i32
          %dma_start3A_253 = arith.constant 0 : i32
          %dma_start3A_254 = tpu.memref_slice %arg2[%dma_start3A_252, %dma_start3A_253] : memref<20000x128xf32, #tpu.memory_space<hbm>> -> memref<20000x128xf32, #tpu.memory_space<hbm>>
          tpu.enqueue_indirect_dma source(%dma_start3A_254 : memref<20000x128xf32, #tpu.memory_space<hbm>>) target(%dma_start3A_250 : memref<40x128xf32, #tpu.memory_space<vmem>>) offsets(%dma_start3A_251 : memref<40xi32, #tpu.memory_space<vmem>>) semaphore(%arg15 : memref<!tpu.dma_semaphore, #tpu.memory_space<semaphore_mem>>)
          %dma_start3A_255 = arith.constant 5 : i32
          %dma_start3A_256 = arith.constant 0 : i32
          %dma_start3A_257 = tpu.memref_slice %arg7[%dma_start3A_255, %dma_start3A_256] : memref<6x40xi32, #tpu.memory_space<vmem>> -> memref<1x40xi32, #tpu.memory_space<vmem>>
          %dma_start3A_258 = tpu.memref_squeeze %dma_start3A_257 : memref<1x40xi32, #tpu.memory_space<vmem>> -> memref<40xi32, #tpu.memory_space<vmem>>
          %dma_start3A_259 = arith.constant 0 : i32
          %dma_start3A_260 = tpu.memref_slice %arg4[%arg1, %add3A_238, %dma_start3A_259] : memref<16x250x40xi32, #tpu.memory_space<hbm>> -> memref<1x1x40xi32, #tpu.memory_space<hbm>>
          %dma_start3A_261 = tpu.memref_squeeze %dma_start3A_260 : memref<1x1x40xi32, #tpu.memory_space<hbm>> -> memref<40xi32, #tpu.memory_space<hbm>>
          %dma_start3A_262 = arith.constant 0 : i32
          %dma_start3A_263 = tpu.memref_slice %arg7[%dma_start3A_255, %dma_start3A_262] : memref<6x40xi32, #tpu.memory_space<vmem>> -> memref<1x40xi32, #tpu.memory_space<vmem>>
          %dma_start3A_264 = tpu.memref_squeeze %dma_start3A_263 : memref<1x40xi32, #tpu.memory_space<vmem>> -> memref<40xi32, #tpu.memory_space<vmem>>
          %dma_start3A_265 = arith.constant 0 : i32
          %dma_start3A_266 = tpu.memref_slice %arg4[%arg1, %add3A_238, %dma_start3A_265] : memref<16x250x40xi32, #tpu.memory_space<hbm>> -> memref<1x1x40xi32, #tpu.memory_space<hbm>>
          %dma_start3A_267 = tpu.memref_squeeze %dma_start3A_266 : memref<1x1x40xi32, #tpu.memory_space<hbm>> -> memref<40xi32, #tpu.memory_space<hbm>>
          tpu.enqueue_dma source(%dma_start3A_267 : memref<40xi32, #tpu.memory_space<hbm>>) target(%dma_start3A_264 : memref<40xi32, #tpu.memory_space<vmem>>) target_semaphore(%arg21 : memref<!tpu.dma_semaphore, #tpu.memory_space<semaphore_mem>>)
        } else {
        }
      } else {
      }
    }
    %scan3A_152 = arith.constant 42 : i32
    %barrier3A_153 = arith.constant 0 : index
    tpu.barrier barrier_id(%barrier3A_153)
    "tpu.region"() ({
      %run_scoped3A = tpu.sem_alloc : memref<!tpu.dma_semaphore, #tpu.memory_space<semaphore_mem>>
      %dma_start3A_159 = arith.constant 0 : i32
      %dma_start3A_160 = tpu.memref_slice %arg5[%add3A, %dma_start3A_159] : memref<20000x128xf32, #tpu.memory_space<hbm>> -> memref<624x128xf32, #tpu.memory_space<hbm>>
      %dma_start3A_161 = arith.constant 0 : i32
      %dma_start3A_162 = tpu.memref_slice %arg9[%mul3A_0, %dma_start3A_161] : memref<10000x128xf32, #tpu.memory_space<vmem_shared>> -> memref<624x128xf32, #tpu.memory_space<vmem_shared>>
      tpu.enqueue_dma source(%dma_start3A_162 : memref<624x128xf32, #tpu.memory_space<vmem_shared>>) target(%dma_start3A_160 : memref<624x128xf32, #tpu.memory_space<hbm>>) target_semaphore(%run_scoped3A : memref<!tpu.dma_semaphore, #tpu.memory_space<semaphore_mem>>)
      %dma_wait3A = arith.constant 0 : i32
      %dma_wait3A_163 = tpu.memref_slice %arg5[%add3A, %dma_wait3A] : memref<20000x128xf32, #tpu.memory_space<hbm>> -> memref<624x128xf32, #tpu.memory_space<hbm>>
      %dma_wait3A_164 = arith.constant 0 : i32
      %dma_wait3A_165 = tpu.memref_slice %arg9[%mul3A_0, %dma_wait3A_164] : memref<10000x128xf32, #tpu.memory_space<vmem_shared>> -> memref<624x128xf32, #tpu.memory_space<vmem_shared>>
      tpu.wait_dma2 semaphore(%run_scoped3A : memref<!tpu.dma_semaphore, #tpu.memory_space<semaphore_mem>>) src(%dma_wait3A_165 : memref<624x128xf32, #tpu.memory_space<vmem_shared>>) dst(%dma_wait3A_163 : memref<624x128xf32, #tpu.memory_space<hbm>>)
      tpu.yield
    }) : () -> ()
    %eq3A_154 = arith.constant 0 : i32
    %eq3A_155 = arith.cmpi eq, %arg1, %eq3A_154 : i32
    %convert_element_type3A_156 = arith.extui %eq3A_155 : i1 to i32
    %cond3A_157 = arith.constant 0 : i32
    %cond3A_158 = arith.cmpi ne, %convert_element_type3A_156, %cond3A_157 : i32
    scf.if %cond3A_158 {
      %mul3A_159 = arith.constant 10000 : i32
      %mul3A_160 = arith.muli %arg0, %mul3A_159 : i32
      %add3A_161 = arith.constant 9984 : i32
      %add3A_162 = arith.addi %mul3A_160, %add3A_161 : i32
      "tpu.region"() ({
        %run_scoped3A = tpu.sem_alloc : memref<!tpu.dma_semaphore, #tpu.memory_space<semaphore_mem>>
        %dma_start3A_163 = arith.constant 0 : i32
        %dma_start3A_164 = tpu.memref_slice %arg5[%add3A_162, %dma_start3A_163] : memref<20000x128xf32, #tpu.memory_space<hbm>> -> memref<16x128xf32, #tpu.memory_space<hbm>>
        %dma_start3A_165 = arith.constant 9984 : i32
        %dma_start3A_166 = arith.constant 0 : i32
        %dma_start3A_167 = tpu.memref_slice %arg9[%dma_start3A_165, %dma_start3A_166] : memref<10000x128xf32, #tpu.memory_space<vmem_shared>> -> memref<16x128xf32, #tpu.memory_space<vmem_shared>>
        tpu.enqueue_dma source(%dma_start3A_167 : memref<16x128xf32, #tpu.memory_space<vmem_shared>>) target(%dma_start3A_164 : memref<16x128xf32, #tpu.memory_space<hbm>>) target_semaphore(%run_scoped3A : memref<!tpu.dma_semaphore, #tpu.memory_space<semaphore_mem>>)
        %dma_wait3A = arith.constant 0 : i32
        %dma_wait3A_168 = tpu.memref_slice %arg5[%add3A_162, %dma_wait3A] : memref<20000x128xf32, #tpu.memory_space<hbm>> -> memref<16x128xf32, #tpu.memory_space<hbm>>
        %dma_wait3A_169 = arith.constant 9984 : i32
        %dma_wait3A_170 = arith.constant 0 : i32
        %dma_wait3A_171 = tpu.memref_slice %arg9[%dma_wait3A_169, %dma_wait3A_170] : memref<10000x128xf32, #tpu.memory_space<vmem_shared>> -> memref<16x128xf32, #tpu.memory_space<vmem_shared>>
        tpu.wait_dma2 semaphore(%run_scoped3A : memref<!tpu.dma_semaphore, #tpu.memory_space<semaphore_mem>>) src(%dma_wait3A_171 : memref<16x128xf32, #tpu.memory_space<vmem_shared>>) dst(%dma_wait3A_168 : memref<16x128xf32, #tpu.memory_space<hbm>>)
        tpu.yield
      }) : () -> ()
    } else {
    }
    return
  }
}

module attributes {stable_mosaic.version = 14 : i64} {
  func.func @_mlp_body(%arg0: i32, %arg1: i32, %arg2: memref<2000x128xf32, #tpu.memory_space<vmem>>, %arg3: memref<2000x128xf32, #tpu.memory_space<vmem>>, %arg4: memref<256x256xf32, #tpu.memory_space<vmem>>, %arg5: memref<1x256xf32, #tpu.memory_space<vmem>>, %arg6: memref<1x256xf32, #tpu.memory_space<vmem>>, %arg7: memref<1x256xf32, #tpu.memory_space<vmem>>, %arg8: memref<256x256xf32, #tpu.memory_space<vmem>>, %arg9: memref<1x256xf32, #tpu.memory_space<vmem>>, %arg10: memref<1x1x2000xf32, #tpu.memory_space<vmem>>, %arg11: memref<2x2000x128xf32, #tpu.memory_space<vmem>>, %arg12: memref<64x256xf32, #tpu.memory_space<vmem>>, %arg13: memref<10000x256xf32, #tpu.memory_space<vmem>>, %arg14: memref<8x256xf32, #tpu.memory_space<vmem>>) attributes {dimension_semantics = [#tpu.dimension_semantics<arbitrary>, #tpu.dimension_semantics<arbitrary>], iteration_bounds = array<i64: 2, 5>, scalar_prefetch = 0 : i64, scratch_operands = 2 : i64, tpu.core_type = #tpu.core_type<tc>, window_params = [{transform_indices = @transform_0, window_bounds = array<i64: 2000, 128>}, {transform_indices = @transform_1, window_bounds = array<i64: 2000, 128>}, {pipeline_mode = #tpu.pipeline_mode<synchronous>, transform_indices = @transform_2, window_bounds = array<i64: 256, 256>}, {pipeline_mode = #tpu.pipeline_mode<synchronous>, transform_indices = @transform_3, window_bounds = array<i64: 1, 256>}, {pipeline_mode = #tpu.pipeline_mode<synchronous>, transform_indices = @transform_4, window_bounds = array<i64: 1, 256>}, {pipeline_mode = #tpu.pipeline_mode<synchronous>, transform_indices = @transform_5, window_bounds = array<i64: 1, 256>}, {pipeline_mode = #tpu.pipeline_mode<synchronous>, transform_indices = @transform_6, window_bounds = array<i64: 256, 256>}, {pipeline_mode = #tpu.pipeline_mode<synchronous>, transform_indices = @transform_7, window_bounds = array<i64: 1, 256>}, {transform_indices = @transform_8, window_bounds = array<i64: 1, 1, 2000>}, {transform_indices = @transform_9, window_bounds = array<i64: 2, 2000, 128>}, {pipeline_mode = #tpu.pipeline_mode<synchronous>, transform_indices = @transform_10, window_bounds = array<i64: 64, 256>}]} {
    %eq3A = arith.constant 0 : i32
    %eq3A_0 = arith.cmpi eq, %arg0, %eq3A : i32
    %convert_element_type3A = arith.extui %eq3A_0 : i1 to i32
    %cond3A = arith.constant 0 : i32
    %cond3A_1 = arith.cmpi ne, %convert_element_type3A, %cond3A : i32
    scf.if %cond3A_1 {
      %get3A = arith.constant 0 : index
      %get3A_7 = arith.constant 0 : index
      %get3A_8 = vector.load %arg2[%get3A, %get3A_7] : memref<2000x128xf32, #tpu.memory_space<vmem>>, vector<2000x128xf32>
      %get3A_9 = arith.constant 0 : index
      %get3A_10 = arith.constant 0 : index
      %get3A_11 = vector.load %arg4[%get3A_9, %get3A_10] : memref<256x256xf32, #tpu.memory_space<vmem>>, vector<128x256xf32>
      %dot_general3A = arith.constant dense<0.000000e+00> : vector<2000x256xf32>
      %dot_general3A_12 = tpu.matmul %get3A_8, %get3A_11, %dot_general3A {dimension_numbers = #tpu.dot_dimension_numbers<[1], [0], [0], [1], [0, 0, 1, 1], [], []>, transpose_lhs_hint = false} : vector<2000x128xf32>, vector<128x256xf32>, vector<2000x256xf32> -> vector<2000x256xf32>
      %get3A_13 = arith.constant 0 : index
      %get3A_14 = arith.constant 0 : index
      %get3A_15 = vector.load %arg3[%get3A_13, %get3A_14] : memref<2000x128xf32, #tpu.memory_space<vmem>>, vector<2000x128xf32>
      %get3A_16 = arith.constant 128 : index
      %get3A_17 = arith.constant 0 : index
      %get3A_18 = vector.load %arg4[%get3A_16, %get3A_17] : memref<256x256xf32, #tpu.memory_space<vmem>>, vector<128x256xf32>
      %dot_general3A_19 = arith.constant dense<0.000000e+00> : vector<2000x256xf32>
      %dot_general3A_20 = tpu.matmul %get3A_15, %get3A_18, %dot_general3A_19 {dimension_numbers = #tpu.dot_dimension_numbers<[1], [0], [0], [1], [0, 0, 1, 1], [], []>, transpose_lhs_hint = false} : vector<2000x128xf32>, vector<128x256xf32>, vector<2000x256xf32> -> vector<2000x256xf32>
      %add3A = arith.addf %dot_general3A_12, %dot_general3A_20 : vector<2000x256xf32>
      %get3A_21 = arith.constant 0 : index
      %get3A_22 = arith.constant 0 : index
      %get3A_23 = vector.load %arg5[%get3A_21, %get3A_22] : memref<1x256xf32, #tpu.memory_space<vmem>>, vector<1x256xf32>
      %add3A_24 = vector.broadcast %get3A_23 : vector<1x256xf32> to vector<2000x256xf32>
      %add3A_25 = arith.addf %add3A, %add3A_24 : vector<2000x256xf32>
      %mul3A = arith.constant 2000 : i32
      %mul3A_26 = arith.muli %arg1, %mul3A : i32
      %swap3A = arith.index_cast %mul3A_26 : i32 to index
      %swap3A_27 = arith.constant 0 : index
      %swap3A_28 = vector.load %arg13[%swap3A, %swap3A_27] : memref<10000x256xf32, #tpu.memory_space<vmem>>, vector<2000x256xf32>
      tpu.vector_store %arg13[%swap3A, %swap3A_27], %add3A_25 {strides = array<i32>} : memref<10000x256xf32, #tpu.memory_space<vmem>>, vector<2000x256xf32>,
      %eq3A_29 = arith.constant 0 : i32
      %eq3A_30 = arith.cmpi eq, %arg1, %eq3A_29 : i32
      %convert_element_type3A_31 = arith.extui %eq3A_30 : i1 to i32
      %cond3A_32 = arith.constant 0 : i32
      %cond3A_33 = arith.cmpi ne, %convert_element_type3A_31, %cond3A_32 : i32
      scf.if %cond3A_33 {
        %broadcast_in_dim3A_53 = arith.constant 0.000000e+00 : f32
        %broadcast_in_dim3A_54 = vector.broadcast %broadcast_in_dim3A_53 : f32 to vector<8x256xf32>
        %swap3A_55 = arith.constant 0 : index
        %swap3A_56 = arith.constant 0 : index
        %swap3A_57 = vector.load %arg14[%swap3A_55, %swap3A_56] : memref<8x256xf32, #tpu.memory_space<vmem>>, vector<8x256xf32>
        tpu.vector_store %arg14[%swap3A_55, %swap3A_56], %broadcast_in_dim3A_54 {strides = array<i32>} : memref<8x256xf32, #tpu.memory_space<vmem>>, vector<8x256xf32>,
      } else {
      }
      %reduce_sum3A = arith.constant dense<0.000000e+00> : vector<256xf32>
      %reduce_sum3A_34 = vector.multi_reduction <add>, %add3A_25, %reduce_sum3A [0] : vector<2000x256xf32> to vector<256xf32>
      %broadcast_in_dim3A = vector.shape_cast %reduce_sum3A_34 : vector<256xf32> to vector<1x256xf32>
      %mul3A_35 = arith.mulf %add3A_25, %add3A_25 : vector<2000x256xf32>
      %reduce_sum3A_36 = arith.constant dense<0.000000e+00> : vector<256xf32>
      %reduce_sum3A_37 = vector.multi_reduction <add>, %mul3A_35, %reduce_sum3A_36 [0] : vector<2000x256xf32> to vector<256xf32>
      %broadcast_in_dim3A_38 = vector.shape_cast %reduce_sum3A_37 : vector<256xf32> to vector<1x256xf32>
      %get3A_39 = arith.constant 0 : index
      %get3A_40 = arith.constant 0 : index
      %get3A_41 = vector.load %arg14[%get3A_39, %get3A_40] : memref<8x256xf32, #tpu.memory_space<vmem>>, vector<1x256xf32>
      %add3A_42 = arith.addf %get3A_41, %broadcast_in_dim3A : vector<1x256xf32>
      %swap3A_43 = arith.constant 0 : index
      %swap3A_44 = arith.constant 0 : index
      %swap3A_45 = vector.load %arg14[%swap3A_43, %swap3A_44] : memref<8x256xf32, #tpu.memory_space<vmem>>, vector<1x256xf32>
      tpu.vector_store %arg14[%swap3A_43, %swap3A_44], %add3A_42 {strides = array<i32>} : memref<8x256xf32, #tpu.memory_space<vmem>>, vector<1x256xf32>,
      %get3A_46 = arith.constant 1 : index
      %get3A_47 = arith.constant 0 : index
      %get3A_48 = vector.load %arg14[%get3A_46, %get3A_47] : memref<8x256xf32, #tpu.memory_space<vmem>>, vector<1x256xf32>
      %add3A_49 = arith.addf %get3A_48, %broadcast_in_dim3A_38 : vector<1x256xf32>
      %swap3A_50 = arith.constant 1 : index
      %swap3A_51 = arith.constant 0 : index
      %swap3A_52 = vector.load %arg14[%swap3A_50, %swap3A_51] : memref<8x256xf32, #tpu.memory_space<vmem>>, vector<1x256xf32>
      tpu.vector_store %arg14[%swap3A_50, %swap3A_51], %add3A_49 {strides = array<i32>} : memref<8x256xf32, #tpu.memory_space<vmem>>, vector<1x256xf32>,
    } else {
    }
    %eq3A_2 = arith.constant 1 : i32
    %eq3A_3 = arith.cmpi eq, %arg0, %eq3A_2 : i32
    %convert_element_type3A_4 = arith.extui %eq3A_3 : i1 to i32
    %cond3A_5 = arith.constant 0 : i32
    %cond3A_6 = arith.cmpi ne, %convert_element_type3A_4, %cond3A_5 : i32
    scf.if %cond3A_6 {
      %mul3A = arith.constant 2000 : i32
      %mul3A_7 = arith.muli %arg1, %mul3A : i32
      %get3A = arith.index_cast %mul3A_7 : i32 to index
      %get3A_8 = arith.constant 0 : index
      %get3A_9 = vector.load %arg13[%get3A, %get3A_8] : memref<10000x256xf32, #tpu.memory_space<vmem>>, vector<2000x256xf32>
      %get3A_10 = arith.constant 0 : index
      %get3A_11 = arith.constant 0 : index
      %get3A_12 = vector.load %arg14[%get3A_10, %get3A_11] : memref<8x256xf32, #tpu.memory_space<vmem>>, vector<1x256xf32>
      %mul3A_13 = arith.constant 9.99999974E-5 : f32
      %mul3A_14 = vector.broadcast %mul3A_13 : f32 to vector<1x256xf32>
      %mul3A_15 = arith.mulf %get3A_12, %mul3A_14 : vector<1x256xf32>
      %get3A_16 = arith.constant 1 : index
      %get3A_17 = arith.constant 0 : index
      %get3A_18 = vector.load %arg14[%get3A_16, %get3A_17] : memref<8x256xf32, #tpu.memory_space<vmem>>, vector<1x256xf32>
      %mul3A_19 = arith.constant 9.99999974E-5 : f32
      %mul3A_20 = vector.broadcast %mul3A_19 : f32 to vector<1x256xf32>
      %mul3A_21 = arith.mulf %get3A_18, %mul3A_20 : vector<1x256xf32>
      %mul3A_22 = arith.mulf %mul3A_15, %mul3A_15 : vector<1x256xf32>
      %sub3A = arith.subf %mul3A_21, %mul3A_22 : vector<1x256xf32>
      %get3A_23 = arith.constant 0 : index
      %get3A_24 = arith.constant 0 : index
      %get3A_25 = vector.load %arg6[%get3A_23, %get3A_24] : memref<1x256xf32, #tpu.memory_space<vmem>>, vector<1x256xf32>
      %add3A = arith.constant 9.99999974E-6 : f32
      %add3A_26 = vector.broadcast %add3A : f32 to vector<1x256xf32>
      %add3A_27 = arith.addf %sub3A, %add3A_26 : vector<1x256xf32>
      %rsqrt3A = math.rsqrt %add3A_27 : vector<1x256xf32>
      %mul3A_28 = arith.mulf %get3A_25, %rsqrt3A : vector<1x256xf32>
      %get3A_29 = arith.constant 0 : index
      %get3A_30 = arith.constant 0 : index
      %get3A_31 = vector.load %arg7[%get3A_29, %get3A_30] : memref<1x256xf32, #tpu.memory_space<vmem>>, vector<1x256xf32>
      %mul3A_32 = arith.mulf %mul3A_15, %mul3A_28 : vector<1x256xf32>
      %sub3A_33 = arith.subf %get3A_31, %mul3A_32 : vector<1x256xf32>
      %mul3A_34 = vector.broadcast %mul3A_28 : vector<1x256xf32> to vector<2000x256xf32>
      %mul3A_35 = arith.mulf %get3A_9, %mul3A_34 : vector<2000x256xf32>
      %add3A_36 = vector.broadcast %sub3A_33 : vector<1x256xf32> to vector<2000x256xf32>
      %add3A_37 = arith.addf %mul3A_35, %add3A_36 : vector<2000x256xf32>
      %max3A = arith.constant 0.000000e+00 : f32
      %max3A_38 = vector.broadcast %max3A : f32 to vector<2000x256xf32>
      %max3A_39 = arith.maximumf %add3A_37, %max3A_38 : vector<2000x256xf32>
      %get3A_40 = arith.constant 0 : index
      %get3A_41 = arith.constant 0 : index
      %get3A_42 = vector.load %arg8[%get3A_40, %get3A_41] : memref<256x256xf32, #tpu.memory_space<vmem>>, vector<256x256xf32>
      %dot_general3A = arith.constant dense<0.000000e+00> : vector<2000x256xf32>
      %dot_general3A_43 = tpu.matmul %max3A_39, %get3A_42, %dot_general3A {dimension_numbers = #tpu.dot_dimension_numbers<[1], [0], [0], [1], [0, 0, 1, 1], [], []>, transpose_lhs_hint = false} : vector<2000x256xf32>, vector<256x256xf32>, vector<2000x256xf32> -> vector<2000x256xf32>
      %get3A_44 = arith.constant 0 : index
      %get3A_45 = arith.constant 0 : index
      %get3A_46 = vector.load %arg9[%get3A_44, %get3A_45] : memref<1x256xf32, #tpu.memory_space<vmem>>, vector<1x256xf32>
      %add3A_47 = vector.broadcast %get3A_46 : vector<1x256xf32> to vector<2000x256xf32>
      %add3A_48 = arith.addf %dot_general3A_43, %add3A_47 : vector<2000x256xf32>
      %max3A_49 = arith.constant 0.000000e+00 : f32
      %max3A_50 = vector.broadcast %max3A_49 : f32 to vector<2000x256xf32>
      %max3A_51 = arith.maximumf %add3A_48, %max3A_50 : vector<2000x256xf32>
      %slice3A = vector.extract_strided_slice %max3A_51 {offsets = [0, 0], sizes = [2000, 128], strides = [1, 1]} : vector<2000x256xf32> to vector<2000x128xf32>
      %swap3A = arith.constant 0 : index
      %swap3A_52 = arith.constant 0 : index
      %swap3A_53 = arith.constant 0 : index
      %swap3A_54 = vector.load %arg11[%swap3A, %swap3A_52, %swap3A_53] : memref<2x2000x128xf32, #tpu.memory_space<vmem>>, vector<1x2000x128xf32>
      %swap3A_55 = vector.shape_cast %swap3A_54 : vector<1x2000x128xf32> to vector<2000x128xf32>
      %swap3A_56 = vector.shape_cast %slice3A : vector<2000x128xf32> to vector<1x2000x128xf32>
      tpu.vector_store %arg11[%swap3A, %swap3A_52, %swap3A_53], %swap3A_56 {strides = array<i32>} : memref<2x2000x128xf32, #tpu.memory_space<vmem>>, vector<1x2000x128xf32>,
      %slice3A_57 = vector.extract_strided_slice %max3A_51 {offsets = [0, 128], sizes = [2000, 128], strides = [1, 1]} : vector<2000x256xf32> to vector<2000x128xf32>
      %swap3A_58 = arith.constant 1 : index
      %swap3A_59 = arith.constant 0 : index
      %swap3A_60 = arith.constant 0 : index
      %swap3A_61 = vector.load %arg11[%swap3A_58, %swap3A_59, %swap3A_60] : memref<2x2000x128xf32, #tpu.memory_space<vmem>>, vector<1x2000x128xf32>
      %swap3A_62 = vector.shape_cast %swap3A_61 : vector<1x2000x128xf32> to vector<2000x128xf32>
      %swap3A_63 = vector.shape_cast %slice3A_57 : vector<2000x128xf32> to vector<1x2000x128xf32>
      tpu.vector_store %arg11[%swap3A_58, %swap3A_59, %swap3A_60], %swap3A_63 {strides = array<i32>} : memref<2x2000x128xf32, #tpu.memory_space<vmem>>, vector<1x2000x128xf32>,
      %iota3A = tpu.iota {dimensions = array<i32: 0>} : vector<64x2000xi32>
      %convert_element_type3A_64 = arith.sitofp %iota3A : vector<64x2000xi32> to vector<64x2000xf32>
      %get3A_65 = arith.constant 0 : index
      %get3A_66 = arith.constant 0 : index
      %get3A_67 = arith.constant 0 : index
      %get3A_68 = vector.load %arg10[%get3A_65, %get3A_66, %get3A_67] : memref<1x1x2000xf32, #tpu.memory_space<vmem>>, vector<1x1x2000xf32>
      %get3A_69 = vector.shape_cast %get3A_68 : vector<1x1x2000xf32> to vector<1x2000xf32>
      %eq3A_70 = vector.broadcast %get3A_69 : vector<1x2000xf32> to vector<64x2000xf32>
      %eq3A_71 = arith.cmpf oeq, %convert_element_type3A_64, %eq3A_70 : vector<64x2000xf32>
      %convert_element_type3A_72 = arith.extui %eq3A_71 : vector<64x2000xi1> to vector<64x2000xi32>
      %convert_element_type3A_73 = arith.sitofp %convert_element_type3A_72 : vector<64x2000xi32> to vector<64x2000xf32>
      %dot_general3A_74 = arith.constant dense<0.000000e+00> : vector<64x256xf32>
      %dot_general3A_75 = tpu.matmul %convert_element_type3A_73, %max3A_51, %dot_general3A_74 {dimension_numbers = #tpu.dot_dimension_numbers<[1], [0], [0], [1], [0, 0, 1, 1], [], []>, transpose_lhs_hint = false} : vector<64x2000xf32>, vector<2000x256xf32>, vector<64x256xf32> -> vector<64x256xf32>
      %eq3A_76 = arith.constant 0 : i32
      %eq3A_77 = arith.cmpi eq, %arg1, %eq3A_76 : i32
      %convert_element_type3A_78 = arith.extui %eq3A_77 : i1 to i32
      %cond3A_79 = arith.constant 0 : i32
      %cond3A_80 = arith.cmpi ne, %convert_element_type3A_78, %cond3A_79 : i32
      scf.if %cond3A_80 {
        %broadcast_in_dim3A = arith.constant 0.000000e+00 : f32
        %broadcast_in_dim3A_88 = vector.broadcast %broadcast_in_dim3A : f32 to vector<64x256xf32>
        %swap3A_89 = arith.constant 0 : index
        %swap3A_90 = arith.constant 0 : index
        %swap3A_91 = vector.load %arg12[%swap3A_89, %swap3A_90] : memref<64x256xf32, #tpu.memory_space<vmem>>, vector<64x256xf32>
        tpu.vector_store %arg12[%swap3A_89, %swap3A_90], %broadcast_in_dim3A_88 {strides = array<i32>} : memref<64x256xf32, #tpu.memory_space<vmem>>, vector<64x256xf32>,
      } else {
      }
      %get3A_81 = arith.constant 0 : index
      %get3A_82 = arith.constant 0 : index
      %get3A_83 = vector.load %arg12[%get3A_81, %get3A_82] : memref<64x256xf32, #tpu.memory_space<vmem>>, vector<64x256xf32>
      %add3A_84 = arith.addf %get3A_83, %dot_general3A_75 : vector<64x256xf32>
      %swap3A_85 = arith.constant 0 : index
      %swap3A_86 = arith.constant 0 : index
      %swap3A_87 = vector.load %arg12[%swap3A_85, %swap3A_86] : memref<64x256xf32, #tpu.memory_space<vmem>>, vector<64x256xf32>
      tpu.vector_store %arg12[%swap3A_85, %swap3A_86], %add3A_84 {strides = array<i32>} : memref<64x256xf32, #tpu.memory_space<vmem>>, vector<64x256xf32>,
    } else {
    }
    return
  }
  func.func @transform_0(%arg0: i32, %arg1: i32) -> (i32, i32) {
    %eq3A = arith.constant 0 : i32
    %eq3A_0 = arith.cmpi eq, %arg0, %eq3A : i32
    %jit3A = arith.constant 0 : i32
    %select_n3A = arith.select %eq3A_0, %arg1, %jit3A : i32
    %c0_i32 = arith.constant 0 : i32
    %c0_i32_1 = arith.constant 0 : i32
    return %select_n3A, %c0_i32 : i32, i32
  }
  func.func @transform_1(%arg0: i32, %arg1: i32) -> (i32, i32) {
    %eq3A = arith.constant 0 : i32
    %eq3A_0 = arith.cmpi eq, %arg0, %eq3A : i32
    %jit3A = arith.constant 0 : i32
    %select_n3A = arith.select %eq3A_0, %arg1, %jit3A : i32
    %add3A = arith.constant 5 : i32
    %add3A_1 = arith.addi %add3A, %select_n3A : i32
    %c0_i32 = arith.constant 0 : i32
    %c0_i32_2 = arith.constant 0 : i32
    return %add3A_1, %c0_i32 : i32, i32
  }
  func.func @transform_2(%arg0: i32, %arg1: i32) -> (i32, i32) {
    %c0_i32 = arith.constant 0 : i32
    %c0_i32_0 = arith.constant 0 : i32
    %c0_i32_1 = arith.constant 0 : i32
    return %c0_i32, %c0_i32_0 : i32, i32
  }
  func.func @transform_3(%arg0: i32, %arg1: i32) -> (i32, i32) {
    %c0_i32 = arith.constant 0 : i32
    %c0_i32_0 = arith.constant 0 : i32
    %c0_i32_1 = arith.constant 0 : i32
    return %c0_i32, %c0_i32_0 : i32, i32
  }
  func.func @transform_4(%arg0: i32, %arg1: i32) -> (i32, i32) {
    %c0_i32 = arith.constant 0 : i32
    %c0_i32_0 = arith.constant 0 : i32
    %c0_i32_1 = arith.constant 0 : i32
    return %c0_i32, %c0_i32_0 : i32, i32
  }
  func.func @transform_5(%arg0: i32, %arg1: i32) -> (i32, i32) {
    %c0_i32 = arith.constant 0 : i32
    %c0_i32_0 = arith.constant 0 : i32
    %c0_i32_1 = arith.constant 0 : i32
    return %c0_i32, %c0_i32_0 : i32, i32
  }
  func.func @transform_6(%arg0: i32, %arg1: i32) -> (i32, i32) {
    %c0_i32 = arith.constant 0 : i32
    %c0_i32_0 = arith.constant 0 : i32
    %c0_i32_1 = arith.constant 0 : i32
    return %c0_i32, %c0_i32_0 : i32, i32
  }
  func.func @transform_7(%arg0: i32, %arg1: i32) -> (i32, i32) {
    %c0_i32 = arith.constant 0 : i32
    %c0_i32_0 = arith.constant 0 : i32
    %c0_i32_1 = arith.constant 0 : i32
    return %c0_i32, %c0_i32_0 : i32, i32
  }
  func.func @transform_8(%arg0: i32, %arg1: i32) -> (i32, i32, i32) {
    %c0_i32 = arith.constant 0 : i32
    %c0_i32_0 = arith.constant 0 : i32
    %c0_i32_1 = arith.constant 0 : i32
    return %arg1, %c0_i32, %c0_i32_0 : i32, i32, i32
  }
  func.func @transform_9(%arg0: i32, %arg1: i32) -> (i32, i32, i32) {
    %eq3A = arith.constant 1 : i32
    %eq3A_0 = arith.cmpi eq, %arg0, %eq3A : i32
    %jit3A = arith.constant 0 : i32
    %select_n3A = arith.select %eq3A_0, %arg1, %jit3A : i32
    %c0_i32 = arith.constant 0 : i32
    %c0_i32_1 = arith.constant 0 : i32
    %c0_i32_2 = arith.constant 0 : i32
    return %c0_i32, %select_n3A, %c0_i32_1 : i32, i32, i32
  }
  func.func @transform_10(%arg0: i32, %arg1: i32) -> (i32, i32) {
    %c0_i32 = arith.constant 0 : i32
    %c0_i32_0 = arith.constant 0 : i32
    %c0_i32_1 = arith.constant 0 : i32
    return %c0_i32, %c0_i32_0 : i32, i32
  }
}

module attributes {stable_mosaic.version = 14 : i64} {
  func.func @_mlp_head_body(%arg0: i32, %arg1: i32, %arg2: memref<2000x128xf32, #tpu.memory_space<vmem>>, %arg3: memref<2000x128xf32, #tpu.memory_space<vmem>>, %arg4: memref<256x256xf32, #tpu.memory_space<vmem>>, %arg5: memref<1x256xf32, #tpu.memory_space<vmem>>, %arg6: memref<1x256xf32, #tpu.memory_space<vmem>>, %arg7: memref<1x256xf32, #tpu.memory_space<vmem>>, %arg8: memref<256x256xf32, #tpu.memory_space<vmem>>, %arg9: memref<1x256xf32, #tpu.memory_space<vmem>>, %arg10: memref<1x1x2000xf32, #tpu.memory_space<vmem>>, %arg11: memref<64x256xf32, #tpu.memory_space<vmem>>, %arg12: memref<64x256xf32, #tpu.memory_space<vmem>>, %arg13: memref<768x128xf32, #tpu.memory_space<vmem>>, %arg14: memref<1x128xf32, #tpu.memory_space<vmem>>, %arg15: memref<2x2000x128xf32, #tpu.memory_space<vmem>>, %arg16: memref<64x256xf32, #tpu.memory_space<vmem>>, %arg17: memref<64x128xf32, #tpu.memory_space<vmem>>, %arg18: memref<10000x256xf32, #tpu.memory_space<vmem>>, %arg19: memref<8x256xf32, #tpu.memory_space<vmem>>) attributes {dimension_semantics = [#tpu.dimension_semantics<arbitrary>, #tpu.dimension_semantics<arbitrary>], iteration_bounds = array<i64: 2, 5>, scalar_prefetch = 0 : i64, scratch_operands = 2 : i64, tpu.core_type = #tpu.core_type<tc>, window_params = [{transform_indices = @transform_0, window_bounds = array<i64: 2000, 128>}, {transform_indices = @transform_1, window_bounds = array<i64: 2000, 128>}, {pipeline_mode = #tpu.pipeline_mode<synchronous>, transform_indices = @transform_2, window_bounds = array<i64: 256, 256>}, {pipeline_mode = #tpu.pipeline_mode<synchronous>, transform_indices = @transform_3, window_bounds = array<i64: 1, 256>}, {pipeline_mode = #tpu.pipeline_mode<synchronous>, transform_indices = @transform_4, window_bounds = array<i64: 1, 256>}, {pipeline_mode = #tpu.pipeline_mode<synchronous>, transform_indices = @transform_5, window_bounds = array<i64: 1, 256>}, {pipeline_mode = #tpu.pipeline_mode<synchronous>, transform_indices = @transform_6, window_bounds = array<i64: 256, 256>}, {pipeline_mode = #tpu.pipeline_mode<synchronous>, transform_indices = @transform_7, window_bounds = array<i64: 1, 256>}, {transform_indices = @transform_8, window_bounds = array<i64: 1, 1, 2000>}, {pipeline_mode = #tpu.pipeline_mode<synchronous>, transform_indices = @transform_9, window_bounds = array<i64: 64, 256>}, {pipeline_mode = #tpu.pipeline_mode<synchronous>, transform_indices = @transform_10, window_bounds = array<i64: 64, 256>}, {pipeline_mode = #tpu.pipeline_mode<synchronous>, transform_indices = @transform_11, window_bounds = array<i64: 768, 128>}, {pipeline_mode = #tpu.pipeline_mode<synchronous>, transform_indices = @transform_12, window_bounds = array<i64: 1, 128>}, {transform_indices = @transform_13, window_bounds = array<i64: 2, 2000, 128>}, {pipeline_mode = #tpu.pipeline_mode<synchronous>, transform_indices = @transform_14, window_bounds = array<i64: 64, 256>}, {pipeline_mode = #tpu.pipeline_mode<synchronous>, transform_indices = @transform_15, window_bounds = array<i64: 64, 128>}]} {
    %eq3A = arith.constant 0 : i32
    %eq3A_0 = arith.cmpi eq, %arg0, %eq3A : i32
    %convert_element_type3A = arith.extui %eq3A_0 : i1 to i32
    %cond3A = arith.constant 0 : i32
    %cond3A_1 = arith.cmpi ne, %convert_element_type3A, %cond3A : i32
    scf.if %cond3A_1 {
      %get3A = arith.constant 0 : index
      %get3A_14 = arith.constant 0 : index
      %get3A_15 = vector.load %arg2[%get3A, %get3A_14] : memref<2000x128xf32, #tpu.memory_space<vmem>>, vector<2000x128xf32>
      %get3A_16 = arith.constant 0 : index
      %get3A_17 = arith.constant 0 : index
      %get3A_18 = vector.load %arg4[%get3A_16, %get3A_17] : memref<256x256xf32, #tpu.memory_space<vmem>>, vector<128x256xf32>
      %dot_general3A = arith.constant dense<0.000000e+00> : vector<2000x256xf32>
      %dot_general3A_19 = tpu.matmul %get3A_15, %get3A_18, %dot_general3A {dimension_numbers = #tpu.dot_dimension_numbers<[1], [0], [0], [1], [0, 0, 1, 1], [], []>, transpose_lhs_hint = false} : vector<2000x128xf32>, vector<128x256xf32>, vector<2000x256xf32> -> vector<2000x256xf32>
      %get3A_20 = arith.constant 0 : index
      %get3A_21 = arith.constant 0 : index
      %get3A_22 = vector.load %arg3[%get3A_20, %get3A_21] : memref<2000x128xf32, #tpu.memory_space<vmem>>, vector<2000x128xf32>
      %get3A_23 = arith.constant 128 : index
      %get3A_24 = arith.constant 0 : index
      %get3A_25 = vector.load %arg4[%get3A_23, %get3A_24] : memref<256x256xf32, #tpu.memory_space<vmem>>, vector<128x256xf32>
      %dot_general3A_26 = arith.constant dense<0.000000e+00> : vector<2000x256xf32>
      %dot_general3A_27 = tpu.matmul %get3A_22, %get3A_25, %dot_general3A_26 {dimension_numbers = #tpu.dot_dimension_numbers<[1], [0], [0], [1], [0, 0, 1, 1], [], []>, transpose_lhs_hint = false} : vector<2000x128xf32>, vector<128x256xf32>, vector<2000x256xf32> -> vector<2000x256xf32>
      %add3A = arith.addf %dot_general3A_19, %dot_general3A_27 : vector<2000x256xf32>
      %get3A_28 = arith.constant 0 : index
      %get3A_29 = arith.constant 0 : index
      %get3A_30 = vector.load %arg5[%get3A_28, %get3A_29] : memref<1x256xf32, #tpu.memory_space<vmem>>, vector<1x256xf32>
      %add3A_31 = vector.broadcast %get3A_30 : vector<1x256xf32> to vector<2000x256xf32>
      %add3A_32 = arith.addf %add3A, %add3A_31 : vector<2000x256xf32>
      %mul3A = arith.constant 2000 : i32
      %mul3A_33 = arith.muli %arg1, %mul3A : i32
      %swap3A = arith.index_cast %mul3A_33 : i32 to index
      %swap3A_34 = arith.constant 0 : index
      %swap3A_35 = vector.load %arg18[%swap3A, %swap3A_34] : memref<10000x256xf32, #tpu.memory_space<vmem>>, vector<2000x256xf32>
      tpu.vector_store %arg18[%swap3A, %swap3A_34], %add3A_32 {strides = array<i32>} : memref<10000x256xf32, #tpu.memory_space<vmem>>, vector<2000x256xf32>,
      %eq3A_36 = arith.constant 0 : i32
      %eq3A_37 = arith.cmpi eq, %arg1, %eq3A_36 : i32
      %convert_element_type3A_38 = arith.extui %eq3A_37 : i1 to i32
      %cond3A_39 = arith.constant 0 : i32
      %cond3A_40 = arith.cmpi ne, %convert_element_type3A_38, %cond3A_39 : i32
      scf.if %cond3A_40 {
        %broadcast_in_dim3A_60 = arith.constant 0.000000e+00 : f32
        %broadcast_in_dim3A_61 = vector.broadcast %broadcast_in_dim3A_60 : f32 to vector<8x256xf32>
        %swap3A_62 = arith.constant 0 : index
        %swap3A_63 = arith.constant 0 : index
        %swap3A_64 = vector.load %arg19[%swap3A_62, %swap3A_63] : memref<8x256xf32, #tpu.memory_space<vmem>>, vector<8x256xf32>
        tpu.vector_store %arg19[%swap3A_62, %swap3A_63], %broadcast_in_dim3A_61 {strides = array<i32>} : memref<8x256xf32, #tpu.memory_space<vmem>>, vector<8x256xf32>,
      } else {
      }
      %reduce_sum3A = arith.constant dense<0.000000e+00> : vector<256xf32>
      %reduce_sum3A_41 = vector.multi_reduction <add>, %add3A_32, %reduce_sum3A [0] : vector<2000x256xf32> to vector<256xf32>
      %broadcast_in_dim3A = vector.shape_cast %reduce_sum3A_41 : vector<256xf32> to vector<1x256xf32>
      %mul3A_42 = arith.mulf %add3A_32, %add3A_32 : vector<2000x256xf32>
      %reduce_sum3A_43 = arith.constant dense<0.000000e+00> : vector<256xf32>
      %reduce_sum3A_44 = vector.multi_reduction <add>, %mul3A_42, %reduce_sum3A_43 [0] : vector<2000x256xf32> to vector<256xf32>
      %broadcast_in_dim3A_45 = vector.shape_cast %reduce_sum3A_44 : vector<256xf32> to vector<1x256xf32>
      %get3A_46 = arith.constant 0 : index
      %get3A_47 = arith.constant 0 : index
      %get3A_48 = vector.load %arg19[%get3A_46, %get3A_47] : memref<8x256xf32, #tpu.memory_space<vmem>>, vector<1x256xf32>
      %add3A_49 = arith.addf %get3A_48, %broadcast_in_dim3A : vector<1x256xf32>
      %swap3A_50 = arith.constant 0 : index
      %swap3A_51 = arith.constant 0 : index
      %swap3A_52 = vector.load %arg19[%swap3A_50, %swap3A_51] : memref<8x256xf32, #tpu.memory_space<vmem>>, vector<1x256xf32>
      tpu.vector_store %arg19[%swap3A_50, %swap3A_51], %add3A_49 {strides = array<i32>} : memref<8x256xf32, #tpu.memory_space<vmem>>, vector<1x256xf32>,
      %get3A_53 = arith.constant 1 : index
      %get3A_54 = arith.constant 0 : index
      %get3A_55 = vector.load %arg19[%get3A_53, %get3A_54] : memref<8x256xf32, #tpu.memory_space<vmem>>, vector<1x256xf32>
      %add3A_56 = arith.addf %get3A_55, %broadcast_in_dim3A_45 : vector<1x256xf32>
      %swap3A_57 = arith.constant 1 : index
      %swap3A_58 = arith.constant 0 : index
      %swap3A_59 = vector.load %arg19[%swap3A_57, %swap3A_58] : memref<8x256xf32, #tpu.memory_space<vmem>>, vector<1x256xf32>
      tpu.vector_store %arg19[%swap3A_57, %swap3A_58], %add3A_56 {strides = array<i32>} : memref<8x256xf32, #tpu.memory_space<vmem>>, vector<1x256xf32>,
    } else {
    }
    %eq3A_2 = arith.constant 1 : i32
    %eq3A_3 = arith.cmpi eq, %arg0, %eq3A_2 : i32
    %convert_element_type3A_4 = arith.extui %eq3A_3 : i1 to i32
    %cond3A_5 = arith.constant 0 : i32
    %cond3A_6 = arith.cmpi ne, %convert_element_type3A_4, %cond3A_5 : i32
    scf.if %cond3A_6 {
      %mul3A = arith.constant 2000 : i32
      %mul3A_14 = arith.muli %arg1, %mul3A : i32
      %get3A = arith.index_cast %mul3A_14 : i32 to index
      %get3A_15 = arith.constant 0 : index
      %get3A_16 = vector.load %arg18[%get3A, %get3A_15] : memref<10000x256xf32, #tpu.memory_space<vmem>>, vector<2000x256xf32>
      %get3A_17 = arith.constant 0 : index
      %get3A_18 = arith.constant 0 : index
      %get3A_19 = vector.load %arg19[%get3A_17, %get3A_18] : memref<8x256xf32, #tpu.memory_space<vmem>>, vector<1x256xf32>
      %mul3A_20 = arith.constant 9.99999974E-5 : f32
      %mul3A_21 = vector.broadcast %mul3A_20 : f32 to vector<1x256xf32>
      %mul3A_22 = arith.mulf %get3A_19, %mul3A_21 : vector<1x256xf32>
      %get3A_23 = arith.constant 1 : index
      %get3A_24 = arith.constant 0 : index
      %get3A_25 = vector.load %arg19[%get3A_23, %get3A_24] : memref<8x256xf32, #tpu.memory_space<vmem>>, vector<1x256xf32>
      %mul3A_26 = arith.constant 9.99999974E-5 : f32
      %mul3A_27 = vector.broadcast %mul3A_26 : f32 to vector<1x256xf32>
      %mul3A_28 = arith.mulf %get3A_25, %mul3A_27 : vector<1x256xf32>
      %mul3A_29 = arith.mulf %mul3A_22, %mul3A_22 : vector<1x256xf32>
      %sub3A = arith.subf %mul3A_28, %mul3A_29 : vector<1x256xf32>
      %get3A_30 = arith.constant 0 : index
      %get3A_31 = arith.constant 0 : index
      %get3A_32 = vector.load %arg6[%get3A_30, %get3A_31] : memref<1x256xf32, #tpu.memory_space<vmem>>, vector<1x256xf32>
      %add3A = arith.constant 9.99999974E-6 : f32
      %add3A_33 = vector.broadcast %add3A : f32 to vector<1x256xf32>
      %add3A_34 = arith.addf %sub3A, %add3A_33 : vector<1x256xf32>
      %rsqrt3A = math.rsqrt %add3A_34 : vector<1x256xf32>
      %mul3A_35 = arith.mulf %get3A_32, %rsqrt3A : vector<1x256xf32>
      %get3A_36 = arith.constant 0 : index
      %get3A_37 = arith.constant 0 : index
      %get3A_38 = vector.load %arg7[%get3A_36, %get3A_37] : memref<1x256xf32, #tpu.memory_space<vmem>>, vector<1x256xf32>
      %mul3A_39 = arith.mulf %mul3A_22, %mul3A_35 : vector<1x256xf32>
      %sub3A_40 = arith.subf %get3A_38, %mul3A_39 : vector<1x256xf32>
      %mul3A_41 = vector.broadcast %mul3A_35 : vector<1x256xf32> to vector<2000x256xf32>
      %mul3A_42 = arith.mulf %get3A_16, %mul3A_41 : vector<2000x256xf32>
      %add3A_43 = vector.broadcast %sub3A_40 : vector<1x256xf32> to vector<2000x256xf32>
      %add3A_44 = arith.addf %mul3A_42, %add3A_43 : vector<2000x256xf32>
      %max3A = arith.constant 0.000000e+00 : f32
      %max3A_45 = vector.broadcast %max3A : f32 to vector<2000x256xf32>
      %max3A_46 = arith.maximumf %add3A_44, %max3A_45 : vector<2000x256xf32>
      %get3A_47 = arith.constant 0 : index
      %get3A_48 = arith.constant 0 : index
      %get3A_49 = vector.load %arg8[%get3A_47, %get3A_48] : memref<256x256xf32, #tpu.memory_space<vmem>>, vector<256x256xf32>
      %dot_general3A = arith.constant dense<0.000000e+00> : vector<2000x256xf32>
      %dot_general3A_50 = tpu.matmul %max3A_46, %get3A_49, %dot_general3A {dimension_numbers = #tpu.dot_dimension_numbers<[1], [0], [0], [1], [0, 0, 1, 1], [], []>, transpose_lhs_hint = false} : vector<2000x256xf32>, vector<256x256xf32>, vector<2000x256xf32> -> vector<2000x256xf32>
      %get3A_51 = arith.constant 0 : index
      %get3A_52 = arith.constant 0 : index
      %get3A_53 = vector.load %arg9[%get3A_51, %get3A_52] : memref<1x256xf32, #tpu.memory_space<vmem>>, vector<1x256xf32>
      %add3A_54 = vector.broadcast %get3A_53 : vector<1x256xf32> to vector<2000x256xf32>
      %add3A_55 = arith.addf %dot_general3A_50, %add3A_54 : vector<2000x256xf32>
      %max3A_56 = arith.constant 0.000000e+00 : f32
      %max3A_57 = vector.broadcast %max3A_56 : f32 to vector<2000x256xf32>
      %max3A_58 = arith.maximumf %add3A_55, %max3A_57 : vector<2000x256xf32>
      %slice3A = vector.extract_strided_slice %max3A_58 {offsets = [0, 0], sizes = [2000, 128], strides = [1, 1]} : vector<2000x256xf32> to vector<2000x128xf32>
      %swap3A = arith.constant 0 : index
      %swap3A_59 = arith.constant 0 : index
      %swap3A_60 = arith.constant 0 : index
      %swap3A_61 = vector.load %arg15[%swap3A, %swap3A_59, %swap3A_60] : memref<2x2000x128xf32, #tpu.memory_space<vmem>>, vector<1x2000x128xf32>
      %swap3A_62 = vector.shape_cast %swap3A_61 : vector<1x2000x128xf32> to vector<2000x128xf32>
      %swap3A_63 = vector.shape_cast %slice3A : vector<2000x128xf32> to vector<1x2000x128xf32>
      tpu.vector_store %arg15[%swap3A, %swap3A_59, %swap3A_60], %swap3A_63 {strides = array<i32>} : memref<2x2000x128xf32, #tpu.memory_space<vmem>>, vector<1x2000x128xf32>,
      %slice3A_64 = vector.extract_strided_slice %max3A_58 {offsets = [0, 128], sizes = [2000, 128], strides = [1, 1]} : vector<2000x256xf32> to vector<2000x128xf32>
      %swap3A_65 = arith.constant 1 : index
      %swap3A_66 = arith.constant 0 : index
      %swap3A_67 = arith.constant 0 : index
      %swap3A_68 = vector.load %arg15[%swap3A_65, %swap3A_66, %swap3A_67] : memref<2x2000x128xf32, #tpu.memory_space<vmem>>, vector<1x2000x128xf32>
      %swap3A_69 = vector.shape_cast %swap3A_68 : vector<1x2000x128xf32> to vector<2000x128xf32>
      %swap3A_70 = vector.shape_cast %slice3A_64 : vector<2000x128xf32> to vector<1x2000x128xf32>
      tpu.vector_store %arg15[%swap3A_65, %swap3A_66, %swap3A_67], %swap3A_70 {strides = array<i32>} : memref<2x2000x128xf32, #tpu.memory_space<vmem>>, vector<1x2000x128xf32>,
      %iota3A = tpu.iota {dimensions = array<i32: 0>} : vector<64x2000xi32>
      %convert_element_type3A_71 = arith.sitofp %iota3A : vector<64x2000xi32> to vector<64x2000xf32>
      %get3A_72 = arith.constant 0 : index
      %get3A_73 = arith.constant 0 : index
      %get3A_74 = arith.constant 0 : index
      %get3A_75 = vector.load %arg10[%get3A_72, %get3A_73, %get3A_74] : memref<1x1x2000xf32, #tpu.memory_space<vmem>>, vector<1x1x2000xf32>
      %get3A_76 = vector.shape_cast %get3A_75 : vector<1x1x2000xf32> to vector<1x2000xf32>
      %eq3A_77 = vector.broadcast %get3A_76 : vector<1x2000xf32> to vector<64x2000xf32>
      %eq3A_78 = arith.cmpf oeq, %convert_element_type3A_71, %eq3A_77 : vector<64x2000xf32>
      %convert_element_type3A_79 = arith.extui %eq3A_78 : vector<64x2000xi1> to vector<64x2000xi32>
      %convert_element_type3A_80 = arith.sitofp %convert_element_type3A_79 : vector<64x2000xi32> to vector<64x2000xf32>
      %dot_general3A_81 = arith.constant dense<0.000000e+00> : vector<64x256xf32>
      %dot_general3A_82 = tpu.matmul %convert_element_type3A_80, %max3A_58, %dot_general3A_81 {dimension_numbers = #tpu.dot_dimension_numbers<[1], [0], [0], [1], [0, 0, 1, 1], [], []>, transpose_lhs_hint = false} : vector<64x2000xf32>, vector<2000x256xf32>, vector<64x256xf32> -> vector<64x256xf32>
      %eq3A_83 = arith.constant 0 : i32
      %eq3A_84 = arith.cmpi eq, %arg1, %eq3A_83 : i32
      %convert_element_type3A_85 = arith.extui %eq3A_84 : i1 to i32
      %cond3A_86 = arith.constant 0 : i32
      %cond3A_87 = arith.cmpi ne, %convert_element_type3A_85, %cond3A_86 : i32
      scf.if %cond3A_87 {
        %broadcast_in_dim3A = arith.constant 0.000000e+00 : f32
        %broadcast_in_dim3A_95 = vector.broadcast %broadcast_in_dim3A : f32 to vector<64x256xf32>
        %swap3A_96 = arith.constant 0 : index
        %swap3A_97 = arith.constant 0 : index
        %swap3A_98 = vector.load %arg16[%swap3A_96, %swap3A_97] : memref<64x256xf32, #tpu.memory_space<vmem>>, vector<64x256xf32>
        tpu.vector_store %arg16[%swap3A_96, %swap3A_97], %broadcast_in_dim3A_95 {strides = array<i32>} : memref<64x256xf32, #tpu.memory_space<vmem>>, vector<64x256xf32>,
      } else {
      }
      %get3A_88 = arith.constant 0 : index
      %get3A_89 = arith.constant 0 : index
      %get3A_90 = vector.load %arg16[%get3A_88, %get3A_89] : memref<64x256xf32, #tpu.memory_space<vmem>>, vector<64x256xf32>
      %add3A_91 = arith.addf %get3A_90, %dot_general3A_82 : vector<64x256xf32>
      %swap3A_92 = arith.constant 0 : index
      %swap3A_93 = arith.constant 0 : index
      %swap3A_94 = vector.load %arg16[%swap3A_92, %swap3A_93] : memref<64x256xf32, #tpu.memory_space<vmem>>, vector<64x256xf32>
      tpu.vector_store %arg16[%swap3A_92, %swap3A_93], %add3A_91 {strides = array<i32>} : memref<64x256xf32, #tpu.memory_space<vmem>>, vector<64x256xf32>,
    } else {
    }
    %eq3A_7 = arith.constant 1 : i32
    %eq3A_8 = arith.cmpi eq, %arg0, %eq3A_7 : i32
    %eq3A_9 = arith.constant 4 : i32
    %eq3A_10 = arith.cmpi eq, %arg1, %eq3A_9 : i32
    %and3A = arith.andi %eq3A_8, %eq3A_10 : i1
    %convert_element_type3A_11 = arith.extui %and3A : i1 to i32
    %cond3A_12 = arith.constant 0 : i32
    %cond3A_13 = arith.cmpi ne, %convert_element_type3A_11, %cond3A_12 : i32
    scf.if %cond3A_13 {
      %get3A = arith.constant 0 : index
      %get3A_14 = arith.constant 0 : index
      %get3A_15 = vector.load %arg11[%get3A, %get3A_14] : memref<64x256xf32, #tpu.memory_space<vmem>>, vector<64x256xf32>
      %get3A_16 = arith.constant 0 : index
      %get3A_17 = arith.constant 0 : index
      %get3A_18 = vector.load %arg13[%get3A_16, %get3A_17] : memref<768x128xf32, #tpu.memory_space<vmem>>, vector<256x128xf32>
      %dot_general3A = arith.constant dense<0.000000e+00> : vector<64x128xf32>
      %dot_general3A_19 = tpu.matmul %get3A_15, %get3A_18, %dot_general3A {dimension_numbers = #tpu.dot_dimension_numbers<[1], [0], [0], [1], [0, 0, 1, 1], [], []>, transpose_lhs_hint = false} : vector<64x256xf32>, vector<256x128xf32>, vector<64x128xf32> -> vector<64x128xf32>
      %get3A_20 = arith.constant 0 : index
      %get3A_21 = arith.constant 0 : index
      %get3A_22 = vector.load %arg12[%get3A_20, %get3A_21] : memref<64x256xf32, #tpu.memory_space<vmem>>, vector<64x256xf32>
      %get3A_23 = arith.constant 256 : index
      %get3A_24 = arith.constant 0 : index
      %get3A_25 = vector.load %arg13[%get3A_23, %get3A_24] : memref<768x128xf32, #tpu.memory_space<vmem>>, vector<256x128xf32>
      %dot_general3A_26 = arith.constant dense<0.000000e+00> : vector<64x128xf32>
      %dot_general3A_27 = tpu.matmul %get3A_22, %get3A_25, %dot_general3A_26 {dimension_numbers = #tpu.dot_dimension_numbers<[1], [0], [0], [1], [0, 0, 1, 1], [], []>, transpose_lhs_hint = false} : vector<64x256xf32>, vector<256x128xf32>, vector<64x128xf32> -> vector<64x128xf32>
      %add3A = arith.addf %dot_general3A_19, %dot_general3A_27 : vector<64x128xf32>
      %get3A_28 = arith.constant 0 : index
      %get3A_29 = arith.constant 0 : index
      %get3A_30 = vector.load %arg16[%get3A_28, %get3A_29] : memref<64x256xf32, #tpu.memory_space<vmem>>, vector<64x256xf32>
      %get3A_31 = arith.constant 512 : index
      %get3A_32 = arith.constant 0 : index
      %get3A_33 = vector.load %arg13[%get3A_31, %get3A_32] : memref<768x128xf32, #tpu.memory_space<vmem>>, vector<256x128xf32>
      %dot_general3A_34 = arith.constant dense<0.000000e+00> : vector<64x128xf32>
      %dot_general3A_35 = tpu.matmul %get3A_30, %get3A_33, %dot_general3A_34 {dimension_numbers = #tpu.dot_dimension_numbers<[1], [0], [0], [1], [0, 0, 1, 1], [], []>, transpose_lhs_hint = false} : vector<64x256xf32>, vector<256x128xf32>, vector<64x128xf32> -> vector<64x128xf32>
      %add3A_36 = arith.addf %add3A, %dot_general3A_35 : vector<64x128xf32>
      %get3A_37 = arith.constant 0 : index
      %get3A_38 = arith.constant 0 : index
      %get3A_39 = vector.load %arg14[%get3A_37, %get3A_38] : memref<1x128xf32, #tpu.memory_space<vmem>>, vector<1x128xf32>
      %add3A_40 = vector.broadcast %get3A_39 : vector<1x128xf32> to vector<64x128xf32>
      %add3A_41 = arith.addf %add3A_36, %add3A_40 : vector<64x128xf32>
      %neg3A = arith.constant 0.000000e+00 : f32
      %neg3A_42 = vector.broadcast %neg3A : f32 to vector<64x128xf32>
      %neg3A_43 = arith.subf %neg3A_42, %add3A_41 : vector<64x128xf32>
      %exp3A = math.exp %neg3A_43 : vector<64x128xf32>
      %add3A_44 = arith.constant 1.000000e+00 : f32
      %add3A_45 = vector.broadcast %add3A_44 : f32 to vector<64x128xf32>
      %add3A_46 = arith.addf %add3A_45, %exp3A : vector<64x128xf32>
      %div3A = arith.constant 1.000000e+00 : f32
      %div3A_47 = vector.broadcast %div3A : f32 to vector<64x128xf32>
      %div3A_48 = arith.divf %div3A_47, %add3A_46 : vector<64x128xf32>
      %swap3A = arith.constant 0 : index
      %swap3A_49 = arith.constant 0 : index
      %swap3A_50 = vector.load %arg17[%swap3A, %swap3A_49] : memref<64x128xf32, #tpu.memory_space<vmem>>, vector<64x128xf32>
      tpu.vector_store %arg17[%swap3A, %swap3A_49], %div3A_48 {strides = array<i32>} : memref<64x128xf32, #tpu.memory_space<vmem>>, vector<64x128xf32>,
    } else {
    }
    return
  }
  func.func @transform_0(%arg0: i32, %arg1: i32) -> (i32, i32) {
    %eq3A = arith.constant 0 : i32
    %eq3A_0 = arith.cmpi eq, %arg0, %eq3A : i32
    %jit3A = arith.constant 0 : i32
    %select_n3A = arith.select %eq3A_0, %arg1, %jit3A : i32
    %c0_i32 = arith.constant 0 : i32
    %c0_i32_1 = arith.constant 0 : i32
    return %select_n3A, %c0_i32 : i32, i32
  }
  func.func @transform_1(%arg0: i32, %arg1: i32) -> (i32, i32) {
    %eq3A = arith.constant 0 : i32
    %eq3A_0 = arith.cmpi eq, %arg0, %eq3A : i32
    %jit3A = arith.constant 0 : i32
    %select_n3A = arith.select %eq3A_0, %arg1, %jit3A : i32
    %add3A = arith.constant 5 : i32
    %add3A_1 = arith.addi %add3A, %select_n3A : i32
    %c0_i32 = arith.constant 0 : i32
    %c0_i32_2 = arith.constant 0 : i32
    return %add3A_1, %c0_i32 : i32, i32
  }
  func.func @transform_2(%arg0: i32, %arg1: i32) -> (i32, i32) {
    %c0_i32 = arith.constant 0 : i32
    %c0_i32_0 = arith.constant 0 : i32
    %c0_i32_1 = arith.constant 0 : i32
    return %c0_i32, %c0_i32_0 : i32, i32
  }
  func.func @transform_3(%arg0: i32, %arg1: i32) -> (i32, i32) {
    %c0_i32 = arith.constant 0 : i32
    %c0_i32_0 = arith.constant 0 : i32
    %c0_i32_1 = arith.constant 0 : i32
    return %c0_i32, %c0_i32_0 : i32, i32
  }
  func.func @transform_4(%arg0: i32, %arg1: i32) -> (i32, i32) {
    %c0_i32 = arith.constant 0 : i32
    %c0_i32_0 = arith.constant 0 : i32
    %c0_i32_1 = arith.constant 0 : i32
    return %c0_i32, %c0_i32_0 : i32, i32
  }
  func.func @transform_5(%arg0: i32, %arg1: i32) -> (i32, i32) {
    %c0_i32 = arith.constant 0 : i32
    %c0_i32_0 = arith.constant 0 : i32
    %c0_i32_1 = arith.constant 0 : i32
    return %c0_i32, %c0_i32_0 : i32, i32
  }
  func.func @transform_6(%arg0: i32, %arg1: i32) -> (i32, i32) {
    %c0_i32 = arith.constant 0 : i32
    %c0_i32_0 = arith.constant 0 : i32
    %c0_i32_1 = arith.constant 0 : i32
    return %c0_i32, %c0_i32_0 : i32, i32
  }
  func.func @transform_7(%arg0: i32, %arg1: i32) -> (i32, i32) {
    %c0_i32 = arith.constant 0 : i32
    %c0_i32_0 = arith.constant 0 : i32
    %c0_i32_1 = arith.constant 0 : i32
    return %c0_i32, %c0_i32_0 : i32, i32
  }
  func.func @transform_8(%arg0: i32, %arg1: i32) -> (i32, i32, i32) {
    %c0_i32 = arith.constant 0 : i32
    %c0_i32_0 = arith.constant 0 : i32
    %c0_i32_1 = arith.constant 0 : i32
    return %arg1, %c0_i32, %c0_i32_0 : i32, i32, i32
  }
  func.func @transform_9(%arg0: i32, %arg1: i32) -> (i32, i32) {
    %c0_i32 = arith.constant 0 : i32
    %c0_i32_0 = arith.constant 0 : i32
    %c0_i32_1 = arith.constant 0 : i32
    return %c0_i32, %c0_i32_0 : i32, i32
  }
  func.func @transform_10(%arg0: i32, %arg1: i32) -> (i32, i32) {
    %c0_i32 = arith.constant 0 : i32
    %c0_i32_0 = arith.constant 0 : i32
    %c0_i32_1 = arith.constant 0 : i32
    return %c0_i32, %c0_i32_0 : i32, i32
  }
  func.func @transform_11(%arg0: i32, %arg1: i32) -> (i32, i32) {
    %c0_i32 = arith.constant 0 : i32
    %c0_i32_0 = arith.constant 0 : i32
    %c0_i32_1 = arith.constant 0 : i32
    return %c0_i32, %c0_i32_0 : i32, i32
  }
  func.func @transform_12(%arg0: i32, %arg1: i32) -> (i32, i32) {
    %c0_i32 = arith.constant 0 : i32
    %c0_i32_0 = arith.constant 0 : i32
    %c0_i32_1 = arith.constant 0 : i32
    return %c0_i32, %c0_i32_0 : i32, i32
  }
  func.func @transform_13(%arg0: i32, %arg1: i32) -> (i32, i32, i32) {
    %eq3A = arith.constant 1 : i32
    %eq3A_0 = arith.cmpi eq, %arg0, %eq3A : i32
    %jit3A = arith.constant 0 : i32
    %select_n3A = arith.select %eq3A_0, %arg1, %jit3A : i32
    %c0_i32 = arith.constant 0 : i32
    %c0_i32_1 = arith.constant 0 : i32
    %c0_i32_2 = arith.constant 0 : i32
    return %c0_i32, %select_n3A, %c0_i32_1 : i32, i32, i32
  }
  func.func @transform_14(%arg0: i32, %arg1: i32) -> (i32, i32) {
    %c0_i32 = arith.constant 0 : i32
    %c0_i32_0 = arith.constant 0 : i32
    %c0_i32_1 = arith.constant 0 : i32
    return %c0_i32, %c0_i32_0 : i32, i32
  }
  func.func @transform_15(%arg0: i32, %arg1: i32) -> (i32, i32) {
    %c0_i32 = arith.constant 0 : i32
    %c0_i32_0 = arith.constant 0 : i32
    %c0_i32_1 = arith.constant 0 : i32
    return %c0_i32, %c0_i32_0 : i32, i32
  }
}

</mosaic_0001>

<sc_bundles>
// kernel: kernel.11.cloned.1.call-start
scs
__scs_entry_jumppad:
0x0: {  	(pc) =	sbr.rel $0x88, $3  }
0x1: {  	(tag) =	ssettag $0x0;
	lr =	simm.s32 $0x1  }
0x2: {  	[smem:$0x3F8A] =	sst lr;
	_ =	strace $0xD0000000  }
0x3: {  	_ = 	snop  }
0x4: {  	_ = 	snop  }
0x5: {  	_ = 	snop  }
0x6: {  	_ = 	snop  }
0x7: {  	_ = 	snop  }
__scs_overlays_trampoline_lowered:
0x8: {  	[smem:$0x3F99] =	sst s0  }
0x9: {  	[smem:$0x3F9A] =	sst s1  }
0xa: {  	[smem:$0x3F9B] =	sst s2  }
0xb: {  	[smem:$0x3F9C] =	sst s3  }
0xc: {  	[smem:$0x3F9D] =	sst s4  }
0xd: {  	[smem:$0x3F9E] =	sst s5  }
0xe: {  	[smem:$0x3F9F] =	sst s6  }
0xf: {  	[smem:$0x3FA0] =	sst s7  }
0x10: {  	[smem:$0x3FA1] =	sst s8  }
0x11: {  	[smem:$0x3FA2] =	sst s9;
	s0 =	simm.s32 @!p0 $0x0  }
0x12: {  	s1 =	sld [smem:$0x3F88];
	s0 =	simm.s32 @p0 $0x1  }
0x13: {  	[smem:$0x3FA3] =	sst s0;
	s0 =	simm.s32 @!p1 $0x0  }
0x14: {  	s2 =	sld [smem:$0x3F87];
	s0 =	simm.s32 @p1 $0x1  }
0x15: {  	[smem:$0x3FA4] =	sst s0;
	s0 =	simm.s32 @!p2 $0x0  }
0x16: {  	s3 =	sld [smem:$0x3FDB];
	s0 =	simm.s32 @p2 $0x1  }
0x17: {  	s4 =	simm.s32 $0x1BF5;
	[smem:$0x3FA6] =	sst s0  }
0x18: {  	s0 =	sld [smem:$0x3F89];
	_ =	swait.ge [sflag:s4], $0x0  }
0x19: {  	s7 =	sld [smem:$0x3F8A]  }
0x1a: {  	s8 =	sadd.s32 $0xFFFFE003, lr  }
0x1b: {  	s9 =	sadd.s32 $0xFFFFFEF7, lr;
	s5 =	simm.s32 $0xFFFFFFFF;
	p2 =	slt.u32 s8, $0xFFFFF086  }
0x1c: {  	p1 =	slt.u32 s9, $0xF7A;
	s5 =	simm.s32 @!p2 $0x0  }
0x1d: {  	s5 =	simm.s32 @p1 $0x1;
	p0 =	seq.s32 s7, s2  }
0x1e: {  	s7 =	smul.u32 @!p0 $0xF7A, s2;
	p2 =	seq.s32 @!p0 s5, $0x0  }
0x1f: {  	s9 =	smul.u32 $0xF7A, s1;
	s8 =	simm.s32 @!p0 $0x1BF5;
	p2 =	por !p2, p0  }
0x20: {  	[sflag:s8] =	ssyncset.s32 @!p0 $0xFFFFF086;
	s6 =	sadd.s32 @!p0 s3, s7;
	s7 =	simm.s32 @!p0 $0x108  }
0x21: {  	s3 =	sadd.s32 s3, s9;
	s6 =	sadd.s32 @!p0 $0x88, s6;
	s7 =	simm.s32 @p2 $0x1082  }
0x22: {  	[simem:s7], [sflag:s8] =	dma.local @!p0 [hbm:s6], $0xF7A  }
0x23: {  	s9 =	sor.u32 $0xD0000000, s2;
	s6 =	simm.s32 $0x108;
	_ =	swait.ge @!p0 [sflag:s8], $0x0  }
0x24: {  	s3 =	sadd.s32 $0x88, s3;
	s6 =	simm.s32 @!p1 $0x1082;
	[sflag:s4] =	ssyncset.s32 $0xFFFFF086  }
0x25: {  	[simem:s6], [sflag:s4] =	dma.local [hbm:s3], $0xF7A  }
0x26: {  	[smem:$0x3F8A] =	sst s1;
	(tag) =	ssettag s2;
	_ =	strace s9  }
0x27: {  	s1 =	sld [smem:$0x3F9A]  }
0x28: {  	s2 =	sld [smem:$0x3F9B]  }
0x29: {  	s4 =	sld [smem:$0x3F9D]  }
0x2a: {  	p0 =	seq.s32 s5, $0x0;
	s5 =	sld [smem:$0x3F9E]  }
0x2b: {  	s6 =	sld [smem:$0x3F9F]  }
0x2c: {  	s7 =	sld [smem:$0x3FA0]  }
0x2d: {  	s3 =	simm.s32 $0x108;
	s8 =	sld [smem:$0x3FA1]  }
0x2e: {  	s3 =	simm.s32 @!p0 $0x1082;
	s9 =	sld [smem:$0x3FA2]  }
0x2f: {  	lr =	sadd.s32 s0, s3;
	s0 =	sld [smem:$0x3F99]  }
0x30: {  	s3 =	sld [smem:$0x3F9C]  }
0x31: {  	[smem:$0x3FA5] =	sst s10  }
0x32: {  	s10 =	sld [smem:$0x3FA3];
	_ =	sdelay $0x3  }
0x33: {  	p0 =	seq.s32 s10, $0x1;
	s10 =	sld [smem:$0x3FA5];
	_ =	sdelay $0x3  }
0x34: {  	[smem:$0x3FA5] =	sst s10  }
0x35: {  	s10 =	sld [smem:$0x3FA4];
	_ =	sdelay $0x3  }
0x36: {  	p1 =	seq.s32 s10, $0x1;
	s10 =	sld [smem:$0x3FA5];
	_ =	sdelay $0x3  }
0x37: {  	[smem:$0x3FA5] =	sst s10  }
0x38: {  	s10 =	sld [smem:$0x3FA6]  }
0x39: {  	_ = 	snop;
	(pc) =	sbr.ind lr, $3  }
0x3a: {  	_ = 	snop  }
0x3b: {  	_ = 	snop  }
0x3c: {  	p2 =	seq.s32 s10, $0x1;
	s10 =	sld [smem:$0x3FA5]  }
0x3d: {  	_ =	shalt  }
0x3e: {  	_ =	shalt  }
0x3f: {  	_ =	shalt  }
0x40: {  	_ =	shalt  }
0x41: {  	_ =	shalt  }
0x42: {  	_ =	shalt  }
0x43: {  	_ =	shalt  }
0x44: {  	_ =	shalt  }
0x45: {  	_ =	shalt  }
0x46: {  	_ =	shalt  }
0x47: {  	_ =	shalt  }
0x48: {  	_ =	shalt  }
0x49: {  	_ =	shalt  }
0x4a: {  	_ =	shalt  }
0x4b: {  	_ =	shalt  }
0x4c: {  	_ =	shalt  }
0x4d: {  	_ =	shalt  }
0x4e: {  	_ =	shalt  }
0x4f: {  	_ =	shalt  }
0x50: {  	_ =	shalt  }
0x51: {  	_ =	shalt  }
0x52: {  	_ =	shalt  }
0x53: {  	_ =	shalt  }
0x54: {  	_ =	shalt  }
0x55: {  	_ =	shalt  }
0x56: {  	_ =	shalt  }
0x57: {  	_ =	shalt  }
0x58: {  	_ =	shalt  }
0x59: {  	_ =	shalt  }
0x5a: {  	_ =	shalt  }
0x5b: {  	_ =	shalt  }
0x5c: {  	_ =	shalt  }
0x5d: {  	_ =	shalt  }
0x5e: {  	_ =	shalt  }
0x5f: {  	_ =	shalt  }
0x60: {  	_ =	shalt  }
0x61: {  	_ =	shalt  }
0x62: {  	_ =	shalt  }
0x63: {  	_ =	shalt  }
0x64: {  	_ =	shalt  }
0x65: {  	_ =	shalt  }
0x66: {  	_ =	shalt  }
0x67: {  	_ =	shalt  }
0x68: {  	_ =	shalt  }
0x69: {  	_ =	shalt  }
0x6a: {  	_ =	shalt  }
0x6b: {  	_ =	shalt  }
0x6c: {  	_ =	shalt  }
0x6d: {  	_ =	shalt  }
0x6e: {  	_ =	shalt  }
0x6f: {  	_ =	shalt  }
0x70: {  	_ =	shalt  }
0x71: {  	_ =	shalt  }
0x72: {  	_ =	shalt  }
0x73: {  	_ =	shalt  }
0x74: {  	_ =	shalt  }
0x75: {  	_ =	shalt  }
0x76: {  	_ =	shalt  }
0x77: {  	_ =	shalt  }
0x78: {  	_ =	shalt  }
0x79: {  	_ =	shalt  }
0x7a: {  	_ =	shalt  }
0x7b: {  	_ =	shalt  }
0x7c: {  	_ =	shalt  }
0x7d: {  	_ =	shalt  }
0x7e: {  	_ =	shalt  }
0x7f: {  	_ =	shalt  }
0x80: {  	_ =	shalt  }
0x81: {  	_ =	shalt  }
0x82: {  	_ =	shalt  }
0x83: {  	_ =	shalt  }
0x84: {  	_ =	shalt  }
0x85: {  	_ =	shalt  }
0x86: {  	_ =	shalt  }
0x87: {  	_ =	shalt  }
.Lfunc_end0:
.L_simem_size_0:
called_computation.1_lowered:
.L_overlay_start_0:
0x88: {  	s2 =	sld [smem:$0x3FD9]  }
0x89: {  	s3 =	sld [smem:$0x3FFE];
	_ =	sdelay $0x1  }
0x8a: {  	s1 =	srdreg.scid  }
0x8b: {  	s0 =	sand.u32 $0x1, s1  }
0x8c: {  	s16 =	sshll.u32 s0, $0xA;
	s2 =	sadd.s32 s3, s2  }
0x8d: {  	s2 =	sadd.s32 s2, s16  }
0x8e: {  	[smem:$0x3FB1] =	sst s2  }
0x8f: {  	_ = 	snop  }
0x90: {  	(tm) =	ssettm $0x1  }
0x91: {  	s17 =	sld [smem:$0x3FFB];
	_ =	sdelay $0x3  }
0x92: {  	_ =	strace s17  }
0x93: {  	s2 =	sld [smem:$0x3FFC];
	_ =	sdelay $0x3  }
0x94: {  	_ =	strace s2  }
0x95: {  	s2 =	sld [smem:$0x3FFD];
	_ =	sdelay $0x3  }
0x96: {  	_ =	strace s2  }
0x97: {  	_ =	strace $0x8FFFFFFF  }
0x98: {  	s18 =	sld [smem:$0x3FDB];
	_ =	sdelay $0x1  }
0x99: {  	s19 =	simm.s32 $_scs_section_size  }
0x9a: {  	s4 =	simm.s32 $_size__tile_overlayer_lowered;
	s5 =	simm.s32 $_tile_overlayer_lowered  }
0x9b: {  	s22 =	simm.s32 $0x1BFF;
	s21 =	sshll.u32 s5, $0x1;
	s2 =	sadd.s32 s19, s18  }
0x9c: {  	s6 =	simm.s32 $0x0;
	s20 =	sshll.u32 s4, $0x1;
	s4 =	sadd.s32 s21, s2  }
0x9d: {  	[timem:s6], [sflag:s22] =	dma.local [hbm:s4], s20  }
0x9e: {  	_ =	swait.ge [sflag:s22], s20  }
0x9f: {  	s3 =	ssub.s32 $0x0, s20;
	[sflag:s22] =	ssyncset.done $0x0  }
0xa0: {  	[sflag:s22] =	ssyncadd.s32 s3;
	_ =	sdelay $0x1  }
0xa1: {  	s23 =	simm.s32 $0x1B8B  }
0xa2: {  	_ =	swait.ge [sflag:s23], $0x1  }
0xa3: {  	[sflag:s23] =	ssyncset.done $0x0  }
0xa4: {  	s25 =	simm.s32 $0x1B8E;
	s24 =	sld [smem:$0x3FFE];
	[sflag:s23] =	ssyncadd.s32 $0xFFFFFFFF  }
0xa5: {  	s26 =	simm.s32 $execute0_lowered;
	[smem:$0x3FD2] =	sst s25  }
0xa6: {  	s4 =	sshll.u32 s26, $0x1;
	_ =	strace $0x80000049;
	[dreg:$0x1] =	wrdreg $0xFFFFFFFF  }
0xa7: {  	s28 =	simm.s32 $_size_execute0_lowered;
	s2 =	sadd.s32 s2, s4;
	[dreg:$0x0] =	wrdreg $0x0  }
0xa8: {  	s4 =	sshll.u32 s28, $0x1;
	[dreg:$0x2] =	wrdreg s2  }
0xa9: {  	[dreg:$0x3] =	wrdreg s4  }
0xaa: {  	[dreg:$0x4] =	wrdreg $0xC0  }
0xab: {  	_ =	task [dreg:s6], $0x5FFFF  }
0xac: {  	[dreg:$0x1] =	wrdreg $0xFFFFFFFF  }
0xad: {  	[dreg:$0x0] =	wrdreg $0x60  }
0xae: {  	[dreg:$0x2] =	wrdreg s24  }
0xaf: {  	[dreg:$0x3] =	wrdreg $0xA3800  }
0xb0: {  	[dreg:$0x4] =	wrdreg $0x9  }
0xb1: {  	_ =	task.clear_ibuf [dreg:s6], $0x5FFFF;
	_ =	strace $0x90000049  }
0xb2: {  	s29 =	simm.s32 $0x9;
	_ =	strace $0x8000004B  }
0xb3: {  	_ =	swait.ge [sflag:s29], $0x1  }
0xb4: {  	[sflag:s29] =	ssyncadd.s32 $0xFFFFFFFF  }
0xb5: {  	_ =	strace $0x9000004B  }
0xb6: {  	_ =	sfence  }
0xb7: {  	s30 =	sld [smem:$0x0];
	_ =	sdelay $0x2  }
0xb8: {  	s31 =	sshll.u32 s1, $0xD;
	s1 =	sshrl.u32 s1, $0x2  }
0xb9: {  	s3 =	sand.u32 $0x4000, s31;
	s1 =	sadd.s32 s1, s30  }
0xba: {  	s0 =	sor.u32 s3, s0;
	s1 =	sshll.u32 s1, $0x11  }
0xbb: {  	s0 =	sor.u32 s1, s0  }
0xbc: {  	s0 =	sadd.s32 $0x8F2B, s0  }
0xbd: {  	[sflag:s0] =	ssyncadd.remote.s32 $0x1  }
0xbe: {  	_ =	sfence.sel $0xFFFF  }
0xbf: {  	[dreg:$0x0] =	wrdreg $0xFFFFFFFF;
	(pc) =	sbr.abs _section_cstart, $3  }
0xc0: {  	[dreg:$0x1] =	wrdreg $0xFFFFFFFF  }
0xc1: {  	_ =	task.clear_ibuf [dreg:s6], $0x2FFFF;
	_ =	strace $0x9FFFFFFF  }
0xc2: {  	(tm) =	ssettm $0x7FFFFFFF  }
0xc3: {  	_ =	shalt  }
tec
execute0_lowered:
.L_overlay_start_1:
0x0: {  	(tag) =	ssettag $0x1  }
0x1: {  	s0 =	srdreg.scid;
	s6 =	rddreg [dreg:$0x0]  }
0x2: {  	s5 =	stileid.u32;
	s1 =	rddreg [dreg:$0x1]  }
0x3: {  	s31 =	simm.s32 $0x5380;
	s28 =	simm.s32 $0x2900;
	s30 =	simm.s32 $0x7B80  }
0x4: {  	s29 =	simm.s32 $0x1;
	s0 =	sand.u32 $0x1, s0;
	s24 =	smul.u32 $0x4E000, s5  }
0x5: {  	s2 =	sshrl.u32 s5, $0x3;
	s7 =	sshll.u32 s5, $0x7;
	s11 =	smul.u32 $0x270, s5  }
0x6: {  	s12 =	sadd.s32 $0x6BC00, s6;
	s16 =	sshll.u32 s5, $0x6;
	s3 =	smul.u32 $0x27800, s0  }
0x7: {  	s17 =	sshll.u32 s5, $0xC;
	s14 =	sadd.s32 $0x138000, s1;
	s4 =	smul.u32 $0x13C00, s2  }
0x8: {  	p0 =	sne.s32 s5, $0x0;
	s2 =	simm.s32 $0x0;
	s8 =	smul.u32 $0x2710, s0  }
0x9: {  	s23 =	sand.u32 $0x380, s7;
	s10 =	ssub.s32 $0x2, s0;
	s0 =	smul.u32 $0x138800, s0  }
0xa: {  	[smem:$0x7FF] =	sst s2;
	s25 =	sshrl.u32 s10, $0x1;
	s7 =	sshrl.u32 s24, $0x2  }
0xb: {  	s3 =	sadd.s32 s3, s4;
	_ =	strace $0x8000004A;
	s8 =	sadd.s32 s11, s8  }
0xc: {  	s26 =	ssub.s32 s10, s25;
	s7 =	sadd.s32 s7, s1;
	s0 =	sshrl.u32 s0, $0x3  }
0xd: {  	s10 =	sshll.u32 s5, $0xF;
	s5 =	simm.s32 $0x7;
	s4 =	sor.u32 s23, s3  }
0xe: {  	s3 =	sadd.s32 $0x1DA00, s6;
	s13 =	sshll.u32 s8, $0x4;
	s26 =	smax.u32 s26, $0x1  }
0xf: {  	s0 =	sadd.s32 $0x27000, s0;
	s15 =	sadd.s32 s3, s13;
	[dreg:$0xf] =	wrdreg s26  }
0x10: {  	s11 =	simm.s32 $0x4;
	s18 =	sadd.s32 s3, s0;
	[dreg:$0x3] =	wrdreg s15  }
0x11: {  	s4 =	sshrl.u32 s4, $0x3;
	s25 =	sadd.s32 s12, s13;
	[dreg:$0x5] =	wrdreg s18  }
0x12: {  	s0 =	sadd.s32 s12, s0;
	s26 =	simm.s32 $0x2780;
	[dreg:$0xd] =	wrdreg s25  }
0x13: {  	s12 =	simm.s32 $0xA;
	s15 =	sor.u32 $0x1C0D, s16;
	[dreg:$0xe] =	wrdreg s0  }
0x14: {  	s9 =	sadd.s32 s4, s6;
	s16 =	sshrl.u32 s7, $0x3;
	[dreg:$0x4] =	wrdreg s15  }
0x15: {  	s4 =	sadd.s32 $0x3C00, s6;
	s20 =	sadd.s32 $0x13C00, s9;
	[dreg:$0x10] =	wrdreg s16  }
0x16: {  	s13 =	simm.s32 $0x5;
	s19 =	sadd.s32 s4, s17;
	[dreg:$0x7] =	wrdreg s20  }
0x17: {  	s25 =	simm.s32 $0x2B80;
	s17 =	sshrl.u32 @!p0 s14, $0x3;
	[dreg:$0x6] =	wrdreg s19  }
0x18: {  	s0 =	simm.s32 $0x2880;
	s21 =	sadd.s32 $0x10, s19;
	[dreg:$0x11] =	wrdreg s17  }
0x19: {  	s7 =	simm.s32 $0x3;
	s22 =	sadd.s32 $0x20, s19;
	[dreg:$0x8] =	wrdreg s21  }
.Ltmp0:
0x1a: {  	s23 =	sadd.s32 $0x30, s19;
	[dreg:$0x9] =	wrdreg s22;
	(pc) =	sbr.rel .LBB2_1-.Ltmp0, $4  }
0x1b: {  	s18 =	simm.s32 $0x0;
	s24 =	sadd.s32 $0x40, s19;
	[dreg:$0xa] =	wrdreg s23  }
0x1c: {  	s9 =	simm.s32 $0x9;
	s6 =	sadd.s32 $0x50, s19;
	[dreg:$0xb] =	wrdreg s24  }
0x1d: {  	s14 =	simm.s32 $0xB;
	s20 =	simm.s32 $0xD;
	[dreg:$0xc] =	wrdreg s6  }
0x1e: {  	s24 =	simm.s32 $0x28;
	s23 =	simm.s32 $0x6780;
	s22 =	simm.s32 $0x2980  }
.LBB2_6:
0x1f: {  	_ =	swait.ge [sflag:s11], $0x1400  }
0x20: {  	[sflag:s11] =	ssyncset.done $0x0  }
0x21: {  	[sflag:s11] =	ssyncadd.s32 $0xFFFFEC00  }
0x22: {  	_ =	swait.ge [sflag:s12], $0x80  }
0x23: {  	[sflag:s12] =	ssyncset.done $0x0  }
0x24: {  	[sflag:s12] =	ssyncadd.s32 $0xFFFFFF80  }
0x25: {  	[spmem:s1] =	stream.indirect.scatter.add.f32 [tilespmem:s23], [sflag:$0xD], $0x80, s28, s24, $0xb8;
	[tilespmem:$0x1DC00] =	vst v63  }
0x26: {  	_ =	swait.ge [sflag:s20], $0x1400  }
0x27: {  	[sflag:s20] =	ssyncset.done $0x0  }
0x28: {  	[sflag:s20] =	ssyncadd.s32 $0xFFFFEC00  }
.LBB2_4:
0x29: {  	[bflag:$0x0] =	sbarrier.arrive $0xFFFF  }
0x2a: {  	s15 =	rddreg [dreg:$0x4]  }
0x2b: {  	s6 =	rddreg [dreg:$0xd]  }
0x2c: {  	s16 =	rddreg [dreg:$0x10]  }
0x2d: {  	[hbm:s6], [sflag:s15] =	dma.local [spmem:s16], $0x2700  }
0x2e: {  	_ =	swait.ge [sflag:s20], $0x2700  }
0x2f: {  	[sflag:s20] =	ssyncset.done $0x0;
	s6 =	rddreg [dreg:$0xe]  }
0x30: {  	s17 =	rddreg [dreg:$0x11];
	[sflag:s20] =	ssyncadd.s32 $0xFFFFD900  }
0x31: {  	[hbm:s6], [sflag:s15] =	dma.local @!p0 [spmem:s17], $0x100  }
0x32: {  	s6 =	simm.s32 @!p0 $0xD  }
0x33: {  	_ =	swait.ge @!p0 [sflag:s6], $0x100  }
0x34: {  	s18 =	rddreg [dreg:$0x12]  }
0x35: {  	s8 =	rddreg [dreg:$0xf];
	s18 =	sadd.s32 $0x1, s18  }
0x36: {  	p1 =	sne.s32 s18, s8  }
.Ltmp1:
0x37: {  	_ = 	snop;
	(pc) =	sbr.rel @!p1 .LBB2_5-.Ltmp1, $3  }
0x38: {  	_ =	sdelay $0x1  }
0x39: {  	[sflag:s6] =	ssyncset.done @!p0 $0x0  }
0x3a: {  	[sflag:s6] =	ssyncadd.s32 @!p0 $0xFFFFFF00  }
.LBB2_1:
0x3b: {  	[dreg:$0x12] =	wrdreg s18  }
0x3c: {  	s6 =	rddreg [dreg:$0x3]  }
0x3d: {  	[spmem:s16], [sflag:s15] =	dma.local [hbm:s6], $0x2700  }
0x3e: {  	_ =	swait.ge [sflag:s20], $0x2700  }
0x3f: {  	[sflag:s20] =	ssyncset.done $0x0  }
0x40: {  	s16 =	simm.s32 @!p0 $0xD;
	s6 =	rddreg [dreg:$0x5];
	[sflag:s20] =	ssyncadd.s32 $0xFFFFD900  }
0x41: {  	[spmem:s17], [sflag:s15] =	dma.local @!p0 [hbm:s6], $0x100  }
0x42: {  	_ =	swait.ge @!p0 [sflag:s16], $0x100  }
0x43: {  	s8 =	simm.s32 $0x80;
	[sflag:s16] =	ssyncset.done @!p0 $0x0  }
0x44: {  	s21 =	simm.s32 $0x400;
	s19 =	rddreg [dreg:$0x7];
	[sflag:s16] =	ssyncadd.s32 @!p0 $0xFFFFFF00  }
0x45: {  	[tilespmem:s2], [sflag:$0xD] =	stream.strided.gather [hbm4b:s19+s8], $0x2780, s21, s8, $0x38;
	[tilespmem:$0x1DC00] =	vst v63  }
0x46: {  	_ =	swait.ge [sflag:s20], $0x2780  }
0x47: {  	[sflag:s20] =	ssyncset.done $0x0  }
0x48: {  	[sflag:s20] =	ssyncadd.s32 $0xFFFFD880  }
0x49: {  	[bflag:$0x0] =	sbarrier.arrive $0xFFFF  }
0x4a: {  	[tilespmem:s25], [sflag:$0x1] =	stream.indirect.gather [hbm4b:s3+s24], $0x80, s2, s24, $0xb8;
	[tilespmem:$0x1DC00] =	vst v63  }
0x4b: {  	s8 =	rddreg [dreg:$0x6]  }
0x4c: {  	[tilespmem:s26], [sflag:$0x7] =	stream.linear.gather [hbm4b:s8+s2], $0x80, $0x38;
	[tilespmem:$0x1DC00] =	vst v63  }
0x4d: {  	s15 =	simm.s32 $0x3F80  }
0x4e: {  	[tilespmem:s15], [sflag:$0x2] =	stream.indirect.gather [hbm4b:s3+s24], $0x80, s24, s24, $0xb8;
	[tilespmem:$0x1DC00] =	vst v63  }
0x4f: {  	s17 =	simm.s32 $0x2800;
	s16 =	rddreg [dreg:$0x8]  }
0x50: {  	[tilespmem:s17], [sflag:$0x8] =	stream.linear.gather [hbm4b:s16+s2], $0x80, $0x38;
	[tilespmem:$0x1DC00] =	vst v63  }
0x51: {  	s18 =	simm.s32 $0x50  }
0x52: {  	[tilespmem:s31], [sflag:$0x3] =	stream.indirect.gather [hbm4b:s3+s24], $0x80, s18, s24, $0xb8;
	[tilespmem:$0x1DC00] =	vst v63  }
0x53: {  	s19 =	rddreg [dreg:$0x9]  }
0x54: {  	[tilespmem:s0], [sflag:$0x9] =	stream.linear.gather [hbm4b:s19+s2], $0x80, $0x38;
	[tilespmem:$0x1DC00] =	vst v63  }
0x55: {  	s21 =	simm.s32 $0x78  }
0x56: {  	[tilespmem:s23], [sflag:$0x4] =	stream.indirect.gather [hbm4b:s3+s24], $0x80, s21, s24, $0xb8;
	[tilespmem:$0x1DC00] =	vst v63  }
0x57: {  	s8 =	rddreg [dreg:$0xa]  }
0x58: {  	[tilespmem:s28], [sflag:$0xA] =	stream.linear.gather [hbm4b:s8+s2], $0x80, $0x38;
	[tilespmem:$0x1DC00] =	vst v63  }
0x59: {  	s15 =	simm.s32 $0xA0  }
0x5a: {  	[tilespmem:s30], [sflag:$0x5] =	stream.indirect.gather [hbm4b:s3+s24], $0x80, s15, s24, $0xb8;
	[tilespmem:$0x1DC00] =	vst v63  }
0x5b: {  	s16 =	rddreg [dreg:$0xb];
	s17 =	simm.s32 $0xC8  }
0x5c: {  	[tilespmem:s22], [sflag:$0xB] =	stream.linear.gather [hbm4b:s16+s2], $0x80, $0x38;
	[tilespmem:$0x1DC00] =	vst v63  }
0x5d: {  	s18 =	simm.s32 $0x8F80;
	s19 =	rddreg [dreg:$0xc];
	s21 =	simm.s32 $0x2A00  }
0x5e: {  	[tilespmem:s18], [sflag:$0x6] =	stream.indirect.gather [hbm4b:s3+s24], $0x80, s17, s24, $0xb8;
	[tilespmem:$0x1DC00] =	vst v63  }
0x5f: {  	s16 =	simm.s32 $0xF0;
	s17 =	simm.s32 $0x0;
	s18 =	simm.s32 $0x0  }
0x60: {  	[tilespmem:s21], [sflag:$0xC] =	stream.linear.gather [hbm4b:s19+s2], $0x80, $0x38;
	[tilespmem:$0x1DC00] =	vst v63  }
.LBB2_2:
0x61: {  	_ =	swait.ge [sflag:s29], $0x1400  }
0x62: {  	[sflag:s29] =	ssyncset.done $0x0  }
0x63: {  	[sflag:s29] =	ssyncadd.s32 $0xFFFFEC00  }
0x64: {  	_ =	swait.ge [sflag:s5], $0x80  }
0x65: {  	[sflag:s5] =	ssyncset.done $0x0  }
0x66: {  	[sflag:s5] =	ssyncadd.s32 $0xFFFFFF80  }
0x67: {  	[spmem:s1] =	stream.indirect.scatter.add.f32 [tilespmem:s25], [sflag:$0xD], $0x80, s26, s24, $0xb8;
	[tilespmem:$0x1DC00] =	vst v63  }
0x68: {  	_ =	swait.ge [sflag:s20], $0x1400  }
0x69: {  	p1 =	seq.s32 s17, $0x7B00;
	[sflag:s20] =	ssyncset.done $0x0  }
0x6a: {  	s8 =	simm.s32 @p1 $0x2;
	[sflag:s20] =	ssyncadd.s32 $0xFFFFEC00  }
0x6b: {  	_ =	swait.ge @p1 [sflag:s8], $0x1400  }
0x6c: {  	[sflag:s8] =	ssyncset.done @p1 $0x0  }
0x6d: {  	[sflag:s8] =	ssyncadd.s32 @p1 $0xFFFFEC00;
	s8 =	simm.s32 @p1 $0x8  }
0x6e: {  	_ =	swait.ge @p1 [sflag:s8], $0x80  }
0x6f: {  	s19 =	simm.s32 @p1 $0x2800;
	[sflag:s8] =	ssyncset.done @p1 $0x0  }
0x70: {  	s21 =	simm.s32 @p1 $0x3F80;
	[sflag:s8] =	ssyncadd.s32 @p1 $0xFFFFFF80;
	s8 =	simm.s32 @p1 $0x28  }
0x71: {  	[spmem:s1] =	stream.indirect.scatter.add.f32 @p1 [tilespmem:s21], [sflag:$0xD], $0x80, s19, s8, $0xb8;
	[tilespmem:$0x1DC00] =	vst v63  }
0x72: {  	s8 =	simm.s32 @p1 $0xD  }
0x73: {  	_ =	swait.ge @p1 [sflag:s8], $0x1400  }
0x74: {  	[sflag:s8] =	ssyncset.done @p1 $0x0  }
0x75: {  	s19 =	simm.s32 @!p1 $0x2B80;
	[sflag:s8] =	ssyncadd.s32 @p1 $0xFFFFEC00;
	s8 =	simm.s32 @!p1 $0x28  }
0x76: {  	[tilespmem:s19], [sflag:$0x1] =	stream.indirect.gather @!p1 [hbm4b:s3+s8], $0x80, s16, s8, $0xb8;
	[tilespmem:$0x1DC00] =	vst v63  }
0x77: {  	s19 =	sadd.s32 @!p1 $0x300, s17  }
0x78: {  	s21 =	sand.u32 @!p1 $0x1FC00, s19  }
0x79: {  	s19 =	sand.u32 @!p1 $0x300, s19;
	s21 =	sadd.s32 @!p1 s10, s21  }
0x7a: {  	s19 =	sor.u32 @!p1 s19, s21  }
0x7b: {  	s19 =	sshrl.u32 @!p1 s19, $0x3  }
0x7c: {  	s6 =	simm.s32 @!p1 $0x2780;
	s21 =	simm.s32 @!p1 $0x0;
	s19 =	sadd.s32 @!p1 s4, s19  }
0x7d: {  	[tilespmem:s6], [sflag:$0x7] =	stream.linear.gather @!p1 [hbm4b:s19+s21], $0x80, $0x38;
	[tilespmem:$0x1DC00] =	vst v63  }
0x7e: {  	s6 =	simm.s32 @!p1 $0x2  }
0x7f: {  	_ =	swait.ge @!p1 [sflag:s6], $0x1400  }
0x80: {  	[sflag:s6] =	ssyncset.done @!p1 $0x0  }
0x81: {  	[sflag:s6] =	ssyncadd.s32 @!p1 $0xFFFFEC00;
	s6 =	simm.s32 @!p1 $0x8  }
0x82: {  	_ =	swait.ge @!p1 [sflag:s6], $0x80  }
0x83: {  	s15 =	simm.s32 @!p1 $0xD;
	[sflag:s6] =	ssyncset.done @!p1 $0x0  }
0x84: {  	s19 =	simm.s32 @!p1 $0x3F80;
	[sflag:s6] =	ssyncadd.s32 @!p1 $0xFFFFFF80;
	s6 =	simm.s32 @!p1 $0x2800  }
0x85: {  	[spmem:s1] =	stream.indirect.scatter.add.f32 @!p1 [tilespmem:s19], [sflag:$0xD], $0x80, s6, s8, $0xb8;
	[tilespmem:$0x1DC00] =	vst v63  }
0x86: {  	_ =	swait.ge @!p1 [sflag:s15], $0x1400  }
0x87: {  	[sflag:s15] =	ssyncset.done @!p1 $0x0  }
0x88: {  	[sflag:s15] =	ssyncadd.s32 @!p1 $0xFFFFEC00;
	s15 =	sadd.s32 @!p1 $0x28, s16  }
0x89: {  	[tilespmem:s19], [sflag:$0x2] =	stream.indirect.gather @!p1 [hbm4b:s3+s8], $0x80, s15, s8, $0xb8;
	[tilespmem:$0x1DC00] =	vst v63  }
0x8a: {  	s8 =	sadd.s32 @!p1 $0x380, s17  }
0x8b: {  	s15 =	sand.u32 @!p1 $0x1FC00, s8  }
0x8c: {  	s8 =	sand.u32 @!p1 $0x380, s8;
	s15 =	sadd.s32 @!p1 s10, s15  }
0x8d: {  	s8 =	sor.u32 @!p1 s8, s15  }
0x8e: {  	s8 =	sshrl.u32 @!p1 s8, $0x3  }
0x8f: {  	s8 =	sadd.s32 @!p1 s4, s8  }
0x90: {  	[tilespmem:s6], [sflag:$0x8] =	stream.linear.gather @!p1 [hbm4b:s8+s21], $0x80, $0x38;
	[tilespmem:$0x1DC00] =	vst v63  }
0x91: {  	_ =	swait.ge [sflag:s7], $0x1400  }
0x92: {  	[sflag:s7] =	ssyncset.done $0x0  }
0x93: {  	[sflag:s7] =	ssyncadd.s32 $0xFFFFEC00  }
0x94: {  	_ =	swait.ge [sflag:s9], $0x80  }
0x95: {  	[sflag:s9] =	ssyncset.done $0x0  }
.Ltmp2:
0x96: {  	[sflag:s9] =	ssyncadd.s32 $0xFFFFFF80;
	(pc) =	sbr.rel @p1 .LBB2_6-.Ltmp2, $4  }
0x97: {  	[spmem:s1] =	stream.indirect.scatter.add.f32 [tilespmem:s31], [sflag:$0xD], $0x80, s0, s24, $0xb8;
	[tilespmem:$0x1DC00] =	vst v63  }
0x98: {  	_ =	swait.ge [sflag:s20], $0x1400  }
0x99: {  	[sflag:s20] =	ssyncset.done $0x0  }
0x9a: {  	[sflag:s20] =	ssyncadd.s32 $0xFFFFEC00  }
0x9b: {  	s6 =	sadd.s32 $0x50, s16;
	s8 =	sadd.s32 $0x400, s17  }
0x9c: {  	[tilespmem:s31], [sflag:$0x3] =	stream.indirect.gather [hbm4b:s3+s24], $0x80, s6, s24, $0xb8;
	[tilespmem:$0x1DC00] =	vst v63  }
0x9d: {  	s6 =	sand.u32 $0x1FC00, s8  }
0x9e: {  	s8 =	sand.u32 $0x300, s17;
	s6 =	sadd.s32 s10, s6  }
0x9f: {  	s6 =	sor.u32 s8, s6  }
0xa0: {  	s6 =	sshrl.u32 s6, $0x3  }
0xa1: {  	s6 =	sadd.s32 s4, s6  }
0xa2: {  	[tilespmem:s0], [sflag:$0x9] =	stream.linear.gather [hbm4b:s6+s2], $0x80, $0x38;
	[tilespmem:$0x1DC00] =	vst v63  }
0xa3: {  	_ =	swait.ge [sflag:s11], $0x1400  }
0xa4: {  	[sflag:s11] =	ssyncset.done $0x0  }
0xa5: {  	[sflag:s11] =	ssyncadd.s32 $0xFFFFEC00  }
0xa6: {  	_ =	swait.ge [sflag:s12], $0x80  }
0xa7: {  	s19 =	sadd.s32 $0x480, s17;
	[sflag:s12] =	ssyncset.done $0x0  }
0xa8: {  	s21 =	sand.u32 $0x1FC00, s19;
	[sflag:s12] =	ssyncadd.s32 $0xFFFFFF80  }
0xa9: {  	[spmem:s1] =	stream.indirect.scatter.add.f32 [tilespmem:s23], [sflag:$0xD], $0x80, s28, s24, $0xb8;
	[tilespmem:$0x1DC00] =	vst v63  }
0xaa: {  	s8 =	sadd.s32 s10, s21;
	s6 =	sand.u32 $0x380, s19;
	_ =	swait.ge [sflag:s20], $0x1400  }
0xab: {  	s6 =	sor.u32 s6, s8;
	[sflag:s20] =	ssyncset.done $0x0  }
0xac: {  	s15 =	sadd.s32 $0x78, s16;
	s6 =	sshrl.u32 s6, $0x3;
	[sflag:s20] =	ssyncadd.s32 $0xFFFFEC00  }
0xad: {  	[tilespmem:s23], [sflag:$0x4] =	stream.indirect.gather [hbm4b:s3+s24], $0x80, s15, s24, $0xb8;
	[tilespmem:$0x1DC00] =	vst v63  }
0xae: {  	s6 =	sadd.s32 s4, s6  }
0xaf: {  	[tilespmem:s28], [sflag:$0xA] =	stream.linear.gather [hbm4b:s6+s2], $0x80, $0x38;
	[tilespmem:$0x1DC00] =	vst v63  }
0xb0: {  	_ =	swait.ge [sflag:s13], $0x1400  }
0xb1: {  	[sflag:s13] =	ssyncset.done $0x0  }
0xb2: {  	[sflag:s13] =	ssyncadd.s32 $0xFFFFEC00  }
0xb3: {  	_ =	swait.ge [sflag:s14], $0x80  }
0xb4: {  	[sflag:s14] =	ssyncset.done $0x0  }
0xb5: {  	[sflag:s14] =	ssyncadd.s32 $0xFFFFFF80  }
0xb6: {  	[spmem:s1] =	stream.indirect.scatter.add.f32 [tilespmem:s30], [sflag:$0xD], $0x80, s22, s24, $0xb8;
	[tilespmem:$0x1DC00] =	vst v63  }
0xb7: {  	_ =	swait.ge [sflag:s20], $0x1400  }
0xb8: {  	p1 =	sgt.u32 s18, $0x27;
	[sflag:s20] =	ssyncset.done $0x0  }
0xb9: {  	s6 =	simm.s32 @p1 $0x6;
	[sflag:s20] =	ssyncadd.s32 $0xFFFFEC00  }
0xba: {  	_ =	swait.ge @p1 [sflag:s6], $0x1400  }
0xbb: {  	[sflag:s6] =	ssyncset.done @p1 $0x0  }
0xbc: {  	[sflag:s6] =	ssyncadd.s32 @p1 $0xFFFFEC00;
	s6 =	simm.s32 @p1 $0xC  }
0xbd: {  	_ =	swait.ge @p1 [sflag:s6], $0x80  }
0xbe: {  	s8 =	simm.s32 @p1 $0x2A00;
	[sflag:s6] =	ssyncset.done @p1 $0x0  }
0xbf: {  	s15 =	simm.s32 @p1 $0x8F80;
	[sflag:s6] =	ssyncadd.s32 @p1 $0xFFFFFF80;
	s6 =	simm.s32 @p1 $0x28  }
0xc0: {  	[spmem:s1] =	stream.indirect.scatter.add.f32 @p1 [tilespmem:s15], [sflag:$0xD], $0x80, s8, s6, $0xb8;
	[tilespmem:$0x1DC00] =	vst v63  }
0xc1: {  	s6 =	simm.s32 @p1 $0xD  }
0xc2: {  	_ =	swait.ge @p1 [sflag:s6], $0x1400  }
0xc3: {  	s8 =	simm.s32 @!p1 $0x28;
	[sflag:s6] =	ssyncset.done @p1 $0x0  }
0xc4: {  	s15 =	simm.s32 @!p1 $0x7B80;
	[sflag:s6] =	ssyncadd.s32 @p1 $0xFFFFEC00;
	s6 =	sadd.s32 @!p1 $0xA0, s16  }
0xc5: {  	[tilespmem:s15], [sflag:$0x5] =	stream.indirect.gather @!p1 [hbm4b:s3+s8], $0x80, s6, s8, $0xb8;
	[tilespmem:$0x1DC00] =	vst v63  }
0xc6: {  	s6 =	sadd.s32 @!p1 $0x500, s17  }
0xc7: {  	s15 =	sand.u32 @!p1 $0x1FC00, s6  }
0xc8: {  	s6 =	sand.u32 @!p1 $0x300, s6;
	s15 =	sadd.s32 @!p1 s10, s15  }
0xc9: {  	s6 =	sor.u32 @!p1 s6, s15  }
0xca: {  	s6 =	sshrl.u32 @!p1 s6, $0x3  }
0xcb: {  	s19 =	simm.s32 @!p1 $0x2980;
	s15 =	simm.s32 @!p1 $0x0;
	s6 =	sadd.s32 @!p1 s4, s6  }
0xcc: {  	[tilespmem:s19], [sflag:$0xB] =	stream.linear.gather @!p1 [hbm4b:s6+s15], $0x80, $0x38;
	[tilespmem:$0x1DC00] =	vst v63  }
0xcd: {  	s6 =	simm.s32 @!p1 $0x6  }
0xce: {  	_ =	swait.ge @!p1 [sflag:s6], $0x1400  }
0xcf: {  	[sflag:s6] =	ssyncset.done @!p1 $0x0  }
0xd0: {  	[sflag:s6] =	ssyncadd.s32 @!p1 $0xFFFFEC00;
	s6 =	simm.s32 @!p1 $0xC  }
0xd1: {  	_ =	swait.ge @!p1 [sflag:s6], $0x80  }
0xd2: {  	s21 =	simm.s32 @!p1 $0xD;
	[sflag:s6] =	ssyncset.done @!p1 $0x0  }
0xd3: {  	s19 =	simm.s32 @!p1 $0x8F80;
	[sflag:s6] =	ssyncadd.s32 @!p1 $0xFFFFFF80;
	s6 =	simm.s32 @!p1 $0x2A00  }
0xd4: {  	[spmem:s1] =	stream.indirect.scatter.add.f32 @!p1 [tilespmem:s19], [sflag:$0xD], $0x80, s6, s8, $0xb8;
	[tilespmem:$0x1DC00] =	vst v63  }
0xd5: {  	_ =	swait.ge @!p1 [sflag:s21], $0x1400  }
0xd6: {  	[sflag:s21] =	ssyncset.done @!p1 $0x0  }
0xd7: {  	[sflag:s21] =	ssyncadd.s32 @!p1 $0xFFFFEC00;
	s21 =	sadd.s32 @!p1 $0xC8, s16  }
0xd8: {  	[tilespmem:s19], [sflag:$0x6] =	stream.indirect.gather @!p1 [hbm4b:s3+s8], $0x80, s21, s8, $0xb8;
	[tilespmem:$0x1DC00] =	vst v63  }
0xd9: {  	s8 =	sadd.s32 @!p1 $0x580, s17  }
0xda: {  	s19 =	sand.u32 @!p1 $0x1FC00, s8  }
0xdb: {  	s8 =	sand.u32 @!p1 $0x380, s8;
	s19 =	sadd.s32 @!p1 s10, s19  }
0xdc: {  	s8 =	sor.u32 @!p1 s8, s19  }
0xdd: {  	s8 =	sshrl.u32 @!p1 s8, $0x3  }
0xde: {  	s17 =	sadd.s32 $0x300, s17;
	s8 =	sadd.s32 @!p1 s4, s8  }
0xdf: {  	[tilespmem:s6], [sflag:$0xC] =	stream.linear.gather @!p1 [hbm4b:s8+s15], $0x80, $0x38;
	[tilespmem:$0x1DC00] =	vst v63  }
0xe0: {  	p1 =	sne.s32 s17, $0x7E00  }
.Ltmp3:
0xe1: {  	_ = 	snop;
	(pc) =	sbr.rel @p1 .LBB2_2-.Ltmp3, $4  }
.Ltmp4:
0xe2: {  	_ = 	snop;
	(pc) =	sbr.rel @!p1 .LBB2_4-.Ltmp4, $4  }
0xe3: {  	_ = 	snop  }
0xe4: {  	_ = 	snop  }
0xe5: {  	s18 =	sadd.s32 $0x1, s18;
	s16 =	sadd.s32 $0xF0, s16  }
0xe6: {  	_ = 	snop  }
.LBB2_5:
0xe7: {  	_ =	sfence.sel $0x180000  }
0xe8: {  	[bflag:$0x0] =	sbarrier.arrive $0xFFFF  }
0xe9: {  	_ =	strace $0x9000004A  }
0xea: {  	[bflag:$0x2] =	sbarrier.arrive $0xFFFF  }
0xeb: {  	s0 =	rddreg [dreg:$0x2]  }
0xec: {  	s0 =	sadd.s32 @!p0 $0x100000, s0  }
0xed: {  	[sflag:s0] =	ssyncadd.tile.s32 @!p0 $0x1;
	_ =	shalt  }
.Lfunc_end2:
_tile_overlayer_lowered:
.L_overlay_start_2:
0xee: {  	(tag) =	ssettag $0x2  }
0xef: {  	s0 =	rddreg [dreg:$0x0];
	s2 =	stileid.u32  }
0xf0: {  	s1 =	rddreg [dreg:$0x1];
	p0 =	sne.s32 s2, $0x0  }
0xf1: {  	s3 =	rddreg [dreg:$0x2];
	[bflag:$0x3] =	sbarrier.arrive $0xFFFF;
	s2 =	simm.s32 @!p0 $0x1C0D  }
0xf2: {  	[timem:s3], [sflag:s2] =	dma.local @!p0 [hbm:s0], s1  }
0xf3: {  	s0 =	simm.s32 @!p0 $0xD  }
0xf4: {  	_ =	swait.ge @!p0 [sflag:s0], s1  }
0xf5: {  	s1 =	ssub.s32 @!p0 $0x0, s1;
	[sflag:s0] =	ssyncset.done @!p0 $0x0  }
0xf6: {  	[sflag:s0] =	ssyncadd.s32 @!p0 s1  }
0xf7: {  	[bflag:$0x3] =	sbarrier.arrive $0xFFFF  }
0xf8: {  	_ =	shalt  }

// kernel: kernel.14.cloned.1.call-start
scs
__scs_entry_jumppad:
0x0: {  	(pc) =	sbr.rel $0x88, $3  }
0x1: {  	(tag) =	ssettag $0x0;
	lr =	simm.s32 $0x1  }
0x2: {  	[smem:$0x3F8A] =	sst lr;
	_ =	strace $0xD0000000  }
0x3: {  	_ = 	snop  }
0x4: {  	_ = 	snop  }
0x5: {  	_ = 	snop  }
0x6: {  	_ = 	snop  }
0x7: {  	_ = 	snop  }
__scs_overlays_trampoline_lowered:
0x8: {  	[smem:$0x3F99] =	sst s0  }
0x9: {  	[smem:$0x3F9A] =	sst s1  }
0xa: {  	[smem:$0x3F9B] =	sst s2  }
0xb: {  	[smem:$0x3F9C] =	sst s3  }
0xc: {  	[smem:$0x3F9D] =	sst s4  }
0xd: {  	[smem:$0x3F9E] =	sst s5  }
0xe: {  	[smem:$0x3F9F] =	sst s6  }
0xf: {  	[smem:$0x3FA0] =	sst s7  }
0x10: {  	[smem:$0x3FA1] =	sst s8  }
0x11: {  	[smem:$0x3FA2] =	sst s9;
	s0 =	simm.s32 @!p0 $0x0  }
0x12: {  	s1 =	sld [smem:$0x3F88];
	s0 =	simm.s32 @p0 $0x1  }
0x13: {  	[smem:$0x3FA3] =	sst s0;
	s0 =	simm.s32 @!p1 $0x0  }
0x14: {  	s2 =	sld [smem:$0x3F87];
	s0 =	simm.s32 @p1 $0x1  }
0x15: {  	[smem:$0x3FA4] =	sst s0;
	s0 =	simm.s32 @!p2 $0x0  }
0x16: {  	s3 =	sld [smem:$0x3FDB];
	s0 =	simm.s32 @p2 $0x1  }
0x17: {  	s4 =	simm.s32 $0x1BF5;
	[smem:$0x3FA6] =	sst s0  }
0x18: {  	s0 =	sld [smem:$0x3F89];
	_ =	swait.ge [sflag:s4], $0x0  }
0x19: {  	s7 =	sld [smem:$0x3F8A]  }
0x1a: {  	s8 =	sadd.s32 $0xFFFFE003, lr  }
0x1b: {  	s9 =	sadd.s32 $0xFFFFFEF7, lr;
	s5 =	simm.s32 $0xFFFFFFFF;
	p2 =	slt.u32 s8, $0xFFFFF086  }
0x1c: {  	p1 =	slt.u32 s9, $0xF7A;
	s5 =	simm.s32 @!p2 $0x0  }
0x1d: {  	s5 =	simm.s32 @p1 $0x1;
	p0 =	seq.s32 s7, s2  }
0x1e: {  	s7 =	smul.u32 @!p0 $0xF7A, s2;
	p2 =	seq.s32 @!p0 s5, $0x0  }
0x1f: {  	s9 =	smul.u32 $0xF7A, s1;
	s8 =	simm.s32 @!p0 $0x1BF5;
	p2 =	por !p2, p0  }
0x20: {  	[sflag:s8] =	ssyncset.s32 @!p0 $0xFFFFF086;
	s6 =	sadd.s32 @!p0 s3, s7;
	s7 =	simm.s32 @!p0 $0x108  }
0x21: {  	s3 =	sadd.s32 s3, s9;
	s6 =	sadd.s32 @!p0 $0x88, s6;
	s7 =	simm.s32 @p2 $0x1082  }
0x22: {  	[simem:s7], [sflag:s8] =	dma.local @!p0 [hbm:s6], $0xF7A  }
0x23: {  	s9 =	sor.u32 $0xD0000000, s2;
	s6 =	simm.s32 $0x108;
	_ =	swait.ge @!p0 [sflag:s8], $0x0  }
0x24: {  	s3 =	sadd.s32 $0x88, s3;
	s6 =	simm.s32 @!p1 $0x1082;
	[sflag:s4] =	ssyncset.s32 $0xFFFFF086  }
0x25: {  	[simem:s6], [sflag:s4] =	dma.local [hbm:s3], $0xF7A  }
0x26: {  	[smem:$0x3F8A] =	sst s1;
	(tag) =	ssettag s2;
	_ =	strace s9  }
0x27: {  	s1 =	sld [smem:$0x3F9A]  }
0x28: {  	s2 =	sld [smem:$0x3F9B]  }
0x29: {  	s4 =	sld [smem:$0x3F9D]  }
0x2a: {  	p0 =	seq.s32 s5, $0x0;
	s5 =	sld [smem:$0x3F9E]  }
0x2b: {  	s6 =	sld [smem:$0x3F9F]  }
0x2c: {  	s7 =	sld [smem:$0x3FA0]  }
0x2d: {  	s3 =	simm.s32 $0x108;
	s8 =	sld [smem:$0x3FA1]  }
0x2e: {  	s3 =	simm.s32 @!p0 $0x1082;
	s9 =	sld [smem:$0x3FA2]  }
0x2f: {  	lr =	sadd.s32 s0, s3;
	s0 =	sld [smem:$0x3F99]  }
0x30: {  	s3 =	sld [smem:$0x3F9C]  }
0x31: {  	[smem:$0x3FA5] =	sst s10  }
0x32: {  	s10 =	sld [smem:$0x3FA3];
	_ =	sdelay $0x3  }
0x33: {  	p0 =	seq.s32 s10, $0x1;
	s10 =	sld [smem:$0x3FA5];
	_ =	sdelay $0x3  }
0x34: {  	[smem:$0x3FA5] =	sst s10  }
0x35: {  	s10 =	sld [smem:$0x3FA4];
	_ =	sdelay $0x3  }
0x36: {  	p1 =	seq.s32 s10, $0x1;
	s10 =	sld [smem:$0x3FA5];
	_ =	sdelay $0x3  }
0x37: {  	[smem:$0x3FA5] =	sst s10  }
0x38: {  	s10 =	sld [smem:$0x3FA6]  }
0x39: {  	_ = 	snop;
	(pc) =	sbr.ind lr, $3  }
0x3a: {  	_ = 	snop  }
0x3b: {  	_ = 	snop  }
0x3c: {  	p2 =	seq.s32 s10, $0x1;
	s10 =	sld [smem:$0x3FA5]  }
0x3d: {  	_ =	shalt  }
0x3e: {  	_ =	shalt  }
0x3f: {  	_ =	shalt  }
0x40: {  	_ =	shalt  }
0x41: {  	_ =	shalt  }
0x42: {  	_ =	shalt  }
0x43: {  	_ =	shalt  }
0x44: {  	_ =	shalt  }
0x45: {  	_ =	shalt  }
0x46: {  	_ =	shalt  }
0x47: {  	_ =	shalt  }
0x48: {  	_ =	shalt  }
0x49: {  	_ =	shalt  }
0x4a: {  	_ =	shalt  }
0x4b: {  	_ =	shalt  }
0x4c: {  	_ =	shalt  }
0x4d: {  	_ =	shalt  }
0x4e: {  	_ =	shalt  }
0x4f: {  	_ =	shalt  }
0x50: {  	_ =	shalt  }
0x51: {  	_ =	shalt  }
0x52: {  	_ =	shalt  }
0x53: {  	_ =	shalt  }
0x54: {  	_ =	shalt  }
0x55: {  	_ =	shalt  }
0x56: {  	_ =	shalt  }
0x57: {  	_ =	shalt  }
0x58: {  	_ =	shalt  }
0x59: {  	_ =	shalt  }
0x5a: {  	_ =	shalt  }
0x5b: {  	_ =	shalt  }
0x5c: {  	_ =	shalt  }
0x5d: {  	_ =	shalt  }
0x5e: {  	_ =	shalt  }
0x5f: {  	_ =	shalt  }
0x60: {  	_ =	shalt  }
0x61: {  	_ =	shalt  }
0x62: {  	_ =	shalt  }
0x63: {  	_ =	shalt  }
0x64: {  	_ =	shalt  }
0x65: {  	_ =	shalt  }
0x66: {  	_ =	shalt  }
0x67: {  	_ =	shalt  }
0x68: {  	_ =	shalt  }
0x69: {  	_ =	shalt  }
0x6a: {  	_ =	shalt  }
0x6b: {  	_ =	shalt  }
0x6c: {  	_ =	shalt  }
0x6d: {  	_ =	shalt  }
0x6e: {  	_ =	shalt  }
0x6f: {  	_ =	shalt  }
0x70: {  	_ =	shalt  }
0x71: {  	_ =	shalt  }
0x72: {  	_ =	shalt  }
0x73: {  	_ =	shalt  }
0x74: {  	_ =	shalt  }
0x75: {  	_ =	shalt  }
0x76: {  	_ =	shalt  }
0x77: {  	_ =	shalt  }
0x78: {  	_ =	shalt  }
0x79: {  	_ =	shalt  }
0x7a: {  	_ =	shalt  }
0x7b: {  	_ =	shalt  }
0x7c: {  	_ =	shalt  }
0x7d: {  	_ =	shalt  }
0x7e: {  	_ =	shalt  }
0x7f: {  	_ =	shalt  }
0x80: {  	_ =	shalt  }
0x81: {  	_ =	shalt  }
0x82: {  	_ =	shalt  }
0x83: {  	_ =	shalt  }
0x84: {  	_ =	shalt  }
0x85: {  	_ =	shalt  }
0x86: {  	_ =	shalt  }
0x87: {  	_ =	shalt  }
.Lfunc_end0:
.L_simem_size_0:
called_computation.2_lowered:
.L_overlay_start_0:
0x88: {  	s2 =	sld [smem:$0x3FD9]  }
0x89: {  	s3 =	sld [smem:$0x3FFE];
	_ =	sdelay $0x1  }
0x8a: {  	s1 =	srdreg.scid  }
0x8b: {  	s0 =	sand.u32 $0x1, s1  }
0x8c: {  	s16 =	sshll.u32 s0, $0xA;
	s2 =	sadd.s32 s3, s2  }
0x8d: {  	s2 =	sadd.s32 s2, s16  }
0x8e: {  	[smem:$0x3FB1] =	sst s2  }
0x8f: {  	_ = 	snop  }
0x90: {  	(tm) =	ssettm $0x1  }
0x91: {  	s17 =	sld [smem:$0x3FFB];
	_ =	sdelay $0x3  }
0x92: {  	_ =	strace s17  }
0x93: {  	s2 =	sld [smem:$0x3FFC];
	_ =	sdelay $0x3  }
0x94: {  	_ =	strace s2  }
0x95: {  	s2 =	sld [smem:$0x3FFD];
	_ =	sdelay $0x3  }
0x96: {  	_ =	strace s2  }
0x97: {  	_ =	strace $0x8FFFFFFF  }
0x98: {  	s18 =	sld [smem:$0x3FDB];
	_ =	sdelay $0x1  }
0x99: {  	s19 =	simm.s32 $_scs_section_size  }
0x9a: {  	s4 =	simm.s32 $_size__tile_overlayer_lowered;
	s5 =	simm.s32 $_tile_overlayer_lowered  }
0x9b: {  	s22 =	simm.s32 $0x1BFF;
	s21 =	sshll.u32 s5, $0x1;
	s2 =	sadd.s32 s19, s18  }
0x9c: {  	s6 =	simm.s32 $0x0;
	s20 =	sshll.u32 s4, $0x1;
	s4 =	sadd.s32 s21, s2  }
0x9d: {  	[timem:s6], [sflag:s22] =	dma.local [hbm:s4], s20  }
0x9e: {  	_ =	swait.ge [sflag:s22], s20  }
0x9f: {  	s3 =	ssub.s32 $0x0, s20;
	[sflag:s22] =	ssyncset.done $0x0  }
0xa0: {  	[sflag:s22] =	ssyncadd.s32 s3;
	_ =	sdelay $0x1  }
0xa1: {  	s23 =	simm.s32 $0x1B8B  }
0xa2: {  	_ =	swait.ge [sflag:s23], $0x1  }
0xa3: {  	[sflag:s23] =	ssyncset.done $0x0  }
0xa4: {  	s25 =	simm.s32 $0x1B8E;
	s24 =	sld [smem:$0x3FFE];
	[sflag:s23] =	ssyncadd.s32 $0xFFFFFFFF  }
0xa5: {  	s26 =	simm.s32 $execute0_lowered;
	[smem:$0x3FD2] =	sst s25  }
0xa6: {  	s4 =	sshll.u32 s26, $0x1;
	_ =	strace $0x8000004C;
	[dreg:$0x1] =	wrdreg $0xFFFFFFFF  }
0xa7: {  	s28 =	simm.s32 $_size_execute0_lowered;
	s2 =	sadd.s32 s2, s4;
	[dreg:$0x0] =	wrdreg $0x0  }
0xa8: {  	s4 =	sshll.u32 s28, $0x1;
	[dreg:$0x2] =	wrdreg s2  }
0xa9: {  	[dreg:$0x3] =	wrdreg s4  }
0xaa: {  	[dreg:$0x4] =	wrdreg $0xC0  }
0xab: {  	_ =	task [dreg:s6], $0x5FFFF  }
0xac: {  	[dreg:$0x1] =	wrdreg $0xFFFFFFFF  }
0xad: {  	[dreg:$0x0] =	wrdreg $0x60  }
0xae: {  	[dreg:$0x2] =	wrdreg s24  }
0xaf: {  	[dreg:$0x3] =	wrdreg $0xA3800  }
0xb0: {  	[dreg:$0x4] =	wrdreg $0x9  }
0xb1: {  	_ =	task.clear_ibuf [dreg:s6], $0x5FFFF;
	_ =	strace $0x9000004C  }
0xb2: {  	s29 =	simm.s32 $0x9;
	_ =	strace $0x8000004E  }
0xb3: {  	_ =	swait.ge [sflag:s29], $0x1  }
0xb4: {  	[sflag:s29] =	ssyncadd.s32 $0xFFFFFFFF  }
0xb5: {  	_ =	strace $0x9000004E  }
0xb6: {  	_ =	sfence  }
0xb7: {  	s30 =	sld [smem:$0x0];
	_ =	sdelay $0x2  }
0xb8: {  	s31 =	sshll.u32 s1, $0xD;
	s1 =	sshrl.u32 s1, $0x2  }
0xb9: {  	s3 =	sand.u32 $0x4000, s31;
	s1 =	sadd.s32 s1, s30  }
0xba: {  	s0 =	sor.u32 s3, s0;
	s1 =	sshll.u32 s1, $0x11  }
0xbb: {  	s0 =	sor.u32 s1, s0  }
0xbc: {  	s0 =	sadd.s32 $0x8F2B, s0  }
0xbd: {  	[sflag:s0] =	ssyncadd.remote.s32 $0x1  }
0xbe: {  	_ =	sfence.sel $0xFFFF  }
0xbf: {  	[dreg:$0x0] =	wrdreg $0xFFFFFFFF;
	(pc) =	sbr.abs _section_cstart, $3  }
0xc0: {  	[dreg:$0x1] =	wrdreg $0xFFFFFFFF  }
0xc1: {  	_ =	task.clear_ibuf [dreg:s6], $0x2FFFF;
	_ =	strace $0x9FFFFFFF  }
0xc2: {  	(tm) =	ssettm $0x7FFFFFFF  }
0xc3: {  	_ =	shalt  }
tec
execute0_lowered:
.L_overlay_start_1:
0x0: {  	(tag) =	ssettag $0x1  }
0x1: {  	s0 =	srdreg.scid;
	s6 =	rddreg [dreg:$0x0]  }
0x2: {  	s5 =	stileid.u32;
	s1 =	rddreg [dreg:$0x1]  }
0x3: {  	s31 =	simm.s32 $0x5380;
	s28 =	simm.s32 $0x2900;
	s30 =	simm.s32 $0x7B80  }
0x4: {  	s29 =	simm.s32 $0x1;
	s0 =	sand.u32 $0x1, s0;
	s24 =	smul.u32 $0x4E000, s5  }
0x5: {  	s2 =	sshrl.u32 s5, $0x3;
	s7 =	sshll.u32 s5, $0x7;
	s11 =	smul.u32 $0x270, s5  }
0x6: {  	s12 =	sadd.s32 $0x6BC00, s6;
	s16 =	sshll.u32 s5, $0x6;
	s3 =	smul.u32 $0x27800, s0  }
0x7: {  	s17 =	sshll.u32 s5, $0xC;
	s14 =	sadd.s32 $0x138000, s1;
	s4 =	smul.u32 $0x13C00, s2  }
0x8: {  	p0 =	sne.s32 s5, $0x0;
	s2 =	simm.s32 $0x0;
	s8 =	smul.u32 $0x2710, s0  }
0x9: {  	s23 =	sand.u32 $0x380, s7;
	s10 =	ssub.s32 $0x2, s0;
	s0 =	smul.u32 $0x138800, s0  }
0xa: {  	[smem:$0x7FF] =	sst s2;
	s25 =	sshrl.u32 s10, $0x1;
	s7 =	sshrl.u32 s24, $0x2  }
0xb: {  	s3 =	sadd.s32 s3, s4;
	_ =	strace $0x8000004D;
	s8 =	sadd.s32 s11, s8  }
0xc: {  	s26 =	ssub.s32 s10, s25;
	s7 =	sadd.s32 s7, s1;
	s0 =	sshrl.u32 s0, $0x3  }
0xd: {  	s10 =	sshll.u32 s5, $0xF;
	s5 =	simm.s32 $0x7;
	s4 =	sor.u32 s23, s3  }
0xe: {  	s3 =	sadd.s32 $0x1DA00, s6;
	s13 =	sshll.u32 s8, $0x4;
	s26 =	smax.u32 s26, $0x1  }
0xf: {  	s0 =	sadd.s32 $0x27000, s0;
	s15 =	sadd.s32 s3, s13;
	[dreg:$0xf] =	wrdreg s26  }
0x10: {  	s11 =	simm.s32 $0x4;
	s18 =	sadd.s32 s3, s0;
	[dreg:$0x3] =	wrdreg s15  }
0x11: {  	s4 =	sshrl.u32 s4, $0x3;
	s25 =	sadd.s32 s12, s13;
	[dreg:$0x5] =	wrdreg s18  }
0x12: {  	s0 =	sadd.s32 s12, s0;
	s26 =	simm.s32 $0x2780;
	[dreg:$0xd] =	wrdreg s25  }
0x13: {  	s12 =	simm.s32 $0xA;
	s15 =	sor.u32 $0x1C0D, s16;
	[dreg:$0xe] =	wrdreg s0  }
0x14: {  	s9 =	sadd.s32 s4, s6;
	s16 =	sshrl.u32 s7, $0x3;
	[dreg:$0x4] =	wrdreg s15  }
0x15: {  	s4 =	sadd.s32 $0x3C00, s6;
	s20 =	sadd.s32 $0x13C00, s9;
	[dreg:$0x10] =	wrdreg s16  }
0x16: {  	s13 =	simm.s32 $0x5;
	s19 =	sadd.s32 s4, s17;
	[dreg:$0x7] =	wrdreg s20  }
0x17: {  	s25 =	simm.s32 $0x2B80;
	s17 =	sshrl.u32 @!p0 s14, $0x3;
	[dreg:$0x6] =	wrdreg s19  }
0x18: {  	s0 =	simm.s32 $0x2880;
	s21 =	sadd.s32 $0x10, s19;
	[dreg:$0x11] =	wrdreg s17  }
0x19: {  	s7 =	simm.s32 $0x3;
	s22 =	sadd.s32 $0x20, s19;
	[dreg:$0x8] =	wrdreg s21  }
.Ltmp0:
0x1a: {  	s23 =	sadd.s32 $0x30, s19;
	[dreg:$0x9] =	wrdreg s22;
	(pc) =	sbr.rel .LBB2_1-.Ltmp0, $4  }
0x1b: {  	s18 =	simm.s32 $0x0;
	s24 =	sadd.s32 $0x40, s19;
	[dreg:$0xa] =	wrdreg s23  }
0x1c: {  	s9 =	simm.s32 $0x9;
	s6 =	sadd.s32 $0x50, s19;
	[dreg:$0xb] =	wrdreg s24  }
0x1d: {  	s14 =	simm.s32 $0xB;
	s20 =	simm.s32 $0xD;
	[dreg:$0xc] =	wrdreg s6  }
0x1e: {  	s24 =	simm.s32 $0x28;
	s23 =	simm.s32 $0x6780;
	s22 =	simm.s32 $0x2980  }
.LBB2_6:
0x1f: {  	_ =	swait.ge [sflag:s11], $0x1400  }
0x20: {  	[sflag:s11] =	ssyncset.done $0x0  }
0x21: {  	[sflag:s11] =	ssyncadd.s32 $0xFFFFEC00  }
0x22: {  	_ =	swait.ge [sflag:s12], $0x80  }
0x23: {  	[sflag:s12] =	ssyncset.done $0x0  }
0x24: {  	[sflag:s12] =	ssyncadd.s32 $0xFFFFFF80  }
0x25: {  	[spmem:s1] =	stream.indirect.scatter.add.f32 [tilespmem:s23], [sflag:$0xD], $0x80, s28, s24, $0xb8;
	[tilespmem:$0x1DC00] =	vst v63  }
0x26: {  	_ =	swait.ge [sflag:s20], $0x1400  }
0x27: {  	[sflag:s20] =	ssyncset.done $0x0  }
0x28: {  	[sflag:s20] =	ssyncadd.s32 $0xFFFFEC00  }
.LBB2_4:
0x29: {  	[bflag:$0x0] =	sbarrier.arrive $0xFFFF  }
0x2a: {  	s15 =	rddreg [dreg:$0x4]  }
0x2b: {  	s6 =	rddreg [dreg:$0xd]  }
0x2c: {  	s16 =	rddreg [dreg:$0x10]  }
0x2d: {  	[hbm:s6], [sflag:s15] =	dma.local [spmem:s16], $0x2700  }
0x2e: {  	_ =	swait.ge [sflag:s20], $0x2700  }
0x2f: {  	[sflag:s20] =	ssyncset.done $0x0;
	s6 =	rddreg [dreg:$0xe]  }
0x30: {  	s17 =	rddreg [dreg:$0x11];
	[sflag:s20] =	ssyncadd.s32 $0xFFFFD900  }
0x31: {  	[hbm:s6], [sflag:s15] =	dma.local @!p0 [spmem:s17], $0x100  }
0x32: {  	s6 =	simm.s32 @!p0 $0xD  }
0x33: {  	_ =	swait.ge @!p0 [sflag:s6], $0x100  }
0x34: {  	s18 =	rddreg [dreg:$0x12]  }
0x35: {  	s8 =	rddreg [dreg:$0xf];
	s18 =	sadd.s32 $0x1, s18  }
0x36: {  	p1 =	sne.s32 s18, s8  }
.Ltmp1:
0x37: {  	_ = 	snop;
	(pc) =	sbr.rel @!p1 .LBB2_5-.Ltmp1, $3  }
0x38: {  	_ =	sdelay $0x1  }
0x39: {  	[sflag:s6] =	ssyncset.done @!p0 $0x0  }
0x3a: {  	[sflag:s6] =	ssyncadd.s32 @!p0 $0xFFFFFF00  }
.LBB2_1:
0x3b: {  	[dreg:$0x12] =	wrdreg s18  }
0x3c: {  	s6 =	rddreg [dreg:$0x3]  }
0x3d: {  	[spmem:s16], [sflag:s15] =	dma.local [hbm:s6], $0x2700  }
0x3e: {  	_ =	swait.ge [sflag:s20], $0x2700  }
0x3f: {  	[sflag:s20] =	ssyncset.done $0x0  }
0x40: {  	s16 =	simm.s32 @!p0 $0xD;
	s6 =	rddreg [dreg:$0x5];
	[sflag:s20] =	ssyncadd.s32 $0xFFFFD900  }
0x41: {  	[spmem:s17], [sflag:s15] =	dma.local @!p0 [hbm:s6], $0x100  }
0x42: {  	_ =	swait.ge @!p0 [sflag:s16], $0x100  }
0x43: {  	s8 =	simm.s32 $0x80;
	[sflag:s16] =	ssyncset.done @!p0 $0x0  }
0x44: {  	s21 =	simm.s32 $0x400;
	s19 =	rddreg [dreg:$0x7];
	[sflag:s16] =	ssyncadd.s32 @!p0 $0xFFFFFF00  }
0x45: {  	[tilespmem:s2], [sflag:$0xD] =	stream.strided.gather [hbm4b:s19+s8], $0x2780, s21, s8, $0x38;
	[tilespmem:$0x1DC00] =	vst v63  }
0x46: {  	_ =	swait.ge [sflag:s20], $0x2780  }
0x47: {  	[sflag:s20] =	ssyncset.done $0x0  }
0x48: {  	[sflag:s20] =	ssyncadd.s32 $0xFFFFD880  }
0x49: {  	[bflag:$0x0] =	sbarrier.arrive $0xFFFF  }
0x4a: {  	[tilespmem:s25], [sflag:$0x1] =	stream.indirect.gather [hbm4b:s3+s24], $0x80, s2, s24, $0xb8;
	[tilespmem:$0x1DC00] =	vst v63  }
0x4b: {  	s8 =	rddreg [dreg:$0x6]  }
0x4c: {  	[tilespmem:s26], [sflag:$0x7] =	stream.linear.gather [hbm4b:s8+s2], $0x80, $0x38;
	[tilespmem:$0x1DC00] =	vst v63  }
0x4d: {  	s15 =	simm.s32 $0x3F80  }
0x4e: {  	[tilespmem:s15], [sflag:$0x2] =	stream.indirect.gather [hbm4b:s3+s24], $0x80, s24, s24, $0xb8;
	[tilespmem:$0x1DC00] =	vst v63  }
0x4f: {  	s17 =	simm.s32 $0x2800;
	s16 =	rddreg [dreg:$0x8]  }
0x50: {  	[tilespmem:s17], [sflag:$0x8] =	stream.linear.gather [hbm4b:s16+s2], $0x80, $0x38;
	[tilespmem:$0x1DC00] =	vst v63  }
0x51: {  	s18 =	simm.s32 $0x50  }
0x52: {  	[tilespmem:s31], [sflag:$0x3] =	stream.indirect.gather [hbm4b:s3+s24], $0x80, s18, s24, $0xb8;
	[tilespmem:$0x1DC00] =	vst v63  }
0x53: {  	s19 =	rddreg [dreg:$0x9]  }
0x54: {  	[tilespmem:s0], [sflag:$0x9] =	stream.linear.gather [hbm4b:s19+s2], $0x80, $0x38;
	[tilespmem:$0x1DC00] =	vst v63  }
0x55: {  	s21 =	simm.s32 $0x78  }
0x56: {  	[tilespmem:s23], [sflag:$0x4] =	stream.indirect.gather [hbm4b:s3+s24], $0x80, s21, s24, $0xb8;
	[tilespmem:$0x1DC00] =	vst v63  }
0x57: {  	s8 =	rddreg [dreg:$0xa]  }
0x58: {  	[tilespmem:s28], [sflag:$0xA] =	stream.linear.gather [hbm4b:s8+s2], $0x80, $0x38;
	[tilespmem:$0x1DC00] =	vst v63  }
0x59: {  	s15 =	simm.s32 $0xA0  }
0x5a: {  	[tilespmem:s30], [sflag:$0x5] =	stream.indirect.gather [hbm4b:s3+s24], $0x80, s15, s24, $0xb8;
	[tilespmem:$0x1DC00] =	vst v63  }
0x5b: {  	s16 =	rddreg [dreg:$0xb];
	s17 =	simm.s32 $0xC8  }
0x5c: {  	[tilespmem:s22], [sflag:$0xB] =	stream.linear.gather [hbm4b:s16+s2], $0x80, $0x38;
	[tilespmem:$0x1DC00] =	vst v63  }
0x5d: {  	s18 =	simm.s32 $0x8F80;
	s19 =	rddreg [dreg:$0xc];
	s21 =	simm.s32 $0x2A00  }
0x5e: {  	[tilespmem:s18], [sflag:$0x6] =	stream.indirect.gather [hbm4b:s3+s24], $0x80, s17, s24, $0xb8;
	[tilespmem:$0x1DC00] =	vst v63  }
0x5f: {  	s16 =	simm.s32 $0xF0;
	s17 =	simm.s32 $0x0;
	s18 =	simm.s32 $0x0  }
0x60: {  	[tilespmem:s21], [sflag:$0xC] =	stream.linear.gather [hbm4b:s19+s2], $0x80, $0x38;
	[tilespmem:$0x1DC00] =	vst v63  }
.LBB2_2:
0x61: {  	_ =	swait.ge [sflag:s29], $0x1400  }
0x62: {  	[sflag:s29] =	ssyncset.done $0x0  }
0x63: {  	[sflag:s29] =	ssyncadd.s32 $0xFFFFEC00  }
0x64: {  	_ =	swait.ge [sflag:s5], $0x80  }
0x65: {  	[sflag:s5] =	ssyncset.done $0x0  }
0x66: {  	[sflag:s5] =	ssyncadd.s32 $0xFFFFFF80  }
0x67: {  	[spmem:s1] =	stream.indirect.scatter.add.f32 [tilespmem:s25], [sflag:$0xD], $0x80, s26, s24, $0xb8;
	[tilespmem:$0x1DC00] =	vst v63  }
0x68: {  	_ =	swait.ge [sflag:s20], $0x1400  }
0x69: {  	p1 =	seq.s32 s17, $0x7B00;
	[sflag:s20] =	ssyncset.done $0x0  }
0x6a: {  	s8 =	simm.s32 @p1 $0x2;
	[sflag:s20] =	ssyncadd.s32 $0xFFFFEC00  }
0x6b: {  	_ =	swait.ge @p1 [sflag:s8], $0x1400  }
0x6c: {  	[sflag:s8] =	ssyncset.done @p1 $0x0  }
0x6d: {  	[sflag:s8] =	ssyncadd.s32 @p1 $0xFFFFEC00;
	s8 =	simm.s32 @p1 $0x8  }
0x6e: {  	_ =	swait.ge @p1 [sflag:s8], $0x80  }
0x6f: {  	s19 =	simm.s32 @p1 $0x2800;
	[sflag:s8] =	ssyncset.done @p1 $0x0  }
0x70: {  	s21 =	simm.s32 @p1 $0x3F80;
	[sflag:s8] =	ssyncadd.s32 @p1 $0xFFFFFF80;
	s8 =	simm.s32 @p1 $0x28  }
0x71: {  	[spmem:s1] =	stream.indirect.scatter.add.f32 @p1 [tilespmem:s21], [sflag:$0xD], $0x80, s19, s8, $0xb8;
	[tilespmem:$0x1DC00] =	vst v63  }
0x72: {  	s8 =	simm.s32 @p1 $0xD  }
0x73: {  	_ =	swait.ge @p1 [sflag:s8], $0x1400  }
0x74: {  	[sflag:s8] =	ssyncset.done @p1 $0x0  }
0x75: {  	s19 =	simm.s32 @!p1 $0x2B80;
	[sflag:s8] =	ssyncadd.s32 @p1 $0xFFFFEC00;
	s8 =	simm.s32 @!p1 $0x28  }
0x76: {  	[tilespmem:s19], [sflag:$0x1] =	stream.indirect.gather @!p1 [hbm4b:s3+s8], $0x80, s16, s8, $0xb8;
	[tilespmem:$0x1DC00] =	vst v63  }
0x77: {  	s19 =	sadd.s32 @!p1 $0x300, s17  }
0x78: {  	s21 =	sand.u32 @!p1 $0x1FC00, s19  }
0x79: {  	s19 =	sand.u32 @!p1 $0x300, s19;
	s21 =	sadd.s32 @!p1 s10, s21  }
0x7a: {  	s19 =	sor.u32 @!p1 s19, s21  }
0x7b: {  	s19 =	sshrl.u32 @!p1 s19, $0x3  }
0x7c: {  	s6 =	simm.s32 @!p1 $0x2780;
	s21 =	simm.s32 @!p1 $0x0;
	s19 =	sadd.s32 @!p1 s4, s19  }
0x7d: {  	[tilespmem:s6], [sflag:$0x7] =	stream.linear.gather @!p1 [hbm4b:s19+s21], $0x80, $0x38;
	[tilespmem:$0x1DC00] =	vst v63  }
0x7e: {  	s6 =	simm.s32 @!p1 $0x2  }
0x7f: {  	_ =	swait.ge @!p1 [sflag:s6], $0x1400  }
0x80: {  	[sflag:s6] =	ssyncset.done @!p1 $0x0  }
0x81: {  	[sflag:s6] =	ssyncadd.s32 @!p1 $0xFFFFEC00;
	s6 =	simm.s32 @!p1 $0x8  }
0x82: {  	_ =	swait.ge @!p1 [sflag:s6], $0x80  }
0x83: {  	s15 =	simm.s32 @!p1 $0xD;
	[sflag:s6] =	ssyncset.done @!p1 $0x0  }
0x84: {  	s19 =	simm.s32 @!p1 $0x3F80;
	[sflag:s6] =	ssyncadd.s32 @!p1 $0xFFFFFF80;
	s6 =	simm.s32 @!p1 $0x2800  }
0x85: {  	[spmem:s1] =	stream.indirect.scatter.add.f32 @!p1 [tilespmem:s19], [sflag:$0xD], $0x80, s6, s8, $0xb8;
	[tilespmem:$0x1DC00] =	vst v63  }
0x86: {  	_ =	swait.ge @!p1 [sflag:s15], $0x1400  }
0x87: {  	[sflag:s15] =	ssyncset.done @!p1 $0x0  }
0x88: {  	[sflag:s15] =	ssyncadd.s32 @!p1 $0xFFFFEC00;
	s15 =	sadd.s32 @!p1 $0x28, s16  }
0x89: {  	[tilespmem:s19], [sflag:$0x2] =	stream.indirect.gather @!p1 [hbm4b:s3+s8], $0x80, s15, s8, $0xb8;
	[tilespmem:$0x1DC00] =	vst v63  }
0x8a: {  	s8 =	sadd.s32 @!p1 $0x380, s17  }
0x8b: {  	s15 =	sand.u32 @!p1 $0x1FC00, s8  }
0x8c: {  	s8 =	sand.u32 @!p1 $0x380, s8;
	s15 =	sadd.s32 @!p1 s10, s15  }
0x8d: {  	s8 =	sor.u32 @!p1 s8, s15  }
0x8e: {  	s8 =	sshrl.u32 @!p1 s8, $0x3  }
0x8f: {  	s8 =	sadd.s32 @!p1 s4, s8  }
0x90: {  	[tilespmem:s6], [sflag:$0x8] =	stream.linear.gather @!p1 [hbm4b:s8+s21], $0x80, $0x38;
	[tilespmem:$0x1DC00] =	vst v63  }
0x91: {  	_ =	swait.ge [sflag:s7], $0x1400  }
0x92: {  	[sflag:s7] =	ssyncset.done $0x0  }
0x93: {  	[sflag:s7] =	ssyncadd.s32 $0xFFFFEC00  }
0x94: {  	_ =	swait.ge [sflag:s9], $0x80  }
0x95: {  	[sflag:s9] =	ssyncset.done $0x0  }
.Ltmp2:
0x96: {  	[sflag:s9] =	ssyncadd.s32 $0xFFFFFF80;
	(pc) =	sbr.rel @p1 .LBB2_6-.Ltmp2, $4  }
0x97: {  	[spmem:s1] =	stream.indirect.scatter.add.f32 [tilespmem:s31], [sflag:$0xD], $0x80, s0, s24, $0xb8;
	[tilespmem:$0x1DC00] =	vst v63  }
0x98: {  	_ =	swait.ge [sflag:s20], $0x1400  }
0x99: {  	[sflag:s20] =	ssyncset.done $0x0  }
0x9a: {  	[sflag:s20] =	ssyncadd.s32 $0xFFFFEC00  }
0x9b: {  	s6 =	sadd.s32 $0x50, s16;
	s8 =	sadd.s32 $0x400, s17  }
0x9c: {  	[tilespmem:s31], [sflag:$0x3] =	stream.indirect.gather [hbm4b:s3+s24], $0x80, s6, s24, $0xb8;
	[tilespmem:$0x1DC00] =	vst v63  }
0x9d: {  	s6 =	sand.u32 $0x1FC00, s8  }
0x9e: {  	s8 =	sand.u32 $0x300, s17;
	s6 =	sadd.s32 s10, s6  }
0x9f: {  	s6 =	sor.u32 s8, s6  }
0xa0: {  	s6 =	sshrl.u32 s6, $0x3  }
0xa1: {  	s6 =	sadd.s32 s4, s6  }
0xa2: {  	[tilespmem:s0], [sflag:$0x9] =	stream.linear.gather [hbm4b:s6+s2], $0x80, $0x38;
	[tilespmem:$0x1DC00] =	vst v63  }
0xa3: {  	_ =	swait.ge [sflag:s11], $0x1400  }
0xa4: {  	[sflag:s11] =	ssyncset.done $0x0  }
0xa5: {  	[sflag:s11] =	ssyncadd.s32 $0xFFFFEC00  }
0xa6: {  	_ =	swait.ge [sflag:s12], $0x80  }
0xa7: {  	s19 =	sadd.s32 $0x480, s17;
	[sflag:s12] =	ssyncset.done $0x0  }
0xa8: {  	s21 =	sand.u32 $0x1FC00, s19;
	[sflag:s12] =	ssyncadd.s32 $0xFFFFFF80  }
0xa9: {  	[spmem:s1] =	stream.indirect.scatter.add.f32 [tilespmem:s23], [sflag:$0xD], $0x80, s28, s24, $0xb8;
	[tilespmem:$0x1DC00] =	vst v63  }
0xaa: {  	s8 =	sadd.s32 s10, s21;
	s6 =	sand.u32 $0x380, s19;
	_ =	swait.ge [sflag:s20], $0x1400  }
0xab: {  	s6 =	sor.u32 s6, s8;
	[sflag:s20] =	ssyncset.done $0x0  }
0xac: {  	s15 =	sadd.s32 $0x78, s16;
	s6 =	sshrl.u32 s6, $0x3;
	[sflag:s20] =	ssyncadd.s32 $0xFFFFEC00  }
0xad: {  	[tilespmem:s23], [sflag:$0x4] =	stream.indirect.gather [hbm4b:s3+s24], $0x80, s15, s24, $0xb8;
	[tilespmem:$0x1DC00] =	vst v63  }
0xae: {  	s6 =	sadd.s32 s4, s6  }
0xaf: {  	[tilespmem:s28], [sflag:$0xA] =	stream.linear.gather [hbm4b:s6+s2], $0x80, $0x38;
	[tilespmem:$0x1DC00] =	vst v63  }
0xb0: {  	_ =	swait.ge [sflag:s13], $0x1400  }
0xb1: {  	[sflag:s13] =	ssyncset.done $0x0  }
0xb2: {  	[sflag:s13] =	ssyncadd.s32 $0xFFFFEC00  }
0xb3: {  	_ =	swait.ge [sflag:s14], $0x80  }
0xb4: {  	[sflag:s14] =	ssyncset.done $0x0  }
0xb5: {  	[sflag:s14] =	ssyncadd.s32 $0xFFFFFF80  }
0xb6: {  	[spmem:s1] =	stream.indirect.scatter.add.f32 [tilespmem:s30], [sflag:$0xD], $0x80, s22, s24, $0xb8;
	[tilespmem:$0x1DC00] =	vst v63  }
0xb7: {  	_ =	swait.ge [sflag:s20], $0x1400  }
0xb8: {  	p1 =	sgt.u32 s18, $0x27;
	[sflag:s20] =	ssyncset.done $0x0  }
0xb9: {  	s6 =	simm.s32 @p1 $0x6;
	[sflag:s20] =	ssyncadd.s32 $0xFFFFEC00  }
0xba: {  	_ =	swait.ge @p1 [sflag:s6], $0x1400  }
0xbb: {  	[sflag:s6] =	ssyncset.done @p1 $0x0  }
0xbc: {  	[sflag:s6] =	ssyncadd.s32 @p1 $0xFFFFEC00;
	s6 =	simm.s32 @p1 $0xC  }
0xbd: {  	_ =	swait.ge @p1 [sflag:s6], $0x80  }
0xbe: {  	s8 =	simm.s32 @p1 $0x2A00;
	[sflag:s6] =	ssyncset.done @p1 $0x0  }
0xbf: {  	s15 =	simm.s32 @p1 $0x8F80;
	[sflag:s6] =	ssyncadd.s32 @p1 $0xFFFFFF80;
	s6 =	simm.s32 @p1 $0x28  }
0xc0: {  	[spmem:s1] =	stream.indirect.scatter.add.f32 @p1 [tilespmem:s15], [sflag:$0xD], $0x80, s8, s6, $0xb8;
	[tilespmem:$0x1DC00] =	vst v63  }
0xc1: {  	s6 =	simm.s32 @p1 $0xD  }
0xc2: {  	_ =	swait.ge @p1 [sflag:s6], $0x1400  }
0xc3: {  	s8 =	simm.s32 @!p1 $0x28;
	[sflag:s6] =	ssyncset.done @p1 $0x0  }
0xc4: {  	s15 =	simm.s32 @!p1 $0x7B80;
	[sflag:s6] =	ssyncadd.s32 @p1 $0xFFFFEC00;
	s6 =	sadd.s32 @!p1 $0xA0, s16  }
0xc5: {  	[tilespmem:s15], [sflag:$0x5] =	stream.indirect.gather @!p1 [hbm4b:s3+s8], $0x80, s6, s8, $0xb8;
	[tilespmem:$0x1DC00] =	vst v63  }
0xc6: {  	s6 =	sadd.s32 @!p1 $0x500, s17  }
0xc7: {  	s15 =	sand.u32 @!p1 $0x1FC00, s6  }
0xc8: {  	s6 =	sand.u32 @!p1 $0x300, s6;
	s15 =	sadd.s32 @!p1 s10, s15  }
0xc9: {  	s6 =	sor.u32 @!p1 s6, s15  }
0xca: {  	s6 =	sshrl.u32 @!p1 s6, $0x3  }
0xcb: {  	s19 =	simm.s32 @!p1 $0x2980;
	s15 =	simm.s32 @!p1 $0x0;
	s6 =	sadd.s32 @!p1 s4, s6  }
0xcc: {  	[tilespmem:s19], [sflag:$0xB] =	stream.linear.gather @!p1 [hbm4b:s6+s15], $0x80, $0x38;
	[tilespmem:$0x1DC00] =	vst v63  }
0xcd: {  	s6 =	simm.s32 @!p1 $0x6  }
0xce: {  	_ =	swait.ge @!p1 [sflag:s6], $0x1400  }
0xcf: {  	[sflag:s6] =	ssyncset.done @!p1 $0x0  }
0xd0: {  	[sflag:s6] =	ssyncadd.s32 @!p1 $0xFFFFEC00;
	s6 =	simm.s32 @!p1 $0xC  }
0xd1: {  	_ =	swait.ge @!p1 [sflag:s6], $0x80  }
0xd2: {  	s21 =	simm.s32 @!p1 $0xD;
	[sflag:s6] =	ssyncset.done @!p1 $0x0  }
0xd3: {  	s19 =	simm.s32 @!p1 $0x8F80;
	[sflag:s6] =	ssyncadd.s32 @!p1 $0xFFFFFF80;
	s6 =	simm.s32 @!p1 $0x2A00  }
0xd4: {  	[spmem:s1] =	stream.indirect.scatter.add.f32 @!p1 [tilespmem:s19], [sflag:$0xD], $0x80, s6, s8, $0xb8;
	[tilespmem:$0x1DC00] =	vst v63  }
0xd5: {  	_ =	swait.ge @!p1 [sflag:s21], $0x1400  }
0xd6: {  	[sflag:s21] =	ssyncset.done @!p1 $0x0  }
0xd7: {  	[sflag:s21] =	ssyncadd.s32 @!p1 $0xFFFFEC00;
	s21 =	sadd.s32 @!p1 $0xC8, s16  }
0xd8: {  	[tilespmem:s19], [sflag:$0x6] =	stream.indirect.gather @!p1 [hbm4b:s3+s8], $0x80, s21, s8, $0xb8;
	[tilespmem:$0x1DC00] =	vst v63  }
0xd9: {  	s8 =	sadd.s32 @!p1 $0x580, s17  }
0xda: {  	s19 =	sand.u32 @!p1 $0x1FC00, s8  }
0xdb: {  	s8 =	sand.u32 @!p1 $0x380, s8;
	s19 =	sadd.s32 @!p1 s10, s19  }
0xdc: {  	s8 =	sor.u32 @!p1 s8, s19  }
0xdd: {  	s8 =	sshrl.u32 @!p1 s8, $0x3  }
0xde: {  	s17 =	sadd.s32 $0x300, s17;
	s8 =	sadd.s32 @!p1 s4, s8  }
0xdf: {  	[tilespmem:s6], [sflag:$0xC] =	stream.linear.gather @!p1 [hbm4b:s8+s15], $0x80, $0x38;
	[tilespmem:$0x1DC00] =	vst v63  }
0xe0: {  	p1 =	sne.s32 s17, $0x7E00  }
.Ltmp3:
0xe1: {  	_ = 	snop;
	(pc) =	sbr.rel @p1 .LBB2_2-.Ltmp3, $4  }
.Ltmp4:
0xe2: {  	_ = 	snop;
	(pc) =	sbr.rel @!p1 .LBB2_4-.Ltmp4, $4  }
0xe3: {  	_ = 	snop  }
0xe4: {  	_ = 	snop  }
0xe5: {  	s18 =	sadd.s32 $0x1, s18;
	s16 =	sadd.s32 $0xF0, s16  }
0xe6: {  	_ = 	snop  }
.LBB2_5:
0xe7: {  	_ =	sfence.sel $0x180000  }
0xe8: {  	[bflag:$0x0] =	sbarrier.arrive $0xFFFF  }
0xe9: {  	_ =	strace $0x9000004D  }
0xea: {  	[bflag:$0x2] =	sbarrier.arrive $0xFFFF  }
0xeb: {  	s0 =	rddreg [dreg:$0x2]  }
0xec: {  	s0 =	sadd.s32 @!p0 $0x100000, s0  }
0xed: {  	[sflag:s0] =	ssyncadd.tile.s32 @!p0 $0x1;
	_ =	shalt  }
.Lfunc_end2:
_tile_overlayer_lowered:
.L_overlay_start_2:
0xee: {  	(tag) =	ssettag $0x2  }
0xef: {  	s0 =	rddreg [dreg:$0x0];
	s2 =	stileid.u32  }
0xf0: {  	s1 =	rddreg [dreg:$0x1];
	p0 =	sne.s32 s2, $0x0  }
0xf1: {  	s3 =	rddreg [dreg:$0x2];
	[bflag:$0x3] =	sbarrier.arrive $0xFFFF;
	s2 =	simm.s32 @!p0 $0x1C0D  }
0xf2: {  	[timem:s3], [sflag:s2] =	dma.local @!p0 [hbm:s0], s1  }
0xf3: {  	s0 =	simm.s32 @!p0 $0xD  }
0xf4: {  	_ =	swait.ge @!p0 [sflag:s0], s1  }
0xf5: {  	s1 =	ssub.s32 @!p0 $0x0, s1;
	[sflag:s0] =	ssyncset.done @!p0 $0x0  }
0xf6: {  	[sflag:s0] =	ssyncadd.s32 @!p0 s1  }
0xf7: {  	[bflag:$0x3] =	sbarrier.arrive $0xFFFF  }
0xf8: {  	_ =	shalt  }

// kernel: kernel.8.cloned.1.call-start
scs
__scs_entry_jumppad:
0x0: {  	(pc) =	sbr.rel $0x88, $3  }
0x1: {  	(tag) =	ssettag $0x0;
	lr =	simm.s32 $0x1  }
0x2: {  	[smem:$0x3F8A] =	sst lr;
	_ =	strace $0xD0000000  }
0x3: {  	_ = 	snop  }
0x4: {  	_ = 	snop  }
0x5: {  	_ = 	snop  }
0x6: {  	_ = 	snop  }
0x7: {  	_ = 	snop  }
__scs_overlays_trampoline_lowered:
0x8: {  	[smem:$0x3F99] =	sst s0  }
0x9: {  	[smem:$0x3F9A] =	sst s1  }
0xa: {  	[smem:$0x3F9B] =	sst s2  }
0xb: {  	[smem:$0x3F9C] =	sst s3  }
0xc: {  	[smem:$0x3F9D] =	sst s4  }
0xd: {  	[smem:$0x3F9E] =	sst s5  }
0xe: {  	[smem:$0x3F9F] =	sst s6  }
0xf: {  	[smem:$0x3FA0] =	sst s7  }
0x10: {  	[smem:$0x3FA1] =	sst s8  }
0x11: {  	[smem:$0x3FA2] =	sst s9;
	s0 =	simm.s32 @!p0 $0x0  }
0x12: {  	s1 =	sld [smem:$0x3F88];
	s0 =	simm.s32 @p0 $0x1  }
0x13: {  	[smem:$0x3FA3] =	sst s0;
	s0 =	simm.s32 @!p1 $0x0  }
0x14: {  	s2 =	sld [smem:$0x3F87];
	s0 =	simm.s32 @p1 $0x1  }
0x15: {  	[smem:$0x3FA4] =	sst s0;
	s0 =	simm.s32 @!p2 $0x0  }
0x16: {  	s3 =	sld [smem:$0x3FDB];
	s0 =	simm.s32 @p2 $0x1  }
0x17: {  	s4 =	simm.s32 $0x1BF5;
	[smem:$0x3FA6] =	sst s0  }
0x18: {  	s0 =	sld [smem:$0x3F89];
	_ =	swait.ge [sflag:s4], $0x0  }
0x19: {  	s7 =	sld [smem:$0x3F8A]  }
0x1a: {  	s8 =	sadd.s32 $0xFFFFE003, lr  }
0x1b: {  	s9 =	sadd.s32 $0xFFFFFEF7, lr;
	s5 =	simm.s32 $0xFFFFFFFF;
	p2 =	slt.u32 s8, $0xFFFFF086  }
0x1c: {  	p1 =	slt.u32 s9, $0xF7A;
	s5 =	simm.s32 @!p2 $0x0  }
0x1d: {  	s5 =	simm.s32 @p1 $0x1;
	p0 =	seq.s32 s7, s2  }
0x1e: {  	s7 =	smul.u32 @!p0 $0xF7A, s2;
	p2 =	seq.s32 @!p0 s5, $0x0  }
0x1f: {  	s9 =	smul.u32 $0xF7A, s1;
	s8 =	simm.s32 @!p0 $0x1BF5;
	p2 =	por !p2, p0  }
0x20: {  	[sflag:s8] =	ssyncset.s32 @!p0 $0xFFFFF086;
	s6 =	sadd.s32 @!p0 s3, s7;
	s7 =	simm.s32 @!p0 $0x108  }
0x21: {  	s3 =	sadd.s32 s3, s9;
	s6 =	sadd.s32 @!p0 $0x88, s6;
	s7 =	simm.s32 @p2 $0x1082  }
0x22: {  	[simem:s7], [sflag:s8] =	dma.local @!p0 [hbm:s6], $0xF7A  }
0x23: {  	s9 =	sor.u32 $0xD0000000, s2;
	s6 =	simm.s32 $0x108;
	_ =	swait.ge @!p0 [sflag:s8], $0x0  }
0x24: {  	s3 =	sadd.s32 $0x88, s3;
	s6 =	simm.s32 @!p1 $0x1082;
	[sflag:s4] =	ssyncset.s32 $0xFFFFF086  }
0x25: {  	[simem:s6], [sflag:s4] =	dma.local [hbm:s3], $0xF7A  }
0x26: {  	[smem:$0x3F8A] =	sst s1;
	(tag) =	ssettag s2;
	_ =	strace s9  }
0x27: {  	s1 =	sld [smem:$0x3F9A]  }
0x28: {  	s2 =	sld [smem:$0x3F9B]  }
0x29: {  	s4 =	sld [smem:$0x3F9D]  }
0x2a: {  	p0 =	seq.s32 s5, $0x0;
	s5 =	sld [smem:$0x3F9E]  }
0x2b: {  	s6 =	sld [smem:$0x3F9F]  }
0x2c: {  	s7 =	sld [smem:$0x3FA0]  }
0x2d: {  	s3 =	simm.s32 $0x108;
	s8 =	sld [smem:$0x3FA1]  }
0x2e: {  	s3 =	simm.s32 @!p0 $0x1082;
	s9 =	sld [smem:$0x3FA2]  }
0x2f: {  	lr =	sadd.s32 s0, s3;
	s0 =	sld [smem:$0x3F99]  }
0x30: {  	s3 =	sld [smem:$0x3F9C]  }
0x31: {  	[smem:$0x3FA5] =	sst s10  }
0x32: {  	s10 =	sld [smem:$0x3FA3];
	_ =	sdelay $0x3  }
0x33: {  	p0 =	seq.s32 s10, $0x1;
	s10 =	sld [smem:$0x3FA5];
	_ =	sdelay $0x3  }
0x34: {  	[smem:$0x3FA5] =	sst s10  }
0x35: {  	s10 =	sld [smem:$0x3FA4];
	_ =	sdelay $0x3  }
0x36: {  	p1 =	seq.s32 s10, $0x1;
	s10 =	sld [smem:$0x3FA5];
	_ =	sdelay $0x3  }
0x37: {  	[smem:$0x3FA5] =	sst s10  }
0x38: {  	s10 =	sld [smem:$0x3FA6]  }
0x39: {  	_ = 	snop;
	(pc) =	sbr.ind lr, $3  }
0x3a: {  	_ = 	snop  }
0x3b: {  	_ = 	snop  }
0x3c: {  	p2 =	seq.s32 s10, $0x1;
	s10 =	sld [smem:$0x3FA5]  }
0x3d: {  	_ =	shalt  }
0x3e: {  	_ =	shalt  }
0x3f: {  	_ =	shalt  }
0x40: {  	_ =	shalt  }
0x41: {  	_ =	shalt  }
0x42: {  	_ =	shalt  }
0x43: {  	_ =	shalt  }
0x44: {  	_ =	shalt  }
0x45: {  	_ =	shalt  }
0x46: {  	_ =	shalt  }
0x47: {  	_ =	shalt  }
0x48: {  	_ =	shalt  }
0x49: {  	_ =	shalt  }
0x4a: {  	_ =	shalt  }
0x4b: {  	_ =	shalt  }
0x4c: {  	_ =	shalt  }
0x4d: {  	_ =	shalt  }
0x4e: {  	_ =	shalt  }
0x4f: {  	_ =	shalt  }
0x50: {  	_ =	shalt  }
0x51: {  	_ =	shalt  }
0x52: {  	_ =	shalt  }
0x53: {  	_ =	shalt  }
0x54: {  	_ =	shalt  }
0x55: {  	_ =	shalt  }
0x56: {  	_ =	shalt  }
0x57: {  	_ =	shalt  }
0x58: {  	_ =	shalt  }
0x59: {  	_ =	shalt  }
0x5a: {  	_ =	shalt  }
0x5b: {  	_ =	shalt  }
0x5c: {  	_ =	shalt  }
0x5d: {  	_ =	shalt  }
0x5e: {  	_ =	shalt  }
0x5f: {  	_ =	shalt  }
0x60: {  	_ =	shalt  }
0x61: {  	_ =	shalt  }
0x62: {  	_ =	shalt  }
0x63: {  	_ =	shalt  }
0x64: {  	_ =	shalt  }
0x65: {  	_ =	shalt  }
0x66: {  	_ =	shalt  }
0x67: {  	_ =	shalt  }
0x68: {  	_ =	shalt  }
0x69: {  	_ =	shalt  }
0x6a: {  	_ =	shalt  }
0x6b: {  	_ =	shalt  }
0x6c: {  	_ =	shalt  }
0x6d: {  	_ =	shalt  }
0x6e: {  	_ =	shalt  }
0x6f: {  	_ =	shalt  }
0x70: {  	_ =	shalt  }
0x71: {  	_ =	shalt  }
0x72: {  	_ =	shalt  }
0x73: {  	_ =	shalt  }
0x74: {  	_ =	shalt  }
0x75: {  	_ =	shalt  }
0x76: {  	_ =	shalt  }
0x77: {  	_ =	shalt  }
0x78: {  	_ =	shalt  }
0x79: {  	_ =	shalt  }
0x7a: {  	_ =	shalt  }
0x7b: {  	_ =	shalt  }
0x7c: {  	_ =	shalt  }
0x7d: {  	_ =	shalt  }
0x7e: {  	_ =	shalt  }
0x7f: {  	_ =	shalt  }
0x80: {  	_ =	shalt  }
0x81: {  	_ =	shalt  }
0x82: {  	_ =	shalt  }
0x83: {  	_ =	shalt  }
0x84: {  	_ =	shalt  }
0x85: {  	_ =	shalt  }
0x86: {  	_ =	shalt  }
0x87: {  	_ =	shalt  }
.Lfunc_end0:
.L_simem_size_0:
called_computation_lowered:
.L_overlay_start_0:
0x88: {  	s2 =	sld [smem:$0x3FD9]  }
0x89: {  	s3 =	sld [smem:$0x3FFE];
	_ =	sdelay $0x1  }
0x8a: {  	s1 =	srdreg.scid  }
0x8b: {  	s0 =	sand.u32 $0x1, s1  }
0x8c: {  	s16 =	sshll.u32 s0, $0xA;
	s2 =	sadd.s32 s3, s2  }
0x8d: {  	s2 =	sadd.s32 s2, s16  }
0x8e: {  	[smem:$0x3FB1] =	sst s2  }
0x8f: {  	_ = 	snop  }
0x90: {  	(tm) =	ssettm $0x1  }
0x91: {  	s17 =	sld [smem:$0x3FFB];
	_ =	sdelay $0x3  }
0x92: {  	_ =	strace s17  }
0x93: {  	s2 =	sld [smem:$0x3FFC];
	_ =	sdelay $0x3  }
0x94: {  	_ =	strace s2  }
0x95: {  	s2 =	sld [smem:$0x3FFD];
	_ =	sdelay $0x3  }
0x96: {  	_ =	strace s2  }
0x97: {  	_ =	strace $0x8FFFFFFF  }
0x98: {  	s18 =	sld [smem:$0x3FDB];
	_ =	sdelay $0x1  }
0x99: {  	s19 =	simm.s32 $_scs_section_size  }
0x9a: {  	s4 =	simm.s32 $_size__tile_overlayer_lowered;
	s5 =	simm.s32 $_tile_overlayer_lowered  }
0x9b: {  	s22 =	simm.s32 $0x1BFF;
	s21 =	sshll.u32 s5, $0x1;
	s2 =	sadd.s32 s19, s18  }
0x9c: {  	s6 =	simm.s32 $0x0;
	s20 =	sshll.u32 s4, $0x1;
	s4 =	sadd.s32 s21, s2  }
0x9d: {  	[timem:s6], [sflag:s22] =	dma.local [hbm:s4], s20  }
0x9e: {  	_ =	swait.ge [sflag:s22], s20  }
0x9f: {  	s3 =	ssub.s32 $0x0, s20;
	[sflag:s22] =	ssyncset.done $0x0  }
0xa0: {  	[sflag:s22] =	ssyncadd.s32 s3;
	_ =	sdelay $0x1  }
0xa1: {  	s23 =	simm.s32 $0x1B8B  }
0xa2: {  	_ =	swait.ge [sflag:s23], $0x1  }
0xa3: {  	[sflag:s23] =	ssyncset.done $0x0  }
0xa4: {  	s25 =	simm.s32 $0x1B8E;
	s24 =	sld [smem:$0x3FFE];
	[sflag:s23] =	ssyncadd.s32 $0xFFFFFFFF  }
0xa5: {  	s26 =	simm.s32 $execute0_lowered;
	[smem:$0x3FD2] =	sst s25  }
0xa6: {  	s4 =	sshll.u32 s26, $0x1;
	_ =	strace $0x80000046;
	[dreg:$0x1] =	wrdreg $0xFFFFFFFF  }
0xa7: {  	s28 =	simm.s32 $_size_execute0_lowered;
	s2 =	sadd.s32 s2, s4;
	[dreg:$0x0] =	wrdreg $0x0  }
0xa8: {  	s4 =	sshll.u32 s28, $0x1;
	[dreg:$0x2] =	wrdreg s2  }
0xa9: {  	[dreg:$0x3] =	wrdreg s4  }
0xaa: {  	[dreg:$0x4] =	wrdreg $0xC0  }
0xab: {  	_ =	task [dreg:s6], $0x5FFFF  }
0xac: {  	[dreg:$0x1] =	wrdreg $0xFFFFFFFF  }
0xad: {  	[dreg:$0x0] =	wrdreg $0x60  }
0xae: {  	[dreg:$0x2] =	wrdreg s24  }
0xaf: {  	[dreg:$0x3] =	wrdreg $0xA3800  }
0xb0: {  	[dreg:$0x4] =	wrdreg $0x9  }
0xb1: {  	_ =	task.clear_ibuf [dreg:s6], $0x5FFFF;
	_ =	strace $0x90000046  }
0xb2: {  	s29 =	simm.s32 $0x9;
	_ =	strace $0x80000048  }
0xb3: {  	_ =	swait.ge [sflag:s29], $0x1  }
0xb4: {  	[sflag:s29] =	ssyncadd.s32 $0xFFFFFFFF  }
0xb5: {  	_ =	strace $0x90000048  }
0xb6: {  	_ =	sfence  }
0xb7: {  	s30 =	sld [smem:$0x0];
	_ =	sdelay $0x2  }
0xb8: {  	s31 =	sshll.u32 s1, $0xD;
	s1 =	sshrl.u32 s1, $0x2  }
0xb9: {  	s3 =	sand.u32 $0x4000, s31;
	s1 =	sadd.s32 s1, s30  }
0xba: {  	s0 =	sor.u32 s3, s0;
	s1 =	sshll.u32 s1, $0x11  }
0xbb: {  	s0 =	sor.u32 s1, s0  }
0xbc: {  	s0 =	sadd.s32 $0x8F2B, s0  }
0xbd: {  	[sflag:s0] =	ssyncadd.remote.s32 $0x1  }
0xbe: {  	_ =	sfence.sel $0xFFFF  }
0xbf: {  	[dreg:$0x0] =	wrdreg $0xFFFFFFFF;
	(pc) =	sbr.abs _section_cstart, $3  }
0xc0: {  	[dreg:$0x1] =	wrdreg $0xFFFFFFFF  }
0xc1: {  	_ =	task.clear_ibuf [dreg:s6], $0x2FFFF;
	_ =	strace $0x9FFFFFFF  }
0xc2: {  	(tm) =	ssettm $0x7FFFFFFF  }
0xc3: {  	_ =	shalt  }
tec
execute0_lowered:
.L_overlay_start_1:
0x0: {  	(tag) =	ssettag $0x1  }
0x1: {  	s0 =	srdreg.scid;
	s6 =	rddreg [dreg:$0x0]  }
0x2: {  	s5 =	stileid.u32;
	s1 =	rddreg [dreg:$0x1]  }
0x3: {  	s31 =	simm.s32 $0x5380;
	s28 =	simm.s32 $0x2900;
	s30 =	simm.s32 $0x7B80  }
0x4: {  	s29 =	simm.s32 $0x1;
	s0 =	sand.u32 $0x1, s0;
	s24 =	smul.u32 $0x4E000, s5  }
0x5: {  	s2 =	sshrl.u32 s5, $0x3;
	s7 =	sshll.u32 s5, $0x7;
	s11 =	smul.u32 $0x270, s5  }
0x6: {  	s12 =	sadd.s32 $0x6BC00, s6;
	s16 =	sshll.u32 s5, $0x6;
	s3 =	smul.u32 $0x27800, s0  }
0x7: {  	s17 =	sshll.u32 s5, $0xC;
	s14 =	sadd.s32 $0x138000, s1;
	s4 =	smul.u32 $0x13C00, s2  }
0x8: {  	p0 =	sne.s32 s5, $0x0;
	s2 =	simm.s32 $0x0;
	s8 =	smul.u32 $0x2710, s0  }
0x9: {  	s23 =	sand.u32 $0x380, s7;
	s10 =	ssub.s32 $0x2, s0;
	s0 =	smul.u32 $0x138800, s0  }
0xa: {  	[smem:$0x7FF] =	sst s2;
	s25 =	sshrl.u32 s10, $0x1;
	s7 =	sshrl.u32 s24, $0x2  }
0xb: {  	s3 =	sadd.s32 s3, s4;
	_ =	strace $0x80000047;
	s8 =	sadd.s32 s11, s8  }
0xc: {  	s26 =	ssub.s32 s10, s25;
	s7 =	sadd.s32 s7, s1;
	s0 =	sshrl.u32 s0, $0x3  }
0xd: {  	s10 =	sshll.u32 s5, $0xF;
	s5 =	simm.s32 $0x7;
	s4 =	sor.u32 s23, s3  }
0xe: {  	s3 =	sadd.s32 $0x1DA00, s6;
	s13 =	sshll.u32 s8, $0x4;
	s26 =	smax.u32 s26, $0x1  }
0xf: {  	s0 =	sadd.s32 $0x27000, s0;
	s15 =	sadd.s32 s3, s13;
	[dreg:$0xf] =	wrdreg s26  }
0x10: {  	s11 =	simm.s32 $0x4;
	s18 =	sadd.s32 s3, s0;
	[dreg:$0x3] =	wrdreg s15  }
0x11: {  	s4 =	sshrl.u32 s4, $0x3;
	s25 =	sadd.s32 s12, s13;
	[dreg:$0x5] =	wrdreg s18  }
0x12: {  	s0 =	sadd.s32 s12, s0;
	s26 =	simm.s32 $0x2780;
	[dreg:$0xd] =	wrdreg s25  }
0x13: {  	s12 =	simm.s32 $0xA;
	s15 =	sor.u32 $0x1C0D, s16;
	[dreg:$0xe] =	wrdreg s0  }
0x14: {  	s9 =	sadd.s32 s4, s6;
	s16 =	sshrl.u32 s7, $0x3;
	[dreg:$0x4] =	wrdreg s15  }
0x15: {  	s4 =	sadd.s32 $0x3C00, s6;
	s20 =	sadd.s32 $0x13C00, s9;
	[dreg:$0x10] =	wrdreg s16  }
0x16: {  	s13 =	simm.s32 $0x5;
	s19 =	sadd.s32 s4, s17;
	[dreg:$0x7] =	wrdreg s20  }
0x17: {  	s25 =	simm.s32 $0x2B80;
	s17 =	sshrl.u32 @!p0 s14, $0x3;
	[dreg:$0x6] =	wrdreg s19  }
0x18: {  	s0 =	simm.s32 $0x2880;
	s21 =	sadd.s32 $0x10, s19;
	[dreg:$0x11] =	wrdreg s17  }
0x19: {  	s7 =	simm.s32 $0x3;
	s22 =	sadd.s32 $0x20, s19;
	[dreg:$0x8] =	wrdreg s21  }
.Ltmp0:
0x1a: {  	s23 =	sadd.s32 $0x30, s19;
	[dreg:$0x9] =	wrdreg s22;
	(pc) =	sbr.rel .LBB2_1-.Ltmp0, $4  }
0x1b: {  	s18 =	simm.s32 $0x0;
	s24 =	sadd.s32 $0x40, s19;
	[dreg:$0xa] =	wrdreg s23  }
0x1c: {  	s9 =	simm.s32 $0x9;
	s6 =	sadd.s32 $0x50, s19;
	[dreg:$0xb] =	wrdreg s24  }
0x1d: {  	s14 =	simm.s32 $0xB;
	s20 =	simm.s32 $0xD;
	[dreg:$0xc] =	wrdreg s6  }
0x1e: {  	s24 =	simm.s32 $0x28;
	s23 =	simm.s32 $0x6780;
	s22 =	simm.s32 $0x2980  }
.LBB2_6:
0x1f: {  	_ =	swait.ge [sflag:s11], $0x1400  }
0x20: {  	[sflag:s11] =	ssyncset.done $0x0  }
0x21: {  	[sflag:s11] =	ssyncadd.s32 $0xFFFFEC00  }
0x22: {  	_ =	swait.ge [sflag:s12], $0x80  }
0x23: {  	[sflag:s12] =	ssyncset.done $0x0  }
0x24: {  	[sflag:s12] =	ssyncadd.s32 $0xFFFFFF80  }
0x25: {  	[spmem:s1] =	stream.indirect.scatter.add.f32 [tilespmem:s23], [sflag:$0xD], $0x80, s28, s24, $0xb8;
	[tilespmem:$0x1DC00] =	vst v63  }
0x26: {  	_ =	swait.ge [sflag:s20], $0x1400  }
0x27: {  	[sflag:s20] =	ssyncset.done $0x0  }
0x28: {  	[sflag:s20] =	ssyncadd.s32 $0xFFFFEC00  }
.LBB2_4:
0x29: {  	[bflag:$0x0] =	sbarrier.arrive $0xFFFF  }
0x2a: {  	s15 =	rddreg [dreg:$0x4]  }
0x2b: {  	s6 =	rddreg [dreg:$0xd]  }
0x2c: {  	s16 =	rddreg [dreg:$0x10]  }
0x2d: {  	[hbm:s6], [sflag:s15] =	dma.local [spmem:s16], $0x2700  }
0x2e: {  	_ =	swait.ge [sflag:s20], $0x2700  }
0x2f: {  	[sflag:s20] =	ssyncset.done $0x0;
	s6 =	rddreg [dreg:$0xe]  }
0x30: {  	s17 =	rddreg [dreg:$0x11];
	[sflag:s20] =	ssyncadd.s32 $0xFFFFD900  }
0x31: {  	[hbm:s6], [sflag:s15] =	dma.local @!p0 [spmem:s17], $0x100  }
0x32: {  	s6 =	simm.s32 @!p0 $0xD  }
0x33: {  	_ =	swait.ge @!p0 [sflag:s6], $0x100  }
0x34: {  	s18 =	rddreg [dreg:$0x12]  }
0x35: {  	s8 =	rddreg [dreg:$0xf];
	s18 =	sadd.s32 $0x1, s18  }
0x36: {  	p1 =	sne.s32 s18, s8  }
.Ltmp1:
0x37: {  	_ = 	snop;
	(pc) =	sbr.rel @!p1 .LBB2_5-.Ltmp1, $3  }
0x38: {  	_ =	sdelay $0x1  }
0x39: {  	[sflag:s6] =	ssyncset.done @!p0 $0x0  }
0x3a: {  	[sflag:s6] =	ssyncadd.s32 @!p0 $0xFFFFFF00  }
.LBB2_1:
0x3b: {  	[dreg:$0x12] =	wrdreg s18  }
0x3c: {  	s6 =	rddreg [dreg:$0x3]  }
0x3d: {  	[spmem:s16], [sflag:s15] =	dma.local [hbm:s6], $0x2700  }
0x3e: {  	_ =	swait.ge [sflag:s20], $0x2700  }
0x3f: {  	[sflag:s20] =	ssyncset.done $0x0  }
0x40: {  	s16 =	simm.s32 @!p0 $0xD;
	s6 =	rddreg [dreg:$0x5];
	[sflag:s20] =	ssyncadd.s32 $0xFFFFD900  }
0x41: {  	[spmem:s17], [sflag:s15] =	dma.local @!p0 [hbm:s6], $0x100  }
0x42: {  	_ =	swait.ge @!p0 [sflag:s16], $0x100  }
0x43: {  	s8 =	simm.s32 $0x80;
	[sflag:s16] =	ssyncset.done @!p0 $0x0  }
0x44: {  	s21 =	simm.s32 $0x400;
	s19 =	rddreg [dreg:$0x7];
	[sflag:s16] =	ssyncadd.s32 @!p0 $0xFFFFFF00  }
0x45: {  	[tilespmem:s2], [sflag:$0xD] =	stream.strided.gather [hbm4b:s19+s8], $0x2780, s21, s8, $0x38;
	[tilespmem:$0x1DC00] =	vst v63  }
0x46: {  	_ =	swait.ge [sflag:s20], $0x2780  }
0x47: {  	[sflag:s20] =	ssyncset.done $0x0  }
0x48: {  	[sflag:s20] =	ssyncadd.s32 $0xFFFFD880  }
0x49: {  	[bflag:$0x0] =	sbarrier.arrive $0xFFFF  }
0x4a: {  	[tilespmem:s25], [sflag:$0x1] =	stream.indirect.gather [hbm4b:s3+s24], $0x80, s2, s24, $0xb8;
	[tilespmem:$0x1DC00] =	vst v63  }
0x4b: {  	s8 =	rddreg [dreg:$0x6]  }
0x4c: {  	[tilespmem:s26], [sflag:$0x7] =	stream.linear.gather [hbm4b:s8+s2], $0x80, $0x38;
	[tilespmem:$0x1DC00] =	vst v63  }
0x4d: {  	s15 =	simm.s32 $0x3F80  }
0x4e: {  	[tilespmem:s15], [sflag:$0x2] =	stream.indirect.gather [hbm4b:s3+s24], $0x80, s24, s24, $0xb8;
	[tilespmem:$0x1DC00] =	vst v63  }
0x4f: {  	s17 =	simm.s32 $0x2800;
	s16 =	rddreg [dreg:$0x8]  }
0x50: {  	[tilespmem:s17], [sflag:$0x8] =	stream.linear.gather [hbm4b:s16+s2], $0x80, $0x38;
	[tilespmem:$0x1DC00] =	vst v63  }
0x51: {  	s18 =	simm.s32 $0x50  }
0x52: {  	[tilespmem:s31], [sflag:$0x3] =	stream.indirect.gather [hbm4b:s3+s24], $0x80, s18, s24, $0xb8;
	[tilespmem:$0x1DC00] =	vst v63  }
0x53: {  	s19 =	rddreg [dreg:$0x9]  }
0x54: {  	[tilespmem:s0], [sflag:$0x9] =	stream.linear.gather [hbm4b:s19+s2], $0x80, $0x38;
	[tilespmem:$0x1DC00] =	vst v63  }
0x55: {  	s21 =	simm.s32 $0x78  }
0x56: {  	[tilespmem:s23], [sflag:$0x4] =	stream.indirect.gather [hbm4b:s3+s24], $0x80, s21, s24, $0xb8;
	[tilespmem:$0x1DC00] =	vst v63  }
0x57: {  	s8 =	rddreg [dreg:$0xa]  }
0x58: {  	[tilespmem:s28], [sflag:$0xA] =	stream.linear.gather [hbm4b:s8+s2], $0x80, $0x38;
	[tilespmem:$0x1DC00] =	vst v63  }
0x59: {  	s15 =	simm.s32 $0xA0  }
0x5a: {  	[tilespmem:s30], [sflag:$0x5] =	stream.indirect.gather [hbm4b:s3+s24], $0x80, s15, s24, $0xb8;
	[tilespmem:$0x1DC00] =	vst v63  }
0x5b: {  	s16 =	rddreg [dreg:$0xb];
	s17 =	simm.s32 $0xC8  }
0x5c: {  	[tilespmem:s22], [sflag:$0xB] =	stream.linear.gather [hbm4b:s16+s2], $0x80, $0x38;
	[tilespmem:$0x1DC00] =	vst v63  }
0x5d: {  	s18 =	simm.s32 $0x8F80;
	s19 =	rddreg [dreg:$0xc];
	s21 =	simm.s32 $0x2A00  }
0x5e: {  	[tilespmem:s18], [sflag:$0x6] =	stream.indirect.gather [hbm4b:s3+s24], $0x80, s17, s24, $0xb8;
	[tilespmem:$0x1DC00] =	vst v63  }
0x5f: {  	s16 =	simm.s32 $0xF0;
	s17 =	simm.s32 $0x0;
	s18 =	simm.s32 $0x0  }
0x60: {  	[tilespmem:s21], [sflag:$0xC] =	stream.linear.gather [hbm4b:s19+s2], $0x80, $0x38;
	[tilespmem:$0x1DC00] =	vst v63  }
.LBB2_2:
0x61: {  	_ =	swait.ge [sflag:s29], $0x1400  }
0x62: {  	[sflag:s29] =	ssyncset.done $0x0  }
0x63: {  	[sflag:s29] =	ssyncadd.s32 $0xFFFFEC00  }
0x64: {  	_ =	swait.ge [sflag:s5], $0x80  }
0x65: {  	[sflag:s5] =	ssyncset.done $0x0  }
0x66: {  	[sflag:s5] =	ssyncadd.s32 $0xFFFFFF80  }
0x67: {  	[spmem:s1] =	stream.indirect.scatter.add.f32 [tilespmem:s25], [sflag:$0xD], $0x80, s26, s24, $0xb8;
	[tilespmem:$0x1DC00] =	vst v63  }
0x68: {  	_ =	swait.ge [sflag:s20], $0x1400  }
0x69: {  	p1 =	seq.s32 s17, $0x7B00;
	[sflag:s20] =	ssyncset.done $0x0  }
0x6a: {  	s8 =	simm.s32 @p1 $0x2;
	[sflag:s20] =	ssyncadd.s32 $0xFFFFEC00  }
0x6b: {  	_ =	swait.ge @p1 [sflag:s8], $0x1400  }
0x6c: {  	[sflag:s8] =	ssyncset.done @p1 $0x0  }
0x6d: {  	[sflag:s8] =	ssyncadd.s32 @p1 $0xFFFFEC00;
	s8 =	simm.s32 @p1 $0x8  }
0x6e: {  	_ =	swait.ge @p1 [sflag:s8], $0x80  }
0x6f: {  	s19 =	simm.s32 @p1 $0x2800;
	[sflag:s8] =	ssyncset.done @p1 $0x0  }
0x70: {  	s21 =	simm.s32 @p1 $0x3F80;
	[sflag:s8] =	ssyncadd.s32 @p1 $0xFFFFFF80;
	s8 =	simm.s32 @p1 $0x28  }
0x71: {  	[spmem:s1] =	stream.indirect.scatter.add.f32 @p1 [tilespmem:s21], [sflag:$0xD], $0x80, s19, s8, $0xb8;
	[tilespmem:$0x1DC00] =	vst v63  }
0x72: {  	s8 =	simm.s32 @p1 $0xD  }
0x73: {  	_ =	swait.ge @p1 [sflag:s8], $0x1400  }
0x74: {  	[sflag:s8] =	ssyncset.done @p1 $0x0  }
0x75: {  	s19 =	simm.s32 @!p1 $0x2B80;
	[sflag:s8] =	ssyncadd.s32 @p1 $0xFFFFEC00;
	s8 =	simm.s32 @!p1 $0x28  }
0x76: {  	[tilespmem:s19], [sflag:$0x1] =	stream.indirect.gather @!p1 [hbm4b:s3+s8], $0x80, s16, s8, $0xb8;
	[tilespmem:$0x1DC00] =	vst v63  }
0x77: {  	s19 =	sadd.s32 @!p1 $0x300, s17  }
0x78: {  	s21 =	sand.u32 @!p1 $0x1FC00, s19  }
0x79: {  	s19 =	sand.u32 @!p1 $0x300, s19;
	s21 =	sadd.s32 @!p1 s10, s21  }
0x7a: {  	s19 =	sor.u32 @!p1 s19, s21  }
0x7b: {  	s19 =	sshrl.u32 @!p1 s19, $0x3  }
0x7c: {  	s6 =	simm.s32 @!p1 $0x2780;
	s21 =	simm.s32 @!p1 $0x0;
	s19 =	sadd.s32 @!p1 s4, s19  }
0x7d: {  	[tilespmem:s6], [sflag:$0x7] =	stream.linear.gather @!p1 [hbm4b:s19+s21], $0x80, $0x38;
	[tilespmem:$0x1DC00] =	vst v63  }
0x7e: {  	s6 =	simm.s32 @!p1 $0x2  }
0x7f: {  	_ =	swait.ge @!p1 [sflag:s6], $0x1400  }
0x80: {  	[sflag:s6] =	ssyncset.done @!p1 $0x0  }
0x81: {  	[sflag:s6] =	ssyncadd.s32 @!p1 $0xFFFFEC00;
	s6 =	simm.s32 @!p1 $0x8  }
0x82: {  	_ =	swait.ge @!p1 [sflag:s6], $0x80  }
0x83: {  	s15 =	simm.s32 @!p1 $0xD;
	[sflag:s6] =	ssyncset.done @!p1 $0x0  }
0x84: {  	s19 =	simm.s32 @!p1 $0x3F80;
	[sflag:s6] =	ssyncadd.s32 @!p1 $0xFFFFFF80;
	s6 =	simm.s32 @!p1 $0x2800  }
0x85: {  	[spmem:s1] =	stream.indirect.scatter.add.f32 @!p1 [tilespmem:s19], [sflag:$0xD], $0x80, s6, s8, $0xb8;
	[tilespmem:$0x1DC00] =	vst v63  }
0x86: {  	_ =	swait.ge @!p1 [sflag:s15], $0x1400  }
0x87: {  	[sflag:s15] =	ssyncset.done @!p1 $0x0  }
0x88: {  	[sflag:s15] =	ssyncadd.s32 @!p1 $0xFFFFEC00;
	s15 =	sadd.s32 @!p1 $0x28, s16  }
0x89: {  	[tilespmem:s19], [sflag:$0x2] =	stream.indirect.gather @!p1 [hbm4b:s3+s8], $0x80, s15, s8, $0xb8;
	[tilespmem:$0x1DC00] =	vst v63  }
0x8a: {  	s8 =	sadd.s32 @!p1 $0x380, s17  }
0x8b: {  	s15 =	sand.u32 @!p1 $0x1FC00, s8  }
0x8c: {  	s8 =	sand.u32 @!p1 $0x380, s8;
	s15 =	sadd.s32 @!p1 s10, s15  }
0x8d: {  	s8 =	sor.u32 @!p1 s8, s15  }
0x8e: {  	s8 =	sshrl.u32 @!p1 s8, $0x3  }
0x8f: {  	s8 =	sadd.s32 @!p1 s4, s8  }
0x90: {  	[tilespmem:s6], [sflag:$0x8] =	stream.linear.gather @!p1 [hbm4b:s8+s21], $0x80, $0x38;
	[tilespmem:$0x1DC00] =	vst v63  }
0x91: {  	_ =	swait.ge [sflag:s7], $0x1400  }
0x92: {  	[sflag:s7] =	ssyncset.done $0x0  }
0x93: {  	[sflag:s7] =	ssyncadd.s32 $0xFFFFEC00  }
0x94: {  	_ =	swait.ge [sflag:s9], $0x80  }
0x95: {  	[sflag:s9] =	ssyncset.done $0x0  }
.Ltmp2:
0x96: {  	[sflag:s9] =	ssyncadd.s32 $0xFFFFFF80;
	(pc) =	sbr.rel @p1 .LBB2_6-.Ltmp2, $4  }
0x97: {  	[spmem:s1] =	stream.indirect.scatter.add.f32 [tilespmem:s31], [sflag:$0xD], $0x80, s0, s24, $0xb8;
	[tilespmem:$0x1DC00] =	vst v63  }
0x98: {  	_ =	swait.ge [sflag:s20], $0x1400  }
0x99: {  	[sflag:s20] =	ssyncset.done $0x0  }
0x9a: {  	[sflag:s20] =	ssyncadd.s32 $0xFFFFEC00  }
0x9b: {  	s6 =	sadd.s32 $0x50, s16;
	s8 =	sadd.s32 $0x400, s17  }
0x9c: {  	[tilespmem:s31], [sflag:$0x3] =	stream.indirect.gather [hbm4b:s3+s24], $0x80, s6, s24, $0xb8;
	[tilespmem:$0x1DC00] =	vst v63  }
0x9d: {  	s6 =	sand.u32 $0x1FC00, s8  }
0x9e: {  	s8 =	sand.u32 $0x300, s17;
	s6 =	sadd.s32 s10, s6  }
0x9f: {  	s6 =	sor.u32 s8, s6  }
0xa0: {  	s6 =	sshrl.u32 s6, $0x3  }
0xa1: {  	s6 =	sadd.s32 s4, s6  }
0xa2: {  	[tilespmem:s0], [sflag:$0x9] =	stream.linear.gather [hbm4b:s6+s2], $0x80, $0x38;
	[tilespmem:$0x1DC00] =	vst v63  }
0xa3: {  	_ =	swait.ge [sflag:s11], $0x1400  }
0xa4: {  	[sflag:s11] =	ssyncset.done $0x0  }
0xa5: {  	[sflag:s11] =	ssyncadd.s32 $0xFFFFEC00  }
0xa6: {  	_ =	swait.ge [sflag:s12], $0x80  }
0xa7: {  	s19 =	sadd.s32 $0x480, s17;
	[sflag:s12] =	ssyncset.done $0x0  }
0xa8: {  	s21 =	sand.u32 $0x1FC00, s19;
	[sflag:s12] =	ssyncadd.s32 $0xFFFFFF80  }
0xa9: {  	[spmem:s1] =	stream.indirect.scatter.add.f32 [tilespmem:s23], [sflag:$0xD], $0x80, s28, s24, $0xb8;
	[tilespmem:$0x1DC00] =	vst v63  }
0xaa: {  	s8 =	sadd.s32 s10, s21;
	s6 =	sand.u32 $0x380, s19;
	_ =	swait.ge [sflag:s20], $0x1400  }
0xab: {  	s6 =	sor.u32 s6, s8;
	[sflag:s20] =	ssyncset.done $0x0  }
0xac: {  	s15 =	sadd.s32 $0x78, s16;
	s6 =	sshrl.u32 s6, $0x3;
	[sflag:s20] =	ssyncadd.s32 $0xFFFFEC00  }
0xad: {  	[tilespmem:s23], [sflag:$0x4] =	stream.indirect.gather [hbm4b:s3+s24], $0x80, s15, s24, $0xb8;
	[tilespmem:$0x1DC00] =	vst v63  }
0xae: {  	s6 =	sadd.s32 s4, s6  }
0xaf: {  	[tilespmem:s28], [sflag:$0xA] =	stream.linear.gather [hbm4b:s6+s2], $0x80, $0x38;
	[tilespmem:$0x1DC00] =	vst v63  }
0xb0: {  	_ =	swait.ge [sflag:s13], $0x1400  }
0xb1: {  	[sflag:s13] =	ssyncset.done $0x0  }
0xb2: {  	[sflag:s13] =	ssyncadd.s32 $0xFFFFEC00  }
0xb3: {  	_ =	swait.ge [sflag:s14], $0x80  }
0xb4: {  	[sflag:s14] =	ssyncset.done $0x0  }
0xb5: {  	[sflag:s14] =	ssyncadd.s32 $0xFFFFFF80  }
0xb6: {  	[spmem:s1] =	stream.indirect.scatter.add.f32 [tilespmem:s30], [sflag:$0xD], $0x80, s22, s24, $0xb8;
	[tilespmem:$0x1DC00] =	vst v63  }
0xb7: {  	_ =	swait.ge [sflag:s20], $0x1400  }
0xb8: {  	p1 =	sgt.u32 s18, $0x27;
	[sflag:s20] =	ssyncset.done $0x0  }
0xb9: {  	s6 =	simm.s32 @p1 $0x6;
	[sflag:s20] =	ssyncadd.s32 $0xFFFFEC00  }
0xba: {  	_ =	swait.ge @p1 [sflag:s6], $0x1400  }
0xbb: {  	[sflag:s6] =	ssyncset.done @p1 $0x0  }
0xbc: {  	[sflag:s6] =	ssyncadd.s32 @p1 $0xFFFFEC00;
	s6 =	simm.s32 @p1 $0xC  }
0xbd: {  	_ =	swait.ge @p1 [sflag:s6], $0x80  }
0xbe: {  	s8 =	simm.s32 @p1 $0x2A00;
	[sflag:s6] =	ssyncset.done @p1 $0x0  }
0xbf: {  	s15 =	simm.s32 @p1 $0x8F80;
	[sflag:s6] =	ssyncadd.s32 @p1 $0xFFFFFF80;
	s6 =	simm.s32 @p1 $0x28  }
0xc0: {  	[spmem:s1] =	stream.indirect.scatter.add.f32 @p1 [tilespmem:s15], [sflag:$0xD], $0x80, s8, s6, $0xb8;
	[tilespmem:$0x1DC00] =	vst v63  }
0xc1: {  	s6 =	simm.s32 @p1 $0xD  }
0xc2: {  	_ =	swait.ge @p1 [sflag:s6], $0x1400  }
0xc3: {  	s8 =	simm.s32 @!p1 $0x28;
	[sflag:s6] =	ssyncset.done @p1 $0x0  }
0xc4: {  	s15 =	simm.s32 @!p1 $0x7B80;
	[sflag:s6] =	ssyncadd.s32 @p1 $0xFFFFEC00;
	s6 =	sadd.s32 @!p1 $0xA0, s16  }
0xc5: {  	[tilespmem:s15], [sflag:$0x5] =	stream.indirect.gather @!p1 [hbm4b:s3+s8], $0x80, s6, s8, $0xb8;
	[tilespmem:$0x1DC00] =	vst v63  }
0xc6: {  	s6 =	sadd.s32 @!p1 $0x500, s17  }
0xc7: {  	s15 =	sand.u32 @!p1 $0x1FC00, s6  }
0xc8: {  	s6 =	sand.u32 @!p1 $0x300, s6;
	s15 =	sadd.s32 @!p1 s10, s15  }
0xc9: {  	s6 =	sor.u32 @!p1 s6, s15  }
0xca: {  	s6 =	sshrl.u32 @!p1 s6, $0x3  }
0xcb: {  	s19 =	simm.s32 @!p1 $0x2980;
	s15 =	simm.s32 @!p1 $0x0;
	s6 =	sadd.s32 @!p1 s4, s6  }
0xcc: {  	[tilespmem:s19], [sflag:$0xB] =	stream.linear.gather @!p1 [hbm4b:s6+s15], $0x80, $0x38;
	[tilespmem:$0x1DC00] =	vst v63  }
0xcd: {  	s6 =	simm.s32 @!p1 $0x6  }
0xce: {  	_ =	swait.ge @!p1 [sflag:s6], $0x1400  }
0xcf: {  	[sflag:s6] =	ssyncset.done @!p1 $0x0  }
0xd0: {  	[sflag:s6] =	ssyncadd.s32 @!p1 $0xFFFFEC00;
	s6 =	simm.s32 @!p1 $0xC  }
0xd1: {  	_ =	swait.ge @!p1 [sflag:s6], $0x80  }
0xd2: {  	s21 =	simm.s32 @!p1 $0xD;
	[sflag:s6] =	ssyncset.done @!p1 $0x0  }
0xd3: {  	s19 =	simm.s32 @!p1 $0x8F80;
	[sflag:s6] =	ssyncadd.s32 @!p1 $0xFFFFFF80;
	s6 =	simm.s32 @!p1 $0x2A00  }
0xd4: {  	[spmem:s1] =	stream.indirect.scatter.add.f32 @!p1 [tilespmem:s19], [sflag:$0xD], $0x80, s6, s8, $0xb8;
	[tilespmem:$0x1DC00] =	vst v63  }
0xd5: {  	_ =	swait.ge @!p1 [sflag:s21], $0x1400  }
0xd6: {  	[sflag:s21] =	ssyncset.done @!p1 $0x0  }
0xd7: {  	[sflag:s21] =	ssyncadd.s32 @!p1 $0xFFFFEC00;
	s21 =	sadd.s32 @!p1 $0xC8, s16  }
0xd8: {  	[tilespmem:s19], [sflag:$0x6] =	stream.indirect.gather @!p1 [hbm4b:s3+s8], $0x80, s21, s8, $0xb8;
	[tilespmem:$0x1DC00] =	vst v63  }
0xd9: {  	s8 =	sadd.s32 @!p1 $0x580, s17  }
0xda: {  	s19 =	sand.u32 @!p1 $0x1FC00, s8  }
0xdb: {  	s8 =	sand.u32 @!p1 $0x380, s8;
	s19 =	sadd.s32 @!p1 s10, s19  }
0xdc: {  	s8 =	sor.u32 @!p1 s8, s19  }
0xdd: {  	s8 =	sshrl.u32 @!p1 s8, $0x3  }
0xde: {  	s17 =	sadd.s32 $0x300, s17;
	s8 =	sadd.s32 @!p1 s4, s8  }
0xdf: {  	[tilespmem:s6], [sflag:$0xC] =	stream.linear.gather @!p1 [hbm4b:s8+s15], $0x80, $0x38;
	[tilespmem:$0x1DC00] =	vst v63  }
0xe0: {  	p1 =	sne.s32 s17, $0x7E00  }
.Ltmp3:
0xe1: {  	_ = 	snop;
	(pc) =	sbr.rel @p1 .LBB2_2-.Ltmp3, $4  }
.Ltmp4:
0xe2: {  	_ = 	snop;
	(pc) =	sbr.rel @!p1 .LBB2_4-.Ltmp4, $4  }
0xe3: {  	_ = 	snop  }
0xe4: {  	_ = 	snop  }
0xe5: {  	s18 =	sadd.s32 $0x1, s18;
	s16 =	sadd.s32 $0xF0, s16  }
0xe6: {  	_ = 	snop  }
.LBB2_5:
0xe7: {  	_ =	sfence.sel $0x180000  }
0xe8: {  	[bflag:$0x0] =	sbarrier.arrive $0xFFFF  }
0xe9: {  	_ =	strace $0x90000047  }
0xea: {  	[bflag:$0x2] =	sbarrier.arrive $0xFFFF  }
0xeb: {  	s0 =	rddreg [dreg:$0x2]  }
0xec: {  	s0 =	sadd.s32 @!p0 $0x100000, s0  }
0xed: {  	[sflag:s0] =	ssyncadd.tile.s32 @!p0 $0x1;
	_ =	shalt  }
.Lfunc_end2:
_tile_overlayer_lowered:
.L_overlay_start_2:
0xee: {  	(tag) =	ssettag $0x2  }
0xef: {  	s0 =	rddreg [dreg:$0x0];
	s2 =	stileid.u32  }
0xf0: {  	s1 =	rddreg [dreg:$0x1];
	p0 =	sne.s32 s2, $0x0  }
0xf1: {  	s3 =	rddreg [dreg:$0x2];
	[bflag:$0x3] =	sbarrier.arrive $0xFFFF;
	s2 =	simm.s32 @!p0 $0x1C0D  }
0xf2: {  	[timem:s3], [sflag:s2] =	dma.local @!p0 [hbm:s0], s1  }
0xf3: {  	s0 =	simm.s32 @!p0 $0xD  }
0xf4: {  	_ =	swait.ge @!p0 [sflag:s0], s1  }
0xf5: {  	s1 =	ssub.s32 @!p0 $0x0, s1;
	[sflag:s0] =	ssyncset.done @!p0 $0x0  }
0xf6: {  	[sflag:s0] =	ssyncadd.s32 @!p0 s1  }
0xf7: {  	[bflag:$0x3] =	sbarrier.arrive $0xFFFF  }
0xf8: {  	_ =	shalt  }

</sc_bundles>
